<compile_context>
chip_gen: v7x
topology: tpu7x:2x2x1
jax: 0.10.2.dev20260603
libtpu: 0.0.44.dev20260713+nightly
codegen_flags: <defaults>
</compile_context>

<pallas_src>
import functools

import numpy as np
import jax
import jax.numpy as jnp
from jax import lax
from jax.experimental import pallas as pl
from jax.experimental.pallas import tpu as pltpu
from jax.experimental.pallas import tpu_sc as plsc

_NUM_LEVELS = 16
_LEVEL_DIM = 4
_T = 2 ** 14
_BASE_RES = 16
_SCALE = float(np.exp2(np.log2(1024 / 16) / (_NUM_LEVELS - 1)))
_RES = tuple(int(np.floor(_BASE_RES * (_SCALE ** l))) for l in range(_NUM_LEVELS))
_IS_DENSE = tuple((r + 1) ** 3 <= _T for r in _RES)
_N_DENSE = sum(_IS_DENSE)
assert all(_IS_DENSE[l] == (l < _N_DENSE) for l in range(_NUM_LEVELS))
_P2 = np.uint32(2654435761)
_P3 = np.uint32(805459861)

_N = 524288
_NB = 2048
_LANES = 16


def _encode_tile_body(npts, xT_hbm, emb_hbm, feat_hbm, tabA_v, tabB_v, x_v,
                      out_v):
    level = lax.axis_index("s")
    half = lax.axis_index("c")

    res_i = jnp.int32(_RES[0])
    for l in range(1, _NUM_LEVELS):
        res_i = jnp.where(level == l, jnp.int32(_RES[l]), res_i)
    res_f = res_i.astype(jnp.float32)
    vv = res_i + 1

    pltpu.sync_copy(emb_hbm.at[level, 0], tabA_v)
    pltpu.sync_copy(emb_hbm.at[level, 1], tabB_v)

    def make_block_loop(hashed: bool):
        def chunk_body(i, _):
            o = i * _LANES
            px = x_v[0, pl.ds(o, _LANES)] * res_f
            py = x_v[1, pl.ds(o, _LANES)] * res_f
            pz = x_v[2, pl.ds(o, _LANES)] * res_f
            ix = px.astype(jnp.int32)
            iy = py.astype(jnp.int32)
            iz = pz.astype(jnp.int32)
            fx = px - ix.astype(jnp.float32)
            fy = py - iy.astype(jnp.float32)
            fz = pz - iz.astype(jnp.float32)
            wx = (1.0 - fx, fx)
            wy = (1.0 - fy, fy)
            wz = (1.0 - fz, fz)
            if hashed:
                hx = (ix.astype(jnp.uint32), (ix + 1).astype(jnp.uint32))
                hy = (iy.astype(jnp.uint32) * _P2,
                      (iy + 1).astype(jnp.uint32) * _P2)
                hz = (iz.astype(jnp.uint32) * _P3,
                      (iz + 1).astype(jnp.uint32) * _P3)
            else:
                dx = (ix, ix + 1)
                dy = (iy * vv, (iy + 1) * vv)
                dz = (iz * (vv * vv), (iz + 1) * (vv * vv))
            acc0 = jnp.zeros((_LANES,), jnp.float32)
            acc1 = jnp.zeros((_LANES,), jnp.float32)
            acc2 = jnp.zeros((_LANES,), jnp.float32)
            acc3 = jnp.zeros((_LANES,), jnp.float32)
            for bz in (0, 1):
                for by in (0, 1):
                    if hashed:
                        hyz = hy[by] ^ hz[bz]
                    else:
                        byz = dy[by] + dz[bz]
                    wyz = wy[by] * wz[bz]
                    for bx in (0, 1):
                        if hashed:
                            idx = ((hx[bx] ^ hyz) & np.uint32(_T - 1)
                                   ).astype(jnp.int32)
                        else:
                            idx = dx[bx] + byz
                        w = wx[bx] * wyz
                        ga = plsc.load_gather(tabA_v, [idx])
                        gb = plsc.load_gather(tabB_v, [idx])
                        g0 = lax.bitcast_convert_type(
                            jnp.left_shift(ga, 16), jnp.float32)
                        g1 = lax.bitcast_convert_type(
                            ga & jnp.int32(-65536), jnp.float32)
                        g2 = lax.bitcast_convert_type(
                            jnp.left_shift(gb, 16), jnp.float32)
                        g3 = lax.bitcast_convert_type(
                            gb & jnp.int32(-65536), jnp.float32)
                        acc0 = acc0 + w * g0
                        acc1 = acc1 + w * g1
                        acc2 = acc2 + w * g2
                        acc3 = acc3 + w * g3
            out_v[0, pl.ds(o, _LANES)] = acc0
            out_v[1, pl.ds(o, _LANES)] = acc1
            out_v[2, pl.ds(o, _LANES)] = acc2
            out_v[3, pl.ds(o, _LANES)] = acc3
            return 0

        def block_body(b, _):
            base = half * npts + b * _NB
            pltpu.sync_copy(xT_hbm.at[:, pl.ds(base, _NB)], x_v)
            def _pl_body(i):
                chunk_body(i, 0)

            plsc.parallel_loop(0, _NB // _LANES, 1, unroll=2)(_pl_body)
            pltpu.sync_copy(
                out_v, feat_hbm.at[pl.ds(4 * level, 4), pl.ds(base, _NB)])
            return 0

        return block_body

    hashed_loop = make_block_loop(True)
    dense_loop = make_block_loop(False)
    nblocks = npts // _NB

    def _run(loop):
        def f():
            lax.fori_loop(0, nblocks, loop, 0, unroll=False)
        return f

    lax.cond(level >= _N_DENSE, _run(hashed_loop), _run(dense_loop))


def _sc_encode(xT_stripe, packed_emb, ns):
    mesh = plsc.VectorSubcoreMesh(core_axis_name="c", subcore_axis_name="s")
    kern = functools.partial(
        pl.kernel,
        mesh=mesh,
        compiler_params=pltpu.CompilerParams(needs_layout_passes=False),
        out_type=jax.ShapeDtypeStruct((4 * _NUM_LEVELS, ns), jnp.float32),
        scratch_types=[
            pltpu.VMEM((_T,), jnp.int32),
            pltpu.VMEM((_T,), jnp.int32),
            pltpu.VMEM((3, _NB), jnp.float32),
            pltpu.VMEM((4, _NB), jnp.float32),
        ],
    )(functools.partial(_encode_tile_body, ns // 2))
    return kern(xT_stripe, packed_emb)


def _pack_tables(embeddings):
    eb = lax.bitcast_convert_type(
        embeddings.astype(jnp.bfloat16), jnp.uint16).astype(jnp.uint32)
    packed = eb[..., 0::2] | (eb[..., 1::2] << 16)
    return lax.bitcast_convert_type(
        packed.transpose(0, 2, 1), jnp.int32)


_BN = 4096


def _mlp_body(xT_ref, feat_ref, w0a_ref, w0b_ref, w1_ref, w2_ref, out_ref):
    xin = 2.0 * xT_ref[...] - 1.0
    h = jnp.dot(w0a_ref[...], xin,
                preferred_element_type=jnp.float32)
    h = h + jnp.dot(w0b_ref[...], feat_ref[...],
                    preferred_element_type=jnp.float32)
    h = jnp.maximum(h, 0.0)
    h = jnp.maximum(jnp.dot(w1_ref[...], h,
                            preferred_element_type=jnp.float32), 0.0)
    out_ref[...] = jnp.abs(jnp.dot(w2_ref[...], h,
                                   preferred_element_type=jnp.float32))


def _tc_mlp(xT, featT, W0, W1, W2, ns):
    w0a = W0[:3].T
    w0b = W0[3:].T
    w1t = W1.T
    w2t = W2.T
    grid = (ns // _BN,)
    outT = pl.pallas_call(
        _mlp_body,
        grid=grid,
        in_specs=[
            pl.BlockSpec((3, _BN), lambda i: (0, i)),
            pl.BlockSpec((64, _BN), lambda i: (0, i)),
            pl.BlockSpec((64, 3), lambda i: (0, 0)),
            pl.BlockSpec((64, 64), lambda i: (0, 0)),
            pl.BlockSpec((64, 64), lambda i: (0, 0)),
            pl.BlockSpec((3, 64), lambda i: (0, 0)),
        ],
        out_specs=pl.BlockSpec((3, _BN), lambda i: (0, i)),
        out_shape=jax.ShapeDtypeStruct((3, ns), jnp.float32),
    )(xT, featT, w0a, w0b, w1t, w2t)
    return outT


_STRIPES = 2


def kernel(x, embeddings, W0, W1, W2):
    xT = x.T
    packed = _pack_tables(embeddings)
    ns = _N // _STRIPES
    outs = []
    for s in range(_STRIPES):
        xs = lax.slice(xT, (0, s * ns), (3, (s + 1) * ns))
        feat_s = _sc_encode(xs, packed, ns)
        outs.append(_tc_mlp(xs, feat_s, W0, W1, W2, ns))
    return jnp.concatenate(outs, axis=1).T

# --- scband reference (transcript-rebuilt; emitter-appended) ---
"""Pipeline reference for scband-volume-texture-31928786879033 (READ-ONLY COPY).

The authoritative reference and input builder live on the scoring server;
editing this copy changes nothing except your own understanding.
"""

import jax, jax.numpy as jnp
import numpy as np

NUM_LEVELS = 16
LEVEL_DIM = 4
LOG2_T = 14
T = 2 ** LOG2_T
BASE_RES = 16
PER_LEVEL_SCALE = float(np.exp2(np.log2(1024 / 16) / (NUM_LEVELS - 1)))
N_POINTS = 524288
PRIMES = (np.uint32(1), np.uint32(2654435761), np.uint32(805459861))


def setup_inputs(seed: int = 0) -> dict:
    key = jax.random.key(seed)
    k1, k2, k3, k4, k5 = jax.random.split(key, 5)
    x = jax.random.uniform(k1, (N_POINTS, 3), dtype=jnp.float32)
    # hash grid params, tcnn-style small uniform init
    embeddings = jax.random.normal(k2, (NUM_LEVELS, T, LEVEL_DIM), dtype=jnp.float32) * 1e-2
    d_in = NUM_LEVELS * LEVEL_DIM + 3  # 67
    W0 = jax.random.normal(k3, (d_in, 64), dtype=jnp.float32) * (1.0 / np.sqrt(d_in))
    W1 = jax.random.normal(k4, (64, 64), dtype=jnp.float32) * (1.0 / np.sqrt(64))
    W2 = jax.random.normal(k5, (64, 3), dtype=jnp.float32) * (1.0 / np.sqrt(64))
    return {"x": x, "embeddings": embeddings, "W0": W0, "W1": W1, "W2": W2}


def _grid_encode_level(x, table, res):
    # x: [N,3] in [0,1]; table: [T, F]
    pos = x * res
    pf = jnp.floor(pos)
    frac = pos - pf
    pi = pf.astype(jnp.int32)
    vertices = res + 1
    dense = vertices ** 3 <= T
    feats = jnp.zeros((x.shape[0], table.shape[-1]), dtype=table.dtype)
    for dx in (0, 1):
        for dy in (0, 1):
            for dz in (0, 1):
                cx = jnp.clip(pi[:, 0] + dx, 0, res).astype(jnp.uint32)
                cy = jnp.clip(pi[:, 1] + dy, 0, res).astype(jnp.uint32)
                cz = jnp.clip(pi[:, 2] + dz, 0, res).astype(jnp.uint32)
                if dense:
                    idx = cx + cy * np.uint32(vertices) + cz * np.uint32(vertices * vertices)
                else:
                    idx = (cx * PRIMES[0]) ^ (cy * PRIMES[1]) ^ (cz * PRIMES[2])
                    idx = idx % np.uint32(T)
                wx = frac[:, 0] if dx else (1.0 - frac[:, 0])
                wy = frac[:, 1] if dy else (1.0 - frac[:, 1])
                wz = frac[:, 2] if dz else (1.0 - frac[:, 2])
                w = wx * wy * wz
                feats = feats + w[:, None] * jnp.take(table, idx.astype(jnp.int32), axis=0)
    return feats


def _hashgrid_encoding(x, embeddings):
    outs = []
    for l in range(NUM_LEVELS):
        res = int(np.floor(BASE_RES * (PER_LEVEL_SCALE ** l)))
        outs.append(_grid_encode_level(x, embeddings[l], res))
    return jnp.concatenate(outs, axis=-1)


def reference(x, embeddings, W0, W1, W2):
    h = _hashgrid_encoding(x, embeddings)          # [N, 64]
    h = jnp.concatenate([2.0 * x - 1.0, h], axis=-1)  # [N, 67]
    h = jnp.maximum(h @ W0, 0.0)
    h = jnp.maximum(h @ W1, 0.0)
    out = h @ W2
    return jnp.abs(out)

if __name__ == "__main__":
    import jax
    _d = setup_inputs()
    print(jax.jit(kernel)(*tuple(_d.values())))

</pallas_src>

<mosaic_0001>
#map = affine_map<(d0, d1) -> (0, 0)>
#map1 = affine_map<(d0, d1) -> (0, 0, 0)>
module attributes {stable_mosaic.version = 14 : i64} {
  func.func @_encode_tile_body(%arg0: i32, %arg1: i32, %arg2: memref<3x262144xf32, #tpu.memory_space<hbm>>, %arg3: memref<16x2x16384xi32, #tpu.memory_space<hbm>>, %arg4: memref<64x262144xf32, #tpu.memory_space<hbm>>, %arg5: memref<16384xi32, #tpu.memory_space<vmem>>, %arg6: memref<16384xi32, #tpu.memory_space<vmem>>, %arg7: memref<3x2048xf32, #tpu.memory_space<vmem>>, %arg8: memref<4x2048xf32, #tpu.memory_space<vmem>>) attributes {dimension_semantics = [#tpu.dimension_semantics<core_parallel>, #tpu.dimension_semantics<subcore_parallel>], iteration_bounds = array<i64: 2, 16>, scalar_prefetch = 0 : i64, scratch_operands = 4 : i64, tpu.core_type = #tpu.core_type<sc_vector_subcore>, window_params = [{transform_indices = #map}, {transform_indices = #map1}, {transform_indices = #map}]} {
    %eq3A = arith.constant 1 : i32
    %eq3A_0 = arith.cmpi eq, %arg1, %eq3A : i32
    %jit3A = arith.constant 21 : i32
    %jit3A_1 = arith.constant 16 : i32
    %select_n3A = arith.select %eq3A_0, %jit3A, %jit3A_1 : i32
    %eq3A_2 = arith.constant 2 : i32
    %eq3A_3 = arith.cmpi eq, %arg1, %eq3A_2 : i32
    %jit3A_4 = arith.constant 27 : i32
    %select_n3A_5 = arith.select %eq3A_3, %jit3A_4, %select_n3A : i32
    %eq3A_6 = arith.constant 3 : i32
    %eq3A_7 = arith.cmpi eq, %arg1, %eq3A_6 : i32
    %jit3A_8 = arith.constant 36 : i32
    %select_n3A_9 = arith.select %eq3A_7, %jit3A_8, %select_n3A_5 : i32
    %eq3A_10 = arith.constant 4 : i32
    %eq3A_11 = arith.cmpi eq, %arg1, %eq3A_10 : i32
    %jit3A_12 = arith.constant 48 : i32
    %select_n3A_13 = arith.select %eq3A_11, %jit3A_12, %select_n3A_9 : i32
    %eq3A_14 = arith.constant 5 : i32
    %eq3A_15 = arith.cmpi eq, %arg1, %eq3A_14 : i32
    %jit3A_16 = arith.constant 63 : i32
    %select_n3A_17 = arith.select %eq3A_15, %jit3A_16, %select_n3A_13 : i32
    %eq3A_18 = arith.constant 6 : i32
    %eq3A_19 = arith.cmpi eq, %arg1, %eq3A_18 : i32
    %jit3A_20 = arith.constant 84 : i32
    %select_n3A_21 = arith.select %eq3A_19, %jit3A_20, %select_n3A_17 : i32
    %eq3A_22 = arith.constant 7 : i32
    %eq3A_23 = arith.cmpi eq, %arg1, %eq3A_22 : i32
    %jit3A_24 = arith.constant 111 : i32
    %select_n3A_25 = arith.select %eq3A_23, %jit3A_24, %select_n3A_21 : i32
    %eq3A_26 = arith.constant 8 : i32
    %eq3A_27 = arith.cmpi eq, %arg1, %eq3A_26 : i32
    %jit3A_28 = arith.constant 147 : i32
    %select_n3A_29 = arith.select %eq3A_27, %jit3A_28, %select_n3A_25 : i32
    %eq3A_30 = arith.constant 9 : i32
    %eq3A_31 = arith.cmpi eq, %arg1, %eq3A_30 : i32
    %jit3A_32 = arith.constant 194 : i32
    %select_n3A_33 = arith.select %eq3A_31, %jit3A_32, %select_n3A_29 : i32
    %eq3A_34 = arith.constant 10 : i32
    %eq3A_35 = arith.cmpi eq, %arg1, %eq3A_34 : i32
    %jit3A_36 = arith.constant 255 : i32
    %select_n3A_37 = arith.select %eq3A_35, %jit3A_36, %select_n3A_33 : i32
    %eq3A_38 = arith.constant 11 : i32
    %eq3A_39 = arith.cmpi eq, %arg1, %eq3A_38 : i32
    %jit3A_40 = arith.constant 337 : i32
    %select_n3A_41 = arith.select %eq3A_39, %jit3A_40, %select_n3A_37 : i32
    %eq3A_42 = arith.constant 12 : i32
    %eq3A_43 = arith.cmpi eq, %arg1, %eq3A_42 : i32
    %jit3A_44 = arith.constant 445 : i32
    %select_n3A_45 = arith.select %eq3A_43, %jit3A_44, %select_n3A_41 : i32
    %eq3A_46 = arith.constant 13 : i32
    %eq3A_47 = arith.cmpi eq, %arg1, %eq3A_46 : i32
    %jit3A_48 = arith.constant 588 : i32
    %select_n3A_49 = arith.select %eq3A_47, %jit3A_48, %select_n3A_45 : i32
    %eq3A_50 = arith.constant 14 : i32
    %eq3A_51 = arith.cmpi eq, %arg1, %eq3A_50 : i32
    %jit3A_52 = arith.constant 776 : i32
    %select_n3A_53 = arith.select %eq3A_51, %jit3A_52, %select_n3A_49 : i32
    %eq3A_54 = arith.constant 15 : i32
    %eq3A_55 = arith.cmpi eq, %arg1, %eq3A_54 : i32
    %jit3A_56 = arith.constant 1023 : i32
    %select_n3A_57 = arith.select %eq3A_55, %jit3A_56, %select_n3A_53 : i32
    %convert_element_type3A = arith.sitofp %select_n3A_57 : i32 to f32
    %add3A = arith.constant 1 : i32
    %add3A_58 = arith.addi %select_n3A_57, %add3A : i32
    %run_scoped3A = arith.constant 0 : i32
    "tpu.region"() ({
      %run_scoped3A_63 = tpu.sem_alloc : memref<!tpu.dma_semaphore, #tpu.memory_space<semaphore_mem>>
      %dma_start3A = arith.constant 0 : i32
      %dma_start3A_64 = tpu.memref_slice %arg3[%arg1, %run_scoped3A, %dma_start3A] : memref<16x2x16384xi32, #tpu.memory_space<hbm>> -> memref<1x1x16384xi32, #tpu.memory_space<hbm>>
      %dma_start3A_65 = tpu.memref_squeeze %dma_start3A_64 : memref<1x1x16384xi32, #tpu.memory_space<hbm>> -> memref<16384xi32, #tpu.memory_space<hbm>>
      %dma_start3A_66 = arith.constant 0 : i32
      %dma_start3A_67 = tpu.memref_slice %arg3[%arg1, %run_scoped3A, %dma_start3A_66] : memref<16x2x16384xi32, #tpu.memory_space<hbm>> -> memref<1x1x16384xi32, #tpu.memory_space<hbm>>
      %dma_start3A_68 = tpu.memref_squeeze %dma_start3A_67 : memref<1x1x16384xi32, #tpu.memory_space<hbm>> -> memref<16384xi32, #tpu.memory_space<hbm>>
      tpu.enqueue_dma source(%dma_start3A_68 : memref<16384xi32, #tpu.memory_space<hbm>>) target(%arg5 : memref<16384xi32, #tpu.memory_space<vmem>>) target_semaphore(%run_scoped3A_63 : memref<!tpu.dma_semaphore, #tpu.memory_space<semaphore_mem>>)
      %dma_wait3A = arith.constant 0 : i32
      %dma_wait3A_69 = tpu.memref_slice %arg3[%arg1, %run_scoped3A, %dma_wait3A] : memref<16x2x16384xi32, #tpu.memory_space<hbm>> -> memref<1x1x16384xi32, #tpu.memory_space<hbm>>
      %dma_wait3A_70 = tpu.memref_squeeze %dma_wait3A_69 : memref<1x1x16384xi32, #tpu.memory_space<hbm>> -> memref<16384xi32, #tpu.memory_space<hbm>>
      %dma_wait3A_71 = arith.constant 0 : i32
      %dma_wait3A_72 = tpu.memref_slice %arg3[%arg1, %run_scoped3A, %dma_wait3A_71] : memref<16x2x16384xi32, #tpu.memory_space<hbm>> -> memref<1x1x16384xi32, #tpu.memory_space<hbm>>
      %dma_wait3A_73 = tpu.memref_squeeze %dma_wait3A_72 : memref<1x1x16384xi32, #tpu.memory_space<hbm>> -> memref<16384xi32, #tpu.memory_space<hbm>>
      tpu.wait_dma2 semaphore(%run_scoped3A_63 : memref<!tpu.dma_semaphore, #tpu.memory_space<semaphore_mem>>) src(%dma_wait3A_73 : memref<16384xi32, #tpu.memory_space<hbm>>) dst(%arg5 : memref<16384xi32, #tpu.memory_space<vmem>>)
      tpu.yield
    }) : () -> ()
    %run_scoped3A_59 = arith.constant 1 : i32
    "tpu.region"() ({
      %run_scoped3A_63 = tpu.sem_alloc : memref<!tpu.dma_semaphore, #tpu.memory_space<semaphore_mem>>
      %dma_start3A = arith.constant 0 : i32
      %dma_start3A_64 = tpu.memref_slice %arg3[%arg1, %run_scoped3A_59, %dma_start3A] : memref<16x2x16384xi32, #tpu.memory_space<hbm>> -> memref<1x1x16384xi32, #tpu.memory_space<hbm>>
      %dma_start3A_65 = tpu.memref_squeeze %dma_start3A_64 : memref<1x1x16384xi32, #tpu.memory_space<hbm>> -> memref<16384xi32, #tpu.memory_space<hbm>>
      %dma_start3A_66 = arith.constant 0 : i32
      %dma_start3A_67 = tpu.memref_slice %arg3[%arg1, %run_scoped3A_59, %dma_start3A_66] : memref<16x2x16384xi32, #tpu.memory_space<hbm>> -> memref<1x1x16384xi32, #tpu.memory_space<hbm>>
      %dma_start3A_68 = tpu.memref_squeeze %dma_start3A_67 : memref<1x1x16384xi32, #tpu.memory_space<hbm>> -> memref<16384xi32, #tpu.memory_space<hbm>>
      tpu.enqueue_dma source(%dma_start3A_68 : memref<16384xi32, #tpu.memory_space<hbm>>) target(%arg6 : memref<16384xi32, #tpu.memory_space<vmem>>) target_semaphore(%run_scoped3A_63 : memref<!tpu.dma_semaphore, #tpu.memory_space<semaphore_mem>>)
      %dma_wait3A = arith.constant 0 : i32
      %dma_wait3A_69 = tpu.memref_slice %arg3[%arg1, %run_scoped3A_59, %dma_wait3A] : memref<16x2x16384xi32, #tpu.memory_space<hbm>> -> memref<1x1x16384xi32, #tpu.memory_space<hbm>>
      %dma_wait3A_70 = tpu.memref_squeeze %dma_wait3A_69 : memref<1x1x16384xi32, #tpu.memory_space<hbm>> -> memref<16384xi32, #tpu.memory_space<hbm>>
      %dma_wait3A_71 = arith.constant 0 : i32
      %dma_wait3A_72 = tpu.memref_slice %arg3[%arg1, %run_scoped3A_59, %dma_wait3A_71] : memref<16x2x16384xi32, #tpu.memory_space<hbm>> -> memref<1x1x16384xi32, #tpu.memory_space<hbm>>
      %dma_wait3A_73 = tpu.memref_squeeze %dma_wait3A_72 : memref<1x1x16384xi32, #tpu.memory_space<hbm>> -> memref<16384xi32, #tpu.memory_space<hbm>>
      tpu.wait_dma2 semaphore(%run_scoped3A_63 : memref<!tpu.dma_semaphore, #tpu.memory_space<semaphore_mem>>) src(%dma_wait3A_73 : memref<16384xi32, #tpu.memory_space<hbm>>) dst(%arg6 : memref<16384xi32, #tpu.memory_space<vmem>>)
      tpu.yield
    }) : () -> ()
    %ge3A = arith.constant 2 : i32
    %ge3A_60 = arith.cmpi sge, %arg1, %ge3A : i32
    %convert_element_type3A_61 = arith.extui %ge3A_60 : i1 to i32
    %cond3A = arith.constant 0 : i32
    %cond3A_62 = arith.cmpi ne, %convert_element_type3A_61, %cond3A : i32
    scf.if %cond3A_62 {
      %scan3A = arith.constant 0 : i32
      %scan3A_63 = arith.constant 0 : i32
      %scan3A_64 = arith.constant 64 : i32
      %scan3A_65 = arith.addi %scan3A_63, %scan3A_64 : i32
      %scan3A_66 = arith.constant 1 : i32
      %scan3A_67 = scf.for %scan3A_69 = %scan3A_63 to %scan3A_65 step %scan3A_66 iter_args(%scan3A_70 = %scan3A) -> (i32)  : i32 {
        %mul3A = arith.constant 131072 : i32
        %mul3A_71 = arith.muli %arg0, %mul3A : i32
        %mul3A_72 = arith.constant 2048 : i32
        %mul3A_73 = arith.muli %scan3A_69, %mul3A_72 : i32
        %add3A_74 = arith.addi %mul3A_71, %mul3A_73 : i32
        "tpu.region"() ({
          %run_scoped3A_80 = tpu.sem_alloc : memref<!tpu.dma_semaphore, #tpu.memory_space<semaphore_mem>>
          %dma_start3A = arith.constant 0 : i32
          %dma_start3A_81 = tpu.memref_slice %arg2[%dma_start3A, %add3A_74] : memref<3x262144xf32, #tpu.memory_space<hbm>> -> memref<3x2048xf32, #tpu.memory_space<hbm>>
          %dma_start3A_82 = arith.constant 0 : i32
          %dma_start3A_83 = tpu.memref_slice %arg2[%dma_start3A_82, %add3A_74] : memref<3x262144xf32, #tpu.memory_space<hbm>> -> memref<3x2048xf32, #tpu.memory_space<hbm>>
          tpu.enqueue_dma source(%dma_start3A_83 : memref<3x2048xf32, #tpu.memory_space<hbm>>) target(%arg7 : memref<3x2048xf32, #tpu.memory_space<vmem>>) target_semaphore(%run_scoped3A_80 : memref<!tpu.dma_semaphore, #tpu.memory_space<semaphore_mem>>)
          %dma_wait3A = arith.constant 0 : i32
          %dma_wait3A_84 = tpu.memref_slice %arg2[%dma_wait3A, %add3A_74] : memref<3x262144xf32, #tpu.memory_space<hbm>> -> memref<3x2048xf32, #tpu.memory_space<hbm>>
          %dma_wait3A_85 = arith.constant 0 : i32
          %dma_wait3A_86 = tpu.memref_slice %arg2[%dma_wait3A_85, %add3A_74] : memref<3x262144xf32, #tpu.memory_space<hbm>> -> memref<3x2048xf32, #tpu.memory_space<hbm>>
          tpu.wait_dma2 semaphore(%run_scoped3A_80 : memref<!tpu.dma_semaphore, #tpu.memory_space<semaphore_mem>>) src(%dma_wait3A_86 : memref<3x2048xf32, #tpu.memory_space<hbm>>) dst(%arg7 : memref<3x2048xf32, #tpu.memory_space<vmem>>)
          tpu.yield
        }) : () -> ()
        %parallel_loop3A = arith.constant 0 : i32
        %parallel_loop3A_75 = arith.constant 128 : i32
        %parallel_loop3A_76 = arith.constant 1 : i32
        scf.for %parallel_loop3A_80 = %parallel_loop3A to %parallel_loop3A_75 step %parallel_loop3A_76  : i32 {
          %parallel_loop3A_81 = arith.constant 16 : i32
          %parallel_loop3A_82 = arith.muli %parallel_loop3A_80, %parallel_loop3A_81 : i32
          %parallel_loop3A_83 = arith.constant 0 : i32
          %parallel_loop3A_84 = arith.index_cast %parallel_loop3A_83 : i32 to index
          %parallel_loop3A_85 = arith.index_cast %parallel_loop3A_82 : i32 to index
          %parallel_loop3A_86 = tpu.vector_load %arg7[%parallel_loop3A_84, %parallel_loop3A_85] {strides = array<i32>} : memref<3x2048xf32, #tpu.memory_space<vmem>>, vector<16xf32>,
          %parallel_loop3A_87 = vector.broadcast %convert_element_type3A : f32 to vector<16xf32>
          %parallel_loop3A_88 = arith.mulf %parallel_loop3A_86, %parallel_loop3A_87 : vector<16xf32>
          %parallel_loop3A_89 = arith.constant 1 : i32
          %parallel_loop3A_90 = arith.index_cast %parallel_loop3A_89 : i32 to index
          %parallel_loop3A_91 = arith.index_cast %parallel_loop3A_82 : i32 to index
          %parallel_loop3A_92 = tpu.vector_load %arg7[%parallel_loop3A_90, %parallel_loop3A_91] {strides = array<i32>} : memref<3x2048xf32, #tpu.memory_space<vmem>>, vector<16xf32>,
          %parallel_loop3A_93 = vector.broadcast %convert_element_type3A : f32 to vector<16xf32>
          %parallel_loop3A_94 = arith.mulf %parallel_loop3A_92, %parallel_loop3A_93 : vector<16xf32>
          %parallel_loop3A_95 = arith.constant 2 : i32
          %parallel_loop3A_96 = arith.index_cast %parallel_loop3A_95 : i32 to index
          %parallel_loop3A_97 = arith.index_cast %parallel_loop3A_82 : i32 to index
          %parallel_loop3A_98 = tpu.vector_load %arg7[%parallel_loop3A_96, %parallel_loop3A_97] {strides = array<i32>} : memref<3x2048xf32, #tpu.memory_space<vmem>>, vector<16xf32>,
          %parallel_loop3A_99 = vector.broadcast %convert_element_type3A : f32 to vector<16xf32>
          %parallel_loop3A_100 = arith.mulf %parallel_loop3A_98, %parallel_loop3A_99 : vector<16xf32>
          %parallel_loop3A_101 = arith.fptosi %parallel_loop3A_88 : vector<16xf32> to vector<16xi32>
          %parallel_loop3A_102 = arith.fptosi %parallel_loop3A_94 : vector<16xf32> to vector<16xi32>
          %parallel_loop3A_103 = arith.fptosi %parallel_loop3A_100 : vector<16xf32> to vector<16xi32>
          %parallel_loop3A_104 = arith.sitofp %parallel_loop3A_101 : vector<16xi32> to vector<16xf32>
          %parallel_loop3A_105 = arith.subf %parallel_loop3A_88, %parallel_loop3A_104 : vector<16xf32>
          %parallel_loop3A_106 = arith.sitofp %parallel_loop3A_102 : vector<16xi32> to vector<16xf32>
          %parallel_loop3A_107 = arith.subf %parallel_loop3A_94, %parallel_loop3A_106 : vector<16xf32>
          %parallel_loop3A_108 = arith.sitofp %parallel_loop3A_103 : vector<16xi32> to vector<16xf32>
          %parallel_loop3A_109 = arith.subf %parallel_loop3A_100, %parallel_loop3A_108 : vector<16xf32>
          %parallel_loop3A_110 = arith.constant 1.000000e+00 : f32
          %parallel_loop3A_111 = vector.broadcast %parallel_loop3A_110 : f32 to vector<16xf32>
          %parallel_loop3A_112 = arith.subf %parallel_loop3A_111, %parallel_loop3A_105 : vector<16xf32>
          %parallel_loop3A_113 = arith.constant 1.000000e+00 : f32
          %parallel_loop3A_114 = vector.broadcast %parallel_loop3A_113 : f32 to vector<16xf32>
          %parallel_loop3A_115 = arith.subf %parallel_loop3A_114, %parallel_loop3A_107 : vector<16xf32>
          %parallel_loop3A_116 = arith.constant 1.000000e+00 : f32
          %parallel_loop3A_117 = vector.broadcast %parallel_loop3A_116 : f32 to vector<16xf32>
          %parallel_loop3A_118 = arith.subf %parallel_loop3A_117, %parallel_loop3A_109 : vector<16xf32>
          %parallel_loop3A_119 = arith.constant 1 : i32
          %parallel_loop3A_120 = vector.broadcast %parallel_loop3A_119 : i32 to vector<16xi32>
          %parallel_loop3A_121 = arith.addi %parallel_loop3A_101, %parallel_loop3A_120 : vector<16xi32>
          %parallel_loop3A_122 = arith.constant -1640531535 : i32
          %parallel_loop3A_123 = vector.broadcast %parallel_loop3A_122 : i32 to vector<16xi32>
          %parallel_loop3A_124 = arith.muli %parallel_loop3A_102, %parallel_loop3A_123 : vector<16xi32>
          %parallel_loop3A_125 = arith.constant 1 : i32
          %parallel_loop3A_126 = vector.broadcast %parallel_loop3A_125 : i32 to vector<16xi32>
          %parallel_loop3A_127 = arith.addi %parallel_loop3A_102, %parallel_loop3A_126 : vector<16xi32>
          %parallel_loop3A_128 = arith.constant -1640531535 : i32
          %parallel_loop3A_129 = vector.broadcast %parallel_loop3A_128 : i32 to vector<16xi32>
          %parallel_loop3A_130 = arith.muli %parallel_loop3A_127, %parallel_loop3A_129 : vector<16xi32>
          %parallel_loop3A_131 = arith.constant 805459861 : i32
          %parallel_loop3A_132 = vector.broadcast %parallel_loop3A_131 : i32 to vector<16xi32>
          %parallel_loop3A_133 = arith.muli %parallel_loop3A_103, %parallel_loop3A_132 : vector<16xi32>
          %parallel_loop3A_134 = arith.constant 1 : i32
          %parallel_loop3A_135 = vector.broadcast %parallel_loop3A_134 : i32 to vector<16xi32>
          %parallel_loop3A_136 = arith.addi %parallel_loop3A_103, %parallel_loop3A_135 : vector<16xi32>
          %parallel_loop3A_137 = arith.constant 805459861 : i32
          %parallel_loop3A_138 = vector.broadcast %parallel_loop3A_137 : i32 to vector<16xi32>
          %parallel_loop3A_139 = arith.muli %parallel_loop3A_136, %parallel_loop3A_138 : vector<16xi32>
          %parallel_loop3A_140 = arith.constant 0.000000e+00 : f32
          %parallel_loop3A_141 = vector.broadcast %parallel_loop3A_140 : f32 to vector<16xf32>
          %parallel_loop3A_142 = arith.constant 0.000000e+00 : f32
          %parallel_loop3A_143 = vector.broadcast %parallel_loop3A_142 : f32 to vector<16xf32>
          %parallel_loop3A_144 = arith.constant 0.000000e+00 : f32
          %parallel_loop3A_145 = vector.broadcast %parallel_loop3A_144 : f32 to vector<16xf32>
          %parallel_loop3A_146 = arith.constant 0.000000e+00 : f32
          %parallel_loop3A_147 = vector.broadcast %parallel_loop3A_146 : f32 to vector<16xf32>
          %parallel_loop3A_148 = arith.xori %parallel_loop3A_124, %parallel_loop3A_133 : vector<16xi32>
          %parallel_loop3A_149 = arith.mulf %parallel_loop3A_115, %parallel_loop3A_118 : vector<16xf32>
          %parallel_loop3A_150 = arith.xori %parallel_loop3A_101, %parallel_loop3A_148 : vector<16xi32>
          %parallel_loop3A_151 = arith.constant 16383 : i32
          %parallel_loop3A_152 = vector.broadcast %parallel_loop3A_151 : i32 to vector<16xi32>
          %parallel_loop3A_153 = arith.andi %parallel_loop3A_150, %parallel_loop3A_152 : vector<16xi32>
          %parallel_loop3A_154 = arith.mulf %parallel_loop3A_112, %parallel_loop3A_149 : vector<16xf32>
          %parallel_loop3A_155 = tpu.vector_load_idx %arg5[%parallel_loop3A_153] : memref<16384xi32, #tpu.memory_space<vmem>>[vector<16xi32>], vector<16xi32>,
          %parallel_loop3A_156 = tpu.vector_load_idx %arg6[%parallel_loop3A_153] : memref<16384xi32, #tpu.memory_space<vmem>>[vector<16xi32>], vector<16xi32>,
          %parallel_loop3A_157 = arith.constant 16 : i32
          %parallel_loop3A_158 = vector.broadcast %parallel_loop3A_157 : i32 to vector<16xi32>
          %parallel_loop3A_159 = arith.shli %parallel_loop3A_155, %parallel_loop3A_158 : vector<16xi32>
          %parallel_loop3A_160 = tpu.bitcast %parallel_loop3A_159 : vector<16xi32> -> vector<16xf32>
          %parallel_loop3A_161 = arith.constant -65536 : i32
          %parallel_loop3A_162 = vector.broadcast %parallel_loop3A_161 : i32 to vector<16xi32>
          %parallel_loop3A_163 = arith.andi %parallel_loop3A_155, %parallel_loop3A_162 : vector<16xi32>
          %parallel_loop3A_164 = tpu.bitcast %parallel_loop3A_163 : vector<16xi32> -> vector<16xf32>
          %parallel_loop3A_165 = arith.constant 16 : i32
          %parallel_loop3A_166 = vector.broadcast %parallel_loop3A_165 : i32 to vector<16xi32>
          %parallel_loop3A_167 = arith.shli %parallel_loop3A_156, %parallel_loop3A_166 : vector<16xi32>
          %parallel_loop3A_168 = tpu.bitcast %parallel_loop3A_167 : vector<16xi32> -> vector<16xf32>
          %parallel_loop3A_169 = arith.constant -65536 : i32
          %parallel_loop3A_170 = vector.broadcast %parallel_loop3A_169 : i32 to vector<16xi32>
          %parallel_loop3A_171 = arith.andi %parallel_loop3A_156, %parallel_loop3A_170 : vector<16xi32>
          %parallel_loop3A_172 = tpu.bitcast %parallel_loop3A_171 : vector<16xi32> -> vector<16xf32>
          %parallel_loop3A_173 = arith.mulf %parallel_loop3A_154, %parallel_loop3A_160 : vector<16xf32>
          %parallel_loop3A_174 = arith.addf %parallel_loop3A_141, %parallel_loop3A_173 : vector<16xf32>
          %parallel_loop3A_175 = arith.mulf %parallel_loop3A_154, %parallel_loop3A_164 : vector<16xf32>
          %parallel_loop3A_176 = arith.addf %parallel_loop3A_143, %parallel_loop3A_175 : vector<16xf32>
          %parallel_loop3A_177 = arith.mulf %parallel_loop3A_154, %parallel_loop3A_168 : vector<16xf32>
          %parallel_loop3A_178 = arith.addf %parallel_loop3A_145, %parallel_loop3A_177 : vector<16xf32>
          %parallel_loop3A_179 = arith.mulf %parallel_loop3A_154, %parallel_loop3A_172 : vector<16xf32>
          %parallel_loop3A_180 = arith.addf %parallel_loop3A_147, %parallel_loop3A_179 : vector<16xf32>
          %parallel_loop3A_181 = arith.xori %parallel_loop3A_121, %parallel_loop3A_148 : vector<16xi32>
          %parallel_loop3A_182 = arith.constant 16383 : i32
          %parallel_loop3A_183 = vector.broadcast %parallel_loop3A_182 : i32 to vector<16xi32>
          %parallel_loop3A_184 = arith.andi %parallel_loop3A_181, %parallel_loop3A_183 : vector<16xi32>
          %parallel_loop3A_185 = arith.mulf %parallel_loop3A_105, %parallel_loop3A_149 : vector<16xf32>
          %parallel_loop3A_186 = tpu.vector_load_idx %arg5[%parallel_loop3A_184] : memref<16384xi32, #tpu.memory_space<vmem>>[vector<16xi32>], vector<16xi32>,
          %parallel_loop3A_187 = tpu.vector_load_idx %arg6[%parallel_loop3A_184] : memref<16384xi32, #tpu.memory_space<vmem>>[vector<16xi32>], vector<16xi32>,
          %parallel_loop3A_188 = arith.constant 16 : i32
          %parallel_loop3A_189 = vector.broadcast %parallel_loop3A_188 : i32 to vector<16xi32>
          %parallel_loop3A_190 = arith.shli %parallel_loop3A_186, %parallel_loop3A_189 : vector<16xi32>
          %parallel_loop3A_191 = tpu.bitcast %parallel_loop3A_190 : vector<16xi32> -> vector<16xf32>
          %parallel_loop3A_192 = arith.constant -65536 : i32
          %parallel_loop3A_193 = vector.broadcast %parallel_loop3A_192 : i32 to vector<16xi32>
          %parallel_loop3A_194 = arith.andi %parallel_loop3A_186, %parallel_loop3A_193 : vector<16xi32>
          %parallel_loop3A_195 = tpu.bitcast %parallel_loop3A_194 : vector<16xi32> -> vector<16xf32>
          %parallel_loop3A_196 = arith.constant 16 : i32
          %parallel_loop3A_197 = vector.broadcast %parallel_loop3A_196 : i32 to vector<16xi32>
          %parallel_loop3A_198 = arith.shli %parallel_loop3A_187, %parallel_loop3A_197 : vector<16xi32>
          %parallel_loop3A_199 = tpu.bitcast %parallel_loop3A_198 : vector<16xi32> -> vector<16xf32>
          %parallel_loop3A_200 = arith.constant -65536 : i32
          %parallel_loop3A_201 = vector.broadcast %parallel_loop3A_200 : i32 to vector<16xi32>
          %parallel_loop3A_202 = arith.andi %parallel_loop3A_187, %parallel_loop3A_201 : vector<16xi32>
          %parallel_loop3A_203 = tpu.bitcast %parallel_loop3A_202 : vector<16xi32> -> vector<16xf32>
          %parallel_loop3A_204 = arith.mulf %parallel_loop3A_185, %parallel_loop3A_191 : vector<16xf32>
          %parallel_loop3A_205 = arith.addf %parallel_loop3A_174, %parallel_loop3A_204 : vector<16xf32>
          %parallel_loop3A_206 = arith.mulf %parallel_loop3A_185, %parallel_loop3A_195 : vector<16xf32>
          %parallel_loop3A_207 = arith.addf %parallel_loop3A_176, %parallel_loop3A_206 : vector<16xf32>
          %parallel_loop3A_208 = arith.mulf %parallel_loop3A_185, %parallel_loop3A_199 : vector<16xf32>
          %parallel_loop3A_209 = arith.addf %parallel_loop3A_178, %parallel_loop3A_208 : vector<16xf32>
          %parallel_loop3A_210 = arith.mulf %parallel_loop3A_185, %parallel_loop3A_203 : vector<16xf32>
          %parallel_loop3A_211 = arith.addf %parallel_loop3A_180, %parallel_loop3A_210 : vector<16xf32>
          %parallel_loop3A_212 = arith.xori %parallel_loop3A_130, %parallel_loop3A_133 : vector<16xi32>
          %parallel_loop3A_213 = arith.mulf %parallel_loop3A_107, %parallel_loop3A_118 : vector<16xf32>
          %parallel_loop3A_214 = arith.xori %parallel_loop3A_101, %parallel_loop3A_212 : vector<16xi32>
          %parallel_loop3A_215 = arith.constant 16383 : i32
          %parallel_loop3A_216 = vector.broadcast %parallel_loop3A_215 : i32 to vector<16xi32>
          %parallel_loop3A_217 = arith.andi %parallel_loop3A_214, %parallel_loop3A_216 : vector<16xi32>
          %parallel_loop3A_218 = arith.mulf %parallel_loop3A_112, %parallel_loop3A_213 : vector<16xf32>
          %parallel_loop3A_219 = tpu.vector_load_idx %arg5[%parallel_loop3A_217] : memref<16384xi32, #tpu.memory_space<vmem>>[vector<16xi32>], vector<16xi32>,
          %parallel_loop3A_220 = tpu.vector_load_idx %arg6[%parallel_loop3A_217] : memref<16384xi32, #tpu.memory_space<vmem>>[vector<16xi32>], vector<16xi32>,
          %parallel_loop3A_221 = arith.constant 16 : i32
          %parallel_loop3A_222 = vector.broadcast %parallel_loop3A_221 : i32 to vector<16xi32>
          %parallel_loop3A_223 = arith.shli %parallel_loop3A_219, %parallel_loop3A_222 : vector<16xi32>
          %parallel_loop3A_224 = tpu.bitcast %parallel_loop3A_223 : vector<16xi32> -> vector<16xf32>
          %parallel_loop3A_225 = arith.constant -65536 : i32
          %parallel_loop3A_226 = vector.broadcast %parallel_loop3A_225 : i32 to vector<16xi32>
          %parallel_loop3A_227 = arith.andi %parallel_loop3A_219, %parallel_loop3A_226 : vector<16xi32>
          %parallel_loop3A_228 = tpu.bitcast %parallel_loop3A_227 : vector<16xi32> -> vector<16xf32>
          %parallel_loop3A_229 = arith.constant 16 : i32
          %parallel_loop3A_230 = vector.broadcast %parallel_loop3A_229 : i32 to vector<16xi32>
          %parallel_loop3A_231 = arith.shli %parallel_loop3A_220, %parallel_loop3A_230 : vector<16xi32>
          %parallel_loop3A_232 = tpu.bitcast %parallel_loop3A_231 : vector<16xi32> -> vector<16xf32>
          %parallel_loop3A_233 = arith.constant -65536 : i32
          %parallel_loop3A_234 = vector.broadcast %parallel_loop3A_233 : i32 to vector<16xi32>
          %parallel_loop3A_235 = arith.andi %parallel_loop3A_220, %parallel_loop3A_234 : vector<16xi32>
          %parallel_loop3A_236 = tpu.bitcast %parallel_loop3A_235 : vector<16xi32> -> vector<16xf32>
          %parallel_loop3A_237 = arith.mulf %parallel_loop3A_218, %parallel_loop3A_224 : vector<16xf32>
          %parallel_loop3A_238 = arith.addf %parallel_loop3A_205, %parallel_loop3A_237 : vector<16xf32>
          %parallel_loop3A_239 = arith.mulf %parallel_loop3A_218, %parallel_loop3A_228 : vector<16xf32>
          %parallel_loop3A_240 = arith.addf %parallel_loop3A_207, %parallel_loop3A_239 : vector<16xf32>
          %parallel_loop3A_241 = arith.mulf %parallel_loop3A_218, %parallel_loop3A_232 : vector<16xf32>
          %parallel_loop3A_242 = arith.addf %parallel_loop3A_209, %parallel_loop3A_241 : vector<16xf32>
          %parallel_loop3A_243 = arith.mulf %parallel_loop3A_218, %parallel_loop3A_236 : vector<16xf32>
          %parallel_loop3A_244 = arith.addf %parallel_loop3A_211, %parallel_loop3A_243 : vector<16xf32>
          %parallel_loop3A_245 = arith.xori %parallel_loop3A_121, %parallel_loop3A_212 : vector<16xi32>
          %parallel_loop3A_246 = arith.constant 16383 : i32
          %parallel_loop3A_247 = vector.broadcast %parallel_loop3A_246 : i32 to vector<16xi32>
          %parallel_loop3A_248 = arith.andi %parallel_loop3A_245, %parallel_loop3A_247 : vector<16xi32>
          %parallel_loop3A_249 = arith.mulf %parallel_loop3A_105, %parallel_loop3A_213 : vector<16xf32>
          %parallel_loop3A_250 = tpu.vector_load_idx %arg5[%parallel_loop3A_248] : memref<16384xi32, #tpu.memory_space<vmem>>[vector<16xi32>], vector<16xi32>,
          %parallel_loop3A_251 = tpu.vector_load_idx %arg6[%parallel_loop3A_248] : memref<16384xi32, #tpu.memory_space<vmem>>[vector<16xi32>], vector<16xi32>,
          %parallel_loop3A_252 = arith.constant 16 : i32
          %parallel_loop3A_253 = vector.broadcast %parallel_loop3A_252 : i32 to vector<16xi32>
          %parallel_loop3A_254 = arith.shli %parallel_loop3A_250, %parallel_loop3A_253 : vector<16xi32>
          %parallel_loop3A_255 = tpu.bitcast %parallel_loop3A_254 : vector<16xi32> -> vector<16xf32>
          %parallel_loop3A_256 = arith.constant -65536 : i32
          %parallel_loop3A_257 = vector.broadcast %parallel_loop3A_256 : i32 to vector<16xi32>
          %parallel_loop3A_258 = arith.andi %parallel_loop3A_250, %parallel_loop3A_257 : vector<16xi32>
          %parallel_loop3A_259 = tpu.bitcast %parallel_loop3A_258 : vector<16xi32> -> vector<16xf32>
          %parallel_loop3A_260 = arith.constant 16 : i32
          %parallel_loop3A_261 = vector.broadcast %parallel_loop3A_260 : i32 to vector<16xi32>
          %parallel_loop3A_262 = arith.shli %parallel_loop3A_251, %parallel_loop3A_261 : vector<16xi32>
          %parallel_loop3A_263 = tpu.bitcast %parallel_loop3A_262 : vector<16xi32> -> vector<16xf32>
          %parallel_loop3A_264 = arith.constant -65536 : i32
          %parallel_loop3A_265 = vector.broadcast %parallel_loop3A_264 : i32 to vector<16xi32>
          %parallel_loop3A_266 = arith.andi %parallel_loop3A_251, %parallel_loop3A_265 : vector<16xi32>
          %parallel_loop3A_267 = tpu.bitcast %parallel_loop3A_266 : vector<16xi32> -> vector<16xf32>
          %parallel_loop3A_268 = arith.mulf %parallel_loop3A_249, %parallel_loop3A_255 : vector<16xf32>
          %parallel_loop3A_269 = arith.addf %parallel_loop3A_238, %parallel_loop3A_268 : vector<16xf32>
          %parallel_loop3A_270 = arith.mulf %parallel_loop3A_249, %parallel_loop3A_259 : vector<16xf32>
          %parallel_loop3A_271 = arith.addf %parallel_loop3A_240, %parallel_loop3A_270 : vector<16xf32>
          %parallel_loop3A_272 = arith.mulf %parallel_loop3A_249, %parallel_loop3A_263 : vector<16xf32>
          %parallel_loop3A_273 = arith.addf %parallel_loop3A_242, %parallel_loop3A_272 : vector<16xf32>
          %parallel_loop3A_274 = arith.mulf %parallel_loop3A_249, %parallel_loop3A_267 : vector<16xf32>
          %parallel_loop3A_275 = arith.addf %parallel_loop3A_244, %parallel_loop3A_274 : vector<16xf32>
          %parallel_loop3A_276 = arith.xori %parallel_loop3A_124, %parallel_loop3A_139 : vector<16xi32>
          %parallel_loop3A_277 = arith.mulf %parallel_loop3A_115, %parallel_loop3A_109 : vector<16xf32>
          %parallel_loop3A_278 = arith.xori %parallel_loop3A_101, %parallel_loop3A_276 : vector<16xi32>
          %parallel_loop3A_279 = arith.constant 16383 : i32
          %parallel_loop3A_280 = vector.broadcast %parallel_loop3A_279 : i32 to vector<16xi32>
          %parallel_loop3A_281 = arith.andi %parallel_loop3A_278, %parallel_loop3A_280 : vector<16xi32>
          %parallel_loop3A_282 = arith.mulf %parallel_loop3A_112, %parallel_loop3A_277 : vector<16xf32>
          %parallel_loop3A_283 = tpu.vector_load_idx %arg5[%parallel_loop3A_281] : memref<16384xi32, #tpu.memory_space<vmem>>[vector<16xi32>], vector<16xi32>,
          %parallel_loop3A_284 = tpu.vector_load_idx %arg6[%parallel_loop3A_281] : memref<16384xi32, #tpu.memory_space<vmem>>[vector<16xi32>], vector<16xi32>,
          %parallel_loop3A_285 = arith.constant 16 : i32
          %parallel_loop3A_286 = vector.broadcast %parallel_loop3A_285 : i32 to vector<16xi32>
          %parallel_loop3A_287 = arith.shli %parallel_loop3A_283, %parallel_loop3A_286 : vector<16xi32>
          %parallel_loop3A_288 = tpu.bitcast %parallel_loop3A_287 : vector<16xi32> -> vector<16xf32>
          %parallel_loop3A_289 = arith.constant -65536 : i32
          %parallel_loop3A_290 = vector.broadcast %parallel_loop3A_289 : i32 to vector<16xi32>
          %parallel_loop3A_291 = arith.andi %parallel_loop3A_283, %parallel_loop3A_290 : vector<16xi32>
          %parallel_loop3A_292 = tpu.bitcast %parallel_loop3A_291 : vector<16xi32> -> vector<16xf32>
          %parallel_loop3A_293 = arith.constant 16 : i32
          %parallel_loop3A_294 = vector.broadcast %parallel_loop3A_293 : i32 to vector<16xi32>
          %parallel_loop3A_295 = arith.shli %parallel_loop3A_284, %parallel_loop3A_294 : vector<16xi32>
          %parallel_loop3A_296 = tpu.bitcast %parallel_loop3A_295 : vector<16xi32> -> vector<16xf32>
          %parallel_loop3A_297 = arith.constant -65536 : i32
          %parallel_loop3A_298 = vector.broadcast %parallel_loop3A_297 : i32 to vector<16xi32>
          %parallel_loop3A_299 = arith.andi %parallel_loop3A_284, %parallel_loop3A_298 : vector<16xi32>
          %parallel_loop3A_300 = tpu.bitcast %parallel_loop3A_299 : vector<16xi32> -> vector<16xf32>
          %parallel_loop3A_301 = arith.mulf %parallel_loop3A_282, %parallel_loop3A_288 : vector<16xf32>
          %parallel_loop3A_302 = arith.addf %parallel_loop3A_269, %parallel_loop3A_301 : vector<16xf32>
          %parallel_loop3A_303 = arith.mulf %parallel_loop3A_282, %parallel_loop3A_292 : vector<16xf32>
          %parallel_loop3A_304 = arith.addf %parallel_loop3A_271, %parallel_loop3A_303 : vector<16xf32>
          %parallel_loop3A_305 = arith.mulf %parallel_loop3A_282, %parallel_loop3A_296 : vector<16xf32>
          %parallel_loop3A_306 = arith.addf %parallel_loop3A_273, %parallel_loop3A_305 : vector<16xf32>
          %parallel_loop3A_307 = arith.mulf %parallel_loop3A_282, %parallel_loop3A_300 : vector<16xf32>
          %parallel_loop3A_308 = arith.addf %parallel_loop3A_275, %parallel_loop3A_307 : vector<16xf32>
          %parallel_loop3A_309 = arith.xori %parallel_loop3A_121, %parallel_loop3A_276 : vector<16xi32>
          %parallel_loop3A_310 = arith.constant 16383 : i32
          %parallel_loop3A_311 = vector.broadcast %parallel_loop3A_310 : i32 to vector<16xi32>
          %parallel_loop3A_312 = arith.andi %parallel_loop3A_309, %parallel_loop3A_311 : vector<16xi32>
          %parallel_loop3A_313 = arith.mulf %parallel_loop3A_105, %parallel_loop3A_277 : vector<16xf32>
          %parallel_loop3A_314 = tpu.vector_load_idx %arg5[%parallel_loop3A_312] : memref<16384xi32, #tpu.memory_space<vmem>>[vector<16xi32>], vector<16xi32>,
          %parallel_loop3A_315 = tpu.vector_load_idx %arg6[%parallel_loop3A_312] : memref<16384xi32, #tpu.memory_space<vmem>>[vector<16xi32>], vector<16xi32>,
          %parallel_loop3A_316 = arith.constant 16 : i32
          %parallel_loop3A_317 = vector.broadcast %parallel_loop3A_316 : i32 to vector<16xi32>
          %parallel_loop3A_318 = arith.shli %parallel_loop3A_314, %parallel_loop3A_317 : vector<16xi32>
          %parallel_loop3A_319 = tpu.bitcast %parallel_loop3A_318 : vector<16xi32> -> vector<16xf32>
          %parallel_loop3A_320 = arith.constant -65536 : i32
          %parallel_loop3A_321 = vector.broadcast %parallel_loop3A_320 : i32 to vector<16xi32>
          %parallel_loop3A_322 = arith.andi %parallel_loop3A_314, %parallel_loop3A_321 : vector<16xi32>
          %parallel_loop3A_323 = tpu.bitcast %parallel_loop3A_322 : vector<16xi32> -> vector<16xf32>
          %parallel_loop3A_324 = arith.constant 16 : i32
          %parallel_loop3A_325 = vector.broadcast %parallel_loop3A_324 : i32 to vector<16xi32>
          %parallel_loop3A_326 = arith.shli %parallel_loop3A_315, %parallel_loop3A_325 : vector<16xi32>
          %parallel_loop3A_327 = tpu.bitcast %parallel_loop3A_326 : vector<16xi32> -> vector<16xf32>
          %parallel_loop3A_328 = arith.constant -65536 : i32
          %parallel_loop3A_329 = vector.broadcast %parallel_loop3A_328 : i32 to vector<16xi32>
          %parallel_loop3A_330 = arith.andi %parallel_loop3A_315, %parallel_loop3A_329 : vector<16xi32>
          %parallel_loop3A_331 = tpu.bitcast %parallel_loop3A_330 : vector<16xi32> -> vector<16xf32>
          %parallel_loop3A_332 = arith.mulf %parallel_loop3A_313, %parallel_loop3A_319 : vector<16xf32>
          %parallel_loop3A_333 = arith.addf %parallel_loop3A_302, %parallel_loop3A_332 : vector<16xf32>
          %parallel_loop3A_334 = arith.mulf %parallel_loop3A_313, %parallel_loop3A_323 : vector<16xf32>
          %parallel_loop3A_335 = arith.addf %parallel_loop3A_304, %parallel_loop3A_334 : vector<16xf32>
          %parallel_loop3A_336 = arith.mulf %parallel_loop3A_313, %parallel_loop3A_327 : vector<16xf32>
          %parallel_loop3A_337 = arith.addf %parallel_loop3A_306, %parallel_loop3A_336 : vector<16xf32>
          %parallel_loop3A_338 = arith.mulf %parallel_loop3A_313, %parallel_loop3A_331 : vector<16xf32>
          %parallel_loop3A_339 = arith.addf %parallel_loop3A_308, %parallel_loop3A_338 : vector<16xf32>
          %parallel_loop3A_340 = arith.xori %parallel_loop3A_130, %parallel_loop3A_139 : vector<16xi32>
          %parallel_loop3A_341 = arith.mulf %parallel_loop3A_107, %parallel_loop3A_109 : vector<16xf32>
          %parallel_loop3A_342 = arith.xori %parallel_loop3A_101, %parallel_loop3A_340 : vector<16xi32>
          %parallel_loop3A_343 = arith.constant 16383 : i32
          %parallel_loop3A_344 = vector.broadcast %parallel_loop3A_343 : i32 to vector<16xi32>
          %parallel_loop3A_345 = arith.andi %parallel_loop3A_342, %parallel_loop3A_344 : vector<16xi32>
          %parallel_loop3A_346 = arith.mulf %parallel_loop3A_112, %parallel_loop3A_341 : vector<16xf32>
          %parallel_loop3A_347 = tpu.vector_load_idx %arg5[%parallel_loop3A_345] : memref<16384xi32, #tpu.memory_space<vmem>>[vector<16xi32>], vector<16xi32>,
          %parallel_loop3A_348 = tpu.vector_load_idx %arg6[%parallel_loop3A_345] : memref<16384xi32, #tpu.memory_space<vmem>>[vector<16xi32>], vector<16xi32>,
          %parallel_loop3A_349 = arith.constant 16 : i32
          %parallel_loop3A_350 = vector.broadcast %parallel_loop3A_349 : i32 to vector<16xi32>
          %parallel_loop3A_351 = arith.shli %parallel_loop3A_347, %parallel_loop3A_350 : vector<16xi32>
          %parallel_loop3A_352 = tpu.bitcast %parallel_loop3A_351 : vector<16xi32> -> vector<16xf32>
          %parallel_loop3A_353 = arith.constant -65536 : i32
          %parallel_loop3A_354 = vector.broadcast %parallel_loop3A_353 : i32 to vector<16xi32>
          %parallel_loop3A_355 = arith.andi %parallel_loop3A_347, %parallel_loop3A_354 : vector<16xi32>
          %parallel_loop3A_356 = tpu.bitcast %parallel_loop3A_355 : vector<16xi32> -> vector<16xf32>
          %parallel_loop3A_357 = arith.constant 16 : i32
          %parallel_loop3A_358 = vector.broadcast %parallel_loop3A_357 : i32 to vector<16xi32>
          %parallel_loop3A_359 = arith.shli %parallel_loop3A_348, %parallel_loop3A_358 : vector<16xi32>
          %parallel_loop3A_360 = tpu.bitcast %parallel_loop3A_359 : vector<16xi32> -> vector<16xf32>
          %parallel_loop3A_361 = arith.constant -65536 : i32
          %parallel_loop3A_362 = vector.broadcast %parallel_loop3A_361 : i32 to vector<16xi32>
          %parallel_loop3A_363 = arith.andi %parallel_loop3A_348, %parallel_loop3A_362 : vector<16xi32>
          %parallel_loop3A_364 = tpu.bitcast %parallel_loop3A_363 : vector<16xi32> -> vector<16xf32>
          %parallel_loop3A_365 = arith.mulf %parallel_loop3A_346, %parallel_loop3A_352 : vector<16xf32>
          %parallel_loop3A_366 = arith.addf %parallel_loop3A_333, %parallel_loop3A_365 : vector<16xf32>
          %parallel_loop3A_367 = arith.mulf %parallel_loop3A_346, %parallel_loop3A_356 : vector<16xf32>
          %parallel_loop3A_368 = arith.addf %parallel_loop3A_335, %parallel_loop3A_367 : vector<16xf32>
          %parallel_loop3A_369 = arith.mulf %parallel_loop3A_346, %parallel_loop3A_360 : vector<16xf32>
          %parallel_loop3A_370 = arith.addf %parallel_loop3A_337, %parallel_loop3A_369 : vector<16xf32>
          %parallel_loop3A_371 = arith.mulf %parallel_loop3A_346, %parallel_loop3A_364 : vector<16xf32>
          %parallel_loop3A_372 = arith.addf %parallel_loop3A_339, %parallel_loop3A_371 : vector<16xf32>
          %parallel_loop3A_373 = arith.xori %parallel_loop3A_121, %parallel_loop3A_340 : vector<16xi32>
          %parallel_loop3A_374 = arith.constant 16383 : i32
          %parallel_loop3A_375 = vector.broadcast %parallel_loop3A_374 : i32 to vector<16xi32>
          %parallel_loop3A_376 = arith.andi %parallel_loop3A_373, %parallel_loop3A_375 : vector<16xi32>
          %parallel_loop3A_377 = arith.mulf %parallel_loop3A_105, %parallel_loop3A_341 : vector<16xf32>
          %parallel_loop3A_378 = tpu.vector_load_idx %arg5[%parallel_loop3A_376] : memref<16384xi32, #tpu.memory_space<vmem>>[vector<16xi32>], vector<16xi32>,
          %parallel_loop3A_379 = tpu.vector_load_idx %arg6[%parallel_loop3A_376] : memref<16384xi32, #tpu.memory_space<vmem>>[vector<16xi32>], vector<16xi32>,
          %parallel_loop3A_380 = arith.constant 16 : i32
          %parallel_loop3A_381 = vector.broadcast %parallel_loop3A_380 : i32 to vector<16xi32>
          %parallel_loop3A_382 = arith.shli %parallel_loop3A_378, %parallel_loop3A_381 : vector<16xi32>
          %parallel_loop3A_383 = tpu.bitcast %parallel_loop3A_382 : vector<16xi32> -> vector<16xf32>
          %parallel_loop3A_384 = arith.constant -65536 : i32
          %parallel_loop3A_385 = vector.broadcast %parallel_loop3A_384 : i32 to vector<16xi32>
          %parallel_loop3A_386 = arith.andi %parallel_loop3A_378, %parallel_loop3A_385 : vector<16xi32>
          %parallel_loop3A_387 = tpu.bitcast %parallel_loop3A_386 : vector<16xi32> -> vector<16xf32>
          %parallel_loop3A_388 = arith.constant 16 : i32
          %parallel_loop3A_389 = vector.broadcast %parallel_loop3A_388 : i32 to vector<16xi32>
          %parallel_loop3A_390 = arith.shli %parallel_loop3A_379, %parallel_loop3A_389 : vector<16xi32>
          %parallel_loop3A_391 = tpu.bitcast %parallel_loop3A_390 : vector<16xi32> -> vector<16xf32>
          %parallel_loop3A_392 = arith.constant -65536 : i32
          %parallel_loop3A_393 = vector.broadcast %parallel_loop3A_392 : i32 to vector<16xi32>
          %parallel_loop3A_394 = arith.andi %parallel_loop3A_379, %parallel_loop3A_393 : vector<16xi32>
          %parallel_loop3A_395 = tpu.bitcast %parallel_loop3A_394 : vector<16xi32> -> vector<16xf32>
          %parallel_loop3A_396 = arith.mulf %parallel_loop3A_377, %parallel_loop3A_383 : vector<16xf32>
          %parallel_loop3A_397 = arith.addf %parallel_loop3A_366, %parallel_loop3A_396 : vector<16xf32>
          %parallel_loop3A_398 = arith.mulf %parallel_loop3A_377, %parallel_loop3A_387 : vector<16xf32>
          %parallel_loop3A_399 = arith.addf %parallel_loop3A_368, %parallel_loop3A_398 : vector<16xf32>
          %parallel_loop3A_400 = arith.mulf %parallel_loop3A_377, %parallel_loop3A_391 : vector<16xf32>
          %parallel_loop3A_401 = arith.addf %parallel_loop3A_370, %parallel_loop3A_400 : vector<16xf32>
          %parallel_loop3A_402 = arith.mulf %parallel_loop3A_377, %parallel_loop3A_395 : vector<16xf32>
          %parallel_loop3A_403 = arith.addf %parallel_loop3A_372, %parallel_loop3A_402 : vector<16xf32>
          %parallel_loop3A_404 = arith.constant 0 : i32
          %parallel_loop3A_405 = arith.index_cast %parallel_loop3A_404 : i32 to index
          %parallel_loop3A_406 = arith.index_cast %parallel_loop3A_82 : i32 to index
          %parallel_loop3A_407 = tpu.vector_load %arg8[%parallel_loop3A_405, %parallel_loop3A_406] {strides = array<i32>} : memref<4x2048xf32, #tpu.memory_space<vmem>>, vector<16xf32>,
          tpu.vector_store %arg8[%parallel_loop3A_405, %parallel_loop3A_406], %parallel_loop3A_397 {strides = array<i32>} : memref<4x2048xf32, #tpu.memory_space<vmem>>, vector<16xf32>,
          %parallel_loop3A_408 = arith.constant 1 : i32
          %parallel_loop3A_409 = arith.index_cast %parallel_loop3A_408 : i32 to index
          %parallel_loop3A_410 = arith.index_cast %parallel_loop3A_82 : i32 to index
          %parallel_loop3A_411 = tpu.vector_load %arg8[%parallel_loop3A_409, %parallel_loop3A_410] {strides = array<i32>} : memref<4x2048xf32, #tpu.memory_space<vmem>>, vector<16xf32>,
          tpu.vector_store %arg8[%parallel_loop3A_409, %parallel_loop3A_410], %parallel_loop3A_399 {strides = array<i32>} : memref<4x2048xf32, #tpu.memory_space<vmem>>, vector<16xf32>,
          %parallel_loop3A_412 = arith.constant 2 : i32
          %parallel_loop3A_413 = arith.index_cast %parallel_loop3A_412 : i32 to index
          %parallel_loop3A_414 = arith.index_cast %parallel_loop3A_82 : i32 to index
          %parallel_loop3A_415 = tpu.vector_load %arg8[%parallel_loop3A_413, %parallel_loop3A_414] {strides = array<i32>} : memref<4x2048xf32, #tpu.memory_space<vmem>>, vector<16xf32>,
          tpu.vector_store %arg8[%parallel_loop3A_413, %parallel_loop3A_414], %parallel_loop3A_401 {strides = array<i32>} : memref<4x2048xf32, #tpu.memory_space<vmem>>, vector<16xf32>,
          %parallel_loop3A_416 = arith.constant 3 : i32
          %parallel_loop3A_417 = arith.index_cast %parallel_loop3A_416 : i32 to index
          %parallel_loop3A_418 = arith.index_cast %parallel_loop3A_82 : i32 to index
          %parallel_loop3A_419 = tpu.vector_load %arg8[%parallel_loop3A_417, %parallel_loop3A_418] {strides = array<i32>} : memref<4x2048xf32, #tpu.memory_space<vmem>>, vector<16xf32>,
          tpu.vector_store %arg8[%parallel_loop3A_417, %parallel_loop3A_418], %parallel_loop3A_403 {strides = array<i32>} : memref<4x2048xf32, #tpu.memory_space<vmem>>, vector<16xf32>,
        } {sc.loop_unroll_factor = 2 : i64, sc.parallel_access}
        %mul3A_77 = arith.constant 4 : i32
        %mul3A_78 = arith.muli %mul3A_77, %arg1 : i32
        "tpu.region"() ({
          %run_scoped3A_80 = tpu.sem_alloc : memref<!tpu.dma_semaphore, #tpu.memory_space<semaphore_mem>>
          %dma_start3A = tpu.memref_slice %arg4[%mul3A_78, %add3A_74] : memref<64x262144xf32, #tpu.memory_space<hbm>> -> memref<4x2048xf32, #tpu.memory_space<hbm>>
          %dma_start3A_81 = tpu.memref_slice %arg4[%mul3A_78, %add3A_74] : memref<64x262144xf32, #tpu.memory_space<hbm>> -> memref<4x2048xf32, #tpu.memory_space<hbm>>
          tpu.enqueue_dma source(%arg8 : memref<4x2048xf32, #tpu.memory_space<vmem>>) target(%dma_start3A_81 : memref<4x2048xf32, #tpu.memory_space<hbm>>) target_semaphore(%run_scoped3A_80 : memref<!tpu.dma_semaphore, #tpu.memory_space<semaphore_mem>>)
          %dma_wait3A = tpu.memref_slice %arg4[%mul3A_78, %add3A_74] : memref<64x262144xf32, #tpu.memory_space<hbm>> -> memref<4x2048xf32, #tpu.memory_space<hbm>>
          %dma_wait3A_82 = tpu.memref_slice %arg4[%mul3A_78, %add3A_74] : memref<64x262144xf32, #tpu.memory_space<hbm>> -> memref<4x2048xf32, #tpu.memory_space<hbm>>
          tpu.wait_dma2 semaphore(%run_scoped3A_80 : memref<!tpu.dma_semaphore, #tpu.memory_space<semaphore_mem>>) src(%arg8 : memref<4x2048xf32, #tpu.memory_space<vmem>>) dst(%dma_wait3A_82 : memref<4x2048xf32, #tpu.memory_space<hbm>>)
          tpu.yield
        }) : () -> ()
        %scan3A_79 = arith.constant 0 : i32
        scf.yield %scan3A_79 : i32
      }
      %scan3A_68 = arith.constant 64 : i32
    } else {
      %scan3A = arith.constant 0 : i32
      %scan3A_63 = arith.constant 0 : i32
      %scan3A_64 = arith.constant 64 : i32
      %scan3A_65 = arith.addi %scan3A_63, %scan3A_64 : i32
      %scan3A_66 = arith.constant 1 : i32
      %scan3A_67 = scf.for %scan3A_69 = %scan3A_63 to %scan3A_65 step %scan3A_66 iter_args(%scan3A_70 = %scan3A) -> (i32)  : i32 {
        %mul3A = arith.constant 131072 : i32
        %mul3A_71 = arith.muli %arg0, %mul3A : i32
        %mul3A_72 = arith.constant 2048 : i32
        %mul3A_73 = arith.muli %scan3A_69, %mul3A_72 : i32
        %add3A_74 = arith.addi %mul3A_71, %mul3A_73 : i32
        "tpu.region"() ({
          %run_scoped3A_80 = tpu.sem_alloc : memref<!tpu.dma_semaphore, #tpu.memory_space<semaphore_mem>>
          %dma_start3A = arith.constant 0 : i32
          %dma_start3A_81 = tpu.memref_slice %arg2[%dma_start3A, %add3A_74] : memref<3x262144xf32, #tpu.memory_space<hbm>> -> memref<3x2048xf32, #tpu.memory_space<hbm>>
          %dma_start3A_82 = arith.constant 0 : i32
          %dma_start3A_83 = tpu.memref_slice %arg2[%dma_start3A_82, %add3A_74] : memref<3x262144xf32, #tpu.memory_space<hbm>> -> memref<3x2048xf32, #tpu.memory_space<hbm>>
          tpu.enqueue_dma source(%dma_start3A_83 : memref<3x2048xf32, #tpu.memory_space<hbm>>) target(%arg7 : memref<3x2048xf32, #tpu.memory_space<vmem>>) target_semaphore(%run_scoped3A_80 : memref<!tpu.dma_semaphore, #tpu.memory_space<semaphore_mem>>)
          %dma_wait3A = arith.constant 0 : i32
          %dma_wait3A_84 = tpu.memref_slice %arg2[%dma_wait3A, %add3A_74] : memref<3x262144xf32, #tpu.memory_space<hbm>> -> memref<3x2048xf32, #tpu.memory_space<hbm>>
          %dma_wait3A_85 = arith.constant 0 : i32
          %dma_wait3A_86 = tpu.memref_slice %arg2[%dma_wait3A_85, %add3A_74] : memref<3x262144xf32, #tpu.memory_space<hbm>> -> memref<3x2048xf32, #tpu.memory_space<hbm>>
          tpu.wait_dma2 semaphore(%run_scoped3A_80 : memref<!tpu.dma_semaphore, #tpu.memory_space<semaphore_mem>>) src(%dma_wait3A_86 : memref<3x2048xf32, #tpu.memory_space<hbm>>) dst(%arg7 : memref<3x2048xf32, #tpu.memory_space<vmem>>)
          tpu.yield
        }) : () -> ()
        %parallel_loop3A = arith.constant 0 : i32
        %parallel_loop3A_75 = arith.constant 128 : i32
        %parallel_loop3A_76 = arith.constant 1 : i32
        scf.for %parallel_loop3A_80 = %parallel_loop3A to %parallel_loop3A_75 step %parallel_loop3A_76  : i32 {
          %parallel_loop3A_81 = arith.constant 16 : i32
          %parallel_loop3A_82 = arith.muli %parallel_loop3A_80, %parallel_loop3A_81 : i32
          %parallel_loop3A_83 = arith.constant 0 : i32
          %parallel_loop3A_84 = arith.index_cast %parallel_loop3A_83 : i32 to index
          %parallel_loop3A_85 = arith.index_cast %parallel_loop3A_82 : i32 to index
          %parallel_loop3A_86 = tpu.vector_load %arg7[%parallel_loop3A_84, %parallel_loop3A_85] {strides = array<i32>} : memref<3x2048xf32, #tpu.memory_space<vmem>>, vector<16xf32>,
          %parallel_loop3A_87 = vector.broadcast %convert_element_type3A : f32 to vector<16xf32>
          %parallel_loop3A_88 = arith.mulf %parallel_loop3A_86, %parallel_loop3A_87 : vector<16xf32>
          %parallel_loop3A_89 = arith.constant 1 : i32
          %parallel_loop3A_90 = arith.index_cast %parallel_loop3A_89 : i32 to index
          %parallel_loop3A_91 = arith.index_cast %parallel_loop3A_82 : i32 to index
          %parallel_loop3A_92 = tpu.vector_load %arg7[%parallel_loop3A_90, %parallel_loop3A_91] {strides = array<i32>} : memref<3x2048xf32, #tpu.memory_space<vmem>>, vector<16xf32>,
          %parallel_loop3A_93 = vector.broadcast %convert_element_type3A : f32 to vector<16xf32>
          %parallel_loop3A_94 = arith.mulf %parallel_loop3A_92, %parallel_loop3A_93 : vector<16xf32>
          %parallel_loop3A_95 = arith.constant 2 : i32
          %parallel_loop3A_96 = arith.index_cast %parallel_loop3A_95 : i32 to index
          %parallel_loop3A_97 = arith.index_cast %parallel_loop3A_82 : i32 to index
          %parallel_loop3A_98 = tpu.vector_load %arg7[%parallel_loop3A_96, %parallel_loop3A_97] {strides = array<i32>} : memref<3x2048xf32, #tpu.memory_space<vmem>>, vector<16xf32>,
          %parallel_loop3A_99 = vector.broadcast %convert_element_type3A : f32 to vector<16xf32>
          %parallel_loop3A_100 = arith.mulf %parallel_loop3A_98, %parallel_loop3A_99 : vector<16xf32>
          %parallel_loop3A_101 = arith.fptosi %parallel_loop3A_88 : vector<16xf32> to vector<16xi32>
          %parallel_loop3A_102 = arith.fptosi %parallel_loop3A_94 : vector<16xf32> to vector<16xi32>
          %parallel_loop3A_103 = arith.fptosi %parallel_loop3A_100 : vector<16xf32> to vector<16xi32>
          %parallel_loop3A_104 = arith.sitofp %parallel_loop3A_101 : vector<16xi32> to vector<16xf32>
          %parallel_loop3A_105 = arith.subf %parallel_loop3A_88, %parallel_loop3A_104 : vector<16xf32>
          %parallel_loop3A_106 = arith.sitofp %parallel_loop3A_102 : vector<16xi32> to vector<16xf32>
          %parallel_loop3A_107 = arith.subf %parallel_loop3A_94, %parallel_loop3A_106 : vector<16xf32>
          %parallel_loop3A_108 = arith.sitofp %parallel_loop3A_103 : vector<16xi32> to vector<16xf32>
          %parallel_loop3A_109 = arith.subf %parallel_loop3A_100, %parallel_loop3A_108 : vector<16xf32>
          %parallel_loop3A_110 = arith.constant 1.000000e+00 : f32
          %parallel_loop3A_111 = vector.broadcast %parallel_loop3A_110 : f32 to vector<16xf32>
          %parallel_loop3A_112 = arith.subf %parallel_loop3A_111, %parallel_loop3A_105 : vector<16xf32>
          %parallel_loop3A_113 = arith.constant 1.000000e+00 : f32
          %parallel_loop3A_114 = vector.broadcast %parallel_loop3A_113 : f32 to vector<16xf32>
          %parallel_loop3A_115 = arith.subf %parallel_loop3A_114, %parallel_loop3A_107 : vector<16xf32>
          %parallel_loop3A_116 = arith.constant 1.000000e+00 : f32
          %parallel_loop3A_117 = vector.broadcast %parallel_loop3A_116 : f32 to vector<16xf32>
          %parallel_loop3A_118 = arith.subf %parallel_loop3A_117, %parallel_loop3A_109 : vector<16xf32>
          %parallel_loop3A_119 = arith.constant 1 : i32
          %parallel_loop3A_120 = vector.broadcast %parallel_loop3A_119 : i32 to vector<16xi32>
          %parallel_loop3A_121 = arith.addi %parallel_loop3A_101, %parallel_loop3A_120 : vector<16xi32>
          %parallel_loop3A_122 = vector.broadcast %add3A_58 : i32 to vector<16xi32>
          %parallel_loop3A_123 = arith.muli %parallel_loop3A_102, %parallel_loop3A_122 : vector<16xi32>
          %parallel_loop3A_124 = arith.constant 1 : i32
          %parallel_loop3A_125 = vector.broadcast %parallel_loop3A_124 : i32 to vector<16xi32>
          %parallel_loop3A_126 = arith.addi %parallel_loop3A_102, %parallel_loop3A_125 : vector<16xi32>
          %parallel_loop3A_127 = vector.broadcast %add3A_58 : i32 to vector<16xi32>
          %parallel_loop3A_128 = arith.muli %parallel_loop3A_126, %parallel_loop3A_127 : vector<16xi32>
          %parallel_loop3A_129 = arith.muli %add3A_58, %add3A_58 : i32
          %parallel_loop3A_130 = vector.broadcast %parallel_loop3A_129 : i32 to vector<16xi32>
          %parallel_loop3A_131 = arith.muli %parallel_loop3A_103, %parallel_loop3A_130 : vector<16xi32>
          %parallel_loop3A_132 = arith.constant 1 : i32
          %parallel_loop3A_133 = vector.broadcast %parallel_loop3A_132 : i32 to vector<16xi32>
          %parallel_loop3A_134 = arith.addi %parallel_loop3A_103, %parallel_loop3A_133 : vector<16xi32>
          %parallel_loop3A_135 = arith.muli %add3A_58, %add3A_58 : i32
          %parallel_loop3A_136 = vector.broadcast %parallel_loop3A_135 : i32 to vector<16xi32>
          %parallel_loop3A_137 = arith.muli %parallel_loop3A_134, %parallel_loop3A_136 : vector<16xi32>
          %parallel_loop3A_138 = arith.constant 0.000000e+00 : f32
          %parallel_loop3A_139 = vector.broadcast %parallel_loop3A_138 : f32 to vector<16xf32>
          %parallel_loop3A_140 = arith.constant 0.000000e+00 : f32
          %parallel_loop3A_141 = vector.broadcast %parallel_loop3A_140 : f32 to vector<16xf32>
          %parallel_loop3A_142 = arith.constant 0.000000e+00 : f32
          %parallel_loop3A_143 = vector.broadcast %parallel_loop3A_142 : f32 to vector<16xf32>
          %parallel_loop3A_144 = arith.constant 0.000000e+00 : f32
          %parallel_loop3A_145 = vector.broadcast %parallel_loop3A_144 : f32 to vector<16xf32>
          %parallel_loop3A_146 = arith.addi %parallel_loop3A_123, %parallel_loop3A_131 : vector<16xi32>
          %parallel_loop3A_147 = arith.mulf %parallel_loop3A_115, %parallel_loop3A_118 : vector<16xf32>
          %parallel_loop3A_148 = arith.addi %parallel_loop3A_101, %parallel_loop3A_146 : vector<16xi32>
          %parallel_loop3A_149 = arith.mulf %parallel_loop3A_112, %parallel_loop3A_147 : vector<16xf32>
          %parallel_loop3A_150 = tpu.vector_load_idx %arg5[%parallel_loop3A_148] : memref<16384xi32, #tpu.memory_space<vmem>>[vector<16xi32>], vector<16xi32>,
          %parallel_loop3A_151 = tpu.vector_load_idx %arg6[%parallel_loop3A_148] : memref<16384xi32, #tpu.memory_space<vmem>>[vector<16xi32>], vector<16xi32>,
          %parallel_loop3A_152 = arith.constant 16 : i32
          %parallel_loop3A_153 = vector.broadcast %parallel_loop3A_152 : i32 to vector<16xi32>
          %parallel_loop3A_154 = arith.shli %parallel_loop3A_150, %parallel_loop3A_153 : vector<16xi32>
          %parallel_loop3A_155 = tpu.bitcast %parallel_loop3A_154 : vector<16xi32> -> vector<16xf32>
          %parallel_loop3A_156 = arith.constant -65536 : i32
          %parallel_loop3A_157 = vector.broadcast %parallel_loop3A_156 : i32 to vector<16xi32>
          %parallel_loop3A_158 = arith.andi %parallel_loop3A_150, %parallel_loop3A_157 : vector<16xi32>
          %parallel_loop3A_159 = tpu.bitcast %parallel_loop3A_158 : vector<16xi32> -> vector<16xf32>
          %parallel_loop3A_160 = arith.constant 16 : i32
          %parallel_loop3A_161 = vector.broadcast %parallel_loop3A_160 : i32 to vector<16xi32>
          %parallel_loop3A_162 = arith.shli %parallel_loop3A_151, %parallel_loop3A_161 : vector<16xi32>
          %parallel_loop3A_163 = tpu.bitcast %parallel_loop3A_162 : vector<16xi32> -> vector<16xf32>
          %parallel_loop3A_164 = arith.constant -65536 : i32
          %parallel_loop3A_165 = vector.broadcast %parallel_loop3A_164 : i32 to vector<16xi32>
          %parallel_loop3A_166 = arith.andi %parallel_loop3A_151, %parallel_loop3A_165 : vector<16xi32>
          %parallel_loop3A_167 = tpu.bitcast %parallel_loop3A_166 : vector<16xi32> -> vector<16xf32>
          %parallel_loop3A_168 = arith.mulf %parallel_loop3A_149, %parallel_loop3A_155 : vector<16xf32>
          %parallel_loop3A_169 = arith.addf %parallel_loop3A_139, %parallel_loop3A_168 : vector<16xf32>
          %parallel_loop3A_170 = arith.mulf %parallel_loop3A_149, %parallel_loop3A_159 : vector<16xf32>
          %parallel_loop3A_171 = arith.addf %parallel_loop3A_141, %parallel_loop3A_170 : vector<16xf32>
          %parallel_loop3A_172 = arith.mulf %parallel_loop3A_149, %parallel_loop3A_163 : vector<16xf32>
          %parallel_loop3A_173 = arith.addf %parallel_loop3A_143, %parallel_loop3A_172 : vector<16xf32>
          %parallel_loop3A_174 = arith.mulf %parallel_loop3A_149, %parallel_loop3A_167 : vector<16xf32>
          %parallel_loop3A_175 = arith.addf %parallel_loop3A_145, %parallel_loop3A_174 : vector<16xf32>
          %parallel_loop3A_176 = arith.addi %parallel_loop3A_121, %parallel_loop3A_146 : vector<16xi32>
          %parallel_loop3A_177 = arith.mulf %parallel_loop3A_105, %parallel_loop3A_147 : vector<16xf32>
          %parallel_loop3A_178 = tpu.vector_load_idx %arg5[%parallel_loop3A_176] : memref<16384xi32, #tpu.memory_space<vmem>>[vector<16xi32>], vector<16xi32>,
          %parallel_loop3A_179 = tpu.vector_load_idx %arg6[%parallel_loop3A_176] : memref<16384xi32, #tpu.memory_space<vmem>>[vector<16xi32>], vector<16xi32>,
          %parallel_loop3A_180 = arith.constant 16 : i32
          %parallel_loop3A_181 = vector.broadcast %parallel_loop3A_180 : i32 to vector<16xi32>
          %parallel_loop3A_182 = arith.shli %parallel_loop3A_178, %parallel_loop3A_181 : vector<16xi32>
          %parallel_loop3A_183 = tpu.bitcast %parallel_loop3A_182 : vector<16xi32> -> vector<16xf32>
          %parallel_loop3A_184 = arith.constant -65536 : i32
          %parallel_loop3A_185 = vector.broadcast %parallel_loop3A_184 : i32 to vector<16xi32>
          %parallel_loop3A_186 = arith.andi %parallel_loop3A_178, %parallel_loop3A_185 : vector<16xi32>
          %parallel_loop3A_187 = tpu.bitcast %parallel_loop3A_186 : vector<16xi32> -> vector<16xf32>
          %parallel_loop3A_188 = arith.constant 16 : i32
          %parallel_loop3A_189 = vector.broadcast %parallel_loop3A_188 : i32 to vector<16xi32>
          %parallel_loop3A_190 = arith.shli %parallel_loop3A_179, %parallel_loop3A_189 : vector<16xi32>
          %parallel_loop3A_191 = tpu.bitcast %parallel_loop3A_190 : vector<16xi32> -> vector<16xf32>
          %parallel_loop3A_192 = arith.constant -65536 : i32
          %parallel_loop3A_193 = vector.broadcast %parallel_loop3A_192 : i32 to vector<16xi32>
          %parallel_loop3A_194 = arith.andi %parallel_loop3A_179, %parallel_loop3A_193 : vector<16xi32>
          %parallel_loop3A_195 = tpu.bitcast %parallel_loop3A_194 : vector<16xi32> -> vector<16xf32>
          %parallel_loop3A_196 = arith.mulf %parallel_loop3A_177, %parallel_loop3A_183 : vector<16xf32>
          %parallel_loop3A_197 = arith.addf %parallel_loop3A_169, %parallel_loop3A_196 : vector<16xf32>
          %parallel_loop3A_198 = arith.mulf %parallel_loop3A_177, %parallel_loop3A_187 : vector<16xf32>
          %parallel_loop3A_199 = arith.addf %parallel_loop3A_171, %parallel_loop3A_198 : vector<16xf32>
          %parallel_loop3A_200 = arith.mulf %parallel_loop3A_177, %parallel_loop3A_191 : vector<16xf32>
          %parallel_loop3A_201 = arith.addf %parallel_loop3A_173, %parallel_loop3A_200 : vector<16xf32>
          %parallel_loop3A_202 = arith.mulf %parallel_loop3A_177, %parallel_loop3A_195 : vector<16xf32>
          %parallel_loop3A_203 = arith.addf %parallel_loop3A_175, %parallel_loop3A_202 : vector<16xf32>
          %parallel_loop3A_204 = arith.addi %parallel_loop3A_128, %parallel_loop3A_131 : vector<16xi32>
          %parallel_loop3A_205 = arith.mulf %parallel_loop3A_107, %parallel_loop3A_118 : vector<16xf32>
          %parallel_loop3A_206 = arith.addi %parallel_loop3A_101, %parallel_loop3A_204 : vector<16xi32>
          %parallel_loop3A_207 = arith.mulf %parallel_loop3A_112, %parallel_loop3A_205 : vector<16xf32>
          %parallel_loop3A_208 = tpu.vector_load_idx %arg5[%parallel_loop3A_206] : memref<16384xi32, #tpu.memory_space<vmem>>[vector<16xi32>], vector<16xi32>,
          %parallel_loop3A_209 = tpu.vector_load_idx %arg6[%parallel_loop3A_206] : memref<16384xi32, #tpu.memory_space<vmem>>[vector<16xi32>], vector<16xi32>,
          %parallel_loop3A_210 = arith.constant 16 : i32
          %parallel_loop3A_211 = vector.broadcast %parallel_loop3A_210 : i32 to vector<16xi32>
          %parallel_loop3A_212 = arith.shli %parallel_loop3A_208, %parallel_loop3A_211 : vector<16xi32>
          %parallel_loop3A_213 = tpu.bitcast %parallel_loop3A_212 : vector<16xi32> -> vector<16xf32>
          %parallel_loop3A_214 = arith.constant -65536 : i32
          %parallel_loop3A_215 = vector.broadcast %parallel_loop3A_214 : i32 to vector<16xi32>
          %parallel_loop3A_216 = arith.andi %parallel_loop3A_208, %parallel_loop3A_215 : vector<16xi32>
          %parallel_loop3A_217 = tpu.bitcast %parallel_loop3A_216 : vector<16xi32> -> vector<16xf32>
          %parallel_loop3A_218 = arith.constant 16 : i32
          %parallel_loop3A_219 = vector.broadcast %parallel_loop3A_218 : i32 to vector<16xi32>
          %parallel_loop3A_220 = arith.shli %parallel_loop3A_209, %parallel_loop3A_219 : vector<16xi32>
          %parallel_loop3A_221 = tpu.bitcast %parallel_loop3A_220 : vector<16xi32> -> vector<16xf32>
          %parallel_loop3A_222 = arith.constant -65536 : i32
          %parallel_loop3A_223 = vector.broadcast %parallel_loop3A_222 : i32 to vector<16xi32>
          %parallel_loop3A_224 = arith.andi %parallel_loop3A_209, %parallel_loop3A_223 : vector<16xi32>
          %parallel_loop3A_225 = tpu.bitcast %parallel_loop3A_224 : vector<16xi32> -> vector<16xf32>
          %parallel_loop3A_226 = arith.mulf %parallel_loop3A_207, %parallel_loop3A_213 : vector<16xf32>
          %parallel_loop3A_227 = arith.addf %parallel_loop3A_197, %parallel_loop3A_226 : vector<16xf32>
          %parallel_loop3A_228 = arith.mulf %parallel_loop3A_207, %parallel_loop3A_217 : vector<16xf32>
          %parallel_loop3A_229 = arith.addf %parallel_loop3A_199, %parallel_loop3A_228 : vector<16xf32>
          %parallel_loop3A_230 = arith.mulf %parallel_loop3A_207, %parallel_loop3A_221 : vector<16xf32>
          %parallel_loop3A_231 = arith.addf %parallel_loop3A_201, %parallel_loop3A_230 : vector<16xf32>
          %parallel_loop3A_232 = arith.mulf %parallel_loop3A_207, %parallel_loop3A_225 : vector<16xf32>
          %parallel_loop3A_233 = arith.addf %parallel_loop3A_203, %parallel_loop3A_232 : vector<16xf32>
          %parallel_loop3A_234 = arith.addi %parallel_loop3A_121, %parallel_loop3A_204 : vector<16xi32>
          %parallel_loop3A_235 = arith.mulf %parallel_loop3A_105, %parallel_loop3A_205 : vector<16xf32>
          %parallel_loop3A_236 = tpu.vector_load_idx %arg5[%parallel_loop3A_234] : memref<16384xi32, #tpu.memory_space<vmem>>[vector<16xi32>], vector<16xi32>,
          %parallel_loop3A_237 = tpu.vector_load_idx %arg6[%parallel_loop3A_234] : memref<16384xi32, #tpu.memory_space<vmem>>[vector<16xi32>], vector<16xi32>,
          %parallel_loop3A_238 = arith.constant 16 : i32
          %parallel_loop3A_239 = vector.broadcast %parallel_loop3A_238 : i32 to vector<16xi32>
          %parallel_loop3A_240 = arith.shli %parallel_loop3A_236, %parallel_loop3A_239 : vector<16xi32>
          %parallel_loop3A_241 = tpu.bitcast %parallel_loop3A_240 : vector<16xi32> -> vector<16xf32>
          %parallel_loop3A_242 = arith.constant -65536 : i32
          %parallel_loop3A_243 = vector.broadcast %parallel_loop3A_242 : i32 to vector<16xi32>
          %parallel_loop3A_244 = arith.andi %parallel_loop3A_236, %parallel_loop3A_243 : vector<16xi32>
          %parallel_loop3A_245 = tpu.bitcast %parallel_loop3A_244 : vector<16xi32> -> vector<16xf32>
          %parallel_loop3A_246 = arith.constant 16 : i32
          %parallel_loop3A_247 = vector.broadcast %parallel_loop3A_246 : i32 to vector<16xi32>
          %parallel_loop3A_248 = arith.shli %parallel_loop3A_237, %parallel_loop3A_247 : vector<16xi32>
          %parallel_loop3A_249 = tpu.bitcast %parallel_loop3A_248 : vector<16xi32> -> vector<16xf32>
          %parallel_loop3A_250 = arith.constant -65536 : i32
          %parallel_loop3A_251 = vector.broadcast %parallel_loop3A_250 : i32 to vector<16xi32>
          %parallel_loop3A_252 = arith.andi %parallel_loop3A_237, %parallel_loop3A_251 : vector<16xi32>
          %parallel_loop3A_253 = tpu.bitcast %parallel_loop3A_252 : vector<16xi32> -> vector<16xf32>
          %parallel_loop3A_254 = arith.mulf %parallel_loop3A_235, %parallel_loop3A_241 : vector<16xf32>
          %parallel_loop3A_255 = arith.addf %parallel_loop3A_227, %parallel_loop3A_254 : vector<16xf32>
          %parallel_loop3A_256 = arith.mulf %parallel_loop3A_235, %parallel_loop3A_245 : vector<16xf32>
          %parallel_loop3A_257 = arith.addf %parallel_loop3A_229, %parallel_loop3A_256 : vector<16xf32>
          %parallel_loop3A_258 = arith.mulf %parallel_loop3A_235, %parallel_loop3A_249 : vector<16xf32>
          %parallel_loop3A_259 = arith.addf %parallel_loop3A_231, %parallel_loop3A_258 : vector<16xf32>
          %parallel_loop3A_260 = arith.mulf %parallel_loop3A_235, %parallel_loop3A_253 : vector<16xf32>
          %parallel_loop3A_261 = arith.addf %parallel_loop3A_233, %parallel_loop3A_260 : vector<16xf32>
          %parallel_loop3A_262 = arith.addi %parallel_loop3A_123, %parallel_loop3A_137 : vector<16xi32>
          %parallel_loop3A_263 = arith.mulf %parallel_loop3A_115, %parallel_loop3A_109 : vector<16xf32>
          %parallel_loop3A_264 = arith.addi %parallel_loop3A_101, %parallel_loop3A_262 : vector<16xi32>
          %parallel_loop3A_265 = arith.mulf %parallel_loop3A_112, %parallel_loop3A_263 : vector<16xf32>
          %parallel_loop3A_266 = tpu.vector_load_idx %arg5[%parallel_loop3A_264] : memref<16384xi32, #tpu.memory_space<vmem>>[vector<16xi32>], vector<16xi32>,
          %parallel_loop3A_267 = tpu.vector_load_idx %arg6[%parallel_loop3A_264] : memref<16384xi32, #tpu.memory_space<vmem>>[vector<16xi32>], vector<16xi32>,
          %parallel_loop3A_268 = arith.constant 16 : i32
          %parallel_loop3A_269 = vector.broadcast %parallel_loop3A_268 : i32 to vector<16xi32>
          %parallel_loop3A_270 = arith.shli %parallel_loop3A_266, %parallel_loop3A_269 : vector<16xi32>
          %parallel_loop3A_271 = tpu.bitcast %parallel_loop3A_270 : vector<16xi32> -> vector<16xf32>
          %parallel_loop3A_272 = arith.constant -65536 : i32
          %parallel_loop3A_273 = vector.broadcast %parallel_loop3A_272 : i32 to vector<16xi32>
          %parallel_loop3A_274 = arith.andi %parallel_loop3A_266, %parallel_loop3A_273 : vector<16xi32>
          %parallel_loop3A_275 = tpu.bitcast %parallel_loop3A_274 : vector<16xi32> -> vector<16xf32>
          %parallel_loop3A_276 = arith.constant 16 : i32
          %parallel_loop3A_277 = vector.broadcast %parallel_loop3A_276 : i32 to vector<16xi32>
          %parallel_loop3A_278 = arith.shli %parallel_loop3A_267, %parallel_loop3A_277 : vector<16xi32>
          %parallel_loop3A_279 = tpu.bitcast %parallel_loop3A_278 : vector<16xi32> -> vector<16xf32>
          %parallel_loop3A_280 = arith.constant -65536 : i32
          %parallel_loop3A_281 = vector.broadcast %parallel_loop3A_280 : i32 to vector<16xi32>
          %parallel_loop3A_282 = arith.andi %parallel_loop3A_267, %parallel_loop3A_281 : vector<16xi32>
          %parallel_loop3A_283 = tpu.bitcast %parallel_loop3A_282 : vector<16xi32> -> vector<16xf32>
          %parallel_loop3A_284 = arith.mulf %parallel_loop3A_265, %parallel_loop3A_271 : vector<16xf32>
          %parallel_loop3A_285 = arith.addf %parallel_loop3A_255, %parallel_loop3A_284 : vector<16xf32>
          %parallel_loop3A_286 = arith.mulf %parallel_loop3A_265, %parallel_loop3A_275 : vector<16xf32>
          %parallel_loop3A_287 = arith.addf %parallel_loop3A_257, %parallel_loop3A_286 : vector<16xf32>
          %parallel_loop3A_288 = arith.mulf %parallel_loop3A_265, %parallel_loop3A_279 : vector<16xf32>
          %parallel_loop3A_289 = arith.addf %parallel_loop3A_259, %parallel_loop3A_288 : vector<16xf32>
          %parallel_loop3A_290 = arith.mulf %parallel_loop3A_265, %parallel_loop3A_283 : vector<16xf32>
          %parallel_loop3A_291 = arith.addf %parallel_loop3A_261, %parallel_loop3A_290 : vector<16xf32>
          %parallel_loop3A_292 = arith.addi %parallel_loop3A_121, %parallel_loop3A_262 : vector<16xi32>
          %parallel_loop3A_293 = arith.mulf %parallel_loop3A_105, %parallel_loop3A_263 : vector<16xf32>
          %parallel_loop3A_294 = tpu.vector_load_idx %arg5[%parallel_loop3A_292] : memref<16384xi32, #tpu.memory_space<vmem>>[vector<16xi32>], vector<16xi32>,
          %parallel_loop3A_295 = tpu.vector_load_idx %arg6[%parallel_loop3A_292] : memref<16384xi32, #tpu.memory_space<vmem>>[vector<16xi32>], vector<16xi32>,
          %parallel_loop3A_296 = arith.constant 16 : i32
          %parallel_loop3A_297 = vector.broadcast %parallel_loop3A_296 : i32 to vector<16xi32>
          %parallel_loop3A_298 = arith.shli %parallel_loop3A_294, %parallel_loop3A_297 : vector<16xi32>
          %parallel_loop3A_299 = tpu.bitcast %parallel_loop3A_298 : vector<16xi32> -> vector<16xf32>
          %parallel_loop3A_300 = arith.constant -65536 : i32
          %parallel_loop3A_301 = vector.broadcast %parallel_loop3A_300 : i32 to vector<16xi32>
          %parallel_loop3A_302 = arith.andi %parallel_loop3A_294, %parallel_loop3A_301 : vector<16xi32>
          %parallel_loop3A_303 = tpu.bitcast %parallel_loop3A_302 : vector<16xi32> -> vector<16xf32>
          %parallel_loop3A_304 = arith.constant 16 : i32
          %parallel_loop3A_305 = vector.broadcast %parallel_loop3A_304 : i32 to vector<16xi32>
          %parallel_loop3A_306 = arith.shli %parallel_loop3A_295, %parallel_loop3A_305 : vector<16xi32>
          %parallel_loop3A_307 = tpu.bitcast %parallel_loop3A_306 : vector<16xi32> -> vector<16xf32>
          %parallel_loop3A_308 = arith.constant -65536 : i32
          %parallel_loop3A_309 = vector.broadcast %parallel_loop3A_308 : i32 to vector<16xi32>
          %parallel_loop3A_310 = arith.andi %parallel_loop3A_295, %parallel_loop3A_309 : vector<16xi32>
          %parallel_loop3A_311 = tpu.bitcast %parallel_loop3A_310 : vector<16xi32> -> vector<16xf32>
          %parallel_loop3A_312 = arith.mulf %parallel_loop3A_293, %parallel_loop3A_299 : vector<16xf32>
          %parallel_loop3A_313 = arith.addf %parallel_loop3A_285, %parallel_loop3A_312 : vector<16xf32>
          %parallel_loop3A_314 = arith.mulf %parallel_loop3A_293, %parallel_loop3A_303 : vector<16xf32>
          %parallel_loop3A_315 = arith.addf %parallel_loop3A_287, %parallel_loop3A_314 : vector<16xf32>
          %parallel_loop3A_316 = arith.mulf %parallel_loop3A_293, %parallel_loop3A_307 : vector<16xf32>
          %parallel_loop3A_317 = arith.addf %parallel_loop3A_289, %parallel_loop3A_316 : vector<16xf32>
          %parallel_loop3A_318 = arith.mulf %parallel_loop3A_293, %parallel_loop3A_311 : vector<16xf32>
          %parallel_loop3A_319 = arith.addf %parallel_loop3A_291, %parallel_loop3A_318 : vector<16xf32>
          %parallel_loop3A_320 = arith.addi %parallel_loop3A_128, %parallel_loop3A_137 : vector<16xi32>
          %parallel_loop3A_321 = arith.mulf %parallel_loop3A_107, %parallel_loop3A_109 : vector<16xf32>
          %parallel_loop3A_322 = arith.addi %parallel_loop3A_101, %parallel_loop3A_320 : vector<16xi32>
          %parallel_loop3A_323 = arith.mulf %parallel_loop3A_112, %parallel_loop3A_321 : vector<16xf32>
          %parallel_loop3A_324 = tpu.vector_load_idx %arg5[%parallel_loop3A_322] : memref<16384xi32, #tpu.memory_space<vmem>>[vector<16xi32>], vector<16xi32>,
          %parallel_loop3A_325 = tpu.vector_load_idx %arg6[%parallel_loop3A_322] : memref<16384xi32, #tpu.memory_space<vmem>>[vector<16xi32>], vector<16xi32>,
          %parallel_loop3A_326 = arith.constant 16 : i32
          %parallel_loop3A_327 = vector.broadcast %parallel_loop3A_326 : i32 to vector<16xi32>
          %parallel_loop3A_328 = arith.shli %parallel_loop3A_324, %parallel_loop3A_327 : vector<16xi32>
          %parallel_loop3A_329 = tpu.bitcast %parallel_loop3A_328 : vector<16xi32> -> vector<16xf32>
          %parallel_loop3A_330 = arith.constant -65536 : i32
          %parallel_loop3A_331 = vector.broadcast %parallel_loop3A_330 : i32 to vector<16xi32>
          %parallel_loop3A_332 = arith.andi %parallel_loop3A_324, %parallel_loop3A_331 : vector<16xi32>
          %parallel_loop3A_333 = tpu.bitcast %parallel_loop3A_332 : vector<16xi32> -> vector<16xf32>
          %parallel_loop3A_334 = arith.constant 16 : i32
          %parallel_loop3A_335 = vector.broadcast %parallel_loop3A_334 : i32 to vector<16xi32>
          %parallel_loop3A_336 = arith.shli %parallel_loop3A_325, %parallel_loop3A_335 : vector<16xi32>
          %parallel_loop3A_337 = tpu.bitcast %parallel_loop3A_336 : vector<16xi32> -> vector<16xf32>
          %parallel_loop3A_338 = arith.constant -65536 : i32
          %parallel_loop3A_339 = vector.broadcast %parallel_loop3A_338 : i32 to vector<16xi32>
          %parallel_loop3A_340 = arith.andi %parallel_loop3A_325, %parallel_loop3A_339 : vector<16xi32>
          %parallel_loop3A_341 = tpu.bitcast %parallel_loop3A_340 : vector<16xi32> -> vector<16xf32>
          %parallel_loop3A_342 = arith.mulf %parallel_loop3A_323, %parallel_loop3A_329 : vector<16xf32>
          %parallel_loop3A_343 = arith.addf %parallel_loop3A_313, %parallel_loop3A_342 : vector<16xf32>
          %parallel_loop3A_344 = arith.mulf %parallel_loop3A_323, %parallel_loop3A_333 : vector<16xf32>
          %parallel_loop3A_345 = arith.addf %parallel_loop3A_315, %parallel_loop3A_344 : vector<16xf32>
          %parallel_loop3A_346 = arith.mulf %parallel_loop3A_323, %parallel_loop3A_337 : vector<16xf32>
          %parallel_loop3A_347 = arith.addf %parallel_loop3A_317, %parallel_loop3A_346 : vector<16xf32>
          %parallel_loop3A_348 = arith.mulf %parallel_loop3A_323, %parallel_loop3A_341 : vector<16xf32>
          %parallel_loop3A_349 = arith.addf %parallel_loop3A_319, %parallel_loop3A_348 : vector<16xf32>
          %parallel_loop3A_350 = arith.addi %parallel_loop3A_121, %parallel_loop3A_320 : vector<16xi32>
          %parallel_loop3A_351 = arith.mulf %parallel_loop3A_105, %parallel_loop3A_321 : vector<16xf32>
          %parallel_loop3A_352 = tpu.vector_load_idx %arg5[%parallel_loop3A_350] : memref<16384xi32, #tpu.memory_space<vmem>>[vector<16xi32>], vector<16xi32>,
          %parallel_loop3A_353 = tpu.vector_load_idx %arg6[%parallel_loop3A_350] : memref<16384xi32, #tpu.memory_space<vmem>>[vector<16xi32>], vector<16xi32>,
          %parallel_loop3A_354 = arith.constant 16 : i32
          %parallel_loop3A_355 = vector.broadcast %parallel_loop3A_354 : i32 to vector<16xi32>
          %parallel_loop3A_356 = arith.shli %parallel_loop3A_352, %parallel_loop3A_355 : vector<16xi32>
          %parallel_loop3A_357 = tpu.bitcast %parallel_loop3A_356 : vector<16xi32> -> vector<16xf32>
          %parallel_loop3A_358 = arith.constant -65536 : i32
          %parallel_loop3A_359 = vector.broadcast %parallel_loop3A_358 : i32 to vector<16xi32>
          %parallel_loop3A_360 = arith.andi %parallel_loop3A_352, %parallel_loop3A_359 : vector<16xi32>
          %parallel_loop3A_361 = tpu.bitcast %parallel_loop3A_360 : vector<16xi32> -> vector<16xf32>
          %parallel_loop3A_362 = arith.constant 16 : i32
          %parallel_loop3A_363 = vector.broadcast %parallel_loop3A_362 : i32 to vector<16xi32>
          %parallel_loop3A_364 = arith.shli %parallel_loop3A_353, %parallel_loop3A_363 : vector<16xi32>
          %parallel_loop3A_365 = tpu.bitcast %parallel_loop3A_364 : vector<16xi32> -> vector<16xf32>
          %parallel_loop3A_366 = arith.constant -65536 : i32
          %parallel_loop3A_367 = vector.broadcast %parallel_loop3A_366 : i32 to vector<16xi32>
          %parallel_loop3A_368 = arith.andi %parallel_loop3A_353, %parallel_loop3A_367 : vector<16xi32>
          %parallel_loop3A_369 = tpu.bitcast %parallel_loop3A_368 : vector<16xi32> -> vector<16xf32>
          %parallel_loop3A_370 = arith.mulf %parallel_loop3A_351, %parallel_loop3A_357 : vector<16xf32>
          %parallel_loop3A_371 = arith.addf %parallel_loop3A_343, %parallel_loop3A_370 : vector<16xf32>
          %parallel_loop3A_372 = arith.mulf %parallel_loop3A_351, %parallel_loop3A_361 : vector<16xf32>
          %parallel_loop3A_373 = arith.addf %parallel_loop3A_345, %parallel_loop3A_372 : vector<16xf32>
          %parallel_loop3A_374 = arith.mulf %parallel_loop3A_351, %parallel_loop3A_365 : vector<16xf32>
          %parallel_loop3A_375 = arith.addf %parallel_loop3A_347, %parallel_loop3A_374 : vector<16xf32>
          %parallel_loop3A_376 = arith.mulf %parallel_loop3A_351, %parallel_loop3A_369 : vector<16xf32>
          %parallel_loop3A_377 = arith.addf %parallel_loop3A_349, %parallel_loop3A_376 : vector<16xf32>
          %parallel_loop3A_378 = arith.constant 0 : i32
          %parallel_loop3A_379 = arith.index_cast %parallel_loop3A_378 : i32 to index
          %parallel_loop3A_380 = arith.index_cast %parallel_loop3A_82 : i32 to index
          %parallel_loop3A_381 = tpu.vector_load %arg8[%parallel_loop3A_379, %parallel_loop3A_380] {strides = array<i32>} : memref<4x2048xf32, #tpu.memory_space<vmem>>, vector<16xf32>,
          tpu.vector_store %arg8[%parallel_loop3A_379, %parallel_loop3A_380], %parallel_loop3A_371 {strides = array<i32>} : memref<4x2048xf32, #tpu.memory_space<vmem>>, vector<16xf32>,
          %parallel_loop3A_382 = arith.constant 1 : i32
          %parallel_loop3A_383 = arith.index_cast %parallel_loop3A_382 : i32 to index
          %parallel_loop3A_384 = arith.index_cast %parallel_loop3A_82 : i32 to index
          %parallel_loop3A_385 = tpu.vector_load %arg8[%parallel_loop3A_383, %parallel_loop3A_384] {strides = array<i32>} : memref<4x2048xf32, #tpu.memory_space<vmem>>, vector<16xf32>,
          tpu.vector_store %arg8[%parallel_loop3A_383, %parallel_loop3A_384], %parallel_loop3A_373 {strides = array<i32>} : memref<4x2048xf32, #tpu.memory_space<vmem>>, vector<16xf32>,
          %parallel_loop3A_386 = arith.constant 2 : i32
          %parallel_loop3A_387 = arith.index_cast %parallel_loop3A_386 : i32 to index
          %parallel_loop3A_388 = arith.index_cast %parallel_loop3A_82 : i32 to index
          %parallel_loop3A_389 = tpu.vector_load %arg8[%parallel_loop3A_387, %parallel_loop3A_388] {strides = array<i32>} : memref<4x2048xf32, #tpu.memory_space<vmem>>, vector<16xf32>,
          tpu.vector_store %arg8[%parallel_loop3A_387, %parallel_loop3A_388], %parallel_loop3A_375 {strides = array<i32>} : memref<4x2048xf32, #tpu.memory_space<vmem>>, vector<16xf32>,
          %parallel_loop3A_390 = arith.constant 3 : i32
          %parallel_loop3A_391 = arith.index_cast %parallel_loop3A_390 : i32 to index
          %parallel_loop3A_392 = arith.index_cast %parallel_loop3A_82 : i32 to index
          %parallel_loop3A_393 = tpu.vector_load %arg8[%parallel_loop3A_391, %parallel_loop3A_392] {strides = array<i32>} : memref<4x2048xf32, #tpu.memory_space<vmem>>, vector<16xf32>,
          tpu.vector_store %arg8[%parallel_loop3A_391, %parallel_loop3A_392], %parallel_loop3A_377 {strides = array<i32>} : memref<4x2048xf32, #tpu.memory_space<vmem>>, vector<16xf32>,
        } {sc.loop_unroll_factor = 2 : i64, sc.parallel_access}
        %mul3A_77 = arith.constant 4 : i32
        %mul3A_78 = arith.muli %mul3A_77, %arg1 : i32
        "tpu.region"() ({
          %run_scoped3A_80 = tpu.sem_alloc : memref<!tpu.dma_semaphore, #tpu.memory_space<semaphore_mem>>
          %dma_start3A = tpu.memref_slice %arg4[%mul3A_78, %add3A_74] : memref<64x262144xf32, #tpu.memory_space<hbm>> -> memref<4x2048xf32, #tpu.memory_space<hbm>>
          %dma_start3A_81 = tpu.memref_slice %arg4[%mul3A_78, %add3A_74] : memref<64x262144xf32, #tpu.memory_space<hbm>> -> memref<4x2048xf32, #tpu.memory_space<hbm>>
          tpu.enqueue_dma source(%arg8 : memref<4x2048xf32, #tpu.memory_space<vmem>>) target(%dma_start3A_81 : memref<4x2048xf32, #tpu.memory_space<hbm>>) target_semaphore(%run_scoped3A_80 : memref<!tpu.dma_semaphore, #tpu.memory_space<semaphore_mem>>)
          %dma_wait3A = tpu.memref_slice %arg4[%mul3A_78, %add3A_74] : memref<64x262144xf32, #tpu.memory_space<hbm>> -> memref<4x2048xf32, #tpu.memory_space<hbm>>
          %dma_wait3A_82 = tpu.memref_slice %arg4[%mul3A_78, %add3A_74] : memref<64x262144xf32, #tpu.memory_space<hbm>> -> memref<4x2048xf32, #tpu.memory_space<hbm>>
          tpu.wait_dma2 semaphore(%run_scoped3A_80 : memref<!tpu.dma_semaphore, #tpu.memory_space<semaphore_mem>>) src(%arg8 : memref<4x2048xf32, #tpu.memory_space<vmem>>) dst(%dma_wait3A_82 : memref<4x2048xf32, #tpu.memory_space<hbm>>)
          tpu.yield
        }) : () -> ()
        %scan3A_79 = arith.constant 0 : i32
        scf.yield %scan3A_79 : i32
      }
      %scan3A_68 = arith.constant 64 : i32
    }
    return
  }
}

#map = affine_map<(d0, d1) -> (0, 0)>
#map1 = affine_map<(d0, d1) -> (0, 0, 0)>
module attributes {stable_mosaic.version = 14 : i64} {
  func.func @_encode_tile_body(%arg0: i32, %arg1: i32, %arg2: memref<3x262144xf32, #tpu.memory_space<hbm>>, %arg3: memref<16x2x16384xi32, #tpu.memory_space<hbm>>, %arg4: memref<64x262144xf32, #tpu.memory_space<hbm>>, %arg5: memref<16384xi32, #tpu.memory_space<vmem>>, %arg6: memref<16384xi32, #tpu.memory_space<vmem>>, %arg7: memref<3x2048xf32, #tpu.memory_space<vmem>>, %arg8: memref<4x2048xf32, #tpu.memory_space<vmem>>) attributes {dimension_semantics = [#tpu.dimension_semantics<core_parallel>, #tpu.dimension_semantics<subcore_parallel>], iteration_bounds = array<i64: 2, 16>, scalar_prefetch = 0 : i64, scratch_operands = 4 : i64, tpu.core_type = #tpu.core_type<sc_vector_subcore>, window_params = [{transform_indices = #map}, {transform_indices = #map1}, {transform_indices = #map}]} {
    %eq3A = arith.constant 1 : i32
    %eq3A_0 = arith.cmpi eq, %arg1, %eq3A : i32
    %jit3A = arith.constant 21 : i32
    %jit3A_1 = arith.constant 16 : i32
    %select_n3A = arith.select %eq3A_0, %jit3A, %jit3A_1 : i32
    %eq3A_2 = arith.constant 2 : i32
    %eq3A_3 = arith.cmpi eq, %arg1, %eq3A_2 : i32
    %jit3A_4 = arith.constant 27 : i32
    %select_n3A_5 = arith.select %eq3A_3, %jit3A_4, %select_n3A : i32
    %eq3A_6 = arith.constant 3 : i32
    %eq3A_7 = arith.cmpi eq, %arg1, %eq3A_6 : i32
    %jit3A_8 = arith.constant 36 : i32
    %select_n3A_9 = arith.select %eq3A_7, %jit3A_8, %select_n3A_5 : i32
    %eq3A_10 = arith.constant 4 : i32
    %eq3A_11 = arith.cmpi eq, %arg1, %eq3A_10 : i32
    %jit3A_12 = arith.constant 48 : i32
    %select_n3A_13 = arith.select %eq3A_11, %jit3A_12, %select_n3A_9 : i32
    %eq3A_14 = arith.constant 5 : i32
    %eq3A_15 = arith.cmpi eq, %arg1, %eq3A_14 : i32
    %jit3A_16 = arith.constant 63 : i32
    %select_n3A_17 = arith.select %eq3A_15, %jit3A_16, %select_n3A_13 : i32
    %eq3A_18 = arith.constant 6 : i32
    %eq3A_19 = arith.cmpi eq, %arg1, %eq3A_18 : i32
    %jit3A_20 = arith.constant 84 : i32
    %select_n3A_21 = arith.select %eq3A_19, %jit3A_20, %select_n3A_17 : i32
    %eq3A_22 = arith.constant 7 : i32
    %eq3A_23 = arith.cmpi eq, %arg1, %eq3A_22 : i32
    %jit3A_24 = arith.constant 111 : i32
    %select_n3A_25 = arith.select %eq3A_23, %jit3A_24, %select_n3A_21 : i32
    %eq3A_26 = arith.constant 8 : i32
    %eq3A_27 = arith.cmpi eq, %arg1, %eq3A_26 : i32
    %jit3A_28 = arith.constant 147 : i32
    %select_n3A_29 = arith.select %eq3A_27, %jit3A_28, %select_n3A_25 : i32
    %eq3A_30 = arith.constant 9 : i32
    %eq3A_31 = arith.cmpi eq, %arg1, %eq3A_30 : i32
    %jit3A_32 = arith.constant 194 : i32
    %select_n3A_33 = arith.select %eq3A_31, %jit3A_32, %select_n3A_29 : i32
    %eq3A_34 = arith.constant 10 : i32
    %eq3A_35 = arith.cmpi eq, %arg1, %eq3A_34 : i32
    %jit3A_36 = arith.constant 255 : i32
    %select_n3A_37 = arith.select %eq3A_35, %jit3A_36, %select_n3A_33 : i32
    %eq3A_38 = arith.constant 11 : i32
    %eq3A_39 = arith.cmpi eq, %arg1, %eq3A_38 : i32
    %jit3A_40 = arith.constant 337 : i32
    %select_n3A_41 = arith.select %eq3A_39, %jit3A_40, %select_n3A_37 : i32
    %eq3A_42 = arith.constant 12 : i32
    %eq3A_43 = arith.cmpi eq, %arg1, %eq3A_42 : i32
    %jit3A_44 = arith.constant 445 : i32
    %select_n3A_45 = arith.select %eq3A_43, %jit3A_44, %select_n3A_41 : i32
    %eq3A_46 = arith.constant 13 : i32
    %eq3A_47 = arith.cmpi eq, %arg1, %eq3A_46 : i32
    %jit3A_48 = arith.constant 588 : i32
    %select_n3A_49 = arith.select %eq3A_47, %jit3A_48, %select_n3A_45 : i32
    %eq3A_50 = arith.constant 14 : i32
    %eq3A_51 = arith.cmpi eq, %arg1, %eq3A_50 : i32
    %jit3A_52 = arith.constant 776 : i32
    %select_n3A_53 = arith.select %eq3A_51, %jit3A_52, %select_n3A_49 : i32
    %eq3A_54 = arith.constant 15 : i32
    %eq3A_55 = arith.cmpi eq, %arg1, %eq3A_54 : i32
    %jit3A_56 = arith.constant 1023 : i32
    %select_n3A_57 = arith.select %eq3A_55, %jit3A_56, %select_n3A_53 : i32
    %convert_element_type3A = arith.sitofp %select_n3A_57 : i32 to f32
    %add3A = arith.constant 1 : i32
    %add3A_58 = arith.addi %select_n3A_57, %add3A : i32
    %run_scoped3A = arith.constant 0 : i32
    "tpu.region"() ({
      %run_scoped3A_63 = tpu.sem_alloc : memref<!tpu.dma_semaphore, #tpu.memory_space<semaphore_mem>>
      %dma_start3A = arith.constant 0 : i32
      %dma_start3A_64 = tpu.memref_slice %arg3[%arg1, %run_scoped3A, %dma_start3A] : memref<16x2x16384xi32, #tpu.memory_space<hbm>> -> memref<1x1x16384xi32, #tpu.memory_space<hbm>>
      %dma_start3A_65 = tpu.memref_squeeze %dma_start3A_64 : memref<1x1x16384xi32, #tpu.memory_space<hbm>> -> memref<16384xi32, #tpu.memory_space<hbm>>
      %dma_start3A_66 = arith.constant 0 : i32
      %dma_start3A_67 = tpu.memref_slice %arg3[%arg1, %run_scoped3A, %dma_start3A_66] : memref<16x2x16384xi32, #tpu.memory_space<hbm>> -> memref<1x1x16384xi32, #tpu.memory_space<hbm>>
      %dma_start3A_68 = tpu.memref_squeeze %dma_start3A_67 : memref<1x1x16384xi32, #tpu.memory_space<hbm>> -> memref<16384xi32, #tpu.memory_space<hbm>>
      tpu.enqueue_dma source(%dma_start3A_68 : memref<16384xi32, #tpu.memory_space<hbm>>) target(%arg5 : memref<16384xi32, #tpu.memory_space<vmem>>) target_semaphore(%run_scoped3A_63 : memref<!tpu.dma_semaphore, #tpu.memory_space<semaphore_mem>>)
      %dma_wait3A = arith.constant 0 : i32
      %dma_wait3A_69 = tpu.memref_slice %arg3[%arg1, %run_scoped3A, %dma_wait3A] : memref<16x2x16384xi32, #tpu.memory_space<hbm>> -> memref<1x1x16384xi32, #tpu.memory_space<hbm>>
      %dma_wait3A_70 = tpu.memref_squeeze %dma_wait3A_69 : memref<1x1x16384xi32, #tpu.memory_space<hbm>> -> memref<16384xi32, #tpu.memory_space<hbm>>
      %dma_wait3A_71 = arith.constant 0 : i32
      %dma_wait3A_72 = tpu.memref_slice %arg3[%arg1, %run_scoped3A, %dma_wait3A_71] : memref<16x2x16384xi32, #tpu.memory_space<hbm>> -> memref<1x1x16384xi32, #tpu.memory_space<hbm>>
      %dma_wait3A_73 = tpu.memref_squeeze %dma_wait3A_72 : memref<1x1x16384xi32, #tpu.memory_space<hbm>> -> memref<16384xi32, #tpu.memory_space<hbm>>
      tpu.wait_dma2 semaphore(%run_scoped3A_63 : memref<!tpu.dma_semaphore, #tpu.memory_space<semaphore_mem>>) src(%dma_wait3A_73 : memref<16384xi32, #tpu.memory_space<hbm>>) dst(%arg5 : memref<16384xi32, #tpu.memory_space<vmem>>)
      tpu.yield
    }) : () -> ()
    %run_scoped3A_59 = arith.constant 1 : i32
    "tpu.region"() ({
      %run_scoped3A_63 = tpu.sem_alloc : memref<!tpu.dma_semaphore, #tpu.memory_space<semaphore_mem>>
      %dma_start3A = arith.constant 0 : i32
      %dma_start3A_64 = tpu.memref_slice %arg3[%arg1, %run_scoped3A_59, %dma_start3A] : memref<16x2x16384xi32, #tpu.memory_space<hbm>> -> memref<1x1x16384xi32, #tpu.memory_space<hbm>>
      %dma_start3A_65 = tpu.memref_squeeze %dma_start3A_64 : memref<1x1x16384xi32, #tpu.memory_space<hbm>> -> memref<16384xi32, #tpu.memory_space<hbm>>
      %dma_start3A_66 = arith.constant 0 : i32
      %dma_start3A_67 = tpu.memref_slice %arg3[%arg1, %run_scoped3A_59, %dma_start3A_66] : memref<16x2x16384xi32, #tpu.memory_space<hbm>> -> memref<1x1x16384xi32, #tpu.memory_space<hbm>>
      %dma_start3A_68 = tpu.memref_squeeze %dma_start3A_67 : memref<1x1x16384xi32, #tpu.memory_space<hbm>> -> memref<16384xi32, #tpu.memory_space<hbm>>
      tpu.enqueue_dma source(%dma_start3A_68 : memref<16384xi32, #tpu.memory_space<hbm>>) target(%arg6 : memref<16384xi32, #tpu.memory_space<vmem>>) target_semaphore(%run_scoped3A_63 : memref<!tpu.dma_semaphore, #tpu.memory_space<semaphore_mem>>)
      %dma_wait3A = arith.constant 0 : i32
      %dma_wait3A_69 = tpu.memref_slice %arg3[%arg1, %run_scoped3A_59, %dma_wait3A] : memref<16x2x16384xi32, #tpu.memory_space<hbm>> -> memref<1x1x16384xi32, #tpu.memory_space<hbm>>
      %dma_wait3A_70 = tpu.memref_squeeze %dma_wait3A_69 : memref<1x1x16384xi32, #tpu.memory_space<hbm>> -> memref<16384xi32, #tpu.memory_space<hbm>>
      %dma_wait3A_71 = arith.constant 0 : i32
      %dma_wait3A_72 = tpu.memref_slice %arg3[%arg1, %run_scoped3A_59, %dma_wait3A_71] : memref<16x2x16384xi32, #tpu.memory_space<hbm>> -> memref<1x1x16384xi32, #tpu.memory_space<hbm>>
      %dma_wait3A_73 = tpu.memref_squeeze %dma_wait3A_72 : memref<1x1x16384xi32, #tpu.memory_space<hbm>> -> memref<16384xi32, #tpu.memory_space<hbm>>
      tpu.wait_dma2 semaphore(%run_scoped3A_63 : memref<!tpu.dma_semaphore, #tpu.memory_space<semaphore_mem>>) src(%dma_wait3A_73 : memref<16384xi32, #tpu.memory_space<hbm>>) dst(%arg6 : memref<16384xi32, #tpu.memory_space<vmem>>)
      tpu.yield
    }) : () -> ()
    %ge3A = arith.constant 2 : i32
    %ge3A_60 = arith.cmpi sge, %arg1, %ge3A : i32
    %convert_element_type3A_61 = arith.extui %ge3A_60 : i1 to i32
    %cond3A = arith.constant 0 : i32
    %cond3A_62 = arith.cmpi ne, %convert_element_type3A_61, %cond3A : i32
    scf.if %cond3A_62 {
      %scan3A = arith.constant 0 : i32
      %scan3A_63 = arith.constant 0 : i32
      %scan3A_64 = arith.constant 64 : i32
      %scan3A_65 = arith.addi %scan3A_63, %scan3A_64 : i32
      %scan3A_66 = arith.constant 1 : i32
      %scan3A_67 = scf.for %scan3A_69 = %scan3A_63 to %scan3A_65 step %scan3A_66 iter_args(%scan3A_70 = %scan3A) -> (i32)  : i32 {
        %mul3A = arith.constant 131072 : i32
        %mul3A_71 = arith.muli %arg0, %mul3A : i32
        %mul3A_72 = arith.constant 2048 : i32
        %mul3A_73 = arith.muli %scan3A_69, %mul3A_72 : i32
        %add3A_74 = arith.addi %mul3A_71, %mul3A_73 : i32
        "tpu.region"() ({
          %run_scoped3A_80 = tpu.sem_alloc : memref<!tpu.dma_semaphore, #tpu.memory_space<semaphore_mem>>
          %dma_start3A = arith.constant 0 : i32
          %dma_start3A_81 = tpu.memref_slice %arg2[%dma_start3A, %add3A_74] : memref<3x262144xf32, #tpu.memory_space<hbm>> -> memref<3x2048xf32, #tpu.memory_space<hbm>>
          %dma_start3A_82 = arith.constant 0 : i32
          %dma_start3A_83 = tpu.memref_slice %arg2[%dma_start3A_82, %add3A_74] : memref<3x262144xf32, #tpu.memory_space<hbm>> -> memref<3x2048xf32, #tpu.memory_space<hbm>>
          tpu.enqueue_dma source(%dma_start3A_83 : memref<3x2048xf32, #tpu.memory_space<hbm>>) target(%arg7 : memref<3x2048xf32, #tpu.memory_space<vmem>>) target_semaphore(%run_scoped3A_80 : memref<!tpu.dma_semaphore, #tpu.memory_space<semaphore_mem>>)
          %dma_wait3A = arith.constant 0 : i32
          %dma_wait3A_84 = tpu.memref_slice %arg2[%dma_wait3A, %add3A_74] : memref<3x262144xf32, #tpu.memory_space<hbm>> -> memref<3x2048xf32, #tpu.memory_space<hbm>>
          %dma_wait3A_85 = arith.constant 0 : i32
          %dma_wait3A_86 = tpu.memref_slice %arg2[%dma_wait3A_85, %add3A_74] : memref<3x262144xf32, #tpu.memory_space<hbm>> -> memref<3x2048xf32, #tpu.memory_space<hbm>>
          tpu.wait_dma2 semaphore(%run_scoped3A_80 : memref<!tpu.dma_semaphore, #tpu.memory_space<semaphore_mem>>) src(%dma_wait3A_86 : memref<3x2048xf32, #tpu.memory_space<hbm>>) dst(%arg7 : memref<3x2048xf32, #tpu.memory_space<vmem>>)
          tpu.yield
        }) : () -> ()
        %parallel_loop3A = arith.constant 0 : i32
        %parallel_loop3A_75 = arith.constant 128 : i32
        %parallel_loop3A_76 = arith.constant 1 : i32
        scf.for %parallel_loop3A_80 = %parallel_loop3A to %parallel_loop3A_75 step %parallel_loop3A_76  : i32 {
          %parallel_loop3A_81 = arith.constant 16 : i32
          %parallel_loop3A_82 = arith.muli %parallel_loop3A_80, %parallel_loop3A_81 : i32
          %parallel_loop3A_83 = arith.constant 0 : i32
          %parallel_loop3A_84 = arith.index_cast %parallel_loop3A_83 : i32 to index
          %parallel_loop3A_85 = arith.index_cast %parallel_loop3A_82 : i32 to index
          %parallel_loop3A_86 = tpu.vector_load %arg7[%parallel_loop3A_84, %parallel_loop3A_85] {strides = array<i32>} : memref<3x2048xf32, #tpu.memory_space<vmem>>, vector<16xf32>,
          %parallel_loop3A_87 = vector.broadcast %convert_element_type3A : f32 to vector<16xf32>
          %parallel_loop3A_88 = arith.mulf %parallel_loop3A_86, %parallel_loop3A_87 : vector<16xf32>
          %parallel_loop3A_89 = arith.constant 1 : i32
          %parallel_loop3A_90 = arith.index_cast %parallel_loop3A_89 : i32 to index
          %parallel_loop3A_91 = arith.index_cast %parallel_loop3A_82 : i32 to index
          %parallel_loop3A_92 = tpu.vector_load %arg7[%parallel_loop3A_90, %parallel_loop3A_91] {strides = array<i32>} : memref<3x2048xf32, #tpu.memory_space<vmem>>, vector<16xf32>,
          %parallel_loop3A_93 = vector.broadcast %convert_element_type3A : f32 to vector<16xf32>
          %parallel_loop3A_94 = arith.mulf %parallel_loop3A_92, %parallel_loop3A_93 : vector<16xf32>
          %parallel_loop3A_95 = arith.constant 2 : i32
          %parallel_loop3A_96 = arith.index_cast %parallel_loop3A_95 : i32 to index
          %parallel_loop3A_97 = arith.index_cast %parallel_loop3A_82 : i32 to index
          %parallel_loop3A_98 = tpu.vector_load %arg7[%parallel_loop3A_96, %parallel_loop3A_97] {strides = array<i32>} : memref<3x2048xf32, #tpu.memory_space<vmem>>, vector<16xf32>,
          %parallel_loop3A_99 = vector.broadcast %convert_element_type3A : f32 to vector<16xf32>
          %parallel_loop3A_100 = arith.mulf %parallel_loop3A_98, %parallel_loop3A_99 : vector<16xf32>
          %parallel_loop3A_101 = arith.fptosi %parallel_loop3A_88 : vector<16xf32> to vector<16xi32>
          %parallel_loop3A_102 = arith.fptosi %parallel_loop3A_94 : vector<16xf32> to vector<16xi32>
          %parallel_loop3A_103 = arith.fptosi %parallel_loop3A_100 : vector<16xf32> to vector<16xi32>
          %parallel_loop3A_104 = arith.sitofp %parallel_loop3A_101 : vector<16xi32> to vector<16xf32>
          %parallel_loop3A_105 = arith.subf %parallel_loop3A_88, %parallel_loop3A_104 : vector<16xf32>
          %parallel_loop3A_106 = arith.sitofp %parallel_loop3A_102 : vector<16xi32> to vector<16xf32>
          %parallel_loop3A_107 = arith.subf %parallel_loop3A_94, %parallel_loop3A_106 : vector<16xf32>
          %parallel_loop3A_108 = arith.sitofp %parallel_loop3A_103 : vector<16xi32> to vector<16xf32>
          %parallel_loop3A_109 = arith.subf %parallel_loop3A_100, %parallel_loop3A_108 : vector<16xf32>
          %parallel_loop3A_110 = arith.constant 1.000000e+00 : f32
          %parallel_loop3A_111 = vector.broadcast %parallel_loop3A_110 : f32 to vector<16xf32>
          %parallel_loop3A_112 = arith.subf %parallel_loop3A_111, %parallel_loop3A_105 : vector<16xf32>
          %parallel_loop3A_113 = arith.constant 1.000000e+00 : f32
          %parallel_loop3A_114 = vector.broadcast %parallel_loop3A_113 : f32 to vector<16xf32>
          %parallel_loop3A_115 = arith.subf %parallel_loop3A_114, %parallel_loop3A_107 : vector<16xf32>
          %parallel_loop3A_116 = arith.constant 1.000000e+00 : f32
          %parallel_loop3A_117 = vector.broadcast %parallel_loop3A_116 : f32 to vector<16xf32>
          %parallel_loop3A_118 = arith.subf %parallel_loop3A_117, %parallel_loop3A_109 : vector<16xf32>
          %parallel_loop3A_119 = arith.constant 1 : i32
          %parallel_loop3A_120 = vector.broadcast %parallel_loop3A_119 : i32 to vector<16xi32>
          %parallel_loop3A_121 = arith.addi %parallel_loop3A_101, %parallel_loop3A_120 : vector<16xi32>
          %parallel_loop3A_122 = arith.constant -1640531535 : i32
          %parallel_loop3A_123 = vector.broadcast %parallel_loop3A_122 : i32 to vector<16xi32>
          %parallel_loop3A_124 = arith.muli %parallel_loop3A_102, %parallel_loop3A_123 : vector<16xi32>
          %parallel_loop3A_125 = arith.constant 1 : i32
          %parallel_loop3A_126 = vector.broadcast %parallel_loop3A_125 : i32 to vector<16xi32>
          %parallel_loop3A_127 = arith.addi %parallel_loop3A_102, %parallel_loop3A_126 : vector<16xi32>
          %parallel_loop3A_128 = arith.constant -1640531535 : i32
          %parallel_loop3A_129 = vector.broadcast %parallel_loop3A_128 : i32 to vector<16xi32>
          %parallel_loop3A_130 = arith.muli %parallel_loop3A_127, %parallel_loop3A_129 : vector<16xi32>
          %parallel_loop3A_131 = arith.constant 805459861 : i32
          %parallel_loop3A_132 = vector.broadcast %parallel_loop3A_131 : i32 to vector<16xi32>
          %parallel_loop3A_133 = arith.muli %parallel_loop3A_103, %parallel_loop3A_132 : vector<16xi32>
          %parallel_loop3A_134 = arith.constant 1 : i32
          %parallel_loop3A_135 = vector.broadcast %parallel_loop3A_134 : i32 to vector<16xi32>
          %parallel_loop3A_136 = arith.addi %parallel_loop3A_103, %parallel_loop3A_135 : vector<16xi32>
          %parallel_loop3A_137 = arith.constant 805459861 : i32
          %parallel_loop3A_138 = vector.broadcast %parallel_loop3A_137 : i32 to vector<16xi32>
          %parallel_loop3A_139 = arith.muli %parallel_loop3A_136, %parallel_loop3A_138 : vector<16xi32>
          %parallel_loop3A_140 = arith.constant 0.000000e+00 : f32
          %parallel_loop3A_141 = vector.broadcast %parallel_loop3A_140 : f32 to vector<16xf32>
          %parallel_loop3A_142 = arith.constant 0.000000e+00 : f32
          %parallel_loop3A_143 = vector.broadcast %parallel_loop3A_142 : f32 to vector<16xf32>
          %parallel_loop3A_144 = arith.constant 0.000000e+00 : f32
          %parallel_loop3A_145 = vector.broadcast %parallel_loop3A_144 : f32 to vector<16xf32>
          %parallel_loop3A_146 = arith.constant 0.000000e+00 : f32
          %parallel_loop3A_147 = vector.broadcast %parallel_loop3A_146 : f32 to vector<16xf32>
          %parallel_loop3A_148 = arith.xori %parallel_loop3A_124, %parallel_loop3A_133 : vector<16xi32>
          %parallel_loop3A_149 = arith.mulf %parallel_loop3A_115, %parallel_loop3A_118 : vector<16xf32>
          %parallel_loop3A_150 = arith.xori %parallel_loop3A_101, %parallel_loop3A_148 : vector<16xi32>
          %parallel_loop3A_151 = arith.constant 16383 : i32
          %parallel_loop3A_152 = vector.broadcast %parallel_loop3A_151 : i32 to vector<16xi32>
          %parallel_loop3A_153 = arith.andi %parallel_loop3A_150, %parallel_loop3A_152 : vector<16xi32>
          %parallel_loop3A_154 = arith.mulf %parallel_loop3A_112, %parallel_loop3A_149 : vector<16xf32>
          %parallel_loop3A_155 = tpu.vector_load_idx %arg5[%parallel_loop3A_153] : memref<16384xi32, #tpu.memory_space<vmem>>[vector<16xi32>], vector<16xi32>,
          %parallel_loop3A_156 = tpu.vector_load_idx %arg6[%parallel_loop3A_153] : memref<16384xi32, #tpu.memory_space<vmem>>[vector<16xi32>], vector<16xi32>,
          %parallel_loop3A_157 = arith.constant 16 : i32
          %parallel_loop3A_158 = vector.broadcast %parallel_loop3A_157 : i32 to vector<16xi32>
          %parallel_loop3A_159 = arith.shli %parallel_loop3A_155, %parallel_loop3A_158 : vector<16xi32>
          %parallel_loop3A_160 = tpu.bitcast %parallel_loop3A_159 : vector<16xi32> -> vector<16xf32>
          %parallel_loop3A_161 = arith.constant -65536 : i32
          %parallel_loop3A_162 = vector.broadcast %parallel_loop3A_161 : i32 to vector<16xi32>
          %parallel_loop3A_163 = arith.andi %parallel_loop3A_155, %parallel_loop3A_162 : vector<16xi32>
          %parallel_loop3A_164 = tpu.bitcast %parallel_loop3A_163 : vector<16xi32> -> vector<16xf32>
          %parallel_loop3A_165 = arith.constant 16 : i32
          %parallel_loop3A_166 = vector.broadcast %parallel_loop3A_165 : i32 to vector<16xi32>
          %parallel_loop3A_167 = arith.shli %parallel_loop3A_156, %parallel_loop3A_166 : vector<16xi32>
          %parallel_loop3A_168 = tpu.bitcast %parallel_loop3A_167 : vector<16xi32> -> vector<16xf32>
          %parallel_loop3A_169 = arith.constant -65536 : i32
          %parallel_loop3A_170 = vector.broadcast %parallel_loop3A_169 : i32 to vector<16xi32>
          %parallel_loop3A_171 = arith.andi %parallel_loop3A_156, %parallel_loop3A_170 : vector<16xi32>
          %parallel_loop3A_172 = tpu.bitcast %parallel_loop3A_171 : vector<16xi32> -> vector<16xf32>
          %parallel_loop3A_173 = arith.mulf %parallel_loop3A_154, %parallel_loop3A_160 : vector<16xf32>
          %parallel_loop3A_174 = arith.addf %parallel_loop3A_141, %parallel_loop3A_173 : vector<16xf32>
          %parallel_loop3A_175 = arith.mulf %parallel_loop3A_154, %parallel_loop3A_164 : vector<16xf32>
          %parallel_loop3A_176 = arith.addf %parallel_loop3A_143, %parallel_loop3A_175 : vector<16xf32>
          %parallel_loop3A_177 = arith.mulf %parallel_loop3A_154, %parallel_loop3A_168 : vector<16xf32>
          %parallel_loop3A_178 = arith.addf %parallel_loop3A_145, %parallel_loop3A_177 : vector<16xf32>
          %parallel_loop3A_179 = arith.mulf %parallel_loop3A_154, %parallel_loop3A_172 : vector<16xf32>
          %parallel_loop3A_180 = arith.addf %parallel_loop3A_147, %parallel_loop3A_179 : vector<16xf32>
          %parallel_loop3A_181 = arith.xori %parallel_loop3A_121, %parallel_loop3A_148 : vector<16xi32>
          %parallel_loop3A_182 = arith.constant 16383 : i32
          %parallel_loop3A_183 = vector.broadcast %parallel_loop3A_182 : i32 to vector<16xi32>
          %parallel_loop3A_184 = arith.andi %parallel_loop3A_181, %parallel_loop3A_183 : vector<16xi32>
          %parallel_loop3A_185 = arith.mulf %parallel_loop3A_105, %parallel_loop3A_149 : vector<16xf32>
          %parallel_loop3A_186 = tpu.vector_load_idx %arg5[%parallel_loop3A_184] : memref<16384xi32, #tpu.memory_space<vmem>>[vector<16xi32>], vector<16xi32>,
          %parallel_loop3A_187 = tpu.vector_load_idx %arg6[%parallel_loop3A_184] : memref<16384xi32, #tpu.memory_space<vmem>>[vector<16xi32>], vector<16xi32>,
          %parallel_loop3A_188 = arith.constant 16 : i32
          %parallel_loop3A_189 = vector.broadcast %parallel_loop3A_188 : i32 to vector<16xi32>
          %parallel_loop3A_190 = arith.shli %parallel_loop3A_186, %parallel_loop3A_189 : vector<16xi32>
          %parallel_loop3A_191 = tpu.bitcast %parallel_loop3A_190 : vector<16xi32> -> vector<16xf32>
          %parallel_loop3A_192 = arith.constant -65536 : i32
          %parallel_loop3A_193 = vector.broadcast %parallel_loop3A_192 : i32 to vector<16xi32>
          %parallel_loop3A_194 = arith.andi %parallel_loop3A_186, %parallel_loop3A_193 : vector<16xi32>
          %parallel_loop3A_195 = tpu.bitcast %parallel_loop3A_194 : vector<16xi32> -> vector<16xf32>
          %parallel_loop3A_196 = arith.constant 16 : i32
          %parallel_loop3A_197 = vector.broadcast %parallel_loop3A_196 : i32 to vector<16xi32>
          %parallel_loop3A_198 = arith.shli %parallel_loop3A_187, %parallel_loop3A_197 : vector<16xi32>
          %parallel_loop3A_199 = tpu.bitcast %parallel_loop3A_198 : vector<16xi32> -> vector<16xf32>
          %parallel_loop3A_200 = arith.constant -65536 : i32
          %parallel_loop3A_201 = vector.broadcast %parallel_loop3A_200 : i32 to vector<16xi32>
          %parallel_loop3A_202 = arith.andi %parallel_loop3A_187, %parallel_loop3A_201 : vector<16xi32>
          %parallel_loop3A_203 = tpu.bitcast %parallel_loop3A_202 : vector<16xi32> -> vector<16xf32>
          %parallel_loop3A_204 = arith.mulf %parallel_loop3A_185, %parallel_loop3A_191 : vector<16xf32>
          %parallel_loop3A_205 = arith.addf %parallel_loop3A_174, %parallel_loop3A_204 : vector<16xf32>
          %parallel_loop3A_206 = arith.mulf %parallel_loop3A_185, %parallel_loop3A_195 : vector<16xf32>
          %parallel_loop3A_207 = arith.addf %parallel_loop3A_176, %parallel_loop3A_206 : vector<16xf32>
          %parallel_loop3A_208 = arith.mulf %parallel_loop3A_185, %parallel_loop3A_199 : vector<16xf32>
          %parallel_loop3A_209 = arith.addf %parallel_loop3A_178, %parallel_loop3A_208 : vector<16xf32>
          %parallel_loop3A_210 = arith.mulf %parallel_loop3A_185, %parallel_loop3A_203 : vector<16xf32>
          %parallel_loop3A_211 = arith.addf %parallel_loop3A_180, %parallel_loop3A_210 : vector<16xf32>
          %parallel_loop3A_212 = arith.xori %parallel_loop3A_130, %parallel_loop3A_133 : vector<16xi32>
          %parallel_loop3A_213 = arith.mulf %parallel_loop3A_107, %parallel_loop3A_118 : vector<16xf32>
          %parallel_loop3A_214 = arith.xori %parallel_loop3A_101, %parallel_loop3A_212 : vector<16xi32>
          %parallel_loop3A_215 = arith.constant 16383 : i32
          %parallel_loop3A_216 = vector.broadcast %parallel_loop3A_215 : i32 to vector<16xi32>
          %parallel_loop3A_217 = arith.andi %parallel_loop3A_214, %parallel_loop3A_216 : vector<16xi32>
          %parallel_loop3A_218 = arith.mulf %parallel_loop3A_112, %parallel_loop3A_213 : vector<16xf32>
          %parallel_loop3A_219 = tpu.vector_load_idx %arg5[%parallel_loop3A_217] : memref<16384xi32, #tpu.memory_space<vmem>>[vector<16xi32>], vector<16xi32>,
          %parallel_loop3A_220 = tpu.vector_load_idx %arg6[%parallel_loop3A_217] : memref<16384xi32, #tpu.memory_space<vmem>>[vector<16xi32>], vector<16xi32>,
          %parallel_loop3A_221 = arith.constant 16 : i32
          %parallel_loop3A_222 = vector.broadcast %parallel_loop3A_221 : i32 to vector<16xi32>
          %parallel_loop3A_223 = arith.shli %parallel_loop3A_219, %parallel_loop3A_222 : vector<16xi32>
          %parallel_loop3A_224 = tpu.bitcast %parallel_loop3A_223 : vector<16xi32> -> vector<16xf32>
          %parallel_loop3A_225 = arith.constant -65536 : i32
          %parallel_loop3A_226 = vector.broadcast %parallel_loop3A_225 : i32 to vector<16xi32>
          %parallel_loop3A_227 = arith.andi %parallel_loop3A_219, %parallel_loop3A_226 : vector<16xi32>
          %parallel_loop3A_228 = tpu.bitcast %parallel_loop3A_227 : vector<16xi32> -> vector<16xf32>
          %parallel_loop3A_229 = arith.constant 16 : i32
          %parallel_loop3A_230 = vector.broadcast %parallel_loop3A_229 : i32 to vector<16xi32>
          %parallel_loop3A_231 = arith.shli %parallel_loop3A_220, %parallel_loop3A_230 : vector<16xi32>
          %parallel_loop3A_232 = tpu.bitcast %parallel_loop3A_231 : vector<16xi32> -> vector<16xf32>
          %parallel_loop3A_233 = arith.constant -65536 : i32
          %parallel_loop3A_234 = vector.broadcast %parallel_loop3A_233 : i32 to vector<16xi32>
          %parallel_loop3A_235 = arith.andi %parallel_loop3A_220, %parallel_loop3A_234 : vector<16xi32>
          %parallel_loop3A_236 = tpu.bitcast %parallel_loop3A_235 : vector<16xi32> -> vector<16xf32>
          %parallel_loop3A_237 = arith.mulf %parallel_loop3A_218, %parallel_loop3A_224 : vector<16xf32>
          %parallel_loop3A_238 = arith.addf %parallel_loop3A_205, %parallel_loop3A_237 : vector<16xf32>
          %parallel_loop3A_239 = arith.mulf %parallel_loop3A_218, %parallel_loop3A_228 : vector<16xf32>
          %parallel_loop3A_240 = arith.addf %parallel_loop3A_207, %parallel_loop3A_239 : vector<16xf32>
          %parallel_loop3A_241 = arith.mulf %parallel_loop3A_218, %parallel_loop3A_232 : vector<16xf32>
          %parallel_loop3A_242 = arith.addf %parallel_loop3A_209, %parallel_loop3A_241 : vector<16xf32>
          %parallel_loop3A_243 = arith.mulf %parallel_loop3A_218, %parallel_loop3A_236 : vector<16xf32>
          %parallel_loop3A_244 = arith.addf %parallel_loop3A_211, %parallel_loop3A_243 : vector<16xf32>
          %parallel_loop3A_245 = arith.xori %parallel_loop3A_121, %parallel_loop3A_212 : vector<16xi32>
          %parallel_loop3A_246 = arith.constant 16383 : i32
          %parallel_loop3A_247 = vector.broadcast %parallel_loop3A_246 : i32 to vector<16xi32>
          %parallel_loop3A_248 = arith.andi %parallel_loop3A_245, %parallel_loop3A_247 : vector<16xi32>
          %parallel_loop3A_249 = arith.mulf %parallel_loop3A_105, %parallel_loop3A_213 : vector<16xf32>
          %parallel_loop3A_250 = tpu.vector_load_idx %arg5[%parallel_loop3A_248] : memref<16384xi32, #tpu.memory_space<vmem>>[vector<16xi32>], vector<16xi32>,
          %parallel_loop3A_251 = tpu.vector_load_idx %arg6[%parallel_loop3A_248] : memref<16384xi32, #tpu.memory_space<vmem>>[vector<16xi32>], vector<16xi32>,
          %parallel_loop3A_252 = arith.constant 16 : i32
          %parallel_loop3A_253 = vector.broadcast %parallel_loop3A_252 : i32 to vector<16xi32>
          %parallel_loop3A_254 = arith.shli %parallel_loop3A_250, %parallel_loop3A_253 : vector<16xi32>
          %parallel_loop3A_255 = tpu.bitcast %parallel_loop3A_254 : vector<16xi32> -> vector<16xf32>
          %parallel_loop3A_256 = arith.constant -65536 : i32
          %parallel_loop3A_257 = vector.broadcast %parallel_loop3A_256 : i32 to vector<16xi32>
          %parallel_loop3A_258 = arith.andi %parallel_loop3A_250, %parallel_loop3A_257 : vector<16xi32>
          %parallel_loop3A_259 = tpu.bitcast %parallel_loop3A_258 : vector<16xi32> -> vector<16xf32>
          %parallel_loop3A_260 = arith.constant 16 : i32
          %parallel_loop3A_261 = vector.broadcast %parallel_loop3A_260 : i32 to vector<16xi32>
          %parallel_loop3A_262 = arith.shli %parallel_loop3A_251, %parallel_loop3A_261 : vector<16xi32>
          %parallel_loop3A_263 = tpu.bitcast %parallel_loop3A_262 : vector<16xi32> -> vector<16xf32>
          %parallel_loop3A_264 = arith.constant -65536 : i32
          %parallel_loop3A_265 = vector.broadcast %parallel_loop3A_264 : i32 to vector<16xi32>
          %parallel_loop3A_266 = arith.andi %parallel_loop3A_251, %parallel_loop3A_265 : vector<16xi32>
          %parallel_loop3A_267 = tpu.bitcast %parallel_loop3A_266 : vector<16xi32> -> vector<16xf32>
          %parallel_loop3A_268 = arith.mulf %parallel_loop3A_249, %parallel_loop3A_255 : vector<16xf32>
          %parallel_loop3A_269 = arith.addf %parallel_loop3A_238, %parallel_loop3A_268 : vector<16xf32>
          %parallel_loop3A_270 = arith.mulf %parallel_loop3A_249, %parallel_loop3A_259 : vector<16xf32>
          %parallel_loop3A_271 = arith.addf %parallel_loop3A_240, %parallel_loop3A_270 : vector<16xf32>
          %parallel_loop3A_272 = arith.mulf %parallel_loop3A_249, %parallel_loop3A_263 : vector<16xf32>
          %parallel_loop3A_273 = arith.addf %parallel_loop3A_242, %parallel_loop3A_272 : vector<16xf32>
          %parallel_loop3A_274 = arith.mulf %parallel_loop3A_249, %parallel_loop3A_267 : vector<16xf32>
          %parallel_loop3A_275 = arith.addf %parallel_loop3A_244, %parallel_loop3A_274 : vector<16xf32>
          %parallel_loop3A_276 = arith.xori %parallel_loop3A_124, %parallel_loop3A_139 : vector<16xi32>
          %parallel_loop3A_277 = arith.mulf %parallel_loop3A_115, %parallel_loop3A_109 : vector<16xf32>
          %parallel_loop3A_278 = arith.xori %parallel_loop3A_101, %parallel_loop3A_276 : vector<16xi32>
          %parallel_loop3A_279 = arith.constant 16383 : i32
          %parallel_loop3A_280 = vector.broadcast %parallel_loop3A_279 : i32 to vector<16xi32>
          %parallel_loop3A_281 = arith.andi %parallel_loop3A_278, %parallel_loop3A_280 : vector<16xi32>
          %parallel_loop3A_282 = arith.mulf %parallel_loop3A_112, %parallel_loop3A_277 : vector<16xf32>
          %parallel_loop3A_283 = tpu.vector_load_idx %arg5[%parallel_loop3A_281] : memref<16384xi32, #tpu.memory_space<vmem>>[vector<16xi32>], vector<16xi32>,
          %parallel_loop3A_284 = tpu.vector_load_idx %arg6[%parallel_loop3A_281] : memref<16384xi32, #tpu.memory_space<vmem>>[vector<16xi32>], vector<16xi32>,
          %parallel_loop3A_285 = arith.constant 16 : i32
          %parallel_loop3A_286 = vector.broadcast %parallel_loop3A_285 : i32 to vector<16xi32>
          %parallel_loop3A_287 = arith.shli %parallel_loop3A_283, %parallel_loop3A_286 : vector<16xi32>
          %parallel_loop3A_288 = tpu.bitcast %parallel_loop3A_287 : vector<16xi32> -> vector<16xf32>
          %parallel_loop3A_289 = arith.constant -65536 : i32
          %parallel_loop3A_290 = vector.broadcast %parallel_loop3A_289 : i32 to vector<16xi32>
          %parallel_loop3A_291 = arith.andi %parallel_loop3A_283, %parallel_loop3A_290 : vector<16xi32>
          %parallel_loop3A_292 = tpu.bitcast %parallel_loop3A_291 : vector<16xi32> -> vector<16xf32>
          %parallel_loop3A_293 = arith.constant 16 : i32
          %parallel_loop3A_294 = vector.broadcast %parallel_loop3A_293 : i32 to vector<16xi32>
          %parallel_loop3A_295 = arith.shli %parallel_loop3A_284, %parallel_loop3A_294 : vector<16xi32>
          %parallel_loop3A_296 = tpu.bitcast %parallel_loop3A_295 : vector<16xi32> -> vector<16xf32>
          %parallel_loop3A_297 = arith.constant -65536 : i32
          %parallel_loop3A_298 = vector.broadcast %parallel_loop3A_297 : i32 to vector<16xi32>
          %parallel_loop3A_299 = arith.andi %parallel_loop3A_284, %parallel_loop3A_298 : vector<16xi32>
          %parallel_loop3A_300 = tpu.bitcast %parallel_loop3A_299 : vector<16xi32> -> vector<16xf32>
          %parallel_loop3A_301 = arith.mulf %parallel_loop3A_282, %parallel_loop3A_288 : vector<16xf32>
          %parallel_loop3A_302 = arith.addf %parallel_loop3A_269, %parallel_loop3A_301 : vector<16xf32>
          %parallel_loop3A_303 = arith.mulf %parallel_loop3A_282, %parallel_loop3A_292 : vector<16xf32>
          %parallel_loop3A_304 = arith.addf %parallel_loop3A_271, %parallel_loop3A_303 : vector<16xf32>
          %parallel_loop3A_305 = arith.mulf %parallel_loop3A_282, %parallel_loop3A_296 : vector<16xf32>
          %parallel_loop3A_306 = arith.addf %parallel_loop3A_273, %parallel_loop3A_305 : vector<16xf32>
          %parallel_loop3A_307 = arith.mulf %parallel_loop3A_282, %parallel_loop3A_300 : vector<16xf32>
          %parallel_loop3A_308 = arith.addf %parallel_loop3A_275, %parallel_loop3A_307 : vector<16xf32>
          %parallel_loop3A_309 = arith.xori %parallel_loop3A_121, %parallel_loop3A_276 : vector<16xi32>
          %parallel_loop3A_310 = arith.constant 16383 : i32
          %parallel_loop3A_311 = vector.broadcast %parallel_loop3A_310 : i32 to vector<16xi32>
          %parallel_loop3A_312 = arith.andi %parallel_loop3A_309, %parallel_loop3A_311 : vector<16xi32>
          %parallel_loop3A_313 = arith.mulf %parallel_loop3A_105, %parallel_loop3A_277 : vector<16xf32>
          %parallel_loop3A_314 = tpu.vector_load_idx %arg5[%parallel_loop3A_312] : memref<16384xi32, #tpu.memory_space<vmem>>[vector<16xi32>], vector<16xi32>,
          %parallel_loop3A_315 = tpu.vector_load_idx %arg6[%parallel_loop3A_312] : memref<16384xi32, #tpu.memory_space<vmem>>[vector<16xi32>], vector<16xi32>,
          %parallel_loop3A_316 = arith.constant 16 : i32
          %parallel_loop3A_317 = vector.broadcast %parallel_loop3A_316 : i32 to vector<16xi32>
          %parallel_loop3A_318 = arith.shli %parallel_loop3A_314, %parallel_loop3A_317 : vector<16xi32>
          %parallel_loop3A_319 = tpu.bitcast %parallel_loop3A_318 : vector<16xi32> -> vector<16xf32>
          %parallel_loop3A_320 = arith.constant -65536 : i32
          %parallel_loop3A_321 = vector.broadcast %parallel_loop3A_320 : i32 to vector<16xi32>
          %parallel_loop3A_322 = arith.andi %parallel_loop3A_314, %parallel_loop3A_321 : vector<16xi32>
          %parallel_loop3A_323 = tpu.bitcast %parallel_loop3A_322 : vector<16xi32> -> vector<16xf32>
          %parallel_loop3A_324 = arith.constant 16 : i32
          %parallel_loop3A_325 = vector.broadcast %parallel_loop3A_324 : i32 to vector<16xi32>
          %parallel_loop3A_326 = arith.shli %parallel_loop3A_315, %parallel_loop3A_325 : vector<16xi32>
          %parallel_loop3A_327 = tpu.bitcast %parallel_loop3A_326 : vector<16xi32> -> vector<16xf32>
          %parallel_loop3A_328 = arith.constant -65536 : i32
          %parallel_loop3A_329 = vector.broadcast %parallel_loop3A_328 : i32 to vector<16xi32>
          %parallel_loop3A_330 = arith.andi %parallel_loop3A_315, %parallel_loop3A_329 : vector<16xi32>
          %parallel_loop3A_331 = tpu.bitcast %parallel_loop3A_330 : vector<16xi32> -> vector<16xf32>
          %parallel_loop3A_332 = arith.mulf %parallel_loop3A_313, %parallel_loop3A_319 : vector<16xf32>
          %parallel_loop3A_333 = arith.addf %parallel_loop3A_302, %parallel_loop3A_332 : vector<16xf32>
          %parallel_loop3A_334 = arith.mulf %parallel_loop3A_313, %parallel_loop3A_323 : vector<16xf32>
          %parallel_loop3A_335 = arith.addf %parallel_loop3A_304, %parallel_loop3A_334 : vector<16xf32>
          %parallel_loop3A_336 = arith.mulf %parallel_loop3A_313, %parallel_loop3A_327 : vector<16xf32>
          %parallel_loop3A_337 = arith.addf %parallel_loop3A_306, %parallel_loop3A_336 : vector<16xf32>
          %parallel_loop3A_338 = arith.mulf %parallel_loop3A_313, %parallel_loop3A_331 : vector<16xf32>
          %parallel_loop3A_339 = arith.addf %parallel_loop3A_308, %parallel_loop3A_338 : vector<16xf32>
          %parallel_loop3A_340 = arith.xori %parallel_loop3A_130, %parallel_loop3A_139 : vector<16xi32>
          %parallel_loop3A_341 = arith.mulf %parallel_loop3A_107, %parallel_loop3A_109 : vector<16xf32>
          %parallel_loop3A_342 = arith.xori %parallel_loop3A_101, %parallel_loop3A_340 : vector<16xi32>
          %parallel_loop3A_343 = arith.constant 16383 : i32
          %parallel_loop3A_344 = vector.broadcast %parallel_loop3A_343 : i32 to vector<16xi32>
          %parallel_loop3A_345 = arith.andi %parallel_loop3A_342, %parallel_loop3A_344 : vector<16xi32>
          %parallel_loop3A_346 = arith.mulf %parallel_loop3A_112, %parallel_loop3A_341 : vector<16xf32>
          %parallel_loop3A_347 = tpu.vector_load_idx %arg5[%parallel_loop3A_345] : memref<16384xi32, #tpu.memory_space<vmem>>[vector<16xi32>], vector<16xi32>,
          %parallel_loop3A_348 = tpu.vector_load_idx %arg6[%parallel_loop3A_345] : memref<16384xi32, #tpu.memory_space<vmem>>[vector<16xi32>], vector<16xi32>,
          %parallel_loop3A_349 = arith.constant 16 : i32
          %parallel_loop3A_350 = vector.broadcast %parallel_loop3A_349 : i32 to vector<16xi32>
          %parallel_loop3A_351 = arith.shli %parallel_loop3A_347, %parallel_loop3A_350 : vector<16xi32>
          %parallel_loop3A_352 = tpu.bitcast %parallel_loop3A_351 : vector<16xi32> -> vector<16xf32>
          %parallel_loop3A_353 = arith.constant -65536 : i32
          %parallel_loop3A_354 = vector.broadcast %parallel_loop3A_353 : i32 to vector<16xi32>
          %parallel_loop3A_355 = arith.andi %parallel_loop3A_347, %parallel_loop3A_354 : vector<16xi32>
          %parallel_loop3A_356 = tpu.bitcast %parallel_loop3A_355 : vector<16xi32> -> vector<16xf32>
          %parallel_loop3A_357 = arith.constant 16 : i32
          %parallel_loop3A_358 = vector.broadcast %parallel_loop3A_357 : i32 to vector<16xi32>
          %parallel_loop3A_359 = arith.shli %parallel_loop3A_348, %parallel_loop3A_358 : vector<16xi32>
          %parallel_loop3A_360 = tpu.bitcast %parallel_loop3A_359 : vector<16xi32> -> vector<16xf32>
          %parallel_loop3A_361 = arith.constant -65536 : i32
          %parallel_loop3A_362 = vector.broadcast %parallel_loop3A_361 : i32 to vector<16xi32>
          %parallel_loop3A_363 = arith.andi %parallel_loop3A_348, %parallel_loop3A_362 : vector<16xi32>
          %parallel_loop3A_364 = tpu.bitcast %parallel_loop3A_363 : vector<16xi32> -> vector<16xf32>
          %parallel_loop3A_365 = arith.mulf %parallel_loop3A_346, %parallel_loop3A_352 : vector<16xf32>
          %parallel_loop3A_366 = arith.addf %parallel_loop3A_333, %parallel_loop3A_365 : vector<16xf32>
          %parallel_loop3A_367 = arith.mulf %parallel_loop3A_346, %parallel_loop3A_356 : vector<16xf32>
          %parallel_loop3A_368 = arith.addf %parallel_loop3A_335, %parallel_loop3A_367 : vector<16xf32>
          %parallel_loop3A_369 = arith.mulf %parallel_loop3A_346, %parallel_loop3A_360 : vector<16xf32>
          %parallel_loop3A_370 = arith.addf %parallel_loop3A_337, %parallel_loop3A_369 : vector<16xf32>
          %parallel_loop3A_371 = arith.mulf %parallel_loop3A_346, %parallel_loop3A_364 : vector<16xf32>
          %parallel_loop3A_372 = arith.addf %parallel_loop3A_339, %parallel_loop3A_371 : vector<16xf32>
          %parallel_loop3A_373 = arith.xori %parallel_loop3A_121, %parallel_loop3A_340 : vector<16xi32>
          %parallel_loop3A_374 = arith.constant 16383 : i32
          %parallel_loop3A_375 = vector.broadcast %parallel_loop3A_374 : i32 to vector<16xi32>
          %parallel_loop3A_376 = arith.andi %parallel_loop3A_373, %parallel_loop3A_375 : vector<16xi32>
          %parallel_loop3A_377 = arith.mulf %parallel_loop3A_105, %parallel_loop3A_341 : vector<16xf32>
          %parallel_loop3A_378 = tpu.vector_load_idx %arg5[%parallel_loop3A_376] : memref<16384xi32, #tpu.memory_space<vmem>>[vector<16xi32>], vector<16xi32>,
          %parallel_loop3A_379 = tpu.vector_load_idx %arg6[%parallel_loop3A_376] : memref<16384xi32, #tpu.memory_space<vmem>>[vector<16xi32>], vector<16xi32>,
          %parallel_loop3A_380 = arith.constant 16 : i32
          %parallel_loop3A_381 = vector.broadcast %parallel_loop3A_380 : i32 to vector<16xi32>
          %parallel_loop3A_382 = arith.shli %parallel_loop3A_378, %parallel_loop3A_381 : vector<16xi32>
          %parallel_loop3A_383 = tpu.bitcast %parallel_loop3A_382 : vector<16xi32> -> vector<16xf32>
          %parallel_loop3A_384 = arith.constant -65536 : i32
          %parallel_loop3A_385 = vector.broadcast %parallel_loop3A_384 : i32 to vector<16xi32>
          %parallel_loop3A_386 = arith.andi %parallel_loop3A_378, %parallel_loop3A_385 : vector<16xi32>
          %parallel_loop3A_387 = tpu.bitcast %parallel_loop3A_386 : vector<16xi32> -> vector<16xf32>
          %parallel_loop3A_388 = arith.constant 16 : i32
          %parallel_loop3A_389 = vector.broadcast %parallel_loop3A_388 : i32 to vector<16xi32>
          %parallel_loop3A_390 = arith.shli %parallel_loop3A_379, %parallel_loop3A_389 : vector<16xi32>
          %parallel_loop3A_391 = tpu.bitcast %parallel_loop3A_390 : vector<16xi32> -> vector<16xf32>
          %parallel_loop3A_392 = arith.constant -65536 : i32
          %parallel_loop3A_393 = vector.broadcast %parallel_loop3A_392 : i32 to vector<16xi32>
          %parallel_loop3A_394 = arith.andi %parallel_loop3A_379, %parallel_loop3A_393 : vector<16xi32>
          %parallel_loop3A_395 = tpu.bitcast %parallel_loop3A_394 : vector<16xi32> -> vector<16xf32>
          %parallel_loop3A_396 = arith.mulf %parallel_loop3A_377, %parallel_loop3A_383 : vector<16xf32>
          %parallel_loop3A_397 = arith.addf %parallel_loop3A_366, %parallel_loop3A_396 : vector<16xf32>
          %parallel_loop3A_398 = arith.mulf %parallel_loop3A_377, %parallel_loop3A_387 : vector<16xf32>
          %parallel_loop3A_399 = arith.addf %parallel_loop3A_368, %parallel_loop3A_398 : vector<16xf32>
          %parallel_loop3A_400 = arith.mulf %parallel_loop3A_377, %parallel_loop3A_391 : vector<16xf32>
          %parallel_loop3A_401 = arith.addf %parallel_loop3A_370, %parallel_loop3A_400 : vector<16xf32>
          %parallel_loop3A_402 = arith.mulf %parallel_loop3A_377, %parallel_loop3A_395 : vector<16xf32>
          %parallel_loop3A_403 = arith.addf %parallel_loop3A_372, %parallel_loop3A_402 : vector<16xf32>
          %parallel_loop3A_404 = arith.constant 0 : i32
          %parallel_loop3A_405 = arith.index_cast %parallel_loop3A_404 : i32 to index
          %parallel_loop3A_406 = arith.index_cast %parallel_loop3A_82 : i32 to index
          %parallel_loop3A_407 = tpu.vector_load %arg8[%parallel_loop3A_405, %parallel_loop3A_406] {strides = array<i32>} : memref<4x2048xf32, #tpu.memory_space<vmem>>, vector<16xf32>,
          tpu.vector_store %arg8[%parallel_loop3A_405, %parallel_loop3A_406], %parallel_loop3A_397 {strides = array<i32>} : memref<4x2048xf32, #tpu.memory_space<vmem>>, vector<16xf32>,
          %parallel_loop3A_408 = arith.constant 1 : i32
          %parallel_loop3A_409 = arith.index_cast %parallel_loop3A_408 : i32 to index
          %parallel_loop3A_410 = arith.index_cast %parallel_loop3A_82 : i32 to index
          %parallel_loop3A_411 = tpu.vector_load %arg8[%parallel_loop3A_409, %parallel_loop3A_410] {strides = array<i32>} : memref<4x2048xf32, #tpu.memory_space<vmem>>, vector<16xf32>,
          tpu.vector_store %arg8[%parallel_loop3A_409, %parallel_loop3A_410], %parallel_loop3A_399 {strides = array<i32>} : memref<4x2048xf32, #tpu.memory_space<vmem>>, vector<16xf32>,
          %parallel_loop3A_412 = arith.constant 2 : i32
          %parallel_loop3A_413 = arith.index_cast %parallel_loop3A_412 : i32 to index
          %parallel_loop3A_414 = arith.index_cast %parallel_loop3A_82 : i32 to index
          %parallel_loop3A_415 = tpu.vector_load %arg8[%parallel_loop3A_413, %parallel_loop3A_414] {strides = array<i32>} : memref<4x2048xf32, #tpu.memory_space<vmem>>, vector<16xf32>,
          tpu.vector_store %arg8[%parallel_loop3A_413, %parallel_loop3A_414], %parallel_loop3A_401 {strides = array<i32>} : memref<4x2048xf32, #tpu.memory_space<vmem>>, vector<16xf32>,
          %parallel_loop3A_416 = arith.constant 3 : i32
          %parallel_loop3A_417 = arith.index_cast %parallel_loop3A_416 : i32 to index
          %parallel_loop3A_418 = arith.index_cast %parallel_loop3A_82 : i32 to index
          %parallel_loop3A_419 = tpu.vector_load %arg8[%parallel_loop3A_417, %parallel_loop3A_418] {strides = array<i32>} : memref<4x2048xf32, #tpu.memory_space<vmem>>, vector<16xf32>,
          tpu.vector_store %arg8[%parallel_loop3A_417, %parallel_loop3A_418], %parallel_loop3A_403 {strides = array<i32>} : memref<4x2048xf32, #tpu.memory_space<vmem>>, vector<16xf32>,
        } {sc.loop_unroll_factor = 2 : i64, sc.parallel_access}
        %mul3A_77 = arith.constant 4 : i32
        %mul3A_78 = arith.muli %mul3A_77, %arg1 : i32
        "tpu.region"() ({
          %run_scoped3A_80 = tpu.sem_alloc : memref<!tpu.dma_semaphore, #tpu.memory_space<semaphore_mem>>
          %dma_start3A = tpu.memref_slice %arg4[%mul3A_78, %add3A_74] : memref<64x262144xf32, #tpu.memory_space<hbm>> -> memref<4x2048xf32, #tpu.memory_space<hbm>>
          %dma_start3A_81 = tpu.memref_slice %arg4[%mul3A_78, %add3A_74] : memref<64x262144xf32, #tpu.memory_space<hbm>> -> memref<4x2048xf32, #tpu.memory_space<hbm>>
          tpu.enqueue_dma source(%arg8 : memref<4x2048xf32, #tpu.memory_space<vmem>>) target(%dma_start3A_81 : memref<4x2048xf32, #tpu.memory_space<hbm>>) target_semaphore(%run_scoped3A_80 : memref<!tpu.dma_semaphore, #tpu.memory_space<semaphore_mem>>)
          %dma_wait3A = tpu.memref_slice %arg4[%mul3A_78, %add3A_74] : memref<64x262144xf32, #tpu.memory_space<hbm>> -> memref<4x2048xf32, #tpu.memory_space<hbm>>
          %dma_wait3A_82 = tpu.memref_slice %arg4[%mul3A_78, %add3A_74] : memref<64x262144xf32, #tpu.memory_space<hbm>> -> memref<4x2048xf32, #tpu.memory_space<hbm>>
          tpu.wait_dma2 semaphore(%run_scoped3A_80 : memref<!tpu.dma_semaphore, #tpu.memory_space<semaphore_mem>>) src(%arg8 : memref<4x2048xf32, #tpu.memory_space<vmem>>) dst(%dma_wait3A_82 : memref<4x2048xf32, #tpu.memory_space<hbm>>)
          tpu.yield
        }) : () -> ()
        %scan3A_79 = arith.constant 0 : i32
        scf.yield %scan3A_79 : i32
      }
      %scan3A_68 = arith.constant 64 : i32
    } else {
      %scan3A = arith.constant 0 : i32
      %scan3A_63 = arith.constant 0 : i32
      %scan3A_64 = arith.constant 64 : i32
      %scan3A_65 = arith.addi %scan3A_63, %scan3A_64 : i32
      %scan3A_66 = arith.constant 1 : i32
      %scan3A_67 = scf.for %scan3A_69 = %scan3A_63 to %scan3A_65 step %scan3A_66 iter_args(%scan3A_70 = %scan3A) -> (i32)  : i32 {
        %mul3A = arith.constant 131072 : i32
        %mul3A_71 = arith.muli %arg0, %mul3A : i32
        %mul3A_72 = arith.constant 2048 : i32
        %mul3A_73 = arith.muli %scan3A_69, %mul3A_72 : i32
        %add3A_74 = arith.addi %mul3A_71, %mul3A_73 : i32
        "tpu.region"() ({
          %run_scoped3A_80 = tpu.sem_alloc : memref<!tpu.dma_semaphore, #tpu.memory_space<semaphore_mem>>
          %dma_start3A = arith.constant 0 : i32
          %dma_start3A_81 = tpu.memref_slice %arg2[%dma_start3A, %add3A_74] : memref<3x262144xf32, #tpu.memory_space<hbm>> -> memref<3x2048xf32, #tpu.memory_space<hbm>>
          %dma_start3A_82 = arith.constant 0 : i32
          %dma_start3A_83 = tpu.memref_slice %arg2[%dma_start3A_82, %add3A_74] : memref<3x262144xf32, #tpu.memory_space<hbm>> -> memref<3x2048xf32, #tpu.memory_space<hbm>>
          tpu.enqueue_dma source(%dma_start3A_83 : memref<3x2048xf32, #tpu.memory_space<hbm>>) target(%arg7 : memref<3x2048xf32, #tpu.memory_space<vmem>>) target_semaphore(%run_scoped3A_80 : memref<!tpu.dma_semaphore, #tpu.memory_space<semaphore_mem>>)
          %dma_wait3A = arith.constant 0 : i32
          %dma_wait3A_84 = tpu.memref_slice %arg2[%dma_wait3A, %add3A_74] : memref<3x262144xf32, #tpu.memory_space<hbm>> -> memref<3x2048xf32, #tpu.memory_space<hbm>>
          %dma_wait3A_85 = arith.constant 0 : i32
          %dma_wait3A_86 = tpu.memref_slice %arg2[%dma_wait3A_85, %add3A_74] : memref<3x262144xf32, #tpu.memory_space<hbm>> -> memref<3x2048xf32, #tpu.memory_space<hbm>>
          tpu.wait_dma2 semaphore(%run_scoped3A_80 : memref<!tpu.dma_semaphore, #tpu.memory_space<semaphore_mem>>) src(%dma_wait3A_86 : memref<3x2048xf32, #tpu.memory_space<hbm>>) dst(%arg7 : memref<3x2048xf32, #tpu.memory_space<vmem>>)
          tpu.yield
        }) : () -> ()
        %parallel_loop3A = arith.constant 0 : i32
        %parallel_loop3A_75 = arith.constant 128 : i32
        %parallel_loop3A_76 = arith.constant 1 : i32
        scf.for %parallel_loop3A_80 = %parallel_loop3A to %parallel_loop3A_75 step %parallel_loop3A_76  : i32 {
          %parallel_loop3A_81 = arith.constant 16 : i32
          %parallel_loop3A_82 = arith.muli %parallel_loop3A_80, %parallel_loop3A_81 : i32
          %parallel_loop3A_83 = arith.constant 0 : i32
          %parallel_loop3A_84 = arith.index_cast %parallel_loop3A_83 : i32 to index
          %parallel_loop3A_85 = arith.index_cast %parallel_loop3A_82 : i32 to index
          %parallel_loop3A_86 = tpu.vector_load %arg7[%parallel_loop3A_84, %parallel_loop3A_85] {strides = array<i32>} : memref<3x2048xf32, #tpu.memory_space<vmem>>, vector<16xf32>,
          %parallel_loop3A_87 = vector.broadcast %convert_element_type3A : f32 to vector<16xf32>
          %parallel_loop3A_88 = arith.mulf %parallel_loop3A_86, %parallel_loop3A_87 : vector<16xf32>
          %parallel_loop3A_89 = arith.constant 1 : i32
          %parallel_loop3A_90 = arith.index_cast %parallel_loop3A_89 : i32 to index
          %parallel_loop3A_91 = arith.index_cast %parallel_loop3A_82 : i32 to index
          %parallel_loop3A_92 = tpu.vector_load %arg7[%parallel_loop3A_90, %parallel_loop3A_91] {strides = array<i32>} : memref<3x2048xf32, #tpu.memory_space<vmem>>, vector<16xf32>,
          %parallel_loop3A_93 = vector.broadcast %convert_element_type3A : f32 to vector<16xf32>
          %parallel_loop3A_94 = arith.mulf %parallel_loop3A_92, %parallel_loop3A_93 : vector<16xf32>
          %parallel_loop3A_95 = arith.constant 2 : i32
          %parallel_loop3A_96 = arith.index_cast %parallel_loop3A_95 : i32 to index
          %parallel_loop3A_97 = arith.index_cast %parallel_loop3A_82 : i32 to index
          %parallel_loop3A_98 = tpu.vector_load %arg7[%parallel_loop3A_96, %parallel_loop3A_97] {strides = array<i32>} : memref<3x2048xf32, #tpu.memory_space<vmem>>, vector<16xf32>,
          %parallel_loop3A_99 = vector.broadcast %convert_element_type3A : f32 to vector<16xf32>
          %parallel_loop3A_100 = arith.mulf %parallel_loop3A_98, %parallel_loop3A_99 : vector<16xf32>
          %parallel_loop3A_101 = arith.fptosi %parallel_loop3A_88 : vector<16xf32> to vector<16xi32>
          %parallel_loop3A_102 = arith.fptosi %parallel_loop3A_94 : vector<16xf32> to vector<16xi32>
          %parallel_loop3A_103 = arith.fptosi %parallel_loop3A_100 : vector<16xf32> to vector<16xi32>
          %parallel_loop3A_104 = arith.sitofp %parallel_loop3A_101 : vector<16xi32> to vector<16xf32>
          %parallel_loop3A_105 = arith.subf %parallel_loop3A_88, %parallel_loop3A_104 : vector<16xf32>
          %parallel_loop3A_106 = arith.sitofp %parallel_loop3A_102 : vector<16xi32> to vector<16xf32>
          %parallel_loop3A_107 = arith.subf %parallel_loop3A_94, %parallel_loop3A_106 : vector<16xf32>
          %parallel_loop3A_108 = arith.sitofp %parallel_loop3A_103 : vector<16xi32> to vector<16xf32>
          %parallel_loop3A_109 = arith.subf %parallel_loop3A_100, %parallel_loop3A_108 : vector<16xf32>
          %parallel_loop3A_110 = arith.constant 1.000000e+00 : f32
          %parallel_loop3A_111 = vector.broadcast %parallel_loop3A_110 : f32 to vector<16xf32>
          %parallel_loop3A_112 = arith.subf %parallel_loop3A_111, %parallel_loop3A_105 : vector<16xf32>
          %parallel_loop3A_113 = arith.constant 1.000000e+00 : f32
          %parallel_loop3A_114 = vector.broadcast %parallel_loop3A_113 : f32 to vector<16xf32>
          %parallel_loop3A_115 = arith.subf %parallel_loop3A_114, %parallel_loop3A_107 : vector<16xf32>
          %parallel_loop3A_116 = arith.constant 1.000000e+00 : f32
          %parallel_loop3A_117 = vector.broadcast %parallel_loop3A_116 : f32 to vector<16xf32>
          %parallel_loop3A_118 = arith.subf %parallel_loop3A_117, %parallel_loop3A_109 : vector<16xf32>
          %parallel_loop3A_119 = arith.constant 1 : i32
          %parallel_loop3A_120 = vector.broadcast %parallel_loop3A_119 : i32 to vector<16xi32>
          %parallel_loop3A_121 = arith.addi %parallel_loop3A_101, %parallel_loop3A_120 : vector<16xi32>
          %parallel_loop3A_122 = vector.broadcast %add3A_58 : i32 to vector<16xi32>
          %parallel_loop3A_123 = arith.muli %parallel_loop3A_102, %parallel_loop3A_122 : vector<16xi32>
          %parallel_loop3A_124 = arith.constant 1 : i32
          %parallel_loop3A_125 = vector.broadcast %parallel_loop3A_124 : i32 to vector<16xi32>
          %parallel_loop3A_126 = arith.addi %parallel_loop3A_102, %parallel_loop3A_125 : vector<16xi32>
          %parallel_loop3A_127 = vector.broadcast %add3A_58 : i32 to vector<16xi32>
          %parallel_loop3A_128 = arith.muli %parallel_loop3A_126, %parallel_loop3A_127 : vector<16xi32>
          %parallel_loop3A_129 = arith.muli %add3A_58, %add3A_58 : i32
          %parallel_loop3A_130 = vector.broadcast %parallel_loop3A_129 : i32 to vector<16xi32>
          %parallel_loop3A_131 = arith.muli %parallel_loop3A_103, %parallel_loop3A_130 : vector<16xi32>
          %parallel_loop3A_132 = arith.constant 1 : i32
          %parallel_loop3A_133 = vector.broadcast %parallel_loop3A_132 : i32 to vector<16xi32>
          %parallel_loop3A_134 = arith.addi %parallel_loop3A_103, %parallel_loop3A_133 : vector<16xi32>
          %parallel_loop3A_135 = arith.muli %add3A_58, %add3A_58 : i32
          %parallel_loop3A_136 = vector.broadcast %parallel_loop3A_135 : i32 to vector<16xi32>
          %parallel_loop3A_137 = arith.muli %parallel_loop3A_134, %parallel_loop3A_136 : vector<16xi32>
          %parallel_loop3A_138 = arith.constant 0.000000e+00 : f32
          %parallel_loop3A_139 = vector.broadcast %parallel_loop3A_138 : f32 to vector<16xf32>
          %parallel_loop3A_140 = arith.constant 0.000000e+00 : f32
          %parallel_loop3A_141 = vector.broadcast %parallel_loop3A_140 : f32 to vector<16xf32>
          %parallel_loop3A_142 = arith.constant 0.000000e+00 : f32
          %parallel_loop3A_143 = vector.broadcast %parallel_loop3A_142 : f32 to vector<16xf32>
          %parallel_loop3A_144 = arith.constant 0.000000e+00 : f32
          %parallel_loop3A_145 = vector.broadcast %parallel_loop3A_144 : f32 to vector<16xf32>
          %parallel_loop3A_146 = arith.addi %parallel_loop3A_123, %parallel_loop3A_131 : vector<16xi32>
          %parallel_loop3A_147 = arith.mulf %parallel_loop3A_115, %parallel_loop3A_118 : vector<16xf32>
          %parallel_loop3A_148 = arith.addi %parallel_loop3A_101, %parallel_loop3A_146 : vector<16xi32>
          %parallel_loop3A_149 = arith.mulf %parallel_loop3A_112, %parallel_loop3A_147 : vector<16xf32>
          %parallel_loop3A_150 = tpu.vector_load_idx %arg5[%parallel_loop3A_148] : memref<16384xi32, #tpu.memory_space<vmem>>[vector<16xi32>], vector<16xi32>,
          %parallel_loop3A_151 = tpu.vector_load_idx %arg6[%parallel_loop3A_148] : memref<16384xi32, #tpu.memory_space<vmem>>[vector<16xi32>], vector<16xi32>,
          %parallel_loop3A_152 = arith.constant 16 : i32
          %parallel_loop3A_153 = vector.broadcast %parallel_loop3A_152 : i32 to vector<16xi32>
          %parallel_loop3A_154 = arith.shli %parallel_loop3A_150, %parallel_loop3A_153 : vector<16xi32>
          %parallel_loop3A_155 = tpu.bitcast %parallel_loop3A_154 : vector<16xi32> -> vector<16xf32>
          %parallel_loop3A_156 = arith.constant -65536 : i32
          %parallel_loop3A_157 = vector.broadcast %parallel_loop3A_156 : i32 to vector<16xi32>
          %parallel_loop3A_158 = arith.andi %parallel_loop3A_150, %parallel_loop3A_157 : vector<16xi32>
          %parallel_loop3A_159 = tpu.bitcast %parallel_loop3A_158 : vector<16xi32> -> vector<16xf32>
          %parallel_loop3A_160 = arith.constant 16 : i32
          %parallel_loop3A_161 = vector.broadcast %parallel_loop3A_160 : i32 to vector<16xi32>
          %parallel_loop3A_162 = arith.shli %parallel_loop3A_151, %parallel_loop3A_161 : vector<16xi32>
          %parallel_loop3A_163 = tpu.bitcast %parallel_loop3A_162 : vector<16xi32> -> vector<16xf32>
          %parallel_loop3A_164 = arith.constant -65536 : i32
          %parallel_loop3A_165 = vector.broadcast %parallel_loop3A_164 : i32 to vector<16xi32>
          %parallel_loop3A_166 = arith.andi %parallel_loop3A_151, %parallel_loop3A_165 : vector<16xi32>
          %parallel_loop3A_167 = tpu.bitcast %parallel_loop3A_166 : vector<16xi32> -> vector<16xf32>
          %parallel_loop3A_168 = arith.mulf %parallel_loop3A_149, %parallel_loop3A_155 : vector<16xf32>
          %parallel_loop3A_169 = arith.addf %parallel_loop3A_139, %parallel_loop3A_168 : vector<16xf32>
          %parallel_loop3A_170 = arith.mulf %parallel_loop3A_149, %parallel_loop3A_159 : vector<16xf32>
          %parallel_loop3A_171 = arith.addf %parallel_loop3A_141, %parallel_loop3A_170 : vector<16xf32>
          %parallel_loop3A_172 = arith.mulf %parallel_loop3A_149, %parallel_loop3A_163 : vector<16xf32>
          %parallel_loop3A_173 = arith.addf %parallel_loop3A_143, %parallel_loop3A_172 : vector<16xf32>
          %parallel_loop3A_174 = arith.mulf %parallel_loop3A_149, %parallel_loop3A_167 : vector<16xf32>
          %parallel_loop3A_175 = arith.addf %parallel_loop3A_145, %parallel_loop3A_174 : vector<16xf32>
          %parallel_loop3A_176 = arith.addi %parallel_loop3A_121, %parallel_loop3A_146 : vector<16xi32>
          %parallel_loop3A_177 = arith.mulf %parallel_loop3A_105, %parallel_loop3A_147 : vector<16xf32>
          %parallel_loop3A_178 = tpu.vector_load_idx %arg5[%parallel_loop3A_176] : memref<16384xi32, #tpu.memory_space<vmem>>[vector<16xi32>], vector<16xi32>,
          %parallel_loop3A_179 = tpu.vector_load_idx %arg6[%parallel_loop3A_176] : memref<16384xi32, #tpu.memory_space<vmem>>[vector<16xi32>], vector<16xi32>,
          %parallel_loop3A_180 = arith.constant 16 : i32
          %parallel_loop3A_181 = vector.broadcast %parallel_loop3A_180 : i32 to vector<16xi32>
          %parallel_loop3A_182 = arith.shli %parallel_loop3A_178, %parallel_loop3A_181 : vector<16xi32>
          %parallel_loop3A_183 = tpu.bitcast %parallel_loop3A_182 : vector<16xi32> -> vector<16xf32>
          %parallel_loop3A_184 = arith.constant -65536 : i32
          %parallel_loop3A_185 = vector.broadcast %parallel_loop3A_184 : i32 to vector<16xi32>
          %parallel_loop3A_186 = arith.andi %parallel_loop3A_178, %parallel_loop3A_185 : vector<16xi32>
          %parallel_loop3A_187 = tpu.bitcast %parallel_loop3A_186 : vector<16xi32> -> vector<16xf32>
          %parallel_loop3A_188 = arith.constant 16 : i32
          %parallel_loop3A_189 = vector.broadcast %parallel_loop3A_188 : i32 to vector<16xi32>
          %parallel_loop3A_190 = arith.shli %parallel_loop3A_179, %parallel_loop3A_189 : vector<16xi32>
          %parallel_loop3A_191 = tpu.bitcast %parallel_loop3A_190 : vector<16xi32> -> vector<16xf32>
          %parallel_loop3A_192 = arith.constant -65536 : i32
          %parallel_loop3A_193 = vector.broadcast %parallel_loop3A_192 : i32 to vector<16xi32>
          %parallel_loop3A_194 = arith.andi %parallel_loop3A_179, %parallel_loop3A_193 : vector<16xi32>
          %parallel_loop3A_195 = tpu.bitcast %parallel_loop3A_194 : vector<16xi32> -> vector<16xf32>
          %parallel_loop3A_196 = arith.mulf %parallel_loop3A_177, %parallel_loop3A_183 : vector<16xf32>
          %parallel_loop3A_197 = arith.addf %parallel_loop3A_169, %parallel_loop3A_196 : vector<16xf32>
          %parallel_loop3A_198 = arith.mulf %parallel_loop3A_177, %parallel_loop3A_187 : vector<16xf32>
          %parallel_loop3A_199 = arith.addf %parallel_loop3A_171, %parallel_loop3A_198 : vector<16xf32>
          %parallel_loop3A_200 = arith.mulf %parallel_loop3A_177, %parallel_loop3A_191 : vector<16xf32>
          %parallel_loop3A_201 = arith.addf %parallel_loop3A_173, %parallel_loop3A_200 : vector<16xf32>
          %parallel_loop3A_202 = arith.mulf %parallel_loop3A_177, %parallel_loop3A_195 : vector<16xf32>
          %parallel_loop3A_203 = arith.addf %parallel_loop3A_175, %parallel_loop3A_202 : vector<16xf32>
          %parallel_loop3A_204 = arith.addi %parallel_loop3A_128, %parallel_loop3A_131 : vector<16xi32>
          %parallel_loop3A_205 = arith.mulf %parallel_loop3A_107, %parallel_loop3A_118 : vector<16xf32>
          %parallel_loop3A_206 = arith.addi %parallel_loop3A_101, %parallel_loop3A_204 : vector<16xi32>
          %parallel_loop3A_207 = arith.mulf %parallel_loop3A_112, %parallel_loop3A_205 : vector<16xf32>
          %parallel_loop3A_208 = tpu.vector_load_idx %arg5[%parallel_loop3A_206] : memref<16384xi32, #tpu.memory_space<vmem>>[vector<16xi32>], vector<16xi32>,
          %parallel_loop3A_209 = tpu.vector_load_idx %arg6[%parallel_loop3A_206] : memref<16384xi32, #tpu.memory_space<vmem>>[vector<16xi32>], vector<16xi32>,
          %parallel_loop3A_210 = arith.constant 16 : i32
          %parallel_loop3A_211 = vector.broadcast %parallel_loop3A_210 : i32 to vector<16xi32>
          %parallel_loop3A_212 = arith.shli %parallel_loop3A_208, %parallel_loop3A_211 : vector<16xi32>
          %parallel_loop3A_213 = tpu.bitcast %parallel_loop3A_212 : vector<16xi32> -> vector<16xf32>
          %parallel_loop3A_214 = arith.constant -65536 : i32
          %parallel_loop3A_215 = vector.broadcast %parallel_loop3A_214 : i32 to vector<16xi32>
          %parallel_loop3A_216 = arith.andi %parallel_loop3A_208, %parallel_loop3A_215 : vector<16xi32>
          %parallel_loop3A_217 = tpu.bitcast %parallel_loop3A_216 : vector<16xi32> -> vector<16xf32>
          %parallel_loop3A_218 = arith.constant 16 : i32
          %parallel_loop3A_219 = vector.broadcast %parallel_loop3A_218 : i32 to vector<16xi32>
          %parallel_loop3A_220 = arith.shli %parallel_loop3A_209, %parallel_loop3A_219 : vector<16xi32>
          %parallel_loop3A_221 = tpu.bitcast %parallel_loop3A_220 : vector<16xi32> -> vector<16xf32>
          %parallel_loop3A_222 = arith.constant -65536 : i32
          %parallel_loop3A_223 = vector.broadcast %parallel_loop3A_222 : i32 to vector<16xi32>
          %parallel_loop3A_224 = arith.andi %parallel_loop3A_209, %parallel_loop3A_223 : vector<16xi32>
          %parallel_loop3A_225 = tpu.bitcast %parallel_loop3A_224 : vector<16xi32> -> vector<16xf32>
          %parallel_loop3A_226 = arith.mulf %parallel_loop3A_207, %parallel_loop3A_213 : vector<16xf32>
          %parallel_loop3A_227 = arith.addf %parallel_loop3A_197, %parallel_loop3A_226 : vector<16xf32>
          %parallel_loop3A_228 = arith.mulf %parallel_loop3A_207, %parallel_loop3A_217 : vector<16xf32>
          %parallel_loop3A_229 = arith.addf %parallel_loop3A_199, %parallel_loop3A_228 : vector<16xf32>
          %parallel_loop3A_230 = arith.mulf %parallel_loop3A_207, %parallel_loop3A_221 : vector<16xf32>
          %parallel_loop3A_231 = arith.addf %parallel_loop3A_201, %parallel_loop3A_230 : vector<16xf32>
          %parallel_loop3A_232 = arith.mulf %parallel_loop3A_207, %parallel_loop3A_225 : vector<16xf32>
          %parallel_loop3A_233 = arith.addf %parallel_loop3A_203, %parallel_loop3A_232 : vector<16xf32>
          %parallel_loop3A_234 = arith.addi %parallel_loop3A_121, %parallel_loop3A_204 : vector<16xi32>
          %parallel_loop3A_235 = arith.mulf %parallel_loop3A_105, %parallel_loop3A_205 : vector<16xf32>
          %parallel_loop3A_236 = tpu.vector_load_idx %arg5[%parallel_loop3A_234] : memref<16384xi32, #tpu.memory_space<vmem>>[vector<16xi32>], vector<16xi32>,
          %parallel_loop3A_237 = tpu.vector_load_idx %arg6[%parallel_loop3A_234] : memref<16384xi32, #tpu.memory_space<vmem>>[vector<16xi32>], vector<16xi32>,
          %parallel_loop3A_238 = arith.constant 16 : i32
          %parallel_loop3A_239 = vector.broadcast %parallel_loop3A_238 : i32 to vector<16xi32>
          %parallel_loop3A_240 = arith.shli %parallel_loop3A_236, %parallel_loop3A_239 : vector<16xi32>
          %parallel_loop3A_241 = tpu.bitcast %parallel_loop3A_240 : vector<16xi32> -> vector<16xf32>
          %parallel_loop3A_242 = arith.constant -65536 : i32
          %parallel_loop3A_243 = vector.broadcast %parallel_loop3A_242 : i32 to vector<16xi32>
          %parallel_loop3A_244 = arith.andi %parallel_loop3A_236, %parallel_loop3A_243 : vector<16xi32>
          %parallel_loop3A_245 = tpu.bitcast %parallel_loop3A_244 : vector<16xi32> -> vector<16xf32>
          %parallel_loop3A_246 = arith.constant 16 : i32
          %parallel_loop3A_247 = vector.broadcast %parallel_loop3A_246 : i32 to vector<16xi32>
          %parallel_loop3A_248 = arith.shli %parallel_loop3A_237, %parallel_loop3A_247 : vector<16xi32>
          %parallel_loop3A_249 = tpu.bitcast %parallel_loop3A_248 : vector<16xi32> -> vector<16xf32>
          %parallel_loop3A_250 = arith.constant -65536 : i32
          %parallel_loop3A_251 = vector.broadcast %parallel_loop3A_250 : i32 to vector<16xi32>
          %parallel_loop3A_252 = arith.andi %parallel_loop3A_237, %parallel_loop3A_251 : vector<16xi32>
          %parallel_loop3A_253 = tpu.bitcast %parallel_loop3A_252 : vector<16xi32> -> vector<16xf32>
          %parallel_loop3A_254 = arith.mulf %parallel_loop3A_235, %parallel_loop3A_241 : vector<16xf32>
          %parallel_loop3A_255 = arith.addf %parallel_loop3A_227, %parallel_loop3A_254 : vector<16xf32>
          %parallel_loop3A_256 = arith.mulf %parallel_loop3A_235, %parallel_loop3A_245 : vector<16xf32>
          %parallel_loop3A_257 = arith.addf %parallel_loop3A_229, %parallel_loop3A_256 : vector<16xf32>
          %parallel_loop3A_258 = arith.mulf %parallel_loop3A_235, %parallel_loop3A_249 : vector<16xf32>
          %parallel_loop3A_259 = arith.addf %parallel_loop3A_231, %parallel_loop3A_258 : vector<16xf32>
          %parallel_loop3A_260 = arith.mulf %parallel_loop3A_235, %parallel_loop3A_253 : vector<16xf32>
          %parallel_loop3A_261 = arith.addf %parallel_loop3A_233, %parallel_loop3A_260 : vector<16xf32>
          %parallel_loop3A_262 = arith.addi %parallel_loop3A_123, %parallel_loop3A_137 : vector<16xi32>
          %parallel_loop3A_263 = arith.mulf %parallel_loop3A_115, %parallel_loop3A_109 : vector<16xf32>
          %parallel_loop3A_264 = arith.addi %parallel_loop3A_101, %parallel_loop3A_262 : vector<16xi32>
          %parallel_loop3A_265 = arith.mulf %parallel_loop3A_112, %parallel_loop3A_263 : vector<16xf32>
          %parallel_loop3A_266 = tpu.vector_load_idx %arg5[%parallel_loop3A_264] : memref<16384xi32, #tpu.memory_space<vmem>>[vector<16xi32>], vector<16xi32>,
          %parallel_loop3A_267 = tpu.vector_load_idx %arg6[%parallel_loop3A_264] : memref<16384xi32, #tpu.memory_space<vmem>>[vector<16xi32>], vector<16xi32>,
          %parallel_loop3A_268 = arith.constant 16 : i32
          %parallel_loop3A_269 = vector.broadcast %parallel_loop3A_268 : i32 to vector<16xi32>
          %parallel_loop3A_270 = arith.shli %parallel_loop3A_266, %parallel_loop3A_269 : vector<16xi32>
          %parallel_loop3A_271 = tpu.bitcast %parallel_loop3A_270 : vector<16xi32> -> vector<16xf32>
          %parallel_loop3A_272 = arith.constant -65536 : i32
          %parallel_loop3A_273 = vector.broadcast %parallel_loop3A_272 : i32 to vector<16xi32>
          %parallel_loop3A_274 = arith.andi %parallel_loop3A_266, %parallel_loop3A_273 : vector<16xi32>
          %parallel_loop3A_275 = tpu.bitcast %parallel_loop3A_274 : vector<16xi32> -> vector<16xf32>
          %parallel_loop3A_276 = arith.constant 16 : i32
          %parallel_loop3A_277 = vector.broadcast %parallel_loop3A_276 : i32 to vector<16xi32>
          %parallel_loop3A_278 = arith.shli %parallel_loop3A_267, %parallel_loop3A_277 : vector<16xi32>
          %parallel_loop3A_279 = tpu.bitcast %parallel_loop3A_278 : vector<16xi32> -> vector<16xf32>
          %parallel_loop3A_280 = arith.constant -65536 : i32
          %parallel_loop3A_281 = vector.broadcast %parallel_loop3A_280 : i32 to vector<16xi32>
          %parallel_loop3A_282 = arith.andi %parallel_loop3A_267, %parallel_loop3A_281 : vector<16xi32>
          %parallel_loop3A_283 = tpu.bitcast %parallel_loop3A_282 : vector<16xi32> -> vector<16xf32>
          %parallel_loop3A_284 = arith.mulf %parallel_loop3A_265, %parallel_loop3A_271 : vector<16xf32>
          %parallel_loop3A_285 = arith.addf %parallel_loop3A_255, %parallel_loop3A_284 : vector<16xf32>
          %parallel_loop3A_286 = arith.mulf %parallel_loop3A_265, %parallel_loop3A_275 : vector<16xf32>
          %parallel_loop3A_287 = arith.addf %parallel_loop3A_257, %parallel_loop3A_286 : vector<16xf32>
          %parallel_loop3A_288 = arith.mulf %parallel_loop3A_265, %parallel_loop3A_279 : vector<16xf32>
          %parallel_loop3A_289 = arith.addf %parallel_loop3A_259, %parallel_loop3A_288 : vector<16xf32>
          %parallel_loop3A_290 = arith.mulf %parallel_loop3A_265, %parallel_loop3A_283 : vector<16xf32>
          %parallel_loop3A_291 = arith.addf %parallel_loop3A_261, %parallel_loop3A_290 : vector<16xf32>
          %parallel_loop3A_292 = arith.addi %parallel_loop3A_121, %parallel_loop3A_262 : vector<16xi32>
          %parallel_loop3A_293 = arith.mulf %parallel_loop3A_105, %parallel_loop3A_263 : vector<16xf32>
          %parallel_loop3A_294 = tpu.vector_load_idx %arg5[%parallel_loop3A_292] : memref<16384xi32, #tpu.memory_space<vmem>>[vector<16xi32>], vector<16xi32>,
          %parallel_loop3A_295 = tpu.vector_load_idx %arg6[%parallel_loop3A_292] : memref<16384xi32, #tpu.memory_space<vmem>>[vector<16xi32>], vector<16xi32>,
          %parallel_loop3A_296 = arith.constant 16 : i32
          %parallel_loop3A_297 = vector.broadcast %parallel_loop3A_296 : i32 to vector<16xi32>
          %parallel_loop3A_298 = arith.shli %parallel_loop3A_294, %parallel_loop3A_297 : vector<16xi32>
          %parallel_loop3A_299 = tpu.bitcast %parallel_loop3A_298 : vector<16xi32> -> vector<16xf32>
          %parallel_loop3A_300 = arith.constant -65536 : i32
          %parallel_loop3A_301 = vector.broadcast %parallel_loop3A_300 : i32 to vector<16xi32>
          %parallel_loop3A_302 = arith.andi %parallel_loop3A_294, %parallel_loop3A_301 : vector<16xi32>
          %parallel_loop3A_303 = tpu.bitcast %parallel_loop3A_302 : vector<16xi32> -> vector<16xf32>
          %parallel_loop3A_304 = arith.constant 16 : i32
          %parallel_loop3A_305 = vector.broadcast %parallel_loop3A_304 : i32 to vector<16xi32>
          %parallel_loop3A_306 = arith.shli %parallel_loop3A_295, %parallel_loop3A_305 : vector<16xi32>
          %parallel_loop3A_307 = tpu.bitcast %parallel_loop3A_306 : vector<16xi32> -> vector<16xf32>
          %parallel_loop3A_308 = arith.constant -65536 : i32
          %parallel_loop3A_309 = vector.broadcast %parallel_loop3A_308 : i32 to vector<16xi32>
          %parallel_loop3A_310 = arith.andi %parallel_loop3A_295, %parallel_loop3A_309 : vector<16xi32>
          %parallel_loop3A_311 = tpu.bitcast %parallel_loop3A_310 : vector<16xi32> -> vector<16xf32>
          %parallel_loop3A_312 = arith.mulf %parallel_loop3A_293, %parallel_loop3A_299 : vector<16xf32>
          %parallel_loop3A_313 = arith.addf %parallel_loop3A_285, %parallel_loop3A_312 : vector<16xf32>
          %parallel_loop3A_314 = arith.mulf %parallel_loop3A_293, %parallel_loop3A_303 : vector<16xf32>
          %parallel_loop3A_315 = arith.addf %parallel_loop3A_287, %parallel_loop3A_314 : vector<16xf32>
          %parallel_loop3A_316 = arith.mulf %parallel_loop3A_293, %parallel_loop3A_307 : vector<16xf32>
          %parallel_loop3A_317 = arith.addf %parallel_loop3A_289, %parallel_loop3A_316 : vector<16xf32>
          %parallel_loop3A_318 = arith.mulf %parallel_loop3A_293, %parallel_loop3A_311 : vector<16xf32>
          %parallel_loop3A_319 = arith.addf %parallel_loop3A_291, %parallel_loop3A_318 : vector<16xf32>
          %parallel_loop3A_320 = arith.addi %parallel_loop3A_128, %parallel_loop3A_137 : vector<16xi32>
          %parallel_loop3A_321 = arith.mulf %parallel_loop3A_107, %parallel_loop3A_109 : vector<16xf32>
          %parallel_loop3A_322 = arith.addi %parallel_loop3A_101, %parallel_loop3A_320 : vector<16xi32>
          %parallel_loop3A_323 = arith.mulf %parallel_loop3A_112, %parallel_loop3A_321 : vector<16xf32>
          %parallel_loop3A_324 = tpu.vector_load_idx %arg5[%parallel_loop3A_322] : memref<16384xi32, #tpu.memory_space<vmem>>[vector<16xi32>], vector<16xi32>,
          %parallel_loop3A_325 = tpu.vector_load_idx %arg6[%parallel_loop3A_322] : memref<16384xi32, #tpu.memory_space<vmem>>[vector<16xi32>], vector<16xi32>,
          %parallel_loop3A_326 = arith.constant 16 : i32
          %parallel_loop3A_327 = vector.broadcast %parallel_loop3A_326 : i32 to vector<16xi32>
          %parallel_loop3A_328 = arith.shli %parallel_loop3A_324, %parallel_loop3A_327 : vector<16xi32>
          %parallel_loop3A_329 = tpu.bitcast %parallel_loop3A_328 : vector<16xi32> -> vector<16xf32>
          %parallel_loop3A_330 = arith.constant -65536 : i32
          %parallel_loop3A_331 = vector.broadcast %parallel_loop3A_330 : i32 to vector<16xi32>
          %parallel_loop3A_332 = arith.andi %parallel_loop3A_324, %parallel_loop3A_331 : vector<16xi32>
          %parallel_loop3A_333 = tpu.bitcast %parallel_loop3A_332 : vector<16xi32> -> vector<16xf32>
          %parallel_loop3A_334 = arith.constant 16 : i32
          %parallel_loop3A_335 = vector.broadcast %parallel_loop3A_334 : i32 to vector<16xi32>
          %parallel_loop3A_336 = arith.shli %parallel_loop3A_325, %parallel_loop3A_335 : vector<16xi32>
          %parallel_loop3A_337 = tpu.bitcast %parallel_loop3A_336 : vector<16xi32> -> vector<16xf32>
          %parallel_loop3A_338 = arith.constant -65536 : i32
          %parallel_loop3A_339 = vector.broadcast %parallel_loop3A_338 : i32 to vector<16xi32>
          %parallel_loop3A_340 = arith.andi %parallel_loop3A_325, %parallel_loop3A_339 : vector<16xi32>
          %parallel_loop3A_341 = tpu.bitcast %parallel_loop3A_340 : vector<16xi32> -> vector<16xf32>
          %parallel_loop3A_342 = arith.mulf %parallel_loop3A_323, %parallel_loop3A_329 : vector<16xf32>
          %parallel_loop3A_343 = arith.addf %parallel_loop3A_313, %parallel_loop3A_342 : vector<16xf32>
          %parallel_loop3A_344 = arith.mulf %parallel_loop3A_323, %parallel_loop3A_333 : vector<16xf32>
          %parallel_loop3A_345 = arith.addf %parallel_loop3A_315, %parallel_loop3A_344 : vector<16xf32>
          %parallel_loop3A_346 = arith.mulf %parallel_loop3A_323, %parallel_loop3A_337 : vector<16xf32>
          %parallel_loop3A_347 = arith.addf %parallel_loop3A_317, %parallel_loop3A_346 : vector<16xf32>
          %parallel_loop3A_348 = arith.mulf %parallel_loop3A_323, %parallel_loop3A_341 : vector<16xf32>
          %parallel_loop3A_349 = arith.addf %parallel_loop3A_319, %parallel_loop3A_348 : vector<16xf32>
          %parallel_loop3A_350 = arith.addi %parallel_loop3A_121, %parallel_loop3A_320 : vector<16xi32>
          %parallel_loop3A_351 = arith.mulf %parallel_loop3A_105, %parallel_loop3A_321 : vector<16xf32>
          %parallel_loop3A_352 = tpu.vector_load_idx %arg5[%parallel_loop3A_350] : memref<16384xi32, #tpu.memory_space<vmem>>[vector<16xi32>], vector<16xi32>,
          %parallel_loop3A_353 = tpu.vector_load_idx %arg6[%parallel_loop3A_350] : memref<16384xi32, #tpu.memory_space<vmem>>[vector<16xi32>], vector<16xi32>,
          %parallel_loop3A_354 = arith.constant 16 : i32
          %parallel_loop3A_355 = vector.broadcast %parallel_loop3A_354 : i32 to vector<16xi32>
          %parallel_loop3A_356 = arith.shli %parallel_loop3A_352, %parallel_loop3A_355 : vector<16xi32>
          %parallel_loop3A_357 = tpu.bitcast %parallel_loop3A_356 : vector<16xi32> -> vector<16xf32>
          %parallel_loop3A_358 = arith.constant -65536 : i32
          %parallel_loop3A_359 = vector.broadcast %parallel_loop3A_358 : i32 to vector<16xi32>
          %parallel_loop3A_360 = arith.andi %parallel_loop3A_352, %parallel_loop3A_359 : vector<16xi32>
          %parallel_loop3A_361 = tpu.bitcast %parallel_loop3A_360 : vector<16xi32> -> vector<16xf32>
          %parallel_loop3A_362 = arith.constant 16 : i32
          %parallel_loop3A_363 = vector.broadcast %parallel_loop3A_362 : i32 to vector<16xi32>
          %parallel_loop3A_364 = arith.shli %parallel_loop3A_353, %parallel_loop3A_363 : vector<16xi32>
          %parallel_loop3A_365 = tpu.bitcast %parallel_loop3A_364 : vector<16xi32> -> vector<16xf32>
          %parallel_loop3A_366 = arith.constant -65536 : i32
          %parallel_loop3A_367 = vector.broadcast %parallel_loop3A_366 : i32 to vector<16xi32>
          %parallel_loop3A_368 = arith.andi %parallel_loop3A_353, %parallel_loop3A_367 : vector<16xi32>
          %parallel_loop3A_369 = tpu.bitcast %parallel_loop3A_368 : vector<16xi32> -> vector<16xf32>
          %parallel_loop3A_370 = arith.mulf %parallel_loop3A_351, %parallel_loop3A_357 : vector<16xf32>
          %parallel_loop3A_371 = arith.addf %parallel_loop3A_343, %parallel_loop3A_370 : vector<16xf32>
          %parallel_loop3A_372 = arith.mulf %parallel_loop3A_351, %parallel_loop3A_361 : vector<16xf32>
          %parallel_loop3A_373 = arith.addf %parallel_loop3A_345, %parallel_loop3A_372 : vector<16xf32>
          %parallel_loop3A_374 = arith.mulf %parallel_loop3A_351, %parallel_loop3A_365 : vector<16xf32>
          %parallel_loop3A_375 = arith.addf %parallel_loop3A_347, %parallel_loop3A_374 : vector<16xf32>
          %parallel_loop3A_376 = arith.mulf %parallel_loop3A_351, %parallel_loop3A_369 : vector<16xf32>
          %parallel_loop3A_377 = arith.addf %parallel_loop3A_349, %parallel_loop3A_376 : vector<16xf32>
          %parallel_loop3A_378 = arith.constant 0 : i32
          %parallel_loop3A_379 = arith.index_cast %parallel_loop3A_378 : i32 to index
          %parallel_loop3A_380 = arith.index_cast %parallel_loop3A_82 : i32 to index
          %parallel_loop3A_381 = tpu.vector_load %arg8[%parallel_loop3A_379, %parallel_loop3A_380] {strides = array<i32>} : memref<4x2048xf32, #tpu.memory_space<vmem>>, vector<16xf32>,
          tpu.vector_store %arg8[%parallel_loop3A_379, %parallel_loop3A_380], %parallel_loop3A_371 {strides = array<i32>} : memref<4x2048xf32, #tpu.memory_space<vmem>>, vector<16xf32>,
          %parallel_loop3A_382 = arith.constant 1 : i32
          %parallel_loop3A_383 = arith.index_cast %parallel_loop3A_382 : i32 to index
          %parallel_loop3A_384 = arith.index_cast %parallel_loop3A_82 : i32 to index
          %parallel_loop3A_385 = tpu.vector_load %arg8[%parallel_loop3A_383, %parallel_loop3A_384] {strides = array<i32>} : memref<4x2048xf32, #tpu.memory_space<vmem>>, vector<16xf32>,
          tpu.vector_store %arg8[%parallel_loop3A_383, %parallel_loop3A_384], %parallel_loop3A_373 {strides = array<i32>} : memref<4x2048xf32, #tpu.memory_space<vmem>>, vector<16xf32>,
          %parallel_loop3A_386 = arith.constant 2 : i32
          %parallel_loop3A_387 = arith.index_cast %parallel_loop3A_386 : i32 to index
          %parallel_loop3A_388 = arith.index_cast %parallel_loop3A_82 : i32 to index
          %parallel_loop3A_389 = tpu.vector_load %arg8[%parallel_loop3A_387, %parallel_loop3A_388] {strides = array<i32>} : memref<4x2048xf32, #tpu.memory_space<vmem>>, vector<16xf32>,
          tpu.vector_store %arg8[%parallel_loop3A_387, %parallel_loop3A_388], %parallel_loop3A_375 {strides = array<i32>} : memref<4x2048xf32, #tpu.memory_space<vmem>>, vector<16xf32>,
          %parallel_loop3A_390 = arith.constant 3 : i32
          %parallel_loop3A_391 = arith.index_cast %parallel_loop3A_390 : i32 to index
          %parallel_loop3A_392 = arith.index_cast %parallel_loop3A_82 : i32 to index
          %parallel_loop3A_393 = tpu.vector_load %arg8[%parallel_loop3A_391, %parallel_loop3A_392] {strides = array<i32>} : memref<4x2048xf32, #tpu.memory_space<vmem>>, vector<16xf32>,
          tpu.vector_store %arg8[%parallel_loop3A_391, %parallel_loop3A_392], %parallel_loop3A_377 {strides = array<i32>} : memref<4x2048xf32, #tpu.memory_space<vmem>>, vector<16xf32>,
        } {sc.loop_unroll_factor = 2 : i64, sc.parallel_access}
        %mul3A_77 = arith.constant 4 : i32
        %mul3A_78 = arith.muli %mul3A_77, %arg1 : i32
        "tpu.region"() ({
          %run_scoped3A_80 = tpu.sem_alloc : memref<!tpu.dma_semaphore, #tpu.memory_space<semaphore_mem>>
          %dma_start3A = tpu.memref_slice %arg4[%mul3A_78, %add3A_74] : memref<64x262144xf32, #tpu.memory_space<hbm>> -> memref<4x2048xf32, #tpu.memory_space<hbm>>
          %dma_start3A_81 = tpu.memref_slice %arg4[%mul3A_78, %add3A_74] : memref<64x262144xf32, #tpu.memory_space<hbm>> -> memref<4x2048xf32, #tpu.memory_space<hbm>>
          tpu.enqueue_dma source(%arg8 : memref<4x2048xf32, #tpu.memory_space<vmem>>) target(%dma_start3A_81 : memref<4x2048xf32, #tpu.memory_space<hbm>>) target_semaphore(%run_scoped3A_80 : memref<!tpu.dma_semaphore, #tpu.memory_space<semaphore_mem>>)
          %dma_wait3A = tpu.memref_slice %arg4[%mul3A_78, %add3A_74] : memref<64x262144xf32, #tpu.memory_space<hbm>> -> memref<4x2048xf32, #tpu.memory_space<hbm>>
          %dma_wait3A_82 = tpu.memref_slice %arg4[%mul3A_78, %add3A_74] : memref<64x262144xf32, #tpu.memory_space<hbm>> -> memref<4x2048xf32, #tpu.memory_space<hbm>>
          tpu.wait_dma2 semaphore(%run_scoped3A_80 : memref<!tpu.dma_semaphore, #tpu.memory_space<semaphore_mem>>) src(%arg8 : memref<4x2048xf32, #tpu.memory_space<vmem>>) dst(%dma_wait3A_82 : memref<4x2048xf32, #tpu.memory_space<hbm>>)
          tpu.yield
        }) : () -> ()
        %scan3A_79 = arith.constant 0 : i32
        scf.yield %scan3A_79 : i32
      }
      %scan3A_68 = arith.constant 64 : i32
    }
    return
  }
}

module attributes {stable_mosaic.version = 14 : i64} {
  func.func @_mlp_body(%arg0: i32, %arg1: memref<3x4096xf32, #tpu.memory_space<vmem>>, %arg2: memref<64x4096xf32, #tpu.memory_space<vmem>>, %arg3: memref<64x3xf32, #tpu.memory_space<vmem>>, %arg4: memref<64x64xf32, #tpu.memory_space<vmem>>, %arg5: memref<64x64xf32, #tpu.memory_space<vmem>>, %arg6: memref<3x64xf32, #tpu.memory_space<vmem>>, %arg7: memref<3x4096xf32, #tpu.memory_space<vmem>>) attributes {dimension_semantics = [#tpu.dimension_semantics<arbitrary>], iteration_bounds = array<i64: 64>, scalar_prefetch = 0 : i64, scratch_operands = 0 : i64, tpu.core_type = #tpu.core_type<tc>, window_params = [{transform_indices = @transform_0, window_bounds = array<i64: 3, 4096>}, {transform_indices = @transform_1, window_bounds = array<i64: 64, 4096>}, {pipeline_mode = #tpu.pipeline_mode<synchronous>, transform_indices = @transform_2, window_bounds = array<i64: 64, 3>}, {pipeline_mode = #tpu.pipeline_mode<synchronous>, transform_indices = @transform_3, window_bounds = array<i64: 64, 64>}, {pipeline_mode = #tpu.pipeline_mode<synchronous>, transform_indices = @transform_4, window_bounds = array<i64: 64, 64>}, {pipeline_mode = #tpu.pipeline_mode<synchronous>, transform_indices = @transform_5, window_bounds = array<i64: 3, 64>}, {transform_indices = @transform_6, window_bounds = array<i64: 3, 4096>}]} {
    %get3A = arith.constant 0 : index
    %get3A_0 = arith.constant 0 : index
    %get3A_1 = vector.load %arg1[%get3A, %get3A_0] : memref<3x4096xf32, #tpu.memory_space<vmem>>, vector<3x4096xf32>
    %mul3A = arith.constant 2.000000e+00 : f32
    %mul3A_2 = vector.broadcast %mul3A : f32 to vector<3x4096xf32>
    %mul3A_3 = arith.mulf %mul3A_2, %get3A_1 : vector<3x4096xf32>
    %sub3A = arith.constant 1.000000e+00 : f32
    %sub3A_4 = vector.broadcast %sub3A : f32 to vector<3x4096xf32>
    %sub3A_5 = arith.subf %mul3A_3, %sub3A_4 : vector<3x4096xf32>
    %get3A_6 = arith.constant 0 : index
    %get3A_7 = arith.constant 0 : index
    %get3A_8 = vector.load %arg3[%get3A_6, %get3A_7] : memref<64x3xf32, #tpu.memory_space<vmem>>, vector<64x3xf32>
    %dot_general3A = arith.constant dense<0.000000e+00> : vector<64x4096xf32>
    %dot_general3A_9 = tpu.matmul %get3A_8, %sub3A_5, %dot_general3A {dimension_numbers = #tpu.dot_dimension_numbers<[1], [0], [0], [1], [0, 0, 1, 1], [], []>, transpose_lhs_hint = false} : vector<64x3xf32>, vector<3x4096xf32>, vector<64x4096xf32> -> vector<64x4096xf32>
    %get3A_10 = arith.constant 0 : index
    %get3A_11 = arith.constant 0 : index
    %get3A_12 = vector.load %arg4[%get3A_10, %get3A_11] : memref<64x64xf32, #tpu.memory_space<vmem>>, vector<64x64xf32>
    %get3A_13 = arith.constant 0 : index
    %get3A_14 = arith.constant 0 : index
    %get3A_15 = vector.load %arg2[%get3A_13, %get3A_14] : memref<64x4096xf32, #tpu.memory_space<vmem>>, vector<64x4096xf32>
    %dot_general3A_16 = arith.constant dense<0.000000e+00> : vector<64x4096xf32>
    %dot_general3A_17 = tpu.matmul %get3A_12, %get3A_15, %dot_general3A_16 {dimension_numbers = #tpu.dot_dimension_numbers<[1], [0], [0], [1], [0, 0, 1, 1], [], []>, transpose_lhs_hint = false} : vector<64x64xf32>, vector<64x4096xf32>, vector<64x4096xf32> -> vector<64x4096xf32>
    %add3A = arith.addf %dot_general3A_9, %dot_general3A_17 : vector<64x4096xf32>
    %max3A = arith.constant 0.000000e+00 : f32
    %max3A_18 = vector.broadcast %max3A : f32 to vector<64x4096xf32>
    %max3A_19 = arith.maximumf %add3A, %max3A_18 : vector<64x4096xf32>
    %get3A_20 = arith.constant 0 : index
    %get3A_21 = arith.constant 0 : index
    %get3A_22 = vector.load %arg5[%get3A_20, %get3A_21] : memref<64x64xf32, #tpu.memory_space<vmem>>, vector<64x64xf32>
    %dot_general3A_23 = arith.constant dense<0.000000e+00> : vector<64x4096xf32>
    %dot_general3A_24 = tpu.matmul %get3A_22, %max3A_19, %dot_general3A_23 {dimension_numbers = #tpu.dot_dimension_numbers<[1], [0], [0], [1], [0, 0, 1, 1], [], []>, transpose_lhs_hint = false} : vector<64x64xf32>, vector<64x4096xf32>, vector<64x4096xf32> -> vector<64x4096xf32>
    %max3A_25 = arith.constant 0.000000e+00 : f32
    %max3A_26 = vector.broadcast %max3A_25 : f32 to vector<64x4096xf32>
    %max3A_27 = arith.maximumf %dot_general3A_24, %max3A_26 : vector<64x4096xf32>
    %get3A_28 = arith.constant 0 : index
    %get3A_29 = arith.constant 0 : index
    %get3A_30 = vector.load %arg6[%get3A_28, %get3A_29] : memref<3x64xf32, #tpu.memory_space<vmem>>, vector<3x64xf32>
    %dot_general3A_31 = arith.constant dense<0.000000e+00> : vector<3x4096xf32>
    %dot_general3A_32 = tpu.matmul %get3A_30, %max3A_27, %dot_general3A_31 {dimension_numbers = #tpu.dot_dimension_numbers<[1], [0], [0], [1], [0, 0, 1, 1], [], []>, transpose_lhs_hint = false} : vector<3x64xf32>, vector<64x4096xf32>, vector<3x4096xf32> -> vector<3x4096xf32>
    %abs3A = math.absf %dot_general3A_32 : vector<3x4096xf32>
    %swap3A = arith.constant 0 : index
    %swap3A_33 = arith.constant 0 : index
    %swap3A_34 = vector.load %arg7[%swap3A, %swap3A_33] : memref<3x4096xf32, #tpu.memory_space<vmem>>, vector<3x4096xf32>
    tpu.vector_store %arg7[%swap3A, %swap3A_33], %abs3A {strides = array<i32>} : memref<3x4096xf32, #tpu.memory_space<vmem>>, vector<3x4096xf32>,
    return
  }
  func.func @transform_0(%arg0: i32) -> (i32, i32) {
    %c0_i32 = arith.constant 0 : i32
    %c0_i32_0 = arith.constant 0 : i32
    return %c0_i32, %arg0 : i32, i32
  }
  func.func @transform_1(%arg0: i32) -> (i32, i32) {
    %c0_i32 = arith.constant 0 : i32
    %c0_i32_0 = arith.constant 0 : i32
    return %c0_i32, %arg0 : i32, i32
  }
  func.func @transform_2(%arg0: i32) -> (i32, i32) {
    %c0_i32 = arith.constant 0 : i32
    %c0_i32_0 = arith.constant 0 : i32
    %c0_i32_1 = arith.constant 0 : i32
    return %c0_i32, %c0_i32_0 : i32, i32
  }
  func.func @transform_3(%arg0: i32) -> (i32, i32) {
    %c0_i32 = arith.constant 0 : i32
    %c0_i32_0 = arith.constant 0 : i32
    %c0_i32_1 = arith.constant 0 : i32
    return %c0_i32, %c0_i32_0 : i32, i32
  }
  func.func @transform_4(%arg0: i32) -> (i32, i32) {
    %c0_i32 = arith.constant 0 : i32
    %c0_i32_0 = arith.constant 0 : i32
    %c0_i32_1 = arith.constant 0 : i32
    return %c0_i32, %c0_i32_0 : i32, i32
  }
  func.func @transform_5(%arg0: i32) -> (i32, i32) {
    %c0_i32 = arith.constant 0 : i32
    %c0_i32_0 = arith.constant 0 : i32
    %c0_i32_1 = arith.constant 0 : i32
    return %c0_i32, %c0_i32_0 : i32, i32
  }
  func.func @transform_6(%arg0: i32) -> (i32, i32) {
    %c0_i32 = arith.constant 0 : i32
    %c0_i32_0 = arith.constant 0 : i32
    return %c0_i32, %arg0 : i32, i32
  }
}

</mosaic_0001>

<sc_bundles>
// kernel: kernel.6.cloned.1.call-start
scs
__scs_entry_jumppad:
0x0: {  	(pc) =	sbr.rel $0x88, $3  }
0x1: {  	(tag) =	ssettag $0x0;
	lr =	simm.s32 $0x1  }
0x2: {  	[smem:$0x3F9C] =	sst lr;
	_ =	strace $0xD0000000  }
0x3: {  	_ = 	snop  }
0x4: {  	_ = 	snop  }
0x5: {  	_ = 	snop  }
0x6: {  	_ = 	snop  }
0x7: {  	_ = 	snop  }
__scs_overlays_trampoline_lowered:
0x8: {  	[smem:$0x3FAB] =	sst s0  }
0x9: {  	[smem:$0x3FAC] =	sst s1  }
0xa: {  	[smem:$0x3FAD] =	sst s2  }
0xb: {  	[smem:$0x3FAE] =	sst s3  }
0xc: {  	[smem:$0x3FAF] =	sst s4  }
0xd: {  	[smem:$0x3FB0] =	sst s5  }
0xe: {  	[smem:$0x3FB1] =	sst s6  }
0xf: {  	[smem:$0x3FB2] =	sst s7  }
0x10: {  	[smem:$0x3FB3] =	sst s8  }
0x11: {  	[smem:$0x3FB4] =	sst s9;
	s0 =	simm.s32 @!p0 $0x0  }
0x12: {  	s1 =	sld [smem:$0x3F9A];
	s0 =	simm.s32 @p0 $0x1  }
0x13: {  	[smem:$0x3FB5] =	sst s0;
	s0 =	simm.s32 @!p1 $0x0  }
0x14: {  	s2 =	sld [smem:$0x3F99];
	s0 =	simm.s32 @p1 $0x1  }
0x15: {  	[smem:$0x3FB6] =	sst s0;
	s0 =	simm.s32 @!p2 $0x0  }
0x16: {  	s3 =	sld [smem:$0x3FDB];
	s0 =	simm.s32 @p2 $0x1  }
0x17: {  	s4 =	simm.s32 $0x1BF5;
	[smem:$0x3FB8] =	sst s0  }
0x18: {  	s0 =	sld [smem:$0x3F9B];
	_ =	swait.ge [sflag:s4], $0x0  }
0x19: {  	s7 =	sld [smem:$0x3F9C]  }
0x1a: {  	s8 =	sadd.s32 $0xFFFFE003, lr  }
0x1b: {  	s9 =	sadd.s32 $0xFFFFFEF7, lr;
	s5 =	simm.s32 $0xFFFFFFFF;
	p2 =	slt.u32 s8, $0xFFFFF086  }
0x1c: {  	p1 =	slt.u32 s9, $0xF7A;
	s5 =	simm.s32 @!p2 $0x0  }
0x1d: {  	s5 =	simm.s32 @p1 $0x1;
	p0 =	seq.s32 s7, s2  }
0x1e: {  	s7 =	smul.u32 @!p0 $0xF7A, s2;
	p2 =	seq.s32 @!p0 s5, $0x0  }
0x1f: {  	s9 =	smul.u32 $0xF7A, s1;
	s8 =	simm.s32 @!p0 $0x1BF5;
	p2 =	por !p2, p0  }
0x20: {  	[sflag:s8] =	ssyncset.s32 @!p0 $0xFFFFF086;
	s6 =	sadd.s32 @!p0 s3, s7;
	s7 =	simm.s32 @!p0 $0x108  }
0x21: {  	s3 =	sadd.s32 s3, s9;
	s6 =	sadd.s32 @!p0 $0x88, s6;
	s7 =	simm.s32 @p2 $0x1082  }
0x22: {  	[simem:s7], [sflag:s8] =	dma.local @!p0 [hbm:s6], $0xF7A  }
0x23: {  	s9 =	sor.u32 $0xD0000000, s2;
	s6 =	simm.s32 $0x108;
	_ =	swait.ge @!p0 [sflag:s8], $0x0  }
0x24: {  	s3 =	sadd.s32 $0x88, s3;
	s6 =	simm.s32 @!p1 $0x1082;
	[sflag:s4] =	ssyncset.s32 $0xFFFFF086  }
0x25: {  	[simem:s6], [sflag:s4] =	dma.local [hbm:s3], $0xF7A  }
0x26: {  	[smem:$0x3F9C] =	sst s1;
	(tag) =	ssettag s2;
	_ =	strace s9  }
0x27: {  	s1 =	sld [smem:$0x3FAC]  }
0x28: {  	s2 =	sld [smem:$0x3FAD]  }
0x29: {  	s4 =	sld [smem:$0x3FAF]  }
0x2a: {  	p0 =	seq.s32 s5, $0x0;
	s5 =	sld [smem:$0x3FB0]  }
0x2b: {  	s6 =	sld [smem:$0x3FB1]  }
0x2c: {  	s7 =	sld [smem:$0x3FB2]  }
0x2d: {  	s3 =	simm.s32 $0x108;
	s8 =	sld [smem:$0x3FB3]  }
0x2e: {  	s3 =	simm.s32 @!p0 $0x1082;
	s9 =	sld [smem:$0x3FB4]  }
0x2f: {  	lr =	sadd.s32 s0, s3;
	s0 =	sld [smem:$0x3FAB]  }
0x30: {  	s3 =	sld [smem:$0x3FAE]  }
0x31: {  	[smem:$0x3FB7] =	sst s10  }
0x32: {  	s10 =	sld [smem:$0x3FB5];
	_ =	sdelay $0x3  }
0x33: {  	p0 =	seq.s32 s10, $0x1;
	s10 =	sld [smem:$0x3FB7];
	_ =	sdelay $0x3  }
0x34: {  	[smem:$0x3FB7] =	sst s10  }
0x35: {  	s10 =	sld [smem:$0x3FB6];
	_ =	sdelay $0x3  }
0x36: {  	p1 =	seq.s32 s10, $0x1;
	s10 =	sld [smem:$0x3FB7];
	_ =	sdelay $0x3  }
0x37: {  	[smem:$0x3FB7] =	sst s10  }
0x38: {  	s10 =	sld [smem:$0x3FB8]  }
0x39: {  	_ = 	snop;
	(pc) =	sbr.ind lr, $3  }
0x3a: {  	_ = 	snop  }
0x3b: {  	_ = 	snop  }
0x3c: {  	p2 =	seq.s32 s10, $0x1;
	s10 =	sld [smem:$0x3FB7]  }
0x3d: {  	_ =	shalt  }
0x3e: {  	_ =	shalt  }
0x3f: {  	_ =	shalt  }
0x40: {  	_ =	shalt  }
0x41: {  	_ =	shalt  }
0x42: {  	_ =	shalt  }
0x43: {  	_ =	shalt  }
0x44: {  	_ =	shalt  }
0x45: {  	_ =	shalt  }
0x46: {  	_ =	shalt  }
0x47: {  	_ =	shalt  }
0x48: {  	_ =	shalt  }
0x49: {  	_ =	shalt  }
0x4a: {  	_ =	shalt  }
0x4b: {  	_ =	shalt  }
0x4c: {  	_ =	shalt  }
0x4d: {  	_ =	shalt  }
0x4e: {  	_ =	shalt  }
0x4f: {  	_ =	shalt  }
0x50: {  	_ =	shalt  }
0x51: {  	_ =	shalt  }
0x52: {  	_ =	shalt  }
0x53: {  	_ =	shalt  }
0x54: {  	_ =	shalt  }
0x55: {  	_ =	shalt  }
0x56: {  	_ =	shalt  }
0x57: {  	_ =	shalt  }
0x58: {  	_ =	shalt  }
0x59: {  	_ =	shalt  }
0x5a: {  	_ =	shalt  }
0x5b: {  	_ =	shalt  }
0x5c: {  	_ =	shalt  }
0x5d: {  	_ =	shalt  }
0x5e: {  	_ =	shalt  }
0x5f: {  	_ =	shalt  }
0x60: {  	_ =	shalt  }
0x61: {  	_ =	shalt  }
0x62: {  	_ =	shalt  }
0x63: {  	_ =	shalt  }
0x64: {  	_ =	shalt  }
0x65: {  	_ =	shalt  }
0x66: {  	_ =	shalt  }
0x67: {  	_ =	shalt  }
0x68: {  	_ =	shalt  }
0x69: {  	_ =	shalt  }
0x6a: {  	_ =	shalt  }
0x6b: {  	_ =	shalt  }
0x6c: {  	_ =	shalt  }
0x6d: {  	_ =	shalt  }
0x6e: {  	_ =	shalt  }
0x6f: {  	_ =	shalt  }
0x70: {  	_ =	shalt  }
0x71: {  	_ =	shalt  }
0x72: {  	_ =	shalt  }
0x73: {  	_ =	shalt  }
0x74: {  	_ =	shalt  }
0x75: {  	_ =	shalt  }
0x76: {  	_ =	shalt  }
0x77: {  	_ =	shalt  }
0x78: {  	_ =	shalt  }
0x79: {  	_ =	shalt  }
0x7a: {  	_ =	shalt  }
0x7b: {  	_ =	shalt  }
0x7c: {  	_ =	shalt  }
0x7d: {  	_ =	shalt  }
0x7e: {  	_ =	shalt  }
0x7f: {  	_ =	shalt  }
0x80: {  	_ =	shalt  }
0x81: {  	_ =	shalt  }
0x82: {  	_ =	shalt  }
0x83: {  	_ =	shalt  }
0x84: {  	_ =	shalt  }
0x85: {  	_ =	shalt  }
0x86: {  	_ =	shalt  }
0x87: {  	_ =	shalt  }
.Lfunc_end0:
.L_simem_size_0:
called_computation_lowered:
.L_overlay_start_0:
0x88: {  	s2 =	sld [smem:$0x3FD9]  }
0x89: {  	s3 =	sld [smem:$0x3FFE];
	_ =	sdelay $0x1  }
0x8a: {  	s1 =	srdreg.scid  }
0x8b: {  	s0 =	sand.u32 $0x1, s1  }
0x8c: {  	s17 =	sshll.u32 s0, $0xA;
	s2 =	sadd.s32 s3, s2  }
0x8d: {  	s2 =	sadd.s32 s2, s17  }
0x8e: {  	[smem:$0x3FC3] =	sst s2  }
0x8f: {  	_ = 	snop  }
0x90: {  	s2 =	sld [smem:$0x3FD0];
	(tm) =	ssettm $0x1  }
0x91: {  	s18 =	sld [smem:$0x3FFB];
	_ =	sdelay $0x3  }
0x92: {  	_ =	strace s18  }
0x93: {  	s3 =	sld [smem:$0x3FFC];
	_ =	sdelay $0x3  }
0x94: {  	_ =	strace s3  }
0x95: {  	s3 =	sld [smem:$0x3FFD];
	_ =	sdelay $0x3  }
0x96: {  	_ =	strace s3  }
0x97: {  	_ =	strace $0x8FFFFFFF  }
0x98: {  	s19 =	sld [smem:$0x3FDB];
	_ =	sdelay $0x1  }
0x99: {  	s4 =	simm.s32 $_scs_section_size  }
0x9a: {  	s5 =	simm.s32 $_size__tile_overlayer_lowered;
	s6 =	simm.s32 $_tile_overlayer_lowered  }
0x9b: {  	s22 =	simm.s32 $0x1BFF;
	s21 =	sshll.u32 s6, $0x1;
	s3 =	sadd.s32 s4, s19  }
0x9c: {  	s7 =	simm.s32 $0x0;
	s20 =	sshll.u32 s5, $0x1;
	s5 =	sadd.s32 s21, s3  }
0x9d: {  	[timem:s7], [sflag:s22] =	dma.local [hbm:s5], s20  }
0x9e: {  	_ =	swait.ge [sflag:s22], s20  }
0x9f: {  	s4 =	ssub.s32 $0x0, s20;
	[sflag:s22] =	ssyncset.done $0x0  }
0xa0: {  	[sflag:s22] =	ssyncadd.s32 s4;
	_ =	sdelay $0x1  }
0xa1: {  	s23 =	simm.s32 $0x1B8B  }
0xa2: {  	_ =	swait.ge [sflag:s23], $0x1  }
0xa3: {  	[sflag:s23] =	ssyncset.done $0x0  }
0xa4: {  	s25 =	simm.s32 $0x1B8E;
	s24 =	sld [smem:$0x3FFE];
	[sflag:s23] =	ssyncadd.s32 $0xFFFFFFFF  }
0xa5: {  	s26 =	simm.s32 $execute0_lowered;
	[smem:$0x3FD2] =	sst s25  }
0xa6: {  	s5 =	sshll.u32 s26, $0x1;
	_ =	strace $0x80000046;
	[dreg:$0x1] =	wrdreg $0xFFFFFFFF  }
0xa7: {  	s28 =	simm.s32 $_size_execute0_lowered;
	s3 =	sadd.s32 s3, s5;
	[dreg:$0x0] =	wrdreg $0x0  }
0xa8: {  	s5 =	sshll.u32 s28, $0x1;
	[dreg:$0x2] =	wrdreg s3  }
0xa9: {  	[dreg:$0x3] =	wrdreg s5  }
0xaa: {  	[dreg:$0x4] =	wrdreg $0xC0  }
0xab: {  	_ =	task [dreg:s7], $0x5FFFF  }
0xac: {  	[dreg:$0x1] =	wrdreg $0xFFFFFFFF  }
0xad: {  	[dreg:$0x0] =	wrdreg $0x60  }
0xae: {  	[dreg:$0x2] =	wrdreg s2  }
0xaf: {  	[dreg:$0x3] =	wrdreg s24  }
0xb0: {  	[dreg:$0x4] =	wrdreg $0x9  }
0xb1: {  	_ =	task.clear_ibuf [dreg:s7], $0x5FFFF;
	_ =	strace $0x90000046  }
0xb2: {  	s29 =	simm.s32 $0x9;
	_ =	strace $0x80000048  }
0xb3: {  	_ =	swait.ge [sflag:s29], $0x1  }
0xb4: {  	[sflag:s29] =	ssyncadd.s32 $0xFFFFFFFF  }
0xb5: {  	_ =	strace $0x90000048  }
0xb6: {  	_ =	sfence  }
0xb7: {  	s30 =	sld [smem:$0x0];
	_ =	sdelay $0x2  }
0xb8: {  	s31 =	sshll.u32 s1, $0xD;
	s1 =	sshrl.u32 s1, $0x2  }
0xb9: {  	s3 =	sand.u32 $0x4000, s31;
	s1 =	sadd.s32 s1, s30  }
0xba: {  	s0 =	sor.u32 s3, s0;
	s1 =	sshll.u32 s1, $0x11  }
0xbb: {  	s0 =	sor.u32 s1, s0  }
0xbc: {  	s0 =	sadd.s32 $0x8F2B, s0  }
0xbd: {  	[sflag:s0] =	ssyncadd.remote.s32 $0x1  }
0xbe: {  	_ =	sfence.sel $0xFFFF  }
0xbf: {  	[dreg:$0x0] =	wrdreg $0xFFFFFFFF;
	(pc) =	sbr.abs _section_cstart, $3  }
0xc0: {  	[dreg:$0x1] =	wrdreg $0xFFFFFFFF  }
0xc1: {  	_ =	task.clear_ibuf [dreg:s7], $0x2FFFF;
	_ =	strace $0x9FFFFFFF  }
0xc2: {  	(tm) =	ssettm $0x7FFFFFFF  }
0xc3: {  	_ =	shalt  }
tec
execute0_lowered:
.L_overlay_start_1:
0x0: {  	(tag) =	ssettag $0x1  }
0x1: {  	s2 =	rddreg [dreg:$0x0]  }
0x2: {  	s0 =	stileid.u32;
	s4 =	simm.s32 $0x15;
	s5 =	rddreg [dreg:$0x1]  }
0x3: {  	s1 =	rddreg [dreg:$0x2];
	s3 =	simm.s32 $0x0;
	s7 =	srdreg.scid  }
0x4: {  	s12 =	simm.s32 $0x1;
	s13 =	simm.s32 $0x4000;
	s14 =	simm.s32 $0x8000  }
0x5: {  	s15 =	simm.s32 $0x200;
	p0 =	seq.s32 s0, $0x1;
	[smem:$0x7FF] =	sst s3  }
0x6: {  	s6 =	sshll.u32 s0, $0xC;
	s4 =	simm.s32 @!p0 $0x10;
	p0 =	seq.s32 s0, $0x2  }
0x7: {  	s7 =	sand.u32 $0x1, s7;
	s4 =	simm.s32 @p0 $0x1B;
	p0 =	seq.s32 s0, $0x3  }
0x8: {  	s9 =	sadd.s32 $0x31C00, s5;
	s4 =	simm.s32 @p0 $0x24;
	p0 =	seq.s32 s0, $0x4  }
0x9: {  	s30 =	sshll.u32 s0, $0x6;
	s4 =	simm.s32 @p0 $0x30;
	p0 =	seq.s32 s0, $0x5  }
0xa: {  	s11 =	sshll.u32 s0, $0x11;
	s4 =	simm.s32 @p0 $0x3F;
	p0 =	seq.s32 s0, $0x6  }
0xb: {  	_ =	strace $0x80000047;
	s4 =	simm.s32 @p0 $0x54;
	p0 =	seq.s32 s0, $0x7  }
0xc: {  	s6 =	sadd.s32 s6, s5;
	s4 =	simm.s32 @p0 $0x6F;
	p0 =	seq.s32 s0, $0x8  }
0xd: {  	s8 =	ssub.s32 $0x2, s7;
	s4 =	simm.s32 @p0 $0x93;
	p0 =	seq.s32 s0, $0x9  }
0xe: {  	s11 =	sor.u32 s30, s11;
	s4 =	simm.s32 @p0 $0xC2;
	p0 =	seq.s32 s0, $0xA  }
0xf: {  	s29 =	sshrl.u32 s8, $0x1;
	s4 =	simm.s32 @p0 $0xFF;
	p0 =	seq.s32 s0, $0xB  }
0x10: {  	s5 =	sadd.s32 $0x21C10, s6;
	s4 =	simm.s32 @p0 $0x151;
	p0 =	seq.s32 s0, $0xC  }
0x11: {  	s31 =	sand.u32 $0x1C0040, s11;
	s4 =	simm.s32 @p0 $0x1BD;
	p0 =	seq.s32 s0, $0xD  }
0x12: {  	s11 =	simm.s32 $0x100;
	s4 =	simm.s32 @p0 $0x24C;
	p0 =	seq.s32 s0, $0xE  }
0x13: {  	s10 =	ssub.s32 s8, s29;
	s4 =	simm.s32 @p0 $0x308;
	p0 =	seq.s32 s0, $0xF  }
.Ltmp0:
0x14: {  	s8 =	sadd.s32 s9, s31;
	s4 =	simm.s32 @p0 $0x3FF;
	(pc) =	sbr.rel .LBB2_1-.Ltmp0, $4  }
0x15: {  	p0 =	slt.u32 s0, $0x2;
	s16 =	scvt.s32.f32 s4;
	s17 =	sadd.s32 $0x1, s4  }
0x16: {  	s4 =	sadd.s32 $0x21C00, s6;
	s6 =	sshll.u32 s7, $0x11;
	s18 =	smul.u32 s17, s17  }
0x17: {  	s7 =	sadd.s32 s9, s30;
	s9 =	smax.u32 s10, $0x1;
	s10 =	simm.s32 $0x80  }
0x18: {  	v1 =	vmov s17;
	s17 =	simm.s32 $0xA000;
	v0 =	vmov s16;
	s16 =	simm.s32 $0x400;
	v2 =	vmov s18;
	s18 =	simm.s32 $0x0  }
.LBB2_8:
0x19: {  	s18 =	sadd.s32 $0x1, s18  }
0x1a: {  	p1 =	sne.s32 s18, s9  }
.Ltmp1:
0x1b: {  	_ = 	snop;
	(pc) =	sbr.rel @!p1 .LBB2_9-.Ltmp1, $1  }
0x1c: {  	_ =	sdelay $0x3  }
.LBB2_1:
0x1d: {  	[tilespmem:s3], [sflag:$0x1] =	stream.strided.gather [hbm4b:s4+s10], $0x4000, s11, s10, $0x38;
	[tilespmem:$0xC000] =	vst v63  }
0x1e: {  	_ =	swait.ge [sflag:s12], $0x4000  }
0x1f: {  	[sflag:s12] =	ssyncset.done $0x0  }
.Ltmp2:
0x20: {  	[sflag:s12] =	ssyncadd.s32 $0xFFFFC000;
	(pc) =	sbr.rel @p0 .LBB2_5-.Ltmp2, $4  }
0x21: {  	[tilespmem:s13], [sflag:$0x1] =	stream.strided.gather [hbm4b:s5+s10], $0x4000, s11, s10, $0x38;
	[tilespmem:$0xC000] =	vst v63  }
0x22: {  	_ =	swait.ge [sflag:s12], $0x4000  }
0x23: {  	[sflag:s12] =	ssyncset.done $0x0  }
0x24: {  	s19 =	simm.s32 $0x0;
	s20 =	simm.s32 $0x0;
	[sflag:s12] =	ssyncadd.s32 $0xFFFFC000  }
.LBB2_2:
0x25: {  	s20 =	sshll.u32 s19, $0xB  }
0x26: {  	s20 =	sadd.s32 s6, s20  }
0x27: {  	s21 =	sshrl.u32 s20, $0x1  }
0x28: {  	s22 =	simm.s32 $0x0;
	s21 =	sadd.s32 s2, s21  }
0x29: {  	[tilespmem:s14], [sflag:$0x1] =	stream.linear.gather [hbm4b:s21+s22], $0x2000, $0x38;
	[tilespmem:$0xC000] =	vst v63  }
0x2a: {  	_ =	swait.ge [sflag:s12], $0x2000  }
0x2b: {  	s30 =	sand.u32 $0x60, s22;
	s23 =	sand.u32 $0x1E00, s22;
	[sflag:s12] =	ssyncset.done $0x0  }
0x2c: {  	s21 =	sor.u32 s30, s23;
	[sflag:s12] =	ssyncadd.s32 $0xFFFFE000  }
0x2d: {  	v3 =	vld [tilespmem:s21+$0x8090]  }
0x2e: {  	v4 =	vld [tilespmem:s21+$0x8110]  }
0x2f: {  	v5 =	vld [tilespmem:s21+$0x8010];
	_ =	sdelay $0x2  }
0x30: {  	v6 =	vld [tilespmem:s21+$0x8080]  }
0x31: {  	v7 =	vld [tilespmem:s21+$0x8000];
	v10 =	vmul.f32 v3, v0;
	v11 =	vmul.f32 v4, v0  }
0x32: {  	v4 =	vld [tilespmem:s21+$0x8100];
	v12 =	vmul.f32 v5, v0  }
0x33: {  	v3 =	vtrunc.f32 v10;
	v5 =	vtrunc.f32 v11  }
0x34: {  	v13 =	vcvt.f32.s32 v3;
	v14 =	vcvt.f32.s32 v5  }
0x35: {  	v3 =	vmul.f32 v6, v0;
	v5 =	vtrunc.f32 v12  }
0x36: {  	v7 =	vmul.f32 v7, v0;
	v15 =	vcvt.f32.s32 v5  }
0x37: {  	v16 =	vmul.u32 $0x9E3779B1, v13;
	v6 =	vmul.f32 v4, v0;
	v4 =	vtrunc.f32 v3  }
0x38: {  	v17 =	vmul.u32 $0x30025795, v14;
	v13 =	vcvt.s32.f32 v13;
	v14 =	vcvt.s32.f32 v14  }
0x39: {  	v18 =	vcvt.f32.s32 v4;
	v19 =	vadd.s32 $0x1, v15;
	v26 =	vcvt.s32.f32 v15  }
0x3a: {  	v4 =	vxor.u32 v16, v17;
	v5 =	vtrunc.f32 v6;
	v21 =	vadd.s32 $0x9E3779B1, v16  }
0x3b: {  	v22 =	vadd.s32 $0x30025795, v17;
	v13 =	vsub.f32 v10, v13;
	v11 =	vsub.f32 v11, v14  }
0x3c: {  	v8 =	vxor.u32 v19, v4;
	v9 =	vcvt.f32.s32 v5;
	v5 =	vmul.u32 $0x9E3779B1, v18  }
0x3d: {  	v4 =	vxor.u32 v15, v4;
	v24 =	vxor.u32 v21, v22;
	v20 =	vand.u32 $0x3FFF, v8  }
0x3e: {  	v14 =	vxor.u32 v16, v22;
	v12 =	vsub.f32 v12, v26;
	v17 =	vxor.u32 v17, v21  }
0x3f: {  	v23 =	vand.u32 $0x3FFF, v4;
	v4 =	vtrunc.f32 v7;
	v25 =	vxor.u32 v19, v24  }
0x40: {  	v10 =	vxor.u32 v15, v24;
	v58 =	vmul.f32 v11, v13;
	v27 =	vsub.f32 $1.000000000e+00, v13  }
0x41: {  	v29 =	vsub.f32 $1.000000000e+00, v11;
	v8 =	vmul.u32 $0x30025795, v9;
	v25 =	vand.u32 $0x3FFF, v25  }
0x42: {  	v4 =	vcvt.f32.s32 v4;
	v16 =	vand.u32 $0x3FFF, v10;
	v10 =	vcvt.s32.f32 v18;
	v56 =	vld.idx.msk [tilespmem:v20+s3+$0x0], $0xffff  }
0x43: {  	v18 =	vxor.u32 v19, v14;
	v26 =	vsub.f32 $1.000000000e+00, v12;
	v14 =	vxor.u32 v15, v14;
	v20 =	vld.idx.msk [tilespmem:v20+s13+$0x0], $0xffff  }
0x44: {  	v19 =	vxor.u32 v19, v17;
	v15 =	vxor.u32 v15, v17;
	v30 =	vmul.f32 v58, v12;
	v57 =	vld.idx.msk [tilespmem:v23+s3+$0x0], $0xffff  }
0x45: {  	v18 =	vand.u32 $0x3FFF, v18;
	v11 =	vmul.f32 v11, v27;
	v27 =	vmul.f32 v29, v27;
	v23 =	vld.idx.msk [tilespmem:v23+s13+$0x0], $0xffff  }
0x46: {  	v14 =	vand.u32 $0x3FFF, v14;
	v13 =	vmul.f32 v29, v13;
	v21 =	vmul.f32 v58, v26;
	v28 =	vld.idx.msk [tilespmem:v25+s3+$0x0], $0xffff  }
0x47: {  	v19 =	vand.u32 $0x3FFF, v19;
	v17 =	vmul.f32 v11, v26;
	v11 =	vmul.f32 v11, v12;
	v25 =	vld.idx.msk [tilespmem:v25+s13+$0x0], $0xffff  }
0x48: {  	v15 =	vand.u32 $0x3FFF, v15;
	v32 =	vmul.f32 v13, v26;
	v13 =	vmul.f32 v13, v12;
	v31 =	vld.idx.msk [tilespmem:v16+s3+$0x0], $0xffff  }
0x49: {  	v10 =	vsub.f32 v3, v10;
	v26 =	vmul.f32 v27, v26;
	v12 =	vmul.f32 v27, v12  }
0x4a: {  	v16 =	vld.idx.msk [tilespmem:v16+s13+$0x0], $0xffff;
	v60 =	vshll.u32 v56, $0x10;
	v24 =	vand.u32 $0xFFFF0000, v56;
	v34 =	vshll.u32 v20, $0x10  }
0x4b: {  	v59 =	vld.idx.msk [tilespmem:v18+s3+$0x0], $0xffff;
	v20 =	vand.u32 $0xFFFF0000, v20;
	v35 =	vshll.u32 v57, $0x10;
	v22 =	vand.u32 $0xFFFF0000, v57  }
0x4c: {  	v18 =	vld.idx.msk [tilespmem:v18+s13+$0x0], $0xffff;
	v36 =	vshll.u32 v23, $0x10;
	v23 =	vand.u32 $0xFFFF0000, v23;
	v38 =	vshll.u32 v28, $0x10  }
0x4d: {  	v33 =	vld.idx.msk [tilespmem:v14+s3+$0x0], $0xffff;
	v28 =	vand.u32 $0xFFFF0000, v28;
	v39 =	vshll.u32 v31, $0x10;
	v40 =	vshll.u32 v25, $0x10  }
0x4e: {  	v14 =	vld.idx.msk [tilespmem:v14+s13+$0x0], $0xffff;
	v25 =	vand.u32 $0xFFFF0000, v25;
	v27 =	vmul.f32 v60, v12;
	v24 =	vmul.f32 v24, v12  }
0x4f: {  	v37 =	vld.idx.msk [tilespmem:v19+s3+$0x0], $0xffff;
	v31 =	vand.u32 $0xFFFF0000, v31;
	v34 =	vmul.f32 v34, v12;
	v12 =	vmul.f32 v20, v12  }
0x50: {  	v19 =	vld.idx.msk [tilespmem:v19+s13+$0x0], $0xffff;
	v41 =	vshll.u32 v16, $0x10;
	v35 =	vmul.f32 v35, v26;
	v22 =	vmul.f32 v22, v26  }
0x51: {  	v44 =	vld.idx.msk [tilespmem:v15+s3+$0x0], $0xffff;
	v16 =	vand.u32 $0xFFFF0000, v16;
	v36 =	vmul.f32 v36, v26;
	v23 =	vmul.f32 v23, v26  }
0x52: {  	v15 =	vld.idx.msk [tilespmem:v15+s13+$0x0], $0xffff;
	v42 =	vshll.u32 v59, $0x10;
	v29 =	vand.u32 $0xFFFF0000, v59;
	v43 =	vshll.u32 v18, $0x10  }
0x53: {  	v45 =	vshll.u32 v33, $0x10;
	v33 =	vand.u32 $0xFFFF0000, v33;
	v18 =	vand.u32 $0xFFFF0000, v18  }
0x54: {  	v46 =	vshll.u32 v37, $0x10;
	v47 =	vshll.u32 v14, $0x10;
	v14 =	vand.u32 $0xFFFF0000, v14  }
0x55: {  	v37 =	vand.u32 $0xFFFF0000, v37;
	v20 =	vshll.u32 v19, $0x10;
	v19 =	vand.u32 $0xFFFF0000, v19  }
0x56: {  	v61 =	vshll.u32 v44, $0x10;
	v44 =	vand.u32 $0xFFFF0000, v44;
	v38 =	vmul.f32 v38, v30  }
0x57: {  	v28 =	vmul.f32 v28, v30;
	v48 =	vshll.u32 v15, $0x10;
	v39 =	vmul.f32 v39, v21  }
0x58: {  	v31 =	vmul.f32 v31, v21;
	v15 =	vand.u32 $0xFFFF0000, v15;
	v42 =	vmul.f32 v42, v11  }
0x59: {  	v29 =	vmul.f32 v29, v11;
	v35 =	vadd.f32 $0.0e+00, v35;
	v45 =	vmul.f32 v45, v17  }
0x5a: {  	v33 =	vmul.f32 v33, v17;
	v22 =	vadd.f32 $0.0e+00, v22;
	v46 =	vmul.f32 v46, v13  }
0x5b: {  	v37 =	vmul.f32 v37, v13;
	v36 =	vadd.f32 $0.0e+00, v36;
	v26 =	vmul.f32 v61, v32  }
0x5c: {  	v23 =	vadd.f32 $0.0e+00, v23;
	v62 =	vmul.f32 v44, v32;
	v27 =	vadd.f32 v35, v27  }
0x5d: {  	v63 =	vmul.f32 v48, v32;
	v22 =	vadd.f32 v22, v24;
	v34 =	vadd.f32 v36, v34  }
0x5e: {  	v15 =	vmul.f32 v15, v32;
	v12 =	vadd.f32 v23, v12;
	v26 =	vadd.f32 v27, v26  }
0x5f: {  	v20 =	vmul.f32 v20, v13;
	v22 =	vadd.f32 v22, v62;
	v34 =	vadd.f32 v34, v63  }
0x60: {  	v13 =	vmul.f32 v19, v13;
	v12 =	vadd.f32 v12, v15;
	v35 =	vadd.f32 v26, v46  }
0x61: {  	v36 =	vmul.f32 v47, v17;
	v15 =	vadd.f32 v22, v37;
	v19 =	vadd.f32 v20, v34  }
0x62: {  	v14 =	vmul.f32 v14, v17;
	v12 =	vadd.f32 v13, v12;
	v20 =	vadd.f32 v45, v35  }
0x63: {  	v13 =	vadd.f32 v33, v15;
	v15 =	vadd.f32 v36, v19;
	v19 =	vmul.f32 v43, v11  }
0x64: {  	v11 =	vmul.f32 v18, v11;
	v18 =	vxor.u32 v5, v8;
	v17 =	vadd.f32 v42, v20  }
0x65: {  	v12 =	vadd.f32 v14, v12;
	v3 =	vxor.u32 v4, v18;
	v13 =	vadd.f32 v29, v13  }
0x66: {  	v14 =	vadd.f32 v19, v15;
	v15 =	vadd.f32 v39, v17;
	v17 =	vmul.f32 v41, v21  }
0x67: {  	v11 =	vadd.f32 v11, v12;
	v12 =	vadd.f32 v31, v13;
	v13 =	vmul.f32 v16, v21  }
0x68: {  	v16 =	vmul.f32 v40, v30;
	v14 =	vadd.f32 v17, v14;
	v15 =	vadd.f32 v38, v15  }
0x69: {  	v11 =	vadd.f32 v13, v11;
	v13 =	vmul.f32 v25, v30;
	v17 =	vcvt.s32.f32 v9  }
0x6a: {  	v19 =	vadd.s32 $0x9E3779B1, v5;
	v12 =	vadd.f32 v28, v12;
	v14 =	vadd.f32 v16, v14  }
0x6b: {  	v9 =	vadd.f32 v13, v11;
	v11 =	vcvt.s32.f32 v4;
	v6 =	vsub.f32 v6, v17  }
0x6c: {  	v13 =	vand.u32 $0x3FFF, v3;
	v16 =	vsub.f32 $1.000000000e+00, v10;
	v17 =	vadd.s32 $0x1, v4  }
0x6d: {  	v3 =	vsub.f32 v7, v11;
	v7 =	vsub.f32 $1.000000000e+00, v6;
	v11 =	vxor.u32 v17, v18  }
0x6e: {  	v18 =	vadd.s32 $0x30025795, v8;
	v8 =	vxor.u32 v8, v19;
	v11 =	vand.u32 $0x3FFF, v11  }
0x6f: {  	v38 =	vxor.u32 v4, v8;
	v8 =	vxor.u32 v17, v8;
	v5 =	vxor.u32 v5, v18  }
0x70: {  	v18 =	vxor.u32 v19, v18;
	v20 =	vsub.f32 $1.000000000e+00, v3;
	v37 =	vmul.f32 v7, v16  }
0x71: {  	v22 =	vand.u32 $0x3FFF, v38;
	v8 =	vand.u32 $0x3FFF, v8;
	v41 =	vxor.u32 v4, v5;
	v39 =	vld.idx.msk [tilespmem:v13+s3+$0x0], $0xffff  }
0x72: {  	v7 =	vmul.f32 v7, v10;
	v16 =	vmul.f32 v6, v16;
	v5 =	vxor.u32 v17, v5;
	v13 =	vld.idx.msk [tilespmem:v13+s13+$0x0], $0xffff  }
0x73: {  	v4 =	vxor.u32 v4, v18;
	v17 =	vxor.u32 v17, v18;
	v6 =	vmul.f32 v6, v10  }
0x74: {  	v25 =	vand.u32 $0x3FFF, v41;
	v40 =	vmul.f32 v37, v20;
	v21 =	vmul.f32 v37, v3  }
0x75: {  	v5 =	vand.u32 $0x3FFF, v5;
	v42 =	vmul.f32 v7, v20;
	v7 =	vmul.f32 v7, v3;
	v19 =	vld.idx.msk [tilespmem:v11+s3+$0x0], $0xffff  }
0x76: {  	v46 =	vand.u32 $0x3FFF, v17;
	v43 =	vmul.f32 v16, v20;
	v62 =	vmul.f32 v16, v3;
	v11 =	vld.idx.msk [tilespmem:v11+s13+$0x0], $0xffff  }
0x77: {  	v45 =	vld.idx.msk [tilespmem:v22+s3+$0x0], $0xffff;
	v18 =	vshll.u32 v39, $0x10;
	v23 =	vand.u32 $0xFFFF0000, v39;
	v44 =	vshll.u32 v13, $0x10  }
0x78: {  	v17 =	vld.idx.msk [tilespmem:v22+s13+$0x0], $0xffff;
	v13 =	vand.u32 $0xFFFF0000, v13;
	v18 =	vmul.f32 v18, v40;
	v23 =	vmul.f32 v23, v40  }
0x79: {  	v4 =	vand.u32 $0x3FFF, v4;
	v49 =	vld.idx.msk [tilespmem:v8+s3+$0x0], $0xffff;
	v28 =	vmul.f32 v44, v40;
	v13 =	vmul.f32 v13, v40  }
0x7a: {  	v8 =	vld.idx.msk [tilespmem:v8+s13+$0x0], $0xffff;
	v47 =	vshll.u32 v19, $0x10;
	v19 =	vand.u32 $0xFFFF0000, v19;
	v18 =	vadd.f32 $0.0e+00, v18  }
0x7b: {  	v53 =	vld.idx.msk [tilespmem:v25+s3+$0x0], $0xffff;
	v48 =	vshll.u32 v11, $0x10;
	v11 =	vand.u32 $0xFFFF0000, v11;
	v23 =	vadd.f32 $0.0e+00, v23  }
0x7c: {  	v25 =	vld.idx.msk [tilespmem:v25+s13+$0x0], $0xffff;
	v28 =	vadd.f32 $0.0e+00, v28;
	v22 =	vmul.f32 v47, v21;
	v19 =	vmul.f32 v19, v21  }
0x7d: {  	v58 =	vld.idx.msk [tilespmem:v5+s3+$0x0], $0xffff;
	v13 =	vadd.f32 $0.0e+00, v13;
	v24 =	vmul.f32 v48, v21;
	v11 =	vmul.f32 v11, v21  }
0x7e: {  	v50 =	vshll.u32 v45, $0x10;
	v29 =	vand.u32 $0xFFFF0000, v45;
	v51 =	vshll.u32 v17, $0x10  }
0x7f: {  	v17 =	vand.u32 $0xFFFF0000, v17;
	v54 =	vshll.u32 v49, $0x10;
	v55 =	vand.u32 $0xFFFF0000, v49  }
0x80: {  	v5 =	vld.idx.msk [tilespmem:v5+s13+$0x0], $0xffff;
	v56 =	vshll.u32 v8, $0x10;
	v8 =	vand.u32 $0xFFFF0000, v8;
	v21 =	vmul.f32 v50, v42  }
0x81: {  	v17 =	vmul.f32 v17, v42;
	v57 =	vmul.f32 v54, v7;
	v59 =	vshll.u32 v25, $0x10  }
0x82: {  	v25 =	vand.u32 $0xFFFF0000, v25;
	v16 =	vshll.u32 v58, $0x10;
	v18 =	vadd.f32 v18, v22  }
0x83: {  	[tilespmem:s21+$0xA010] =	vst v15;
	v15 =	vand.u32 $0xFFFF0000, v58;
	v19 =	vadd.f32 v23, v19;
	v52 =	vadd.f32 v28, v24  }
0x84: {  	v11 =	vadd.f32 v13, v11;
	v13 =	vmul.f32 v29, v42;
	v22 =	vmul.f32 v51, v42  }
0x85: {  	v63 =	vshll.u32 v5, $0x10;
	v24 =	vand.u32 $0xFFFF0000, v53;
	v18 =	vadd.f32 v18, v21  }
0x86: {  	v61 =	vmul.f32 v25, v43;
	v13 =	vadd.f32 v19, v13;
	v19 =	vadd.f32 v52, v22  }
0x87: {  	v11 =	vadd.f32 v11, v17;
	v17 =	vmul.f32 v55, v7;
	v21 =	vmul.f32 v56, v7  }
0x88: {  	v60 =	vld.idx.msk [tilespmem:v4+s3+$0x0], $0xffff;
	v7 =	vmul.f32 v8, v7;
	v8 =	vshll.u32 v53, $0x10;
	v22 =	vmul.f32 v59, v43  }
0x89: {  	s31 =	sand.u32 $0x3, s22;
	v8 =	vmul.f32 v8, v43;
	v18 =	vadd.f32 v18, v57;
	v17 =	vadd.f32 v13, v17  }
0x8a: {  	s23 =	sshll.u32 s31, $0x5;
	v10 =	vld.idx.msk [tilespmem:v4+s13+$0x0], $0xffff;
	v19 =	vadd.f32 v21, v19;
	v11 =	vadd.f32 v7, v11;
	v7 =	vmul.f32 v24, v43  }
0x8b: {  	s24 =	sadd.s32 $0x0, s23;
	[tilespmem:s21+$0xA110] =	vst v14;
	v14 =	vmul.f32 v15, v62;
	v15 =	vmul.f32 v63, v62;
	v13 =	vadd.f32 v8, v18  }
0x8c: {  	s25 =	sadd.s32 $0x10, s24;
	[tilespmem:s21+$0xA090] =	vst v12;
	v7 =	vadd.f32 v7, v17;
	v8 =	vand.u32 $0xFFFF0000, v5;
	v12 =	vadd.f32 v22, v19  }
0x8d: {  	s23 =	simm.s32 $0x0;
	s25 =	sor.u32 $0x180, s25;
	v4 =	vld.idx.msk [tilespmem:v46+s3+$0x0], $0xffff;
	v11 =	vadd.f32 v61, v11;
	v17 =	vmul.f32 v16, v62;
	v16 =	vshll.u32 v60, $0x10  }
0x8e: {  	s26 =	sor.u32 $0x180, s24;
	s24 =	simm.s32 $0x80;
	[tilespmem:s25+$0xA000] =	vst v9;
	s25 =	simm.s32 $0x20;
	v5 =	vld.idx.msk [tilespmem:v46+s13+$0x0], $0xffff;
	v18 =	vand.u32 $0xFFFF0000, v60;
	v9 =	vmul.f32 v8, v62;
	v8 =	vmul.f32 v6, v20  }
.LBB2_3:
0x8f: {  	s28 =	sand.u32 $0x60, s25;
	s29 =	sand.u32 $0x1E00, s24;
	v13 =	vadd.f32 v17, v13;
	v17 =	vshll.u32 v10, $0x10;
	v10 =	vand.u32 $0xFFFF0000, v10  }
0x90: {  	v7 =	vadd.f32 v14, v7;
	v12 =	vadd.f32 v15, v12;
	s28 =	sor.u32 s28, s29;
	v14 =	vmul.f32 v16, v8  }
0x91: {  	v9 =	vadd.f32 v9, v11;
	v11 =	vmul.f32 v18, v8;
	v16 =	vmul.f32 v17, v8;
	v15 =	vld [tilespmem:s28+$0x8090]  }
0x92: {  	v3 =	vmul.f32 v6, v3;
	v6 =	vshll.u32 v4, $0x10;
	v8 =	vmul.f32 v10, v8;
	v17 =	vld [tilespmem:s28+$0x8110]  }
0x93: {  	v4 =	vand.u32 $0xFFFF0000, v4;
	v18 =	vshll.u32 v5, $0x10;
	v5 =	vand.u32 $0xFFFF0000, v5;
	v10 =	vld [tilespmem:s28+$0x8010]  }
0x94: {  	v6 =	vmul.f32 v6, v3;
	v13 =	vadd.f32 v14, v13;
	v7 =	vadd.f32 v11, v7;
	v19 =	vld [tilespmem:s28+$0x8080]  }
0x95: {  	v4 =	vmul.f32 v4, v3;
	v12 =	vadd.f32 v16, v12;
	v8 =	vadd.f32 v8, v9;
	v11 =	vld [tilespmem:s28+$0x8100]  }
0x96: {  	v6 =	vadd.f32 v6, v13;
	v13 =	vmul.f32 v18, v3;
	v3 =	vmul.f32 v5, v3;
	v9 =	vld [tilespmem:s28+$0x8000]  }
0x97: {  	v4 =	vadd.f32 v4, v7;
	v14 =	vmul.f32 v15, v0;
	v15 =	vmul.f32 v17, v0  }
0x98: {  	v5 =	vadd.f32 v13, v12;
	v3 =	vadd.f32 v3, v8;
	v16 =	vmul.f32 v10, v0;
	[tilespmem:s21+$0xA000] =	vst v6  }
0x99: {  	v6 =	vtrunc.f32 v14;
	v7 =	vtrunc.f32 v15;
	[tilespmem:s21+$0xA080] =	vst v4  }
0x9a: {  	v4 =	vcvt.f32.s32 v6;
	v10 =	vcvt.f32.s32 v7;
	[tilespmem:s21+$0xA100] =	vst v5;
	s21 =	smov.u32 s28  }
0x9b: {  	v6 =	vmul.f32 v19, v0;
	v5 =	vtrunc.f32 v16;
	[tilespmem:s26+$0xA000] =	vst v3  }
0x9c: {  	v13 =	vcvt.f32.s32 v5;
	v12 =	vmul.u32 $0x9E3779B1, v4;
	v17 =	vmul.u32 $0x30025795, v10  }
0x9d: {  	v7 =	vmul.f32 v11, v0;
	v3 =	vtrunc.f32 v6  }
0x9e: {  	v11 =	vcvt.f32.s32 v3;
	v18 =	vadd.s32 $0x1, v13;
	v8 =	vxor.u32 v12, v17  }
0x9f: {  	v3 =	vmul.f32 v9, v0;
	v5 =	vtrunc.f32 v7;
	v19 =	vxor.u32 v18, v8  }
0xa0: {  	v9 =	vcvt.f32.s32 v5;
	v5 =	vmul.u32 $0x9E3779B1, v11;
	v19 =	vand.u32 $0x3FFF, v19  }
0xa1: {  	v20 =	vadd.s32 $0x9E3779B1, v12;
	v21 =	vadd.s32 $0x30025795, v17;
	v22 =	vxor.u32 v13, v8  }
0xa2: {  	v8 =	vmul.u32 $0x30025795, v9;
	v23 =	vxor.u32 v20, v21;
	v22 =	vand.u32 $0x3FFF, v22  }
0xa3: {  	v25 =	vcvt.s32.f32 v4;
	v24 =	vtrunc.f32 v3;
	v26 =	vxor.u32 v18, v23  }
0xa4: {  	s23 =	sadd.s32 $0x2, s23;
	v10 =	vcvt.s32.f32 v10;
	v4 =	vcvt.f32.s32 v24;
	v24 =	vand.u32 $0x3FFF, v26  }
0xa5: {  	p1 =	slt.u32 s23, $0x7E;
	v14 =	vsub.f32 v14, v25;
	v23 =	vxor.u32 v13, v23;
	v26 =	vcvt.s32.f32 v13;
	v25 =	vld.idx.msk [tilespmem:v19+s3+$0x0], $0xffff  }
0xa6: {  	v15 =	vsub.f32 v15, v10;
	v12 =	vxor.u32 v12, v21;
	v21 =	vand.u32 $0x3FFF, v23;
	v19 =	vld.idx.msk [tilespmem:v19+s13+$0x0], $0xffff  }
0xa7: {  	v10 =	vcvt.s32.f32 v11;
	v11 =	vxor.u32 v18, v12;
	v16 =	vsub.f32 v16, v26;
	v23 =	vld.idx.msk [tilespmem:v22+s3+$0x0], $0xffff  }
0xa8: {  	v17 =	vxor.u32 v17, v20;
	v20 =	vand.u32 $0x3FFF, v11;
	v26 =	vmul.f32 v15, v14;
	v22 =	vld.idx.msk [tilespmem:v22+s13+$0x0], $0xffff  }
0xa9: {  	v28 =	vsub.f32 $1.000000000e+00, v14;
	v11 =	vxor.u32 v13, v12;
	v27 =	vsub.f32 $1.000000000e+00, v16;
	v29 =	vld.idx.msk [tilespmem:v24+s3+$0x0], $0xffff  }
0xaa: {  	v30 =	vsub.f32 $1.000000000e+00, v15;
	v31 =	vand.u32 $0x3FFF, v11;
	v11 =	vmul.f32 v26, v16;
	v24 =	vld.idx.msk [tilespmem:v24+s13+$0x0], $0xffff  }
0xab: {  	v18 =	vxor.u32 v18, v17;
	v15 =	vmul.f32 v15, v28;
	v12 =	vmul.f32 v26, v27;
	v26 =	vld.idx.msk [tilespmem:v21+s3+$0x0], $0xffff  }
0xac: {  	v18 =	vand.u32 $0x3FFF, v18;
	v28 =	vmul.f32 v30, v28;
	v14 =	vmul.f32 v30, v14;
	v21 =	vld.idx.msk [tilespmem:v21+s13+$0x0], $0xffff  }
0xad: {  	v13 =	vxor.u32 v13, v17;
	v17 =	vmul.f32 v15, v27;
	v15 =	vmul.f32 v15, v16;
	v30 =	vld.idx.msk [tilespmem:v20+s3+$0x0], $0xffff  }
0xae: {  	v13 =	vand.u32 $0x3FFF, v13;
	v32 =	vmul.f32 v14, v27;
	v14 =	vmul.f32 v14, v16;
	v20 =	vld.idx.msk [tilespmem:v20+s13+$0x0], $0xffff  }
0xaf: {  	v27 =	vmul.f32 v28, v27;
	v16 =	vmul.f32 v28, v16;
	v28 =	vshll.u32 v25, $0x10;
	v33 =	vld.idx.msk [tilespmem:v31+s3+$0x0], $0xffff  }
0xb0: {  	v25 =	vand.u32 $0xFFFF0000, v25;
	v34 =	vshll.u32 v19, $0x10;
	v19 =	vand.u32 $0xFFFF0000, v19;
	v31 =	vld.idx.msk [tilespmem:v31+s13+$0x0], $0xffff  }
0xb1: {  	v35 =	vshll.u32 v23, $0x10;
	v23 =	vand.u32 $0xFFFF0000, v23;
	v36 =	vshll.u32 v22, $0x10;
	v37 =	vld.idx.msk [tilespmem:v18+s3+$0x0], $0xffff  }
0xb2: {  	v22 =	vand.u32 $0xFFFF0000, v22;
	v38 =	vshll.u32 v29, $0x10;
	v29 =	vand.u32 $0xFFFF0000, v29  }
0xb3: {  	v40 =	vshll.u32 v24, $0x10;
	v24 =	vand.u32 $0xFFFF0000, v24;
	v39 =	vshll.u32 v26, $0x10;
	v18 =	vld.idx.msk [tilespmem:v18+s13+$0x0], $0xffff  }
0xb4: {  	v26 =	vand.u32 $0xFFFF0000, v26;
	v41 =	vshll.u32 v21, $0x10;
	v21 =	vand.u32 $0xFFFF0000, v21  }
0xb5: {  	v43 =	vshll.u32 v30, $0x10;
	v30 =	vand.u32 $0xFFFF0000, v30;
	v44 =	vshll.u32 v20, $0x10;
	v42 =	vld.idx.msk [tilespmem:v13+s3+$0x0], $0xffff  }
0xb6: {  	v20 =	vand.u32 $0xFFFF0000, v20;
	v45 =	vshll.u32 v33, $0x10;
	v33 =	vand.u32 $0xFFFF0000, v33  }
0xb7: {  	v47 =	vshll.u32 v31, $0x10;
	v31 =	vand.u32 $0xFFFF0000, v31;
	v46 =	vshll.u32 v37, $0x10;
	v13 =	vld.idx.msk [tilespmem:v13+s13+$0x0], $0xffff  }
0xb8: {  	v28 =	vmul.f32 v28, v16;
	v25 =	vmul.f32 v25, v16;
	v37 =	vand.u32 $0xFFFF0000, v37  }
0xb9: {  	v34 =	vmul.f32 v34, v16;
	v16 =	vmul.f32 v19, v16;
	v19 =	vshll.u32 v18, $0x10  }
0xba: {  	v35 =	vmul.f32 v35, v27;
	v23 =	vmul.f32 v23, v27;
	v18 =	vand.u32 $0xFFFF0000, v18  }
0xbb: {  	v36 =	vmul.f32 v36, v27;
	v22 =	vmul.f32 v22, v27;
	v27 =	vshll.u32 v42, $0x10  }
0xbc: {  	v38 =	vmul.f32 v38, v11;
	v29 =	vmul.f32 v29, v11;
	v42 =	vand.u32 $0xFFFF0000, v42  }
0xbd: {  	v39 =	vmul.f32 v39, v12;
	v26 =	vmul.f32 v26, v12;
	v48 =	vshll.u32 v13, $0x10  }
0xbe: {  	v43 =	vmul.f32 v43, v15;
	v30 =	vmul.f32 v30, v15;
	v13 =	vand.u32 $0xFFFF0000, v13  }
0xbf: {  	v35 =	vadd.f32 $0.0e+00, v35;
	v45 =	vmul.f32 v45, v17;
	v33 =	vmul.f32 v33, v17  }
0xc0: {  	v23 =	vadd.f32 $0.0e+00, v23;
	v46 =	vmul.f32 v46, v14;
	v37 =	vmul.f32 v37, v14  }
0xc1: {  	v36 =	vadd.f32 $0.0e+00, v36;
	v28 =	vadd.f32 v35, v28;
	v27 =	vmul.f32 v27, v32  }
0xc2: {  	v22 =	vadd.f32 $0.0e+00, v22;
	v23 =	vadd.f32 v23, v25;
	v25 =	vmul.f32 v42, v32  }
0xc3: {  	v34 =	vadd.f32 v36, v34;
	v27 =	vadd.f32 v28, v27;
	v28 =	vmul.f32 v48, v32  }
0xc4: {  	v16 =	vadd.f32 v22, v16;
	v22 =	vadd.f32 v23, v25;
	v13 =	vmul.f32 v13, v32  }
0xc5: {  	v19 =	vmul.f32 v19, v14;
	v23 =	vadd.f32 v34, v28;
	v25 =	vadd.f32 v27, v46  }
0xc6: {  	v14 =	vmul.f32 v18, v14;
	v13 =	vadd.f32 v16, v13;
	v16 =	vadd.f32 v22, v37  }
0xc7: {  	v22 =	vmul.f32 v47, v17;
	v18 =	vadd.f32 v19, v23;
	v19 =	vadd.f32 v45, v25  }
0xc8: {  	v13 =	vadd.f32 v14, v13;
	v14 =	vadd.f32 v33, v16;
	v16 =	vmul.f32 v31, v17  }
0xc9: {  	v17 =	vadd.f32 v22, v18;
	v18 =	vadd.f32 v43, v19;
	v19 =	vmul.f32 v44, v15  }
0xca: {  	v13 =	vadd.f32 v16, v13;
	v14 =	vadd.f32 v30, v14;
	v15 =	vmul.f32 v20, v15  }
0xcb: {  	v16 =	vadd.f32 v19, v17;
	v17 =	vadd.f32 v39, v18;
	v18 =	vmul.f32 v41, v12  }
0xcc: {  	s22 =	sadd.s32 $0x1, s22;
	v13 =	vadd.f32 v15, v13;
	v14 =	vadd.f32 v26, v14;
	v12 =	vmul.f32 v21, v12  }
0xcd: {  	s26 =	sand.u32 $0x3, s22;
	v15 =	vadd.f32 v18, v16;
	v16 =	vadd.f32 v38, v17;
	v17 =	vmul.f32 v40, v11  }
0xce: {  	s26 =	sshll.u32 s26, $0x5;
	v12 =	vadd.f32 v12, v13;
	v13 =	vadd.f32 v29, v14;
	v11 =	vmul.f32 v24, v11  }
0xcf: {  	s28 =	sadd.s32 s26, s24;
	v9 =	vcvt.s32.f32 v9;
	v14 =	vxor.u32 v5, v8;
	v15 =	vadd.f32 v17, v15;
	[tilespmem:s21+$0xA010] =	vst v16  }
0xd0: {  	s26 =	sor.u32 $0x180, s28;
	s28 =	sadd.s32 $0x10, s28;
	v6 =	vsub.f32 v6, v10;
	v10 =	vxor.u32 v4, v14;
	v11 =	vadd.f32 v11, v12;
	[tilespmem:s21+$0xA090] =	vst v13  }
0xd1: {  	s28 =	sor.u32 $0x180, s28;
	v7 =	vsub.f32 v7, v9;
	v12 =	vcvt.s32.f32 v4;
	v9 =	vand.u32 $0x3FFF, v10;
	[tilespmem:s21+$0xA110] =	vst v15  }
0xd2: {  	v10 =	vsub.f32 $1.000000000e+00, v6;
	v13 =	vadd.s32 $0x1, v4;
	v15 =	vadd.s32 $0x9E3779B1, v5;
	[tilespmem:s28+$0xA000] =	vst v11  }
0xd3: {  	v3 =	vsub.f32 v3, v12;
	v12 =	vxor.u32 v13, v14;
	v11 =	vsub.f32 $1.000000000e+00, v7  }
0xd4: {  	v14 =	vadd.s32 $0x30025795, v8;
	v12 =	vand.u32 $0x3FFF, v12;
	v16 =	vxor.u32 v8, v15  }
0xd5: {  	v8 =	vsub.f32 $1.000000000e+00, v3;
	v18 =	vxor.u32 v4, v16;
	v17 =	vmul.f32 v11, v10  }
0xd6: {  	v5 =	vxor.u32 v5, v14;
	v16 =	vxor.u32 v13, v16;
	v18 =	vand.u32 $0x3FFF, v18;
	v19 =	vld.idx.msk [tilespmem:v9+s3+$0x0], $0xffff  }
0xd7: {  	v21 =	vxor.u32 v4, v5;
	v16 =	vand.u32 $0x3FFF, v16;
	v20 =	vmul.f32 v17, v8;
	v9 =	vld.idx.msk [tilespmem:v9+s13+$0x0], $0xffff  }
0xd8: {  	v11 =	vmul.f32 v11, v6;
	v21 =	vand.u32 $0x3FFF, v21;
	v17 =	vmul.f32 v17, v3  }
0xd9: {  	v23 =	vmul.f32 v7, v10;
	v5 =	vxor.u32 v13, v5;
	v10 =	vxor.u32 v15, v14;
	v22 =	vld.idx.msk [tilespmem:v12+s3+$0x0], $0xffff  }
0xda: {  	v5 =	vand.u32 $0x3FFF, v5;
	v4 =	vxor.u32 v4, v10;
	v14 =	vmul.f32 v11, v8;
	v12 =	vld.idx.msk [tilespmem:v12+s13+$0x0], $0xffff  }
0xdb: {  	v10 =	vxor.u32 v13, v10;
	v11 =	vmul.f32 v11, v3;
	v4 =	vand.u32 $0x3FFF, v4;
	v15 =	vld.idx.msk [tilespmem:v18+s3+$0x0], $0xffff  }
0xdc: {  	v24 =	vmul.f32 v23, v8;
	v13 =	vshll.u32 v19, $0x10;
	v19 =	vand.u32 $0xFFFF0000, v19;
	v18 =	vld.idx.msk [tilespmem:v18+s13+$0x0], $0xffff  }
0xdd: {  	v25 =	vshll.u32 v9, $0x10;
	v9 =	vand.u32 $0xFFFF0000, v9;
	v13 =	vmul.f32 v13, v20;
	v26 =	vld.idx.msk [tilespmem:v16+s3+$0x0], $0xffff  }
0xde: {  	v27 =	vand.u32 $0x3FFF, v10;
	v19 =	vmul.f32 v19, v20;
	v25 =	vmul.f32 v25, v20;
	v16 =	vld.idx.msk [tilespmem:v16+s13+$0x0], $0xffff  }
0xdf: {  	v9 =	vmul.f32 v9, v20;
	v10 =	vshll.u32 v22, $0x10;
	v20 =	vand.u32 $0xFFFF0000, v22;
	v22 =	vld.idx.msk [tilespmem:v21+s3+$0x0], $0xffff  }
0xe0: {  	v13 =	vadd.f32 $0.0e+00, v13;
	v28 =	vshll.u32 v12, $0x10;
	v12 =	vand.u32 $0xFFFF0000, v12;
	v21 =	vld.idx.msk [tilespmem:v21+s13+$0x0], $0xffff  }
0xe1: {  	v19 =	vadd.f32 $0.0e+00, v19;
	v25 =	vadd.f32 $0.0e+00, v25;
	v10 =	vmul.f32 v10, v17;
	v29 =	vld.idx.msk [tilespmem:v5+s3+$0x0], $0xffff  }
0xe2: {  	v9 =	vadd.f32 $0.0e+00, v9;
	v20 =	vmul.f32 v20, v17;
	v28 =	vmul.f32 v28, v17;
	v30 =	vld.idx.msk [tilespmem:v5+s13+$0x0], $0xffff  }
0xe3: {  	v5 =	vmul.f32 v12, v17;
	v12 =	vshll.u32 v15, $0x10;
	v15 =	vand.u32 $0xFFFF0000, v15;
	v31 =	vld.idx.msk [tilespmem:v4+s3+$0x0], $0xffff  }
0xe4: {  	v13 =	vadd.f32 v13, v10;
	v17 =	vshll.u32 v18, $0x10;
	v18 =	vand.u32 $0xFFFF0000, v18;
	v10 =	vld.idx.msk [tilespmem:v4+s13+$0x0], $0xffff  }
0xe5: {  	v19 =	vadd.f32 v19, v20;
	v20 =	vadd.f32 v25, v28;
	v12 =	vmul.f32 v12, v14;
	v4 =	vld.idx.msk [tilespmem:v27+s3+$0x0], $0xffff  }
0xe6: {  	v15 =	vmul.f32 v15, v14;
	v17 =	vmul.f32 v17, v14;
	v9 =	vadd.f32 v9, v5;
	v5 =	vld.idx.msk [tilespmem:v27+s13+$0x0], $0xffff  }
0xe7: {  	v25 =	vand.u32 $0xFFFF0000, v26;
	v14 =	vmul.f32 v18, v14;
	v18 =	vshll.u32 v26, $0x10  }
0xe8: {  	v12 =	vadd.f32 v13, v12;
	v13 =	vshll.u32 v16, $0x10;
	v16 =	vand.u32 $0xFFFF0000, v16  }
0xe9: {  	v18 =	vmul.f32 v18, v11;
	v15 =	vadd.f32 v19, v15;
	v17 =	vadd.f32 v20, v17  }
0xea: {  	v9 =	vadd.f32 v9, v14;
	v14 =	vmul.f32 v25, v11;
	v13 =	vmul.f32 v13, v11  }
0xeb: {  	v19 =	vand.u32 $0xFFFF0000, v22;
	v11 =	vmul.f32 v16, v11;
	v16 =	vshll.u32 v22, $0x10  }
0xec: {  	v20 =	vand.u32 $0xFFFF0000, v21;
	v12 =	vadd.f32 v12, v18;
	v18 =	vshll.u32 v21, $0x10  }
0xed: {  	v14 =	vadd.f32 v15, v14;
	v15 =	vadd.f32 v13, v17;
	v13 =	vmul.f32 v16, v24  }
0xee: {  	v9 =	vadd.f32 v11, v9;
	v11 =	vmul.f32 v19, v24;
	v16 =	vmul.f32 v18, v24  }
0xef: {  	v17 =	vmul.f32 v20, v24;
	v18 =	vmul.f32 v23, v3;
	v19 =	vshll.u32 v29, $0x10  }
.Ltmp3:
0xf0: {  	v6 =	vmul.f32 v7, v6;
	v21 =	vshll.u32 v30, $0x10;
	v20 =	vand.u32 $0xFFFF0000, v29;
	(pc) =	sbr.rel @p1 .LBB2_3-.Ltmp3, $4  }
0xf1: {  	v22 =	vand.u32 $0xFFFF0000, v30;
	v13 =	vadd.f32 v13, v12;
	v7 =	vadd.f32 v11, v14  }
0xf2: {  	v12 =	vadd.f32 v16, v15;
	v11 =	vadd.f32 v17, v9;
	v17 =	vmul.f32 v19, v18  }
0xf3: {  	v14 =	vmul.f32 v20, v18;
	v15 =	vmul.f32 v21, v18;
	v16 =	vshll.u32 v31, $0x10  }
0xf4: {  	s25 =	sadd.s32 $0x20, s25;
	s24 =	sadd.s32 $0x80, s24;
	v8 =	vmul.f32 v6, v8;
	v9 =	vmul.f32 v22, v18;
	v18 =	vand.u32 $0xFFFF0000, v31  }
0xf5: {  	v13 =	vadd.f32 v17, v13  }
0xf6: {  	v53 =	vshll.u32 v10, $0x10;
	v54 =	vand.u32 $0xFFFF0000, v10;
	v7 =	vadd.f32 v14, v7  }
0xf7: {  	v12 =	vadd.f32 v15, v12;
	v3 =	vmul.f32 v6, v3;
	v59 =	vshll.u32 v4, $0x10  }
0xf8: {  	v60 =	vand.u32 $0xFFFF0000, v4;
	v61 =	vshll.u32 v5, $0x10;
	v55 =	vmul.f32 v16, v8  }
0xf9: {  	v62 =	vand.u32 $0xFFFF0000, v5;
	v56 =	vmul.f32 v18, v8;
	v57 =	vmul.f32 v53, v8  }
0xfa: {  	v58 =	vmul.f32 v54, v8;
	v8 =	vmul.f32 v59, v3;
	v13 =	vadd.f32 v55, v13  }
0xfb: {  	v9 =	vadd.f32 v9, v11;
	v4 =	vmul.f32 v60, v3;
	v7 =	vadd.f32 v56, v7  }
0xfc: {  	v10 =	vmul.f32 v61, v3;
	v11 =	vadd.f32 v57, v12;
	v8 =	vadd.f32 v8, v13  }
0xfd: {  	v3 =	vmul.f32 v62, v3;
	v6 =	vadd.f32 v58, v9;
	v4 =	vadd.f32 v4, v7  }
0xfe: {  	v63 =	vadd.f32 v10, v11;
	[tilespmem:s21+$0xA000] =	vst v8  }
0xff: {  	v3 =	vadd.f32 v3, v6;
	[tilespmem:s21+$0xA080] =	vst v4  }
0x100: {  	s19 =	sadd.s32 $0x1, s19;
	[tilespmem:s21+$0xA100] =	vst v63  }
0x101: {  	s20 =	sadd.s32 s20, s8;
	p1 =	seq.s32 s19, $0x40;
	[tilespmem:s26+$0xA000] =	vst v3  }
0x102: {  	[hbm4b:s20+s15] =	stream.strided.scatter [tilespmem:s17], [sflag:$0x1], $0x2000, s16, s15, $0x38;
	[tilespmem:$0xC000] =	vst v63  }
.Ltmp4:
0x103: {  	_ = 	snop;
	(pc) =	sbr.rel @!p1 .LBB2_2-.Ltmp4, $4  }
.Ltmp5:
0x104: {  	_ = 	snop;
	(pc) =	sbr.rel @p1 .LBB2_8-.Ltmp5, $4  }
0x105: {  	_ =	swait.ge [sflag:s12], $0x2000  }
0x106: {  	[sflag:s12] =	ssyncset.done $0x0  }
0x107: {  	[sflag:s12] =	ssyncadd.s32 $0xFFFFE000  }
0x108: {  	_ = 	snop  }
.LBB2_5:
0x109: {  	s19 =	sshll.u32 s20, $0xB  }
0x10a: {  	s19 =	sadd.s32 s6, s19  }
0x10b: {  	s21 =	sshrl.u32 s19, $0x1  }
0x10c: {  	s22 =	simm.s32 $0x0;
	s21 =	sadd.s32 s2, s21  }
0x10d: {  	[tilespmem:s14], [sflag:$0x1] =	stream.linear.gather [hbm4b:s21+s22], $0x2000, $0x38;
	[tilespmem:$0xC000] =	vst v63  }
0x10e: {  	_ =	swait.ge [sflag:s12], $0x2000  }
0x10f: {  	s30 =	sand.u32 $0x60, s22;
	s23 =	sand.u32 $0x1E00, s22;
	[sflag:s12] =	ssyncset.done $0x0  }
0x110: {  	s21 =	sor.u32 s30, s23;
	[sflag:s12] =	ssyncadd.s32 $0xFFFFE000  }
0x111: {  	v3 =	vld [tilespmem:s21+$0x8090]  }
0x112: {  	v4 =	vld [tilespmem:s21+$0x8110]  }
0x113: {  	v5 =	vld [tilespmem:s21+$0x8010];
	_ =	sdelay $0x2  }
0x114: {  	v6 =	vld [tilespmem:s21+$0x8080]  }
0x115: {  	v11 =	vmul.f32 v3, v0;
	v12 =	vmul.f32 v4, v0  }
0x116: {  	v4 =	vld [tilespmem:s21+$0x8100];
	v13 =	vmul.f32 v5, v0  }
0x117: {  	v5 =	vld [tilespmem:s21+$0x8000];
	v3 =	vtrunc.f32 v11;
	v7 =	vtrunc.f32 v12  }
0x118: {  	v10 =	vcvt.f32.s32 v3;
	v14 =	vcvt.f32.s32 v7  }
0x119: {  	v3 =	vmul.f32 v6, v0;
	v6 =	vtrunc.f32 v13  }
0x11a: {  	v15 =	vcvt.f32.s32 v6;
	v16 =	vmul.u32 v10, v1  }
0x11b: {  	v17 =	vmul.u32 v14, v2;
	v7 =	vmul.f32 v4, v0;
	v6 =	vtrunc.f32 v3  }
0x11c: {  	v4 =	vmul.f32 v5, v0;
	v8 =	vadd.s32 $0x1, v10;
	v9 =	vadd.s32 $0x1, v14  }
0x11d: {  	v24 =	vcvt.s32.f32 v10;
	v14 =	vcvt.s32.f32 v14;
	v18 =	vadd.s32 $0x1, v15  }
0x11e: {  	v21 =	vmul.u32 v1, v8;
	v22 =	vmul.u32 v2, v9;
	v9 =	vcvt.f32.s32 v6  }
0x11f: {  	v26 =	vcvt.s32.f32 v15;
	v5 =	vadd.s32 v16, v17;
	v20 =	vtrunc.f32 v7  }
0x120: {  	v6 =	vtrunc.f32 v4;
	v24 =	vsub.f32 v11, v24;
	v14 =	vsub.f32 v12, v14  }
0x121: {  	v19 =	vadd.s32 v18, v5;
	v8 =	vcvt.f32.s32 v20;
	v20 =	vadd.s32 v15, v5  }
0x122: {  	v23 =	vadd.s32 v21, v22;
	v5 =	vmul.u32 v9, v1;
	v6 =	vcvt.f32.s32 v6  }
0x123: {  	v13 =	vsub.f32 v13, v26;
	v16 =	vadd.s32 v16, v22;
	v11 =	vcvt.s32.f32 v9  }
0x124: {  	v17 =	vadd.s32 v17, v21;
	v9 =	vadd.s32 $0x1, v9;
	v25 =	vadd.s32 v18, v23  }
0x125: {  	v23 =	vadd.s32 v15, v23;
	v56 =	vadd.s32 v18, v16;
	v28 =	vmul.f32 v14, v24  }
0x126: {  	v30 =	vsub.f32 $1.000000000e+00, v24;
	v32 =	vsub.f32 $1.000000000e+00, v14;
	v16 =	vadd.s32 v15, v16;
	v27 =	vld.idx.msk [tilespmem:v19+s3+$0x0], $0xffff  }
0x127: {  	v18 =	vadd.s32 v18, v17;
	v15 =	vadd.s32 v15, v17;
	v9 =	vmul.u32 v1, v9;
	v19 =	vld.idx.msk [tilespmem:v19+s13+$0x0], $0xffff  }
0x128: {  	v10 =	vmul.u32 v8, v2;
	v12 =	vcvt.s32.f32 v8;
	v29 =	vsub.f32 $1.000000000e+00, v13;
	v55 =	vld.idx.msk [tilespmem:v20+s3+$0x0], $0xffff  }
0x129: {  	v11 =	vsub.f32 v3, v11;
	v33 =	vmul.f32 v28, v13;
	v14 =	vmul.f32 v14, v30;
	v20 =	vld.idx.msk [tilespmem:v20+s13+$0x0], $0xffff  }
0x12a: {  	v8 =	vadd.s32 $0x1, v8;
	v30 =	vmul.f32 v32, v30;
	v24 =	vmul.f32 v32, v24;
	v31 =	vld.idx.msk [tilespmem:v25+s3+$0x0], $0xffff  }
0x12b: {  	v8 =	vmul.u32 v2, v8;
	v57 =	vmul.f32 v28, v29;
	v59 =	vadd.s32 v5, v10;
	v25 =	vld.idx.msk [tilespmem:v25+s13+$0x0], $0xffff  }
0x12c: {  	v7 =	vsub.f32 v7, v12;
	v34 =	vmul.f32 v14, v29;
	v14 =	vmul.f32 v14, v13;
	v58 =	vld.idx.msk [tilespmem:v23+s3+$0x0], $0xffff  }
0x12d: {  	v10 =	vadd.s32 v10, v9;
	v17 =	vmul.f32 v24, v29;
	v24 =	vmul.f32 v24, v13;
	v23 =	vld.idx.msk [tilespmem:v23+s13+$0x0], $0xffff  }
0x12e: {  	v29 =	vmul.f32 v30, v29;
	v13 =	vmul.f32 v30, v13;
	v5 =	vadd.s32 v5, v8;
	v35 =	vld.idx.msk [tilespmem:v56+s3+$0x0], $0xffff  }
0x12f: {  	v12 =	vadd.s32 v6, v59;
	v8 =	vadd.s32 v9, v8;
	v26 =	vld.idx.msk [tilespmem:v56+s13+$0x0], $0xffff;
	v9 =	vadd.s32 v6, v5  }
0x130: {  	v36 =	vld.idx.msk [tilespmem:v16+s3+$0x0], $0xffff;
	v60 =	vshll.u32 v27, $0x10;
	v27 =	vand.u32 $0xFFFF0000, v27;
	v37 =	vshll.u32 v19, $0x10  }
0x131: {  	v16 =	vld.idx.msk [tilespmem:v16+s13+$0x0], $0xffff;
	v19 =	vand.u32 $0xFFFF0000, v19;
	v38 =	vshll.u32 v55, $0x10;
	v22 =	vand.u32 $0xFFFF0000, v55  }
0x132: {  	v40 =	vld.idx.msk [tilespmem:v18+s3+$0x0], $0xffff;
	v39 =	vshll.u32 v20, $0x10;
	v20 =	vand.u32 $0xFFFF0000, v20;
	v41 =	vshll.u32 v31, $0x10  }
0x133: {  	v31 =	vand.u32 $0xFFFF0000, v31;
	v42 =	vshll.u32 v58, $0x10;
	v43 =	vshll.u32 v25, $0x10  }
0x134: {  	v25 =	vand.u32 $0xFFFF0000, v25;
	v28 =	vand.u32 $0xFFFF0000, v58;
	v44 =	vshll.u32 v23, $0x10  }
0x135: {  	v18 =	vld.idx.msk [tilespmem:v18+s13+$0x0], $0xffff;
	v23 =	vand.u32 $0xFFFF0000, v23;
	v45 =	vshll.u32 v35, $0x10;
	v35 =	vand.u32 $0xFFFF0000, v35  }
0x136: {  	v46 =	vshll.u32 v26, $0x10;
	v48 =	vshll.u32 v36, $0x10;
	v36 =	vand.u32 $0xFFFF0000, v36  }
0x137: {  	v47 =	vld.idx.msk [tilespmem:v15+s3+$0x0], $0xffff;
	v26 =	vand.u32 $0xFFFF0000, v26;
	v49 =	vshll.u32 v40, $0x10;
	v50 =	vshll.u32 v16, $0x10  }
0x138: {  	v16 =	vand.u32 $0xFFFF0000, v16;
	v30 =	vmul.f32 v60, v13;
	v27 =	vmul.f32 v27, v13  }
0x139: {  	v15 =	vld.idx.msk [tilespmem:v15+s13+$0x0], $0xffff;
	v40 =	vand.u32 $0xFFFF0000, v40;
	v37 =	vmul.f32 v37, v13;
	v13 =	vmul.f32 v19, v13  }
0x13a: {  	v19 =	vshll.u32 v18, $0x10;
	v38 =	vmul.f32 v38, v29;
	v22 =	vmul.f32 v22, v29  }
0x13b: {  	v18 =	vand.u32 $0xFFFF0000, v18;
	v39 =	vmul.f32 v39, v29;
	v20 =	vmul.f32 v20, v29  }
0x13c: {  	v61 =	vshll.u32 v47, $0x10;
	v41 =	vmul.f32 v41, v33;
	v31 =	vmul.f32 v31, v33  }
0x13d: {  	v47 =	vand.u32 $0xFFFF0000, v47;
	v42 =	vmul.f32 v42, v57;
	v28 =	vmul.f32 v28, v57  }
0x13e: {  	v51 =	vshll.u32 v15, $0x10;
	v45 =	vmul.f32 v45, v14;
	v35 =	vmul.f32 v35, v14  }
0x13f: {  	v15 =	vand.u32 $0xFFFF0000, v15;
	v48 =	vmul.f32 v48, v34;
	v36 =	vmul.f32 v36, v34  }
0x140: {  	v49 =	vmul.f32 v49, v24;
	v40 =	vmul.f32 v40, v24;
	v38 =	vadd.f32 $0.0e+00, v38  }
0x141: {  	v29 =	vmul.f32 v61, v17;
	v62 =	vmul.f32 v47, v17;
	v22 =	vadd.f32 $0.0e+00, v22  }
0x142: {  	v55 =	vld.idx.msk [tilespmem:v9+s3+$0x0], $0xffff;
	v63 =	vmul.f32 v51, v17;
	v39 =	vadd.f32 $0.0e+00, v39;
	v30 =	vadd.f32 v38, v30  }
0x143: {  	v15 =	vmul.f32 v15, v17;
	v20 =	vadd.f32 $0.0e+00, v20;
	v22 =	vadd.f32 v22, v27  }
0x144: {  	v9 =	vld.idx.msk [tilespmem:v9+s13+$0x0], $0xffff;
	v19 =	vmul.f32 v19, v24;
	v37 =	vadd.f32 v39, v37;
	v29 =	vadd.f32 v30, v29  }
0x145: {  	v18 =	vmul.f32 v18, v24;
	v13 =	vadd.f32 v20, v13;
	v20 =	vadd.f32 v22, v62  }
0x146: {  	v16 =	vmul.f32 v16, v34;
	v17 =	vadd.f32 v37, v63;
	v38 =	vadd.f32 v29, v49  }
0x147: {  	v60 =	vand.u32 $0xFFFF0000, v55;
	v13 =	vadd.f32 v13, v15;
	v15 =	vadd.f32 v20, v40  }
0x148: {  	v17 =	vadd.f32 v19, v17;
	v20 =	vmul.f32 v50, v34;
	v19 =	vadd.f32 v48, v38  }
0x149: {  	v61 =	vshll.u32 v9, $0x10;
	v13 =	vadd.f32 v18, v13;
	v15 =	vadd.f32 v36, v15  }
0x14a: {  	v17 =	vadd.f32 v20, v17;
	v18 =	vadd.f32 v45, v19;
	v19 =	vmul.f32 v46, v14  }
0x14b: {  	v13 =	vadd.f32 v16, v13;
	v15 =	vadd.f32 v35, v15;
	v14 =	vmul.f32 v26, v14  }
0x14c: {  	v16 =	vadd.f32 v19, v17;
	v17 =	vadd.f32 v42, v18;
	v18 =	vmul.f32 v44, v57  }
0x14d: {  	v13 =	vadd.f32 v14, v13;
	v14 =	vadd.f32 v28, v15;
	v15 =	vmul.f32 v23, v57  }
0x14e: {  	v19 =	vcvt.s32.f32 v6;
	v16 =	vadd.f32 v18, v16;
	v17 =	vadd.f32 v41, v17  }
0x14f: {  	v18 =	vmul.f32 v43, v33;
	v13 =	vadd.f32 v15, v13;
	v15 =	vmul.f32 v25, v33  }
0x150: {  	v40 =	vld.idx.msk [tilespmem:v12+s3+$0x0], $0xffff;
	v3 =	vsub.f32 v4, v19;
	v4 =	vadd.s32 $0x1, v6;
	v41 =	vadd.s32 v6, v10  }
0x151: {  	v12 =	vld.idx.msk [tilespmem:v12+s13+$0x0], $0xffff;
	v6 =	vadd.s32 v6, v8;
	v16 =	vadd.f32 v18, v16;
	v18 =	vadd.f32 v15, v13  }
0x152: {  	v19 =	vadd.s32 v4, v59;
	v13 =	vsub.f32 $1.000000000e+00, v11;
	v15 =	vsub.f32 $1.000000000e+00, v7  }
0x153: {  	v10 =	vadd.s32 v4, v10;
	v5 =	vadd.s32 v4, v5;
	v45 =	vadd.s32 v4, v8  }
0x154: {  	v4 =	vmul.f32 v7, v11;
	v20 =	vsub.f32 $1.000000000e+00, v3;
	v39 =	vmul.f32 v15, v13  }
0x155: {  	v8 =	vshll.u32 v40, $0x10;
	v13 =	vmul.f32 v7, v13;
	v15 =	vmul.f32 v15, v11  }
0x156: {  	v7 =	vshll.u32 v12, $0x10;
	v11 =	vld.idx.msk [tilespmem:v41+s3+$0x0], $0xffff;
	v42 =	vmul.f32 v39, v20;
	v21 =	vmul.f32 v39, v3  }
0x157: {  	v48 =	vld.idx.msk [tilespmem:v41+s13+$0x0], $0xffff;
	v46 =	vmul.f32 v13, v20;
	v47 =	vmul.f32 v13, v3;
	v13 =	vand.u32 $0xFFFF0000, v40  }
0x158: {  	v12 =	vand.u32 $0xFFFF0000, v12;
	v43 =	vld.idx.msk [tilespmem:v19+s3+$0x0], $0xffff;
	v8 =	vmul.f32 v8, v42;
	v13 =	vmul.f32 v13, v42  }
0x159: {  	v9 =	vand.u32 $0xFFFF0000, v9;
	v19 =	vld.idx.msk [tilespmem:v19+s13+$0x0], $0xffff;
	v7 =	vmul.f32 v7, v42;
	v12 =	vmul.f32 v12, v42  }
0x15a: {  	v44 =	vmul.f32 v15, v20;
	v52 =	vld.idx.msk [tilespmem:v10+s3+$0x0], $0xffff;
	v8 =	vadd.f32 $0.0e+00, v8;
	v13 =	vadd.f32 $0.0e+00, v13  }
0x15b: {  	v15 =	vmul.f32 v15, v3;
	v10 =	vld.idx.msk [tilespmem:v10+s13+$0x0], $0xffff;
	v7 =	vadd.f32 $0.0e+00, v7;
	v12 =	vadd.f32 $0.0e+00, v12  }
0x15c: {  	v53 =	vshll.u32 v11, $0x10;
	v11 =	vand.u32 $0xFFFF0000, v11;
	v54 =	vshll.u32 v48, $0x10  }
0x15d: {  	v22 =	vand.u32 $0xFFFF0000, v48;
	v49 =	vshll.u32 v43, $0x10;
	v50 =	vand.u32 $0xFFFF0000, v43  }
0x15e: {  	v51 =	vshll.u32 v19, $0x10;
	v19 =	vand.u32 $0xFFFF0000, v19;
	v11 =	vmul.f32 v11, v44  }
0x15f: {  	v22 =	vmul.f32 v22, v44;
	v56 =	vshll.u32 v52, $0x10;
	v57 =	vand.u32 $0xFFFF0000, v52  }
0x160: {  	v58 =	vshll.u32 v10, $0x10;
	v23 =	vmul.f32 v49, v21;
	v24 =	vmul.f32 v50, v21  }
0x161: {  	v10 =	vand.u32 $0xFFFF0000, v10;
	v25 =	vmul.f32 v51, v21;
	v19 =	vmul.f32 v19, v21  }
0x162: {  	v21 =	vmul.f32 v53, v44;
	v8 =	vadd.f32 v8, v23;
	v13 =	vadd.f32 v13, v24  }
0x163: {  	v7 =	vadd.f32 v7, v25;
	v12 =	vadd.f32 v12, v19;
	v19 =	vmul.f32 v54, v44  }
0x164: {  	v59 =	vmul.f32 v57, v15;
	v10 =	vmul.f32 v10, v15;
	v8 =	vadd.f32 v8, v21  }
0x165: {  	v11 =	vadd.f32 v13, v11;
	v7 =	vadd.f32 v7, v19;
	v13 =	vmul.f32 v56, v15  }
0x166: {  	v19 =	vld.idx.msk [tilespmem:v5+s3+$0x0], $0xffff;
	v12 =	vadd.f32 v12, v22;
	v21 =	vmul.f32 v58, v15;
	v15 =	vshll.u32 v55, $0x10  }
0x167: {  	v14 =	vadd.f32 v31, v14;
	v5 =	vld.idx.msk [tilespmem:v5+s13+$0x0], $0xffff;
	v15 =	vmul.f32 v15, v46;
	v13 =	vadd.f32 v8, v13  }
0x168: {  	[tilespmem:s21+$0xA010] =	vst v17;
	v11 =	vadd.f32 v11, v59;
	v17 =	vadd.f32 v10, v12;
	v12 =	vmul.f32 v60, v46  }
0x169: {  	s31 =	sand.u32 $0x3, s22;
	v62 =	vmul.f32 v61, v46;
	v63 =	vmul.f32 v9, v46;
	v7 =	vadd.f32 v21, v7;
	v8 =	vld.idx.msk [tilespmem:v6+s3+$0x0], $0xffff  }
0x16a: {  	s23 =	sshll.u32 s31, $0x5;
	v9 =	vld.idx.msk [tilespmem:v6+s13+$0x0], $0xffff;
	v10 =	vadd.f32 v15, v13;
	v12 =	vadd.f32 v12, v11  }
0x16b: {  	s24 =	sadd.s32 $0x0, s23;
	[tilespmem:s21+$0xA090] =	vst v14;
	v11 =	vadd.f32 v62, v7;
	v13 =	vadd.f32 v63, v17;
	v14 =	vshll.u32 v19, $0x10  }
0x16c: {  	s25 =	sadd.s32 $0x10, s24;
	v19 =	vand.u32 $0xFFFF0000, v19;
	v15 =	vshll.u32 v5, $0x10;
	v14 =	vmul.f32 v14, v47  }
0x16d: {  	s23 =	simm.s32 $0x0;
	s25 =	sor.u32 $0x180, s25;
	[tilespmem:s21+$0xA110] =	vst v16;
	v6 =	vld.idx.msk [tilespmem:v45+s3+$0x0], $0xffff;
	v5 =	vand.u32 $0xFFFF0000, v5;
	v17 =	vmul.f32 v19, v47;
	v15 =	vmul.f32 v15, v47  }
0x16e: {  	s26 =	sor.u32 $0x180, s24;
	s24 =	simm.s32 $0x80;
	[tilespmem:s25+$0xA000] =	vst v18;
	s25 =	simm.s32 $0x20;
	v7 =	vld.idx.msk [tilespmem:v45+s13+$0x0], $0xffff;
	v16 =	vmul.f32 v5, v47;
	v5 =	vmul.f32 v4, v20;
	v18 =	vshll.u32 v8, $0x10  }
.LBB2_6:
0x16f: {  	s28 =	sand.u32 $0x60, s25;
	s29 =	sand.u32 $0x1E00, s24;
	v8 =	vand.u32 $0xFFFF0000, v8;
	v19 =	vshll.u32 v9, $0x10;
	v9 =	vand.u32 $0xFFFF0000, v9  }
0x170: {  	v10 =	vadd.f32 v14, v10;
	v12 =	vadd.f32 v17, v12;
	s28 =	sor.u32 s28, s29;
	v14 =	vmul.f32 v18, v5  }
0x171: {  	v11 =	vadd.f32 v15, v11;
	v13 =	vadd.f32 v16, v13;
	v8 =	vmul.f32 v8, v5;
	v17 =	vld [tilespmem:s28+$0x8090]  }
0x172: {  	v16 =	vmul.f32 v19, v5;
	v5 =	vmul.f32 v9, v5;
	v9 =	vshll.u32 v6, $0x10;
	v15 =	vld [tilespmem:s28+$0x8110]  }
0x173: {  	v3 =	vmul.f32 v4, v3;
	v4 =	vand.u32 $0xFFFF0000, v6;
	v6 =	vshll.u32 v7, $0x10;
	v18 =	vld [tilespmem:s28+$0x8010]  }
0x174: {  	v7 =	vand.u32 $0xFFFF0000, v7;
	v10 =	vadd.f32 v14, v10;
	v8 =	vadd.f32 v8, v12;
	v19 =	vld [tilespmem:s28+$0x8080]  }
0x175: {  	v9 =	vmul.f32 v9, v3;
	v11 =	vadd.f32 v16, v11;
	v5 =	vadd.f32 v5, v13;
	v12 =	vld [tilespmem:s28+$0x8100]  }
0x176: {  	v4 =	vmul.f32 v4, v3;
	v6 =	vmul.f32 v6, v3;
	v13 =	vld [tilespmem:s28+$0x8000]  }
0x177: {  	v9 =	vadd.f32 v9, v10;
	v14 =	vmul.f32 v17, v0;
	v15 =	vmul.f32 v15, v0  }
0x178: {  	v3 =	vmul.f32 v7, v3;
	v4 =	vadd.f32 v4, v8;
	v16 =	vmul.f32 v18, v0  }
0x179: {  	v6 =	vadd.f32 v6, v11;
	v7 =	vtrunc.f32 v14;
	v8 =	vtrunc.f32 v15;
	[tilespmem:s21+$0xA000] =	vst v9  }
0x17a: {  	v3 =	vadd.f32 v3, v5;
	v9 =	vcvt.f32.s32 v7;
	v11 =	vcvt.f32.s32 v8;
	[tilespmem:s21+$0xA080] =	vst v4  }
0x17b: {  	v5 =	vmul.f32 v19, v0;
	v4 =	vtrunc.f32 v16;
	[tilespmem:s21+$0xA100] =	vst v6;
	s21 =	smov.u32 s28  }
0x17c: {  	v17 =	vcvt.f32.s32 v4;
	v18 =	vmul.u32 v9, v1;
	v19 =	vmul.u32 v11, v2;
	[tilespmem:s26+$0xA000] =	vst v3  }
0x17d: {  	v8 =	vmul.f32 v12, v0;
	v4 =	vtrunc.f32 v5  }
0x17e: {  	v3 =	vmul.f32 v13, v0;
	v13 =	vadd.s32 $0x1, v17;
	v6 =	vadd.s32 v18, v19  }
0x17f: {  	v7 =	vadd.s32 $0x1, v9;
	v10 =	vadd.s32 $0x1, v11;
	v12 =	vadd.s32 v13, v6  }
0x180: {  	v20 =	vtrunc.f32 v8;
	v21 =	vmul.u32 v1, v7;
	v22 =	vmul.u32 v2, v10  }
0x181: {  	v10 =	vcvt.f32.s32 v4;
	v7 =	vcvt.f32.s32 v20;
	v20 =	vadd.s32 v17, v6  }
0x182: {  	v6 =	vtrunc.f32 v3;
	v23 =	vadd.s32 v21, v22  }
0x183: {  	v24 =	vcvt.s32.f32 v9;
	v11 =	vcvt.s32.f32 v11;
	v25 =	vadd.s32 v13, v23  }
0x184: {  	s23 =	sadd.s32 $0x2, s23;
	v26 =	vcvt.s32.f32 v17;
	v4 =	vmul.u32 v10, v1;
	v9 =	vmul.u32 v7, v2;
	v27 =	vld.idx.msk [tilespmem:v12+s3+$0x0], $0xffff  }
0x185: {  	p1 =	slt.u32 s23, $0x7E;
	v24 =	vsub.f32 v14, v24;
	v15 =	vsub.f32 v15, v11;
	v23 =	vadd.s32 v17, v23;
	v28 =	vld.idx.msk [tilespmem:v12+s13+$0x0], $0xffff  }
0x186: {  	v16 =	vsub.f32 v16, v26;
	v14 =	vadd.s32 v18, v22;
	v6 =	vcvt.f32.s32 v6;
	v26 =	vld.idx.msk [tilespmem:v20+s3+$0x0], $0xffff  }
0x187: {  	v11 =	vcvt.s32.f32 v10;
	v22 =	vmul.f32 v15, v24;
	v18 =	vld.idx.msk [tilespmem:v20+s13+$0x0], $0xffff;
	v20 =	vadd.s32 v13, v14  }
0x188: {  	v30 =	vsub.f32 $1.000000000e+00, v24;
	v29 =	vsub.f32 $1.000000000e+00, v16;
	v12 =	vcvt.s32.f32 v7;
	v31 =	vld.idx.msk [tilespmem:v25+s3+$0x0], $0xffff  }
0x189: {  	v32 =	vsub.f32 $1.000000000e+00, v15;
	v33 =	vadd.s32 v17, v14;
	v14 =	vmul.f32 v22, v16;
	v25 =	vld.idx.msk [tilespmem:v25+s13+$0x0], $0xffff  }
0x18a: {  	v19 =	vadd.s32 v19, v21;
	v21 =	vmul.f32 v15, v30;
	v15 =	vmul.f32 v22, v29;
	v22 =	vld.idx.msk [tilespmem:v23+s3+$0x0], $0xffff  }
0x18b: {  	v30 =	vmul.f32 v32, v30;
	v24 =	vmul.f32 v32, v24;
	v32 =	vadd.s32 v13, v19;
	v23 =	vld.idx.msk [tilespmem:v23+s13+$0x0], $0xffff  }
0x18c: {  	v34 =	vmul.f32 v21, v29;
	v21 =	vmul.f32 v21, v16;
	v13 =	vadd.s32 v4, v9;
	v35 =	vld.idx.msk [tilespmem:v20+s3+$0x0], $0xffff  }
0x18d: {  	v17 =	vadd.s32 v17, v19;
	v19 =	vmul.f32 v24, v29;
	v24 =	vmul.f32 v24, v16;
	v20 =	vld.idx.msk [tilespmem:v20+s13+$0x0], $0xffff  }
0x18e: {  	v29 =	vmul.f32 v30, v29;
	v16 =	vmul.f32 v30, v16;
	v30 =	vshll.u32 v27, $0x10;
	v36 =	vld.idx.msk [tilespmem:v33+s3+$0x0], $0xffff  }
0x18f: {  	v27 =	vand.u32 $0xFFFF0000, v27;
	v37 =	vshll.u32 v28, $0x10;
	v28 =	vand.u32 $0xFFFF0000, v28;
	v33 =	vld.idx.msk [tilespmem:v33+s13+$0x0], $0xffff  }
0x190: {  	v38 =	vshll.u32 v26, $0x10;
	v26 =	vand.u32 $0xFFFF0000, v26;
	v39 =	vshll.u32 v18, $0x10;
	v40 =	vld.idx.msk [tilespmem:v32+s3+$0x0], $0xffff  }
0x191: {  	v18 =	vand.u32 $0xFFFF0000, v18;
	v41 =	vshll.u32 v31, $0x10;
	v31 =	vand.u32 $0xFFFF0000, v31  }
0x192: {  	v43 =	vshll.u32 v25, $0x10;
	v25 =	vand.u32 $0xFFFF0000, v25;
	v42 =	vshll.u32 v22, $0x10;
	v32 =	vld.idx.msk [tilespmem:v32+s13+$0x0], $0xffff  }
0x193: {  	v22 =	vand.u32 $0xFFFF0000, v22;
	v44 =	vshll.u32 v23, $0x10;
	v23 =	vand.u32 $0xFFFF0000, v23  }
0x194: {  	v46 =	vshll.u32 v35, $0x10;
	v35 =	vand.u32 $0xFFFF0000, v35;
	v47 =	vshll.u32 v20, $0x10;
	v45 =	vld.idx.msk [tilespmem:v17+s3+$0x0], $0xffff  }
0x195: {  	v20 =	vand.u32 $0xFFFF0000, v20;
	v48 =	vshll.u32 v36, $0x10;
	v36 =	vand.u32 $0xFFFF0000, v36  }
0x196: {  	v50 =	vshll.u32 v33, $0x10;
	v33 =	vand.u32 $0xFFFF0000, v33;
	v49 =	vshll.u32 v40, $0x10;
	v17 =	vld.idx.msk [tilespmem:v17+s13+$0x0], $0xffff  }
0x197: {  	v30 =	vmul.f32 v30, v16;
	v27 =	vmul.f32 v27, v16;
	v40 =	vand.u32 $0xFFFF0000, v40  }
0x198: {  	v37 =	vmul.f32 v37, v16;
	v16 =	vmul.f32 v28, v16;
	v28 =	vshll.u32 v32, $0x10  }
0x199: {  	v38 =	vmul.f32 v38, v29;
	v26 =	vmul.f32 v26, v29;
	v32 =	vand.u32 $0xFFFF0000, v32  }
0x19a: {  	v39 =	vmul.f32 v39, v29;
	v18 =	vmul.f32 v18, v29;
	v29 =	vshll.u32 v45, $0x10  }
0x19b: {  	v41 =	vmul.f32 v41, v14;
	v31 =	vmul.f32 v31, v14;
	v45 =	vand.u32 $0xFFFF0000, v45  }
0x19c: {  	v42 =	vmul.f32 v42, v15;
	v22 =	vmul.f32 v22, v15;
	v51 =	vshll.u32 v17, $0x10  }
0x19d: {  	v46 =	vmul.f32 v46, v21;
	v35 =	vmul.f32 v35, v21;
	v17 =	vand.u32 $0xFFFF0000, v17  }
0x19e: {  	v38 =	vadd.f32 $0.0e+00, v38;
	v48 =	vmul.f32 v48, v34;
	v36 =	vmul.f32 v36, v34  }
0x19f: {  	v26 =	vadd.f32 $0.0e+00, v26;
	v49 =	vmul.f32 v49, v24;
	v40 =	vmul.f32 v40, v24  }
0x1a0: {  	v39 =	vadd.f32 $0.0e+00, v39;
	v30 =	vadd.f32 v38, v30;
	v29 =	vmul.f32 v29, v19  }
0x1a1: {  	v18 =	vadd.f32 $0.0e+00, v18;
	v26 =	vadd.f32 v26, v27;
	v27 =	vmul.f32 v45, v19  }
0x1a2: {  	v37 =	vadd.f32 v39, v37;
	v29 =	vadd.f32 v30, v29;
	v30 =	vmul.f32 v51, v19  }
0x1a3: {  	v16 =	vadd.f32 v18, v16;
	v18 =	vadd.f32 v26, v27;
	v17 =	vmul.f32 v17, v19  }
0x1a4: {  	v27 =	vmul.f32 v28, v24;
	v19 =	vadd.f32 v37, v30;
	v26 =	vadd.f32 v29, v49  }
0x1a5: {  	v16 =	vadd.f32 v16, v17;
	v17 =	vadd.f32 v18, v40;
	v18 =	vmul.f32 v32, v24  }
0x1a6: {  	v19 =	vadd.f32 v27, v19;
	v24 =	vadd.f32 v48, v26;
	v26 =	vmul.f32 v50, v34  }
0x1a7: {  	v16 =	vadd.f32 v18, v16;
	v17 =	vadd.f32 v36, v17;
	v18 =	vmul.f32 v33, v34  }
0x1a8: {  	v19 =	vadd.f32 v26, v19;
	v24 =	vadd.f32 v46, v24;
	v26 =	vmul.f32 v47, v21  }
0x1a9: {  	v16 =	vadd.f32 v18, v16;
	v17 =	vadd.f32 v35, v17;
	v18 =	vmul.f32 v20, v21  }
0x1aa: {  	v21 =	vmul.f32 v44, v15;
	v19 =	vadd.f32 v26, v19;
	v20 =	vadd.f32 v42, v24  }
0x1ab: {  	s22 =	sadd.s32 $0x1, s22;
	v15 =	vmul.f32 v23, v15;
	v16 =	vadd.f32 v18, v16;
	v17 =	vadd.f32 v22, v17  }
0x1ac: {  	s26 =	sand.u32 $0x3, s22;
	v18 =	vadd.f32 v21, v19;
	v19 =	vadd.f32 v41, v20;
	v20 =	vmul.f32 v43, v14  }
0x1ad: {  	s26 =	sshll.u32 s26, $0x5;
	v15 =	vadd.f32 v15, v16;
	v16 =	vadd.f32 v31, v17;
	v14 =	vmul.f32 v25, v14  }
0x1ae: {  	s28 =	sadd.s32 s26, s24;
	v11 =	vsub.f32 v5, v11;
	v17 =	vcvt.s32.f32 v6;
	v5 =	vadd.f32 v20, v18;
	[tilespmem:s21+$0xA010] =	vst v19  }
0x1af: {  	s26 =	sor.u32 $0x180, s28;
	s28 =	sadd.s32 $0x10, s28;
	v8 =	vsub.f32 v8, v12;
	v12 =	vadd.s32 v6, v13;
	v14 =	vadd.f32 v14, v15;
	[tilespmem:s21+$0xA090] =	vst v16  }
0x1b0: {  	v10 =	vadd.s32 $0x1, v10;
	s28 =	sor.u32 $0x180, s28;
	v15 =	vsub.f32 $1.000000000e+00, v11;
	v16 =	vadd.s32 $0x1, v6;
	[tilespmem:s21+$0xA110] =	vst v5  }
0x1b1: {  	v10 =	vmul.u32 v1, v10;
	v3 =	vsub.f32 v3, v17;
	v17 =	vsub.f32 $1.000000000e+00, v8;
	[tilespmem:s28+$0xA000] =	vst v14  }
0x1b2: {  	v7 =	vadd.s32 $0x1, v7;
	v13 =	vadd.s32 v16, v13;
	v14 =	vmul.f32 v8, v15  }
0x1b3: {  	v9 =	vadd.s32 v9, v10;
	v5 =	vsub.f32 $1.000000000e+00, v3;
	v15 =	vmul.f32 v17, v15  }
0x1b4: {  	v7 =	vmul.u32 v2, v7;
	v19 =	vadd.s32 v6, v9;
	v9 =	vadd.s32 v16, v9;
	v18 =	vld.idx.msk [tilespmem:v12+s3+$0x0], $0xffff  }
0x1b5: {  	v20 =	vmul.f32 v15, v5;
	v15 =	vmul.f32 v15, v3;
	v12 =	vld.idx.msk [tilespmem:v12+s13+$0x0], $0xffff  }
0x1b6: {  	v4 =	vadd.s32 v4, v7;
	v7 =	vadd.s32 v10, v7;
	v17 =	vmul.f32 v17, v11  }
0x1b7: {  	v21 =	vadd.s32 v6, v4;
	v6 =	vadd.s32 v6, v7;
	v22 =	vadd.s32 v16, v4;
	v10 =	vld.idx.msk [tilespmem:v13+s3+$0x0], $0xffff  }
0x1b8: {  	v7 =	vadd.s32 v16, v7;
	v23 =	vmul.f32 v17, v5;
	v17 =	vmul.f32 v17, v3;
	v13 =	vld.idx.msk [tilespmem:v13+s13+$0x0], $0xffff  }
0x1b9: {  	v24 =	vmul.f32 v14, v5;
	v25 =	vmul.f32 v14, v3;
	v16 =	vld.idx.msk [tilespmem:v19+s3+$0x0], $0xffff  }
0x1ba: {  	v4 =	vmul.f32 v8, v11;
	v14 =	vshll.u32 v18, $0x10;
	v18 =	vand.u32 $0xFFFF0000, v18;
	v19 =	vld.idx.msk [tilespmem:v19+s13+$0x0], $0xffff  }
0x1bb: {  	v8 =	vshll.u32 v12, $0x10;
	v11 =	vand.u32 $0xFFFF0000, v12;
	v12 =	vmul.f32 v14, v20;
	v14 =	vld.idx.msk [tilespmem:v9+s3+$0x0], $0xffff  }
0x1bc: {  	v18 =	vmul.f32 v18, v20;
	v8 =	vmul.f32 v8, v20;
	v26 =	vld.idx.msk [tilespmem:v9+s13+$0x0], $0xffff  }
0x1bd: {  	v9 =	vmul.f32 v11, v20;
	v11 =	vshll.u32 v10, $0x10;
	v10 =	vand.u32 $0xFFFF0000, v10;
	v20 =	vld.idx.msk [tilespmem:v21+s3+$0x0], $0xffff  }
0x1be: {  	v12 =	vadd.f32 $0.0e+00, v12;
	v27 =	vshll.u32 v13, $0x10;
	v13 =	vand.u32 $0xFFFF0000, v13;
	v21 =	vld.idx.msk [tilespmem:v21+s13+$0x0], $0xffff  }
0x1bf: {  	v18 =	vadd.f32 $0.0e+00, v18;
	v28 =	vadd.f32 $0.0e+00, v8;
	v11 =	vmul.f32 v11, v15;
	v29 =	vld.idx.msk [tilespmem:v22+s3+$0x0], $0xffff  }
0x1c0: {  	v10 =	vmul.f32 v10, v15;
	v30 =	vadd.f32 $0.0e+00, v9;
	v27 =	vmul.f32 v27, v15;
	v22 =	vld.idx.msk [tilespmem:v22+s13+$0x0], $0xffff  }
0x1c1: {  	v13 =	vmul.f32 v13, v15;
	v15 =	vshll.u32 v16, $0x10;
	v16 =	vand.u32 $0xFFFF0000, v16;
	v8 =	vld.idx.msk [tilespmem:v6+s3+$0x0], $0xffff  }
0x1c2: {  	v11 =	vadd.f32 v12, v11;
	v12 =	vshll.u32 v19, $0x10;
	v19 =	vand.u32 $0xFFFF0000, v19;
	v9 =	vld.idx.msk [tilespmem:v6+s13+$0x0], $0xffff  }
0x1c3: {  	v10 =	vadd.f32 v18, v10;
	v15 =	vmul.f32 v15, v23;
	v18 =	vadd.f32 v28, v27;
	v6 =	vld.idx.msk [tilespmem:v7+s3+$0x0], $0xffff  }
0x1c4: {  	v16 =	vmul.f32 v16, v23;
	v13 =	vadd.f32 v30, v13;
	v12 =	vmul.f32 v12, v23;
	v7 =	vld.idx.msk [tilespmem:v7+s13+$0x0], $0xffff  }
0x1c5: {  	v19 =	vmul.f32 v19, v23;
	v23 =	vshll.u32 v14, $0x10;
	v14 =	vand.u32 $0xFFFF0000, v14  }
0x1c6: {  	v11 =	vadd.f32 v11, v15;
	v15 =	vshll.u32 v26, $0x10;
	v26 =	vand.u32 $0xFFFF0000, v26  }
0x1c7: {  	v10 =	vadd.f32 v10, v16;
	v16 =	vmul.f32 v23, v17;
	v12 =	vadd.f32 v18, v12  }
0x1c8: {  	v14 =	vmul.f32 v14, v17;
	v13 =	vadd.f32 v13, v19;
	v15 =	vmul.f32 v15, v17  }
0x1c9: {  	v17 =	vmul.f32 v26, v17;
	v18 =	vshll.u32 v20, $0x10;
	v19 =	vand.u32 $0xFFFF0000, v20  }
0x1ca: {  	v11 =	vadd.f32 v11, v16;
	v16 =	vshll.u32 v21, $0x10;
	v20 =	vand.u32 $0xFFFF0000, v21  }
0x1cb: {  	v14 =	vadd.f32 v10, v14;
	v10 =	vmul.f32 v18, v24;
	v15 =	vadd.f32 v15, v12  }
0x1cc: {  	v13 =	vadd.f32 v17, v13;
	v12 =	vmul.f32 v19, v24;
	v16 =	vmul.f32 v16, v24  }
.Ltmp6:
0x1cd: {  	v17 =	vmul.f32 v20, v24;
	v18 =	vshll.u32 v29, $0x10;
	v19 =	vand.u32 $0xFFFF0000, v29;
	(pc) =	sbr.rel @p1 .LBB2_6-.Ltmp6, $4  }
0x1ce: {  	v10 =	vadd.f32 v10, v11;
	v20 =	vshll.u32 v22, $0x10;
	v21 =	vand.u32 $0xFFFF0000, v22  }
0x1cf: {  	v12 =	vadd.f32 v12, v14;
	v11 =	vadd.f32 v16, v15;
	v14 =	vmul.f32 v18, v25  }
0x1d0: {  	v13 =	vadd.f32 v17, v13;
	v17 =	vmul.f32 v19, v25;
	v15 =	vmul.f32 v20, v25  }
0x1d1: {  	s25 =	sadd.s32 $0x20, s25;
	s24 =	sadd.s32 $0x80, s24;
	v5 =	vmul.f32 v4, v5;
	v16 =	vmul.f32 v21, v25;
	v18 =	vshll.u32 v8, $0x10  }
0x1d2: {  	v8 =	vand.u32 $0xFFFF0000, v8;
	v19 =	vshll.u32 v9, $0x10  }
0x1d3: {  	v55 =	vand.u32 $0xFFFF0000, v9;
	v10 =	vadd.f32 v14, v10;
	v12 =	vadd.f32 v17, v12  }
0x1d4: {  	v11 =	vadd.f32 v15, v11;
	v3 =	vmul.f32 v4, v3;
	v59 =	vshll.u32 v6, $0x10  }
0x1d5: {  	v60 =	vand.u32 $0xFFFF0000, v6;
	v61 =	vshll.u32 v7, $0x10;
	v56 =	vmul.f32 v18, v5  }
0x1d6: {  	v62 =	vand.u32 $0xFFFF0000, v7;
	v8 =	vmul.f32 v8, v5;
	v57 =	vmul.f32 v19, v5  }
0x1d7: {  	v58 =	vmul.f32 v55, v5;
	v5 =	vmul.f32 v59, v3;
	v10 =	vadd.f32 v56, v10  }
0x1d8: {  	v13 =	vadd.f32 v16, v13;
	v6 =	vmul.f32 v60, v3;
	v8 =	vadd.f32 v8, v12  }
0x1d9: {  	v9 =	vmul.f32 v61, v3;
	v11 =	vadd.f32 v57, v11;
	v5 =	vadd.f32 v5, v10  }
0x1da: {  	v3 =	vmul.f32 v62, v3;
	v4 =	vadd.f32 v58, v13;
	v6 =	vadd.f32 v6, v8  }
0x1db: {  	v63 =	vadd.f32 v9, v11;
	[tilespmem:s21+$0xA000] =	vst v5  }
0x1dc: {  	v3 =	vadd.f32 v3, v4;
	[tilespmem:s21+$0xA080] =	vst v6  }
0x1dd: {  	s20 =	sadd.s32 $0x1, s20;
	[tilespmem:s21+$0xA100] =	vst v63  }
0x1de: {  	s19 =	sadd.s32 s19, s7;
	p1 =	sne.s32 s20, $0x40;
	[tilespmem:s26+$0xA000] =	vst v3  }
0x1df: {  	[hbm4b:s19+s15] =	stream.strided.scatter [tilespmem:s17], [sflag:$0x1], $0x2000, s16, s15, $0x38;
	[tilespmem:$0xC000] =	vst v63  }
.Ltmp7:
0x1e0: {  	_ = 	snop;
	(pc) =	sbr.rel @p1 .LBB2_5-.Ltmp7, $4  }
.Ltmp8:
0x1e1: {  	_ = 	snop;
	(pc) =	sbr.rel @!p1 .LBB2_8-.Ltmp8, $4  }
0x1e2: {  	_ =	swait.ge [sflag:s12], $0x2000  }
0x1e3: {  	[sflag:s12] =	ssyncset.done $0x0  }
0x1e4: {  	[sflag:s12] =	ssyncadd.s32 $0xFFFFE000  }
0x1e5: {  	_ = 	snop  }
.LBB2_9:
0x1e6: {  	_ =	sfence.sel $0x180000  }
0x1e7: {  	[bflag:$0x0] =	sbarrier.arrive $0xFFFF  }
0x1e8: {  	p0 =	sne.s32 s0, $0x0;
	_ =	strace $0x90000047  }
0x1e9: {  	s0 =	sadd.s32 @!p0 $0x100000, s1;
	[bflag:$0x2] =	sbarrier.arrive $0xFFFF  }
0x1ea: {  	[sflag:s0] =	ssyncadd.tile.s32 @!p0 $0x1;
	_ =	shalt  }
.Lfunc_end2:
_tile_overlayer_lowered:
.L_overlay_start_2:
0x1eb: {  	(tag) =	ssettag $0x2  }
0x1ec: {  	s0 =	rddreg [dreg:$0x0];
	s2 =	stileid.u32  }
0x1ed: {  	s1 =	rddreg [dreg:$0x1];
	p0 =	sne.s32 s2, $0x0  }
0x1ee: {  	s3 =	rddreg [dreg:$0x2];
	[bflag:$0x3] =	sbarrier.arrive $0xFFFF;
	s2 =	simm.s32 @!p0 $0x1C01  }
0x1ef: {  	[timem:s3], [sflag:s2] =	dma.local @!p0 [hbm:s0], s1  }
0x1f0: {  	s0 =	simm.s32 @!p0 $0x1  }
0x1f1: {  	_ =	swait.ge @!p0 [sflag:s0], s1  }
0x1f2: {  	s1 =	ssub.s32 @!p0 $0x0, s1;
	[sflag:s0] =	ssyncset.done @!p0 $0x0  }
0x1f3: {  	[sflag:s0] =	ssyncadd.s32 @!p0 s1  }
0x1f4: {  	[bflag:$0x3] =	sbarrier.arrive $0xFFFF  }
0x1f5: {  	_ =	shalt  }

// kernel: kernel.9.cloned.1.call-start
scs
__scs_entry_jumppad:
0x0: {  	(pc) =	sbr.rel $0x88, $3  }
0x1: {  	(tag) =	ssettag $0x0;
	lr =	simm.s32 $0x1  }
0x2: {  	[smem:$0x3F9C] =	sst lr;
	_ =	strace $0xD0000000  }
0x3: {  	_ = 	snop  }
0x4: {  	_ = 	snop  }
0x5: {  	_ = 	snop  }
0x6: {  	_ = 	snop  }
0x7: {  	_ = 	snop  }
__scs_overlays_trampoline_lowered:
0x8: {  	[smem:$0x3FAB] =	sst s0  }
0x9: {  	[smem:$0x3FAC] =	sst s1  }
0xa: {  	[smem:$0x3FAD] =	sst s2  }
0xb: {  	[smem:$0x3FAE] =	sst s3  }
0xc: {  	[smem:$0x3FAF] =	sst s4  }
0xd: {  	[smem:$0x3FB0] =	sst s5  }
0xe: {  	[smem:$0x3FB1] =	sst s6  }
0xf: {  	[smem:$0x3FB2] =	sst s7  }
0x10: {  	[smem:$0x3FB3] =	sst s8  }
0x11: {  	[smem:$0x3FB4] =	sst s9;
	s0 =	simm.s32 @!p0 $0x0  }
0x12: {  	s1 =	sld [smem:$0x3F9A];
	s0 =	simm.s32 @p0 $0x1  }
0x13: {  	[smem:$0x3FB5] =	sst s0;
	s0 =	simm.s32 @!p1 $0x0  }
0x14: {  	s2 =	sld [smem:$0x3F99];
	s0 =	simm.s32 @p1 $0x1  }
0x15: {  	[smem:$0x3FB6] =	sst s0;
	s0 =	simm.s32 @!p2 $0x0  }
0x16: {  	s3 =	sld [smem:$0x3FDB];
	s0 =	simm.s32 @p2 $0x1  }
0x17: {  	s4 =	simm.s32 $0x1BF5;
	[smem:$0x3FB8] =	sst s0  }
0x18: {  	s0 =	sld [smem:$0x3F9B];
	_ =	swait.ge [sflag:s4], $0x0  }
0x19: {  	s7 =	sld [smem:$0x3F9C]  }
0x1a: {  	s8 =	sadd.s32 $0xFFFFE003, lr  }
0x1b: {  	s9 =	sadd.s32 $0xFFFFFEF7, lr;
	s5 =	simm.s32 $0xFFFFFFFF;
	p2 =	slt.u32 s8, $0xFFFFF086  }
0x1c: {  	p1 =	slt.u32 s9, $0xF7A;
	s5 =	simm.s32 @!p2 $0x0  }
0x1d: {  	s5 =	simm.s32 @p1 $0x1;
	p0 =	seq.s32 s7, s2  }
0x1e: {  	s7 =	smul.u32 @!p0 $0xF7A, s2;
	p2 =	seq.s32 @!p0 s5, $0x0  }
0x1f: {  	s9 =	smul.u32 $0xF7A, s1;
	s8 =	simm.s32 @!p0 $0x1BF5;
	p2 =	por !p2, p0  }
0x20: {  	[sflag:s8] =	ssyncset.s32 @!p0 $0xFFFFF086;
	s6 =	sadd.s32 @!p0 s3, s7;
	s7 =	simm.s32 @!p0 $0x108  }
0x21: {  	s3 =	sadd.s32 s3, s9;
	s6 =	sadd.s32 @!p0 $0x88, s6;
	s7 =	simm.s32 @p2 $0x1082  }
0x22: {  	[simem:s7], [sflag:s8] =	dma.local @!p0 [hbm:s6], $0xF7A  }
0x23: {  	s9 =	sor.u32 $0xD0000000, s2;
	s6 =	simm.s32 $0x108;
	_ =	swait.ge @!p0 [sflag:s8], $0x0  }
0x24: {  	s3 =	sadd.s32 $0x88, s3;
	s6 =	simm.s32 @!p1 $0x1082;
	[sflag:s4] =	ssyncset.s32 $0xFFFFF086  }
0x25: {  	[simem:s6], [sflag:s4] =	dma.local [hbm:s3], $0xF7A  }
0x26: {  	[smem:$0x3F9C] =	sst s1;
	(tag) =	ssettag s2;
	_ =	strace s9  }
0x27: {  	s1 =	sld [smem:$0x3FAC]  }
0x28: {  	s2 =	sld [smem:$0x3FAD]  }
0x29: {  	s4 =	sld [smem:$0x3FAF]  }
0x2a: {  	p0 =	seq.s32 s5, $0x0;
	s5 =	sld [smem:$0x3FB0]  }
0x2b: {  	s6 =	sld [smem:$0x3FB1]  }
0x2c: {  	s7 =	sld [smem:$0x3FB2]  }
0x2d: {  	s3 =	simm.s32 $0x108;
	s8 =	sld [smem:$0x3FB3]  }
0x2e: {  	s3 =	simm.s32 @!p0 $0x1082;
	s9 =	sld [smem:$0x3FB4]  }
0x2f: {  	lr =	sadd.s32 s0, s3;
	s0 =	sld [smem:$0x3FAB]  }
0x30: {  	s3 =	sld [smem:$0x3FAE]  }
0x31: {  	[smem:$0x3FB7] =	sst s10  }
0x32: {  	s10 =	sld [smem:$0x3FB5];
	_ =	sdelay $0x3  }
0x33: {  	p0 =	seq.s32 s10, $0x1;
	s10 =	sld [smem:$0x3FB7];
	_ =	sdelay $0x3  }
0x34: {  	[smem:$0x3FB7] =	sst s10  }
0x35: {  	s10 =	sld [smem:$0x3FB6];
	_ =	sdelay $0x3  }
0x36: {  	p1 =	seq.s32 s10, $0x1;
	s10 =	sld [smem:$0x3FB7];
	_ =	sdelay $0x3  }
0x37: {  	[smem:$0x3FB7] =	sst s10  }
0x38: {  	s10 =	sld [smem:$0x3FB8]  }
0x39: {  	_ = 	snop;
	(pc) =	sbr.ind lr, $3  }
0x3a: {  	_ = 	snop  }
0x3b: {  	_ = 	snop  }
0x3c: {  	p2 =	seq.s32 s10, $0x1;
	s10 =	sld [smem:$0x3FB7]  }
0x3d: {  	_ =	shalt  }
0x3e: {  	_ =	shalt  }
0x3f: {  	_ =	shalt  }
0x40: {  	_ =	shalt  }
0x41: {  	_ =	shalt  }
0x42: {  	_ =	shalt  }
0x43: {  	_ =	shalt  }
0x44: {  	_ =	shalt  }
0x45: {  	_ =	shalt  }
0x46: {  	_ =	shalt  }
0x47: {  	_ =	shalt  }
0x48: {  	_ =	shalt  }
0x49: {  	_ =	shalt  }
0x4a: {  	_ =	shalt  }
0x4b: {  	_ =	shalt  }
0x4c: {  	_ =	shalt  }
0x4d: {  	_ =	shalt  }
0x4e: {  	_ =	shalt  }
0x4f: {  	_ =	shalt  }
0x50: {  	_ =	shalt  }
0x51: {  	_ =	shalt  }
0x52: {  	_ =	shalt  }
0x53: {  	_ =	shalt  }
0x54: {  	_ =	shalt  }
0x55: {  	_ =	shalt  }
0x56: {  	_ =	shalt  }
0x57: {  	_ =	shalt  }
0x58: {  	_ =	shalt  }
0x59: {  	_ =	shalt  }
0x5a: {  	_ =	shalt  }
0x5b: {  	_ =	shalt  }
0x5c: {  	_ =	shalt  }
0x5d: {  	_ =	shalt  }
0x5e: {  	_ =	shalt  }
0x5f: {  	_ =	shalt  }
0x60: {  	_ =	shalt  }
0x61: {  	_ =	shalt  }
0x62: {  	_ =	shalt  }
0x63: {  	_ =	shalt  }
0x64: {  	_ =	shalt  }
0x65: {  	_ =	shalt  }
0x66: {  	_ =	shalt  }
0x67: {  	_ =	shalt  }
0x68: {  	_ =	shalt  }
0x69: {  	_ =	shalt  }
0x6a: {  	_ =	shalt  }
0x6b: {  	_ =	shalt  }
0x6c: {  	_ =	shalt  }
0x6d: {  	_ =	shalt  }
0x6e: {  	_ =	shalt  }
0x6f: {  	_ =	shalt  }
0x70: {  	_ =	shalt  }
0x71: {  	_ =	shalt  }
0x72: {  	_ =	shalt  }
0x73: {  	_ =	shalt  }
0x74: {  	_ =	shalt  }
0x75: {  	_ =	shalt  }
0x76: {  	_ =	shalt  }
0x77: {  	_ =	shalt  }
0x78: {  	_ =	shalt  }
0x79: {  	_ =	shalt  }
0x7a: {  	_ =	shalt  }
0x7b: {  	_ =	shalt  }
0x7c: {  	_ =	shalt  }
0x7d: {  	_ =	shalt  }
0x7e: {  	_ =	shalt  }
0x7f: {  	_ =	shalt  }
0x80: {  	_ =	shalt  }
0x81: {  	_ =	shalt  }
0x82: {  	_ =	shalt  }
0x83: {  	_ =	shalt  }
0x84: {  	_ =	shalt  }
0x85: {  	_ =	shalt  }
0x86: {  	_ =	shalt  }
0x87: {  	_ =	shalt  }
.Lfunc_end0:
.L_simem_size_0:
called_computation.1_lowered:
.L_overlay_start_0:
0x88: {  	s2 =	sld [smem:$0x3FD9]  }
0x89: {  	s3 =	sld [smem:$0x3FFE];
	_ =	sdelay $0x1  }
0x8a: {  	s1 =	srdreg.scid  }
0x8b: {  	s0 =	sand.u32 $0x1, s1  }
0x8c: {  	s17 =	sshll.u32 s0, $0xA;
	s2 =	sadd.s32 s3, s2  }
0x8d: {  	s2 =	sadd.s32 s2, s17  }
0x8e: {  	[smem:$0x3FC3] =	sst s2  }
0x8f: {  	_ = 	snop  }
0x90: {  	(tm) =	ssettm $0x1  }
0x91: {  	s18 =	sld [smem:$0x3FFB];
	_ =	sdelay $0x3  }
0x92: {  	_ =	strace s18  }
0x93: {  	s2 =	sld [smem:$0x3FFC];
	_ =	sdelay $0x3  }
0x94: {  	_ =	strace s2  }
0x95: {  	s2 =	sld [smem:$0x3FFD];
	_ =	sdelay $0x3  }
0x96: {  	_ =	strace s2  }
0x97: {  	_ =	strace $0x8FFFFFFF  }
0x98: {  	s19 =	sld [smem:$0x3FDB];
	_ =	sdelay $0x1  }
0x99: {  	s20 =	simm.s32 $_scs_section_size  }
0x9a: {  	s4 =	simm.s32 $_size__tile_overlayer_lowered;
	s5 =	simm.s32 $_tile_overlayer_lowered  }
0x9b: {  	s6 =	simm.s32 $0x1BFF;
	s21 =	sshll.u32 s5, $0x1;
	s3 =	sadd.s32 s20, s19  }
0x9c: {  	s22 =	simm.s32 $0x0;
	s4 =	sshll.u32 s4, $0x1;
	s5 =	sadd.s32 s21, s3  }
0x9d: {  	[timem:s22], [sflag:s6] =	dma.local [hbm:s5], s4  }
0x9e: {  	_ =	swait.ge [sflag:s6], s4  }
0x9f: {  	s4 =	ssub.s32 $0x0, s4;
	[sflag:s6] =	ssyncset.done $0x0  }
0xa0: {  	[sflag:s6] =	ssyncadd.s32 s4;
	_ =	sdelay $0x1  }
0xa1: {  	s23 =	simm.s32 $0x1B8B  }
0xa2: {  	_ =	swait.ge [sflag:s23], $0x1  }
0xa3: {  	[sflag:s23] =	ssyncset.done $0x0  }
0xa4: {  	[sflag:s23] =	ssyncadd.s32 $0xFFFFFFFF  }
0xa5: {  	s4 =	sld [smem:$0x0]  }
0xa6: {  	s5 =	sand.u32 $0xFFFFFFFE, s1  }
0xa7: {  	p0 =	sne.s32 s1, s5  }
0xa8: {  	s5 =	sshll.u32 @p0 s5, $0xE  }
0xa9: {  	s5 =	sadd.s32 @p0 $0x11B8D, s5;
	s6 =	sshll.u32 @p0 s4, $0x11  }
0xaa: {  	s5 =	sor.u32 @p0 s6, s5  }
0xab: {  	[sflag:s5] =	ssyncadd.remote.s32 @p0 $0x1;
	_ =	sdelay $0x1  }
0xac: {  	s5 =	simm.s32 @p0 $0x1B8D  }
0xad: {  	_ =	swait.eq @p0 [sflag:s5], $0x1  }
0xae: {  	[sflag:s5] =	ssyncadd.s32 @p0 $0xFFFFFFFF  }
0xaf: {  	s6 =	sshll.u32 @!p0 s1, $0xE  }
0xb0: {  	s6 =	sor.u32 @!p0 $0x4000, s6;
	s5 =	simm.s32 @!p0 $0x1B8D  }
0xb1: {  	s4 =	sshll.u32 @!p0 s4, $0x11;
	s6 =	sadd.s32 @!p0 $0x11B8D, s6;
	_ =	swait.eq @!p0 [sflag:s5], $0x1  }
0xb2: {  	s4 =	sor.u32 @!p0 s4, s6;
	[sflag:s5] =	ssyncadd.s32 @!p0 $0xFFFFFFFF  }
0xb3: {  	s25 =	simm.s32 $0x1B8E;
	s24 =	sld [smem:$0x3FFE];
	[sflag:s4] =	ssyncadd.remote.s32 @!p0 $0x1  }
0xb4: {  	s26 =	simm.s32 $execute0_lowered;
	[smem:$0x3FD2] =	sst s25  }
0xb5: {  	s5 =	sshll.u32 s26, $0x1;
	_ =	strace $0x80000049;
	[dreg:$0x1] =	wrdreg $0xFFFFFFFF  }
0xb6: {  	s28 =	simm.s32 $_size_execute0_lowered;
	s3 =	sadd.s32 s3, s5;
	[dreg:$0x0] =	wrdreg $0x0  }
0xb7: {  	s5 =	sshll.u32 s28, $0x1;
	[dreg:$0x2] =	wrdreg s3  }
0xb8: {  	[dreg:$0x3] =	wrdreg s5  }
0xb9: {  	[dreg:$0x4] =	wrdreg $0xC0  }
0xba: {  	_ =	task [dreg:s22], $0x5FFFF  }
0xbb: {  	[dreg:$0x1] =	wrdreg $0xFFFFFFFF  }
0xbc: {  	[dreg:$0x0] =	wrdreg $0x60  }
0xbd: {  	[dreg:$0x2] =	wrdreg s24  }
0xbe: {  	[dreg:$0x3] =	wrdreg $0xA  }
0xbf: {  	_ =	task.clear_ibuf [dreg:s22], $0x4FFFF;
	_ =	strace $0x90000049  }
0xc0: {  	s29 =	simm.s32 $0xA;
	_ =	strace $0x8000004B  }
0xc1: {  	_ =	swait.ge [sflag:s29], $0x1  }
0xc2: {  	[sflag:s29] =	ssyncadd.s32 $0xFFFFFFFF  }
0xc3: {  	_ =	strace $0x9000004B  }
0xc4: {  	_ =	sfence  }
0xc5: {  	s30 =	sld [smem:$0x0];
	_ =	sdelay $0x2  }
0xc6: {  	s31 =	sshll.u32 s1, $0xD;
	s1 =	sshrl.u32 s1, $0x2  }
0xc7: {  	s4 =	sand.u32 $0x4000, s31;
	s1 =	sadd.s32 s1, s30  }
0xc8: {  	s0 =	sor.u32 s4, s0;
	s1 =	sshll.u32 s1, $0x11  }
0xc9: {  	s0 =	sor.u32 s1, s0  }
0xca: {  	s0 =	sadd.s32 $0x8F2B, s0  }
0xcb: {  	[sflag:s0] =	ssyncadd.remote.s32 $0x1  }
0xcc: {  	_ =	sfence.sel $0xFFFF  }
0xcd: {  	[dreg:$0x0] =	wrdreg $0xFFFFFFFF;
	(pc) =	sbr.abs _section_cstart, $3  }
0xce: {  	[dreg:$0x1] =	wrdreg $0xFFFFFFFF  }
0xcf: {  	_ =	task.clear_ibuf [dreg:s22], $0x2FFFF;
	_ =	strace $0x9FFFFFFF  }
0xd0: {  	(tm) =	ssettm $0x7FFFFFFF  }
0xd1: {  	_ =	shalt  }
tec
execute0_lowered:
.L_overlay_start_1:
0x0: {  	(tag) =	ssettag $0x1  }
0x1: {  	s5 =	rddreg [dreg:$0x0]  }
0x2: {  	s0 =	stileid.u32;
	s4 =	simm.s32 $0x15;
	s1 =	rddreg [dreg:$0x1]  }
0x3: {  	s2 =	simm.s32 $0x0;
	s7 =	srdreg.scid;
	s12 =	simm.s32 $0x1  }
0x4: {  	s13 =	simm.s32 $0x4000;
	s14 =	simm.s32 $0x8000;
	s15 =	simm.s32 $0x200  }
0x5: {  	p0 =	seq.s32 s0, $0x1;
	[smem:$0x7FF] =	sst s2;
	s3 =	sadd.s32 $0x1C00, s5  }
0x6: {  	s6 =	sshll.u32 s0, $0xC;
	s4 =	simm.s32 @!p0 $0x10;
	p0 =	seq.s32 s0, $0x2  }
0x7: {  	s7 =	sand.u32 $0x1, s7;
	s4 =	simm.s32 @p0 $0x1B;
	p0 =	seq.s32 s0, $0x3  }
0x8: {  	s9 =	sadd.s32 $0x231C00, s5;
	s4 =	simm.s32 @p0 $0x24;
	p0 =	seq.s32 s0, $0x4  }
0x9: {  	s30 =	sshll.u32 s0, $0x6;
	s4 =	simm.s32 @p0 $0x30;
	p0 =	seq.s32 s0, $0x5  }
0xa: {  	s11 =	sshll.u32 s0, $0x11;
	s4 =	simm.s32 @p0 $0x3F;
	p0 =	seq.s32 s0, $0x6  }
0xb: {  	_ =	strace $0x8000004A;
	s4 =	simm.s32 @p0 $0x54;
	p0 =	seq.s32 s0, $0x7  }
0xc: {  	s6 =	sadd.s32 s6, s5;
	s4 =	simm.s32 @p0 $0x6F;
	p0 =	seq.s32 s0, $0x8  }
0xd: {  	s8 =	ssub.s32 $0x2, s7;
	s4 =	simm.s32 @p0 $0x93;
	p0 =	seq.s32 s0, $0x9  }
0xe: {  	s11 =	sor.u32 s30, s11;
	s4 =	simm.s32 @p0 $0xC2;
	p0 =	seq.s32 s0, $0xA  }
0xf: {  	s29 =	sshrl.u32 s8, $0x1;
	s4 =	simm.s32 @p0 $0xFF;
	p0 =	seq.s32 s0, $0xB  }
0x10: {  	s5 =	sadd.s32 $0x21C10, s6;
	s4 =	simm.s32 @p0 $0x151;
	p0 =	seq.s32 s0, $0xC  }
0x11: {  	s31 =	sand.u32 $0x1C0040, s11;
	s4 =	simm.s32 @p0 $0x1BD;
	p0 =	seq.s32 s0, $0xD  }
0x12: {  	s11 =	simm.s32 $0x100;
	s4 =	simm.s32 @p0 $0x24C;
	p0 =	seq.s32 s0, $0xE  }
0x13: {  	s10 =	ssub.s32 s8, s29;
	s4 =	simm.s32 @p0 $0x308;
	p0 =	seq.s32 s0, $0xF  }
.Ltmp0:
0x14: {  	s8 =	sadd.s32 s9, s31;
	s4 =	simm.s32 @p0 $0x3FF;
	(pc) =	sbr.rel .LBB2_1-.Ltmp0, $4  }
0x15: {  	p0 =	slt.u32 s0, $0x2;
	s16 =	scvt.s32.f32 s4;
	s17 =	sadd.s32 $0x1, s4  }
0x16: {  	s4 =	sadd.s32 $0x21C00, s6;
	s6 =	sshll.u32 s7, $0x11;
	s18 =	smul.u32 s17, s17  }
0x17: {  	s7 =	sadd.s32 s9, s30;
	s9 =	smax.u32 s10, $0x1;
	s10 =	simm.s32 $0x80  }
0x18: {  	v1 =	vmov s17;
	s17 =	simm.s32 $0xA000;
	v0 =	vmov s16;
	s16 =	simm.s32 $0x400;
	v2 =	vmov s18;
	s18 =	simm.s32 $0x0  }
.LBB2_8:
0x19: {  	s18 =	sadd.s32 $0x1, s18  }
0x1a: {  	p1 =	sne.s32 s18, s9  }
.Ltmp1:
0x1b: {  	_ = 	snop;
	(pc) =	sbr.rel @!p1 .LBB2_9-.Ltmp1, $1  }
0x1c: {  	_ =	sdelay $0x3  }
.LBB2_1:
0x1d: {  	[tilespmem:s2], [sflag:$0x1] =	stream.strided.gather [hbm4b:s4+s10], $0x4000, s11, s10, $0x38;
	[tilespmem:$0xC000] =	vst v63  }
0x1e: {  	_ =	swait.ge [sflag:s12], $0x4000  }
0x1f: {  	[sflag:s12] =	ssyncset.done $0x0  }
.Ltmp2:
0x20: {  	[sflag:s12] =	ssyncadd.s32 $0xFFFFC000;
	(pc) =	sbr.rel @p0 .LBB2_5-.Ltmp2, $4  }
0x21: {  	[tilespmem:s13], [sflag:$0x1] =	stream.strided.gather [hbm4b:s5+s10], $0x4000, s11, s10, $0x38;
	[tilespmem:$0xC000] =	vst v63  }
0x22: {  	_ =	swait.ge [sflag:s12], $0x4000  }
0x23: {  	[sflag:s12] =	ssyncset.done $0x0  }
0x24: {  	s19 =	simm.s32 $0x0;
	s20 =	simm.s32 $0x0;
	[sflag:s12] =	ssyncadd.s32 $0xFFFFC000  }
.LBB2_2:
0x25: {  	s20 =	sshll.u32 s19, $0xB  }
0x26: {  	s20 =	sadd.s32 s6, s20  }
0x27: {  	s21 =	sshrl.u32 s20, $0x1  }
0x28: {  	s22 =	simm.s32 $0x0;
	s21 =	sadd.s32 s3, s21  }
0x29: {  	[tilespmem:s14], [sflag:$0x1] =	stream.linear.gather [hbm4b:s21+s22], $0x2000, $0x38;
	[tilespmem:$0xC000] =	vst v63  }
0x2a: {  	_ =	swait.ge [sflag:s12], $0x2000  }
0x2b: {  	s30 =	sand.u32 $0x60, s22;
	s23 =	sand.u32 $0x1E00, s22;
	[sflag:s12] =	ssyncset.done $0x0  }
0x2c: {  	s21 =	sor.u32 s30, s23;
	[sflag:s12] =	ssyncadd.s32 $0xFFFFE000  }
0x2d: {  	v3 =	vld [tilespmem:s21+$0x8090]  }
0x2e: {  	v4 =	vld [tilespmem:s21+$0x8110]  }
0x2f: {  	v5 =	vld [tilespmem:s21+$0x8010];
	_ =	sdelay $0x2  }
0x30: {  	v6 =	vld [tilespmem:s21+$0x8080]  }
0x31: {  	v7 =	vld [tilespmem:s21+$0x8000];
	v10 =	vmul.f32 v3, v0;
	v11 =	vmul.f32 v4, v0  }
0x32: {  	v4 =	vld [tilespmem:s21+$0x8100];
	v12 =	vmul.f32 v5, v0  }
0x33: {  	v3 =	vtrunc.f32 v10;
	v5 =	vtrunc.f32 v11  }
0x34: {  	v13 =	vcvt.f32.s32 v3;
	v14 =	vcvt.f32.s32 v5  }
0x35: {  	v3 =	vmul.f32 v6, v0;
	v5 =	vtrunc.f32 v12  }
0x36: {  	v7 =	vmul.f32 v7, v0;
	v15 =	vcvt.f32.s32 v5  }
0x37: {  	v16 =	vmul.u32 $0x9E3779B1, v13;
	v6 =	vmul.f32 v4, v0;
	v4 =	vtrunc.f32 v3  }
0x38: {  	v17 =	vmul.u32 $0x30025795, v14;
	v13 =	vcvt.s32.f32 v13;
	v14 =	vcvt.s32.f32 v14  }
0x39: {  	v18 =	vcvt.f32.s32 v4;
	v19 =	vadd.s32 $0x1, v15;
	v26 =	vcvt.s32.f32 v15  }
0x3a: {  	v4 =	vxor.u32 v16, v17;
	v5 =	vtrunc.f32 v6;
	v21 =	vadd.s32 $0x9E3779B1, v16  }
0x3b: {  	v22 =	vadd.s32 $0x30025795, v17;
	v13 =	vsub.f32 v10, v13;
	v11 =	vsub.f32 v11, v14  }
0x3c: {  	v8 =	vxor.u32 v19, v4;
	v9 =	vcvt.f32.s32 v5;
	v5 =	vmul.u32 $0x9E3779B1, v18  }
0x3d: {  	v4 =	vxor.u32 v15, v4;
	v24 =	vxor.u32 v21, v22;
	v20 =	vand.u32 $0x3FFF, v8  }
0x3e: {  	v14 =	vxor.u32 v16, v22;
	v12 =	vsub.f32 v12, v26;
	v17 =	vxor.u32 v17, v21  }
0x3f: {  	v23 =	vand.u32 $0x3FFF, v4;
	v4 =	vtrunc.f32 v7;
	v25 =	vxor.u32 v19, v24  }
0x40: {  	v10 =	vxor.u32 v15, v24;
	v58 =	vmul.f32 v11, v13;
	v27 =	vsub.f32 $1.000000000e+00, v13  }
0x41: {  	v29 =	vsub.f32 $1.000000000e+00, v11;
	v8 =	vmul.u32 $0x30025795, v9;
	v25 =	vand.u32 $0x3FFF, v25  }
0x42: {  	v4 =	vcvt.f32.s32 v4;
	v16 =	vand.u32 $0x3FFF, v10;
	v10 =	vcvt.s32.f32 v18;
	v56 =	vld.idx.msk [tilespmem:v20+s2+$0x0], $0xffff  }
0x43: {  	v18 =	vxor.u32 v19, v14;
	v26 =	vsub.f32 $1.000000000e+00, v12;
	v14 =	vxor.u32 v15, v14;
	v20 =	vld.idx.msk [tilespmem:v20+s13+$0x0], $0xffff  }
0x44: {  	v19 =	vxor.u32 v19, v17;
	v15 =	vxor.u32 v15, v17;
	v30 =	vmul.f32 v58, v12;
	v57 =	vld.idx.msk [tilespmem:v23+s2+$0x0], $0xffff  }
0x45: {  	v18 =	vand.u32 $0x3FFF, v18;
	v11 =	vmul.f32 v11, v27;
	v27 =	vmul.f32 v29, v27;
	v23 =	vld.idx.msk [tilespmem:v23+s13+$0x0], $0xffff  }
0x46: {  	v14 =	vand.u32 $0x3FFF, v14;
	v13 =	vmul.f32 v29, v13;
	v21 =	vmul.f32 v58, v26;
	v28 =	vld.idx.msk [tilespmem:v25+s2+$0x0], $0xffff  }
0x47: {  	v19 =	vand.u32 $0x3FFF, v19;
	v17 =	vmul.f32 v11, v26;
	v11 =	vmul.f32 v11, v12;
	v25 =	vld.idx.msk [tilespmem:v25+s13+$0x0], $0xffff  }
0x48: {  	v15 =	vand.u32 $0x3FFF, v15;
	v32 =	vmul.f32 v13, v26;
	v13 =	vmul.f32 v13, v12;
	v31 =	vld.idx.msk [tilespmem:v16+s2+$0x0], $0xffff  }
0x49: {  	v10 =	vsub.f32 v3, v10;
	v26 =	vmul.f32 v27, v26;
	v12 =	vmul.f32 v27, v12  }
0x4a: {  	v16 =	vld.idx.msk [tilespmem:v16+s13+$0x0], $0xffff;
	v60 =	vshll.u32 v56, $0x10;
	v24 =	vand.u32 $0xFFFF0000, v56;
	v34 =	vshll.u32 v20, $0x10  }
0x4b: {  	v59 =	vld.idx.msk [tilespmem:v18+s2+$0x0], $0xffff;
	v20 =	vand.u32 $0xFFFF0000, v20;
	v35 =	vshll.u32 v57, $0x10;
	v22 =	vand.u32 $0xFFFF0000, v57  }
0x4c: {  	v18 =	vld.idx.msk [tilespmem:v18+s13+$0x0], $0xffff;
	v36 =	vshll.u32 v23, $0x10;
	v23 =	vand.u32 $0xFFFF0000, v23;
	v38 =	vshll.u32 v28, $0x10  }
0x4d: {  	v33 =	vld.idx.msk [tilespmem:v14+s2+$0x0], $0xffff;
	v28 =	vand.u32 $0xFFFF0000, v28;
	v39 =	vshll.u32 v31, $0x10;
	v40 =	vshll.u32 v25, $0x10  }
0x4e: {  	v14 =	vld.idx.msk [tilespmem:v14+s13+$0x0], $0xffff;
	v25 =	vand.u32 $0xFFFF0000, v25;
	v27 =	vmul.f32 v60, v12;
	v24 =	vmul.f32 v24, v12  }
0x4f: {  	v37 =	vld.idx.msk [tilespmem:v19+s2+$0x0], $0xffff;
	v31 =	vand.u32 $0xFFFF0000, v31;
	v34 =	vmul.f32 v34, v12;
	v12 =	vmul.f32 v20, v12  }
0x50: {  	v19 =	vld.idx.msk [tilespmem:v19+s13+$0x0], $0xffff;
	v41 =	vshll.u32 v16, $0x10;
	v35 =	vmul.f32 v35, v26;
	v22 =	vmul.f32 v22, v26  }
0x51: {  	v44 =	vld.idx.msk [tilespmem:v15+s2+$0x0], $0xffff;
	v16 =	vand.u32 $0xFFFF0000, v16;
	v36 =	vmul.f32 v36, v26;
	v23 =	vmul.f32 v23, v26  }
0x52: {  	v15 =	vld.idx.msk [tilespmem:v15+s13+$0x0], $0xffff;
	v42 =	vshll.u32 v59, $0x10;
	v29 =	vand.u32 $0xFFFF0000, v59;
	v43 =	vshll.u32 v18, $0x10  }
0x53: {  	v45 =	vshll.u32 v33, $0x10;
	v33 =	vand.u32 $0xFFFF0000, v33;
	v18 =	vand.u32 $0xFFFF0000, v18  }
0x54: {  	v46 =	vshll.u32 v37, $0x10;
	v47 =	vshll.u32 v14, $0x10;
	v14 =	vand.u32 $0xFFFF0000, v14  }
0x55: {  	v37 =	vand.u32 $0xFFFF0000, v37;
	v20 =	vshll.u32 v19, $0x10;
	v19 =	vand.u32 $0xFFFF0000, v19  }
0x56: {  	v61 =	vshll.u32 v44, $0x10;
	v44 =	vand.u32 $0xFFFF0000, v44;
	v38 =	vmul.f32 v38, v30  }
0x57: {  	v28 =	vmul.f32 v28, v30;
	v48 =	vshll.u32 v15, $0x10;
	v39 =	vmul.f32 v39, v21  }
0x58: {  	v31 =	vmul.f32 v31, v21;
	v15 =	vand.u32 $0xFFFF0000, v15;
	v42 =	vmul.f32 v42, v11  }
0x59: {  	v29 =	vmul.f32 v29, v11;
	v35 =	vadd.f32 $0.0e+00, v35;
	v45 =	vmul.f32 v45, v17  }
0x5a: {  	v33 =	vmul.f32 v33, v17;
	v22 =	vadd.f32 $0.0e+00, v22;
	v46 =	vmul.f32 v46, v13  }
0x5b: {  	v37 =	vmul.f32 v37, v13;
	v36 =	vadd.f32 $0.0e+00, v36;
	v26 =	vmul.f32 v61, v32  }
0x5c: {  	v23 =	vadd.f32 $0.0e+00, v23;
	v62 =	vmul.f32 v44, v32;
	v27 =	vadd.f32 v35, v27  }
0x5d: {  	v63 =	vmul.f32 v48, v32;
	v22 =	vadd.f32 v22, v24;
	v34 =	vadd.f32 v36, v34  }
0x5e: {  	v15 =	vmul.f32 v15, v32;
	v12 =	vadd.f32 v23, v12;
	v26 =	vadd.f32 v27, v26  }
0x5f: {  	v20 =	vmul.f32 v20, v13;
	v22 =	vadd.f32 v22, v62;
	v34 =	vadd.f32 v34, v63  }
0x60: {  	v13 =	vmul.f32 v19, v13;
	v12 =	vadd.f32 v12, v15;
	v35 =	vadd.f32 v26, v46  }
0x61: {  	v36 =	vmul.f32 v47, v17;
	v15 =	vadd.f32 v22, v37;
	v19 =	vadd.f32 v20, v34  }
0x62: {  	v14 =	vmul.f32 v14, v17;
	v12 =	vadd.f32 v13, v12;
	v20 =	vadd.f32 v45, v35  }
0x63: {  	v13 =	vadd.f32 v33, v15;
	v15 =	vadd.f32 v36, v19;
	v19 =	vmul.f32 v43, v11  }
0x64: {  	v11 =	vmul.f32 v18, v11;
	v18 =	vxor.u32 v5, v8;
	v17 =	vadd.f32 v42, v20  }
0x65: {  	v12 =	vadd.f32 v14, v12;
	v3 =	vxor.u32 v4, v18;
	v13 =	vadd.f32 v29, v13  }
0x66: {  	v14 =	vadd.f32 v19, v15;
	v15 =	vadd.f32 v39, v17;
	v17 =	vmul.f32 v41, v21  }
0x67: {  	v11 =	vadd.f32 v11, v12;
	v12 =	vadd.f32 v31, v13;
	v13 =	vmul.f32 v16, v21  }
0x68: {  	v16 =	vmul.f32 v40, v30;
	v14 =	vadd.f32 v17, v14;
	v15 =	vadd.f32 v38, v15  }
0x69: {  	v11 =	vadd.f32 v13, v11;
	v13 =	vmul.f32 v25, v30;
	v17 =	vcvt.s32.f32 v9  }
0x6a: {  	v19 =	vadd.s32 $0x9E3779B1, v5;
	v12 =	vadd.f32 v28, v12;
	v14 =	vadd.f32 v16, v14  }
0x6b: {  	v9 =	vadd.f32 v13, v11;
	v11 =	vcvt.s32.f32 v4;
	v6 =	vsub.f32 v6, v17  }
0x6c: {  	v13 =	vand.u32 $0x3FFF, v3;
	v16 =	vsub.f32 $1.000000000e+00, v10;
	v17 =	vadd.s32 $0x1, v4  }
0x6d: {  	v3 =	vsub.f32 v7, v11;
	v7 =	vsub.f32 $1.000000000e+00, v6;
	v11 =	vxor.u32 v17, v18  }
0x6e: {  	v18 =	vadd.s32 $0x30025795, v8;
	v8 =	vxor.u32 v8, v19;
	v11 =	vand.u32 $0x3FFF, v11  }
0x6f: {  	v38 =	vxor.u32 v4, v8;
	v8 =	vxor.u32 v17, v8;
	v5 =	vxor.u32 v5, v18  }
0x70: {  	v18 =	vxor.u32 v19, v18;
	v20 =	vsub.f32 $1.000000000e+00, v3;
	v37 =	vmul.f32 v7, v16  }
0x71: {  	v22 =	vand.u32 $0x3FFF, v38;
	v8 =	vand.u32 $0x3FFF, v8;
	v41 =	vxor.u32 v4, v5;
	v39 =	vld.idx.msk [tilespmem:v13+s2+$0x0], $0xffff  }
0x72: {  	v7 =	vmul.f32 v7, v10;
	v16 =	vmul.f32 v6, v16;
	v5 =	vxor.u32 v17, v5;
	v13 =	vld.idx.msk [tilespmem:v13+s13+$0x0], $0xffff  }
0x73: {  	v4 =	vxor.u32 v4, v18;
	v17 =	vxor.u32 v17, v18;
	v6 =	vmul.f32 v6, v10  }
0x74: {  	v25 =	vand.u32 $0x3FFF, v41;
	v40 =	vmul.f32 v37, v20;
	v21 =	vmul.f32 v37, v3  }
0x75: {  	v5 =	vand.u32 $0x3FFF, v5;
	v42 =	vmul.f32 v7, v20;
	v7 =	vmul.f32 v7, v3;
	v19 =	vld.idx.msk [tilespmem:v11+s2+$0x0], $0xffff  }
0x76: {  	v46 =	vand.u32 $0x3FFF, v17;
	v43 =	vmul.f32 v16, v20;
	v62 =	vmul.f32 v16, v3;
	v11 =	vld.idx.msk [tilespmem:v11+s13+$0x0], $0xffff  }
0x77: {  	v45 =	vld.idx.msk [tilespmem:v22+s2+$0x0], $0xffff;
	v18 =	vshll.u32 v39, $0x10;
	v23 =	vand.u32 $0xFFFF0000, v39;
	v44 =	vshll.u32 v13, $0x10  }
0x78: {  	v17 =	vld.idx.msk [tilespmem:v22+s13+$0x0], $0xffff;
	v13 =	vand.u32 $0xFFFF0000, v13;
	v18 =	vmul.f32 v18, v40;
	v23 =	vmul.f32 v23, v40  }
0x79: {  	v4 =	vand.u32 $0x3FFF, v4;
	v49 =	vld.idx.msk [tilespmem:v8+s2+$0x0], $0xffff;
	v28 =	vmul.f32 v44, v40;
	v13 =	vmul.f32 v13, v40  }
0x7a: {  	v8 =	vld.idx.msk [tilespmem:v8+s13+$0x0], $0xffff;
	v47 =	vshll.u32 v19, $0x10;
	v19 =	vand.u32 $0xFFFF0000, v19;
	v18 =	vadd.f32 $0.0e+00, v18  }
0x7b: {  	v53 =	vld.idx.msk [tilespmem:v25+s2+$0x0], $0xffff;
	v48 =	vshll.u32 v11, $0x10;
	v11 =	vand.u32 $0xFFFF0000, v11;
	v23 =	vadd.f32 $0.0e+00, v23  }
0x7c: {  	v25 =	vld.idx.msk [tilespmem:v25+s13+$0x0], $0xffff;
	v28 =	vadd.f32 $0.0e+00, v28;
	v22 =	vmul.f32 v47, v21;
	v19 =	vmul.f32 v19, v21  }
0x7d: {  	v58 =	vld.idx.msk [tilespmem:v5+s2+$0x0], $0xffff;
	v13 =	vadd.f32 $0.0e+00, v13;
	v24 =	vmul.f32 v48, v21;
	v11 =	vmul.f32 v11, v21  }
0x7e: {  	v50 =	vshll.u32 v45, $0x10;
	v29 =	vand.u32 $0xFFFF0000, v45;
	v51 =	vshll.u32 v17, $0x10  }
0x7f: {  	v17 =	vand.u32 $0xFFFF0000, v17;
	v54 =	vshll.u32 v49, $0x10;
	v55 =	vand.u32 $0xFFFF0000, v49  }
0x80: {  	v5 =	vld.idx.msk [tilespmem:v5+s13+$0x0], $0xffff;
	v56 =	vshll.u32 v8, $0x10;
	v8 =	vand.u32 $0xFFFF0000, v8;
	v21 =	vmul.f32 v50, v42  }
0x81: {  	v17 =	vmul.f32 v17, v42;
	v57 =	vmul.f32 v54, v7;
	v59 =	vshll.u32 v25, $0x10  }
0x82: {  	v25 =	vand.u32 $0xFFFF0000, v25;
	v16 =	vshll.u32 v58, $0x10;
	v18 =	vadd.f32 v18, v22  }
0x83: {  	[tilespmem:s21+$0xA010] =	vst v15;
	v15 =	vand.u32 $0xFFFF0000, v58;
	v19 =	vadd.f32 v23, v19;
	v52 =	vadd.f32 v28, v24  }
0x84: {  	v11 =	vadd.f32 v13, v11;
	v13 =	vmul.f32 v29, v42;
	v22 =	vmul.f32 v51, v42  }
0x85: {  	v63 =	vshll.u32 v5, $0x10;
	v24 =	vand.u32 $0xFFFF0000, v53;
	v18 =	vadd.f32 v18, v21  }
0x86: {  	v61 =	vmul.f32 v25, v43;
	v13 =	vadd.f32 v19, v13;
	v19 =	vadd.f32 v52, v22  }
0x87: {  	v11 =	vadd.f32 v11, v17;
	v17 =	vmul.f32 v55, v7;
	v21 =	vmul.f32 v56, v7  }
0x88: {  	v60 =	vld.idx.msk [tilespmem:v4+s2+$0x0], $0xffff;
	v7 =	vmul.f32 v8, v7;
	v8 =	vshll.u32 v53, $0x10;
	v22 =	vmul.f32 v59, v43  }
0x89: {  	s31 =	sand.u32 $0x3, s22;
	v8 =	vmul.f32 v8, v43;
	v18 =	vadd.f32 v18, v57;
	v17 =	vadd.f32 v13, v17  }
0x8a: {  	s23 =	sshll.u32 s31, $0x5;
	v10 =	vld.idx.msk [tilespmem:v4+s13+$0x0], $0xffff;
	v19 =	vadd.f32 v21, v19;
	v11 =	vadd.f32 v7, v11;
	v7 =	vmul.f32 v24, v43  }
0x8b: {  	s24 =	sadd.s32 $0x0, s23;
	[tilespmem:s21+$0xA110] =	vst v14;
	v14 =	vmul.f32 v15, v62;
	v15 =	vmul.f32 v63, v62;
	v13 =	vadd.f32 v8, v18  }
0x8c: {  	s25 =	sadd.s32 $0x10, s24;
	[tilespmem:s21+$0xA090] =	vst v12;
	v7 =	vadd.f32 v7, v17;
	v8 =	vand.u32 $0xFFFF0000, v5;
	v12 =	vadd.f32 v22, v19  }
0x8d: {  	s23 =	simm.s32 $0x0;
	s25 =	sor.u32 $0x180, s25;
	v4 =	vld.idx.msk [tilespmem:v46+s2+$0x0], $0xffff;
	v11 =	vadd.f32 v61, v11;
	v17 =	vmul.f32 v16, v62;
	v16 =	vshll.u32 v60, $0x10  }
0x8e: {  	s26 =	sor.u32 $0x180, s24;
	s24 =	simm.s32 $0x80;
	[tilespmem:s25+$0xA000] =	vst v9;
	s25 =	simm.s32 $0x20;
	v5 =	vld.idx.msk [tilespmem:v46+s13+$0x0], $0xffff;
	v18 =	vand.u32 $0xFFFF0000, v60;
	v9 =	vmul.f32 v8, v62;
	v8 =	vmul.f32 v6, v20  }
.LBB2_3:
0x8f: {  	s28 =	sand.u32 $0x60, s25;
	s29 =	sand.u32 $0x1E00, s24;
	v13 =	vadd.f32 v17, v13;
	v17 =	vshll.u32 v10, $0x10;
	v10 =	vand.u32 $0xFFFF0000, v10  }
0x90: {  	v7 =	vadd.f32 v14, v7;
	v12 =	vadd.f32 v15, v12;
	s28 =	sor.u32 s28, s29;
	v14 =	vmul.f32 v16, v8  }
0x91: {  	v9 =	vadd.f32 v9, v11;
	v11 =	vmul.f32 v18, v8;
	v16 =	vmul.f32 v17, v8;
	v15 =	vld [tilespmem:s28+$0x8090]  }
0x92: {  	v3 =	vmul.f32 v6, v3;
	v6 =	vshll.u32 v4, $0x10;
	v8 =	vmul.f32 v10, v8;
	v17 =	vld [tilespmem:s28+$0x8110]  }
0x93: {  	v4 =	vand.u32 $0xFFFF0000, v4;
	v18 =	vshll.u32 v5, $0x10;
	v5 =	vand.u32 $0xFFFF0000, v5;
	v10 =	vld [tilespmem:s28+$0x8010]  }
0x94: {  	v6 =	vmul.f32 v6, v3;
	v13 =	vadd.f32 v14, v13;
	v7 =	vadd.f32 v11, v7;
	v19 =	vld [tilespmem:s28+$0x8080]  }
0x95: {  	v4 =	vmul.f32 v4, v3;
	v12 =	vadd.f32 v16, v12;
	v8 =	vadd.f32 v8, v9;
	v11 =	vld [tilespmem:s28+$0x8100]  }
0x96: {  	v6 =	vadd.f32 v6, v13;
	v13 =	vmul.f32 v18, v3;
	v3 =	vmul.f32 v5, v3;
	v9 =	vld [tilespmem:s28+$0x8000]  }
0x97: {  	v4 =	vadd.f32 v4, v7;
	v14 =	vmul.f32 v15, v0;
	v15 =	vmul.f32 v17, v0  }
0x98: {  	v5 =	vadd.f32 v13, v12;
	v3 =	vadd.f32 v3, v8;
	v16 =	vmul.f32 v10, v0;
	[tilespmem:s21+$0xA000] =	vst v6  }
0x99: {  	v6 =	vtrunc.f32 v14;
	v7 =	vtrunc.f32 v15;
	[tilespmem:s21+$0xA080] =	vst v4  }
0x9a: {  	v4 =	vcvt.f32.s32 v6;
	v10 =	vcvt.f32.s32 v7;
	[tilespmem:s21+$0xA100] =	vst v5;
	s21 =	smov.u32 s28  }
0x9b: {  	v6 =	vmul.f32 v19, v0;
	v5 =	vtrunc.f32 v16;
	[tilespmem:s26+$0xA000] =	vst v3  }
0x9c: {  	v13 =	vcvt.f32.s32 v5;
	v12 =	vmul.u32 $0x9E3779B1, v4;
	v17 =	vmul.u32 $0x30025795, v10  }
0x9d: {  	v7 =	vmul.f32 v11, v0;
	v3 =	vtrunc.f32 v6  }
0x9e: {  	v11 =	vcvt.f32.s32 v3;
	v18 =	vadd.s32 $0x1, v13;
	v8 =	vxor.u32 v12, v17  }
0x9f: {  	v3 =	vmul.f32 v9, v0;
	v5 =	vtrunc.f32 v7;
	v19 =	vxor.u32 v18, v8  }
0xa0: {  	v9 =	vcvt.f32.s32 v5;
	v5 =	vmul.u32 $0x9E3779B1, v11;
	v19 =	vand.u32 $0x3FFF, v19  }
0xa1: {  	v20 =	vadd.s32 $0x9E3779B1, v12;
	v21 =	vadd.s32 $0x30025795, v17;
	v22 =	vxor.u32 v13, v8  }
0xa2: {  	v8 =	vmul.u32 $0x30025795, v9;
	v23 =	vxor.u32 v20, v21;
	v22 =	vand.u32 $0x3FFF, v22  }
0xa3: {  	v25 =	vcvt.s32.f32 v4;
	v24 =	vtrunc.f32 v3;
	v26 =	vxor.u32 v18, v23  }
0xa4: {  	s23 =	sadd.s32 $0x2, s23;
	v10 =	vcvt.s32.f32 v10;
	v4 =	vcvt.f32.s32 v24;
	v24 =	vand.u32 $0x3FFF, v26  }
0xa5: {  	p1 =	slt.u32 s23, $0x7E;
	v14 =	vsub.f32 v14, v25;
	v23 =	vxor.u32 v13, v23;
	v26 =	vcvt.s32.f32 v13;
	v25 =	vld.idx.msk [tilespmem:v19+s2+$0x0], $0xffff  }
0xa6: {  	v15 =	vsub.f32 v15, v10;
	v12 =	vxor.u32 v12, v21;
	v21 =	vand.u32 $0x3FFF, v23;
	v19 =	vld.idx.msk [tilespmem:v19+s13+$0x0], $0xffff  }
0xa7: {  	v10 =	vcvt.s32.f32 v11;
	v11 =	vxor.u32 v18, v12;
	v16 =	vsub.f32 v16, v26;
	v23 =	vld.idx.msk [tilespmem:v22+s2+$0x0], $0xffff  }
0xa8: {  	v17 =	vxor.u32 v17, v20;
	v20 =	vand.u32 $0x3FFF, v11;
	v26 =	vmul.f32 v15, v14;
	v22 =	vld.idx.msk [tilespmem:v22+s13+$0x0], $0xffff  }
0xa9: {  	v28 =	vsub.f32 $1.000000000e+00, v14;
	v11 =	vxor.u32 v13, v12;
	v27 =	vsub.f32 $1.000000000e+00, v16;
	v29 =	vld.idx.msk [tilespmem:v24+s2+$0x0], $0xffff  }
0xaa: {  	v30 =	vsub.f32 $1.000000000e+00, v15;
	v31 =	vand.u32 $0x3FFF, v11;
	v11 =	vmul.f32 v26, v16;
	v24 =	vld.idx.msk [tilespmem:v24+s13+$0x0], $0xffff  }
0xab: {  	v18 =	vxor.u32 v18, v17;
	v15 =	vmul.f32 v15, v28;
	v12 =	vmul.f32 v26, v27;
	v26 =	vld.idx.msk [tilespmem:v21+s2+$0x0], $0xffff  }
0xac: {  	v18 =	vand.u32 $0x3FFF, v18;
	v28 =	vmul.f32 v30, v28;
	v14 =	vmul.f32 v30, v14;
	v21 =	vld.idx.msk [tilespmem:v21+s13+$0x0], $0xffff  }
0xad: {  	v13 =	vxor.u32 v13, v17;
	v17 =	vmul.f32 v15, v27;
	v15 =	vmul.f32 v15, v16;
	v30 =	vld.idx.msk [tilespmem:v20+s2+$0x0], $0xffff  }
0xae: {  	v13 =	vand.u32 $0x3FFF, v13;
	v32 =	vmul.f32 v14, v27;
	v14 =	vmul.f32 v14, v16;
	v20 =	vld.idx.msk [tilespmem:v20+s13+$0x0], $0xffff  }
0xaf: {  	v27 =	vmul.f32 v28, v27;
	v16 =	vmul.f32 v28, v16;
	v28 =	vshll.u32 v25, $0x10;
	v33 =	vld.idx.msk [tilespmem:v31+s2+$0x0], $0xffff  }
0xb0: {  	v25 =	vand.u32 $0xFFFF0000, v25;
	v34 =	vshll.u32 v19, $0x10;
	v19 =	vand.u32 $0xFFFF0000, v19;
	v31 =	vld.idx.msk [tilespmem:v31+s13+$0x0], $0xffff  }
0xb1: {  	v35 =	vshll.u32 v23, $0x10;
	v23 =	vand.u32 $0xFFFF0000, v23;
	v36 =	vshll.u32 v22, $0x10;
	v37 =	vld.idx.msk [tilespmem:v18+s2+$0x0], $0xffff  }
0xb2: {  	v22 =	vand.u32 $0xFFFF0000, v22;
	v38 =	vshll.u32 v29, $0x10;
	v29 =	vand.u32 $0xFFFF0000, v29  }
0xb3: {  	v40 =	vshll.u32 v24, $0x10;
	v24 =	vand.u32 $0xFFFF0000, v24;
	v39 =	vshll.u32 v26, $0x10;
	v18 =	vld.idx.msk [tilespmem:v18+s13+$0x0], $0xffff  }
0xb4: {  	v26 =	vand.u32 $0xFFFF0000, v26;
	v41 =	vshll.u32 v21, $0x10;
	v21 =	vand.u32 $0xFFFF0000, v21  }
0xb5: {  	v43 =	vshll.u32 v30, $0x10;
	v30 =	vand.u32 $0xFFFF0000, v30;
	v44 =	vshll.u32 v20, $0x10;
	v42 =	vld.idx.msk [tilespmem:v13+s2+$0x0], $0xffff  }
0xb6: {  	v20 =	vand.u32 $0xFFFF0000, v20;
	v45 =	vshll.u32 v33, $0x10;
	v33 =	vand.u32 $0xFFFF0000, v33  }
0xb7: {  	v47 =	vshll.u32 v31, $0x10;
	v31 =	vand.u32 $0xFFFF0000, v31;
	v46 =	vshll.u32 v37, $0x10;
	v13 =	vld.idx.msk [tilespmem:v13+s13+$0x0], $0xffff  }
0xb8: {  	v28 =	vmul.f32 v28, v16;
	v25 =	vmul.f32 v25, v16;
	v37 =	vand.u32 $0xFFFF0000, v37  }
0xb9: {  	v34 =	vmul.f32 v34, v16;
	v16 =	vmul.f32 v19, v16;
	v19 =	vshll.u32 v18, $0x10  }
0xba: {  	v35 =	vmul.f32 v35, v27;
	v23 =	vmul.f32 v23, v27;
	v18 =	vand.u32 $0xFFFF0000, v18  }
0xbb: {  	v36 =	vmul.f32 v36, v27;
	v22 =	vmul.f32 v22, v27;
	v27 =	vshll.u32 v42, $0x10  }
0xbc: {  	v38 =	vmul.f32 v38, v11;
	v29 =	vmul.f32 v29, v11;
	v42 =	vand.u32 $0xFFFF0000, v42  }
0xbd: {  	v39 =	vmul.f32 v39, v12;
	v26 =	vmul.f32 v26, v12;
	v48 =	vshll.u32 v13, $0x10  }
0xbe: {  	v43 =	vmul.f32 v43, v15;
	v30 =	vmul.f32 v30, v15;
	v13 =	vand.u32 $0xFFFF0000, v13  }
0xbf: {  	v35 =	vadd.f32 $0.0e+00, v35;
	v45 =	vmul.f32 v45, v17;
	v33 =	vmul.f32 v33, v17  }
0xc0: {  	v23 =	vadd.f32 $0.0e+00, v23;
	v46 =	vmul.f32 v46, v14;
	v37 =	vmul.f32 v37, v14  }
0xc1: {  	v36 =	vadd.f32 $0.0e+00, v36;
	v28 =	vadd.f32 v35, v28;
	v27 =	vmul.f32 v27, v32  }
0xc2: {  	v22 =	vadd.f32 $0.0e+00, v22;
	v23 =	vadd.f32 v23, v25;
	v25 =	vmul.f32 v42, v32  }
0xc3: {  	v34 =	vadd.f32 v36, v34;
	v27 =	vadd.f32 v28, v27;
	v28 =	vmul.f32 v48, v32  }
0xc4: {  	v16 =	vadd.f32 v22, v16;
	v22 =	vadd.f32 v23, v25;
	v13 =	vmul.f32 v13, v32  }
0xc5: {  	v19 =	vmul.f32 v19, v14;
	v23 =	vadd.f32 v34, v28;
	v25 =	vadd.f32 v27, v46  }
0xc6: {  	v14 =	vmul.f32 v18, v14;
	v13 =	vadd.f32 v16, v13;
	v16 =	vadd.f32 v22, v37  }
0xc7: {  	v22 =	vmul.f32 v47, v17;
	v18 =	vadd.f32 v19, v23;
	v19 =	vadd.f32 v45, v25  }
0xc8: {  	v13 =	vadd.f32 v14, v13;
	v14 =	vadd.f32 v33, v16;
	v16 =	vmul.f32 v31, v17  }
0xc9: {  	v17 =	vadd.f32 v22, v18;
	v18 =	vadd.f32 v43, v19;
	v19 =	vmul.f32 v44, v15  }
0xca: {  	v13 =	vadd.f32 v16, v13;
	v14 =	vadd.f32 v30, v14;
	v15 =	vmul.f32 v20, v15  }
0xcb: {  	v16 =	vadd.f32 v19, v17;
	v17 =	vadd.f32 v39, v18;
	v18 =	vmul.f32 v41, v12  }
0xcc: {  	s22 =	sadd.s32 $0x1, s22;
	v13 =	vadd.f32 v15, v13;
	v14 =	vadd.f32 v26, v14;
	v12 =	vmul.f32 v21, v12  }
0xcd: {  	s26 =	sand.u32 $0x3, s22;
	v15 =	vadd.f32 v18, v16;
	v16 =	vadd.f32 v38, v17;
	v17 =	vmul.f32 v40, v11  }
0xce: {  	s26 =	sshll.u32 s26, $0x5;
	v12 =	vadd.f32 v12, v13;
	v13 =	vadd.f32 v29, v14;
	v11 =	vmul.f32 v24, v11  }
0xcf: {  	s28 =	sadd.s32 s26, s24;
	v9 =	vcvt.s32.f32 v9;
	v14 =	vxor.u32 v5, v8;
	v15 =	vadd.f32 v17, v15;
	[tilespmem:s21+$0xA010] =	vst v16  }
0xd0: {  	s26 =	sor.u32 $0x180, s28;
	s28 =	sadd.s32 $0x10, s28;
	v6 =	vsub.f32 v6, v10;
	v10 =	vxor.u32 v4, v14;
	v11 =	vadd.f32 v11, v12;
	[tilespmem:s21+$0xA090] =	vst v13  }
0xd1: {  	s28 =	sor.u32 $0x180, s28;
	v7 =	vsub.f32 v7, v9;
	v12 =	vcvt.s32.f32 v4;
	v9 =	vand.u32 $0x3FFF, v10;
	[tilespmem:s21+$0xA110] =	vst v15  }
0xd2: {  	v10 =	vsub.f32 $1.000000000e+00, v6;
	v13 =	vadd.s32 $0x1, v4;
	v15 =	vadd.s32 $0x9E3779B1, v5;
	[tilespmem:s28+$0xA000] =	vst v11  }
0xd3: {  	v3 =	vsub.f32 v3, v12;
	v12 =	vxor.u32 v13, v14;
	v11 =	vsub.f32 $1.000000000e+00, v7  }
0xd4: {  	v14 =	vadd.s32 $0x30025795, v8;
	v12 =	vand.u32 $0x3FFF, v12;
	v16 =	vxor.u32 v8, v15  }
0xd5: {  	v8 =	vsub.f32 $1.000000000e+00, v3;
	v18 =	vxor.u32 v4, v16;
	v17 =	vmul.f32 v11, v10  }
0xd6: {  	v5 =	vxor.u32 v5, v14;
	v16 =	vxor.u32 v13, v16;
	v18 =	vand.u32 $0x3FFF, v18;
	v19 =	vld.idx.msk [tilespmem:v9+s2+$0x0], $0xffff  }
0xd7: {  	v21 =	vxor.u32 v4, v5;
	v16 =	vand.u32 $0x3FFF, v16;
	v20 =	vmul.f32 v17, v8;
	v9 =	vld.idx.msk [tilespmem:v9+s13+$0x0], $0xffff  }
0xd8: {  	v11 =	vmul.f32 v11, v6;
	v21 =	vand.u32 $0x3FFF, v21;
	v17 =	vmul.f32 v17, v3  }
0xd9: {  	v23 =	vmul.f32 v7, v10;
	v5 =	vxor.u32 v13, v5;
	v10 =	vxor.u32 v15, v14;
	v22 =	vld.idx.msk [tilespmem:v12+s2+$0x0], $0xffff  }
0xda: {  	v5 =	vand.u32 $0x3FFF, v5;
	v4 =	vxor.u32 v4, v10;
	v14 =	vmul.f32 v11, v8;
	v12 =	vld.idx.msk [tilespmem:v12+s13+$0x0], $0xffff  }
0xdb: {  	v10 =	vxor.u32 v13, v10;
	v11 =	vmul.f32 v11, v3;
	v4 =	vand.u32 $0x3FFF, v4;
	v15 =	vld.idx.msk [tilespmem:v18+s2+$0x0], $0xffff  }
0xdc: {  	v24 =	vmul.f32 v23, v8;
	v13 =	vshll.u32 v19, $0x10;
	v19 =	vand.u32 $0xFFFF0000, v19;
	v18 =	vld.idx.msk [tilespmem:v18+s13+$0x0], $0xffff  }
0xdd: {  	v25 =	vshll.u32 v9, $0x10;
	v9 =	vand.u32 $0xFFFF0000, v9;
	v13 =	vmul.f32 v13, v20;
	v26 =	vld.idx.msk [tilespmem:v16+s2+$0x0], $0xffff  }
0xde: {  	v27 =	vand.u32 $0x3FFF, v10;
	v19 =	vmul.f32 v19, v20;
	v25 =	vmul.f32 v25, v20;
	v16 =	vld.idx.msk [tilespmem:v16+s13+$0x0], $0xffff  }
0xdf: {  	v9 =	vmul.f32 v9, v20;
	v10 =	vshll.u32 v22, $0x10;
	v20 =	vand.u32 $0xFFFF0000, v22;
	v22 =	vld.idx.msk [tilespmem:v21+s2+$0x0], $0xffff  }
0xe0: {  	v13 =	vadd.f32 $0.0e+00, v13;
	v28 =	vshll.u32 v12, $0x10;
	v12 =	vand.u32 $0xFFFF0000, v12;
	v21 =	vld.idx.msk [tilespmem:v21+s13+$0x0], $0xffff  }
0xe1: {  	v19 =	vadd.f32 $0.0e+00, v19;
	v25 =	vadd.f32 $0.0e+00, v25;
	v10 =	vmul.f32 v10, v17;
	v29 =	vld.idx.msk [tilespmem:v5+s2+$0x0], $0xffff  }
0xe2: {  	v9 =	vadd.f32 $0.0e+00, v9;
	v20 =	vmul.f32 v20, v17;
	v28 =	vmul.f32 v28, v17;
	v30 =	vld.idx.msk [tilespmem:v5+s13+$0x0], $0xffff  }
0xe3: {  	v5 =	vmul.f32 v12, v17;
	v12 =	vshll.u32 v15, $0x10;
	v15 =	vand.u32 $0xFFFF0000, v15;
	v31 =	vld.idx.msk [tilespmem:v4+s2+$0x0], $0xffff  }
0xe4: {  	v13 =	vadd.f32 v13, v10;
	v17 =	vshll.u32 v18, $0x10;
	v18 =	vand.u32 $0xFFFF0000, v18;
	v10 =	vld.idx.msk [tilespmem:v4+s13+$0x0], $0xffff  }
0xe5: {  	v19 =	vadd.f32 v19, v20;
	v20 =	vadd.f32 v25, v28;
	v12 =	vmul.f32 v12, v14;
	v4 =	vld.idx.msk [tilespmem:v27+s2+$0x0], $0xffff  }
0xe6: {  	v15 =	vmul.f32 v15, v14;
	v17 =	vmul.f32 v17, v14;
	v9 =	vadd.f32 v9, v5;
	v5 =	vld.idx.msk [tilespmem:v27+s13+$0x0], $0xffff  }
0xe7: {  	v25 =	vand.u32 $0xFFFF0000, v26;
	v14 =	vmul.f32 v18, v14;
	v18 =	vshll.u32 v26, $0x10  }
0xe8: {  	v12 =	vadd.f32 v13, v12;
	v13 =	vshll.u32 v16, $0x10;
	v16 =	vand.u32 $0xFFFF0000, v16  }
0xe9: {  	v18 =	vmul.f32 v18, v11;
	v15 =	vadd.f32 v19, v15;
	v17 =	vadd.f32 v20, v17  }
0xea: {  	v9 =	vadd.f32 v9, v14;
	v14 =	vmul.f32 v25, v11;
	v13 =	vmul.f32 v13, v11  }
0xeb: {  	v19 =	vand.u32 $0xFFFF0000, v22;
	v11 =	vmul.f32 v16, v11;
	v16 =	vshll.u32 v22, $0x10  }
0xec: {  	v20 =	vand.u32 $0xFFFF0000, v21;
	v12 =	vadd.f32 v12, v18;
	v18 =	vshll.u32 v21, $0x10  }
0xed: {  	v14 =	vadd.f32 v15, v14;
	v15 =	vadd.f32 v13, v17;
	v13 =	vmul.f32 v16, v24  }
0xee: {  	v9 =	vadd.f32 v11, v9;
	v11 =	vmul.f32 v19, v24;
	v16 =	vmul.f32 v18, v24  }
0xef: {  	v17 =	vmul.f32 v20, v24;
	v18 =	vmul.f32 v23, v3;
	v19 =	vshll.u32 v29, $0x10  }
.Ltmp3:
0xf0: {  	v6 =	vmul.f32 v7, v6;
	v21 =	vshll.u32 v30, $0x10;
	v20 =	vand.u32 $0xFFFF0000, v29;
	(pc) =	sbr.rel @p1 .LBB2_3-.Ltmp3, $4  }
0xf1: {  	v22 =	vand.u32 $0xFFFF0000, v30;
	v13 =	vadd.f32 v13, v12;
	v7 =	vadd.f32 v11, v14  }
0xf2: {  	v12 =	vadd.f32 v16, v15;
	v11 =	vadd.f32 v17, v9;
	v17 =	vmul.f32 v19, v18  }
0xf3: {  	v14 =	vmul.f32 v20, v18;
	v15 =	vmul.f32 v21, v18;
	v16 =	vshll.u32 v31, $0x10  }
0xf4: {  	s25 =	sadd.s32 $0x20, s25;
	s24 =	sadd.s32 $0x80, s24;
	v8 =	vmul.f32 v6, v8;
	v9 =	vmul.f32 v22, v18;
	v18 =	vand.u32 $0xFFFF0000, v31  }
0xf5: {  	v13 =	vadd.f32 v17, v13  }
0xf6: {  	v53 =	vshll.u32 v10, $0x10;
	v54 =	vand.u32 $0xFFFF0000, v10;
	v7 =	vadd.f32 v14, v7  }
0xf7: {  	v12 =	vadd.f32 v15, v12;
	v3 =	vmul.f32 v6, v3;
	v59 =	vshll.u32 v4, $0x10  }
0xf8: {  	v60 =	vand.u32 $0xFFFF0000, v4;
	v61 =	vshll.u32 v5, $0x10;
	v55 =	vmul.f32 v16, v8  }
0xf9: {  	v62 =	vand.u32 $0xFFFF0000, v5;
	v56 =	vmul.f32 v18, v8;
	v57 =	vmul.f32 v53, v8  }
0xfa: {  	v58 =	vmul.f32 v54, v8;
	v8 =	vmul.f32 v59, v3;
	v13 =	vadd.f32 v55, v13  }
0xfb: {  	v9 =	vadd.f32 v9, v11;
	v4 =	vmul.f32 v60, v3;
	v7 =	vadd.f32 v56, v7  }
0xfc: {  	v10 =	vmul.f32 v61, v3;
	v11 =	vadd.f32 v57, v12;
	v8 =	vadd.f32 v8, v13  }
0xfd: {  	v3 =	vmul.f32 v62, v3;
	v6 =	vadd.f32 v58, v9;
	v4 =	vadd.f32 v4, v7  }
0xfe: {  	v63 =	vadd.f32 v10, v11;
	[tilespmem:s21+$0xA000] =	vst v8  }
0xff: {  	v3 =	vadd.f32 v3, v6;
	[tilespmem:s21+$0xA080] =	vst v4  }
0x100: {  	s19 =	sadd.s32 $0x1, s19;
	[tilespmem:s21+$0xA100] =	vst v63  }
0x101: {  	s20 =	sadd.s32 s20, s8;
	p1 =	seq.s32 s19, $0x40;
	[tilespmem:s26+$0xA000] =	vst v3  }
0x102: {  	[hbm4b:s20+s15] =	stream.strided.scatter [tilespmem:s17], [sflag:$0x1], $0x2000, s16, s15, $0x38;
	[tilespmem:$0xC000] =	vst v63  }
.Ltmp4:
0x103: {  	_ = 	snop;
	(pc) =	sbr.rel @!p1 .LBB2_2-.Ltmp4, $4  }
.Ltmp5:
0x104: {  	_ = 	snop;
	(pc) =	sbr.rel @p1 .LBB2_8-.Ltmp5, $4  }
0x105: {  	_ =	swait.ge [sflag:s12], $0x2000  }
0x106: {  	[sflag:s12] =	ssyncset.done $0x0  }
0x107: {  	[sflag:s12] =	ssyncadd.s32 $0xFFFFE000  }
0x108: {  	_ = 	snop  }
.LBB2_5:
0x109: {  	s19 =	sshll.u32 s20, $0xB  }
0x10a: {  	s19 =	sadd.s32 s6, s19  }
0x10b: {  	s21 =	sshrl.u32 s19, $0x1  }
0x10c: {  	s22 =	simm.s32 $0x0;
	s21 =	sadd.s32 s3, s21  }
0x10d: {  	[tilespmem:s14], [sflag:$0x1] =	stream.linear.gather [hbm4b:s21+s22], $0x2000, $0x38;
	[tilespmem:$0xC000] =	vst v63  }
0x10e: {  	_ =	swait.ge [sflag:s12], $0x2000  }
0x10f: {  	s30 =	sand.u32 $0x60, s22;
	s23 =	sand.u32 $0x1E00, s22;
	[sflag:s12] =	ssyncset.done $0x0  }
0x110: {  	s21 =	sor.u32 s30, s23;
	[sflag:s12] =	ssyncadd.s32 $0xFFFFE000  }
0x111: {  	v3 =	vld [tilespmem:s21+$0x8090]  }
0x112: {  	v4 =	vld [tilespmem:s21+$0x8110]  }
0x113: {  	v5 =	vld [tilespmem:s21+$0x8010];
	_ =	sdelay $0x2  }
0x114: {  	v6 =	vld [tilespmem:s21+$0x8080]  }
0x115: {  	v11 =	vmul.f32 v3, v0;
	v12 =	vmul.f32 v4, v0  }
0x116: {  	v4 =	vld [tilespmem:s21+$0x8100];
	v13 =	vmul.f32 v5, v0  }
0x117: {  	v5 =	vld [tilespmem:s21+$0x8000];
	v3 =	vtrunc.f32 v11;
	v7 =	vtrunc.f32 v12  }
0x118: {  	v10 =	vcvt.f32.s32 v3;
	v14 =	vcvt.f32.s32 v7  }
0x119: {  	v3 =	vmul.f32 v6, v0;
	v6 =	vtrunc.f32 v13  }
0x11a: {  	v15 =	vcvt.f32.s32 v6;
	v16 =	vmul.u32 v10, v1  }
0x11b: {  	v17 =	vmul.u32 v14, v2;
	v7 =	vmul.f32 v4, v0;
	v6 =	vtrunc.f32 v3  }
0x11c: {  	v4 =	vmul.f32 v5, v0;
	v8 =	vadd.s32 $0x1, v10;
	v9 =	vadd.s32 $0x1, v14  }
0x11d: {  	v24 =	vcvt.s32.f32 v10;
	v14 =	vcvt.s32.f32 v14;
	v18 =	vadd.s32 $0x1, v15  }
0x11e: {  	v21 =	vmul.u32 v1, v8;
	v22 =	vmul.u32 v2, v9;
	v9 =	vcvt.f32.s32 v6  }
0x11f: {  	v26 =	vcvt.s32.f32 v15;
	v5 =	vadd.s32 v16, v17;
	v20 =	vtrunc.f32 v7  }
0x120: {  	v6 =	vtrunc.f32 v4;
	v24 =	vsub.f32 v11, v24;
	v14 =	vsub.f32 v12, v14  }
0x121: {  	v19 =	vadd.s32 v18, v5;
	v8 =	vcvt.f32.s32 v20;
	v20 =	vadd.s32 v15, v5  }
0x122: {  	v23 =	vadd.s32 v21, v22;
	v5 =	vmul.u32 v9, v1;
	v6 =	vcvt.f32.s32 v6  }
0x123: {  	v13 =	vsub.f32 v13, v26;
	v16 =	vadd.s32 v16, v22;
	v11 =	vcvt.s32.f32 v9  }
0x124: {  	v17 =	vadd.s32 v17, v21;
	v9 =	vadd.s32 $0x1, v9;
	v25 =	vadd.s32 v18, v23  }
0x125: {  	v23 =	vadd.s32 v15, v23;
	v56 =	vadd.s32 v18, v16;
	v28 =	vmul.f32 v14, v24  }
0x126: {  	v30 =	vsub.f32 $1.000000000e+00, v24;
	v32 =	vsub.f32 $1.000000000e+00, v14;
	v16 =	vadd.s32 v15, v16;
	v27 =	vld.idx.msk [tilespmem:v19+s2+$0x0], $0xffff  }
0x127: {  	v18 =	vadd.s32 v18, v17;
	v15 =	vadd.s32 v15, v17;
	v9 =	vmul.u32 v1, v9;
	v19 =	vld.idx.msk [tilespmem:v19+s13+$0x0], $0xffff  }
0x128: {  	v10 =	vmul.u32 v8, v2;
	v12 =	vcvt.s32.f32 v8;
	v29 =	vsub.f32 $1.000000000e+00, v13;
	v55 =	vld.idx.msk [tilespmem:v20+s2+$0x0], $0xffff  }
0x129: {  	v11 =	vsub.f32 v3, v11;
	v33 =	vmul.f32 v28, v13;
	v14 =	vmul.f32 v14, v30;
	v20 =	vld.idx.msk [tilespmem:v20+s13+$0x0], $0xffff  }
0x12a: {  	v8 =	vadd.s32 $0x1, v8;
	v30 =	vmul.f32 v32, v30;
	v24 =	vmul.f32 v32, v24;
	v31 =	vld.idx.msk [tilespmem:v25+s2+$0x0], $0xffff  }
0x12b: {  	v8 =	vmul.u32 v2, v8;
	v57 =	vmul.f32 v28, v29;
	v59 =	vadd.s32 v5, v10;
	v25 =	vld.idx.msk [tilespmem:v25+s13+$0x0], $0xffff  }
0x12c: {  	v7 =	vsub.f32 v7, v12;
	v34 =	vmul.f32 v14, v29;
	v14 =	vmul.f32 v14, v13;
	v58 =	vld.idx.msk [tilespmem:v23+s2+$0x0], $0xffff  }
0x12d: {  	v10 =	vadd.s32 v10, v9;
	v17 =	vmul.f32 v24, v29;
	v24 =	vmul.f32 v24, v13;
	v23 =	vld.idx.msk [tilespmem:v23+s13+$0x0], $0xffff  }
0x12e: {  	v29 =	vmul.f32 v30, v29;
	v13 =	vmul.f32 v30, v13;
	v5 =	vadd.s32 v5, v8;
	v35 =	vld.idx.msk [tilespmem:v56+s2+$0x0], $0xffff  }
0x12f: {  	v12 =	vadd.s32 v6, v59;
	v8 =	vadd.s32 v9, v8;
	v26 =	vld.idx.msk [tilespmem:v56+s13+$0x0], $0xffff;
	v9 =	vadd.s32 v6, v5  }
0x130: {  	v36 =	vld.idx.msk [tilespmem:v16+s2+$0x0], $0xffff;
	v60 =	vshll.u32 v27, $0x10;
	v27 =	vand.u32 $0xFFFF0000, v27;
	v37 =	vshll.u32 v19, $0x10  }
0x131: {  	v16 =	vld.idx.msk [tilespmem:v16+s13+$0x0], $0xffff;
	v19 =	vand.u32 $0xFFFF0000, v19;
	v38 =	vshll.u32 v55, $0x10;
	v22 =	vand.u32 $0xFFFF0000, v55  }
0x132: {  	v40 =	vld.idx.msk [tilespmem:v18+s2+$0x0], $0xffff;
	v39 =	vshll.u32 v20, $0x10;
	v20 =	vand.u32 $0xFFFF0000, v20;
	v41 =	vshll.u32 v31, $0x10  }
0x133: {  	v31 =	vand.u32 $0xFFFF0000, v31;
	v42 =	vshll.u32 v58, $0x10;
	v43 =	vshll.u32 v25, $0x10  }
0x134: {  	v25 =	vand.u32 $0xFFFF0000, v25;
	v28 =	vand.u32 $0xFFFF0000, v58;
	v44 =	vshll.u32 v23, $0x10  }
0x135: {  	v18 =	vld.idx.msk [tilespmem:v18+s13+$0x0], $0xffff;
	v23 =	vand.u32 $0xFFFF0000, v23;
	v45 =	vshll.u32 v35, $0x10;
	v35 =	vand.u32 $0xFFFF0000, v35  }
0x136: {  	v46 =	vshll.u32 v26, $0x10;
	v48 =	vshll.u32 v36, $0x10;
	v36 =	vand.u32 $0xFFFF0000, v36  }
0x137: {  	v47 =	vld.idx.msk [tilespmem:v15+s2+$0x0], $0xffff;
	v26 =	vand.u32 $0xFFFF0000, v26;
	v49 =	vshll.u32 v40, $0x10;
	v50 =	vshll.u32 v16, $0x10  }
0x138: {  	v16 =	vand.u32 $0xFFFF0000, v16;
	v30 =	vmul.f32 v60, v13;
	v27 =	vmul.f32 v27, v13  }
0x139: {  	v15 =	vld.idx.msk [tilespmem:v15+s13+$0x0], $0xffff;
	v40 =	vand.u32 $0xFFFF0000, v40;
	v37 =	vmul.f32 v37, v13;
	v13 =	vmul.f32 v19, v13  }
0x13a: {  	v19 =	vshll.u32 v18, $0x10;
	v38 =	vmul.f32 v38, v29;
	v22 =	vmul.f32 v22, v29  }
0x13b: {  	v18 =	vand.u32 $0xFFFF0000, v18;
	v39 =	vmul.f32 v39, v29;
	v20 =	vmul.f32 v20, v29  }
0x13c: {  	v61 =	vshll.u32 v47, $0x10;
	v41 =	vmul.f32 v41, v33;
	v31 =	vmul.f32 v31, v33  }
0x13d: {  	v47 =	vand.u32 $0xFFFF0000, v47;
	v42 =	vmul.f32 v42, v57;
	v28 =	vmul.f32 v28, v57  }
0x13e: {  	v51 =	vshll.u32 v15, $0x10;
	v45 =	vmul.f32 v45, v14;
	v35 =	vmul.f32 v35, v14  }
0x13f: {  	v15 =	vand.u32 $0xFFFF0000, v15;
	v48 =	vmul.f32 v48, v34;
	v36 =	vmul.f32 v36, v34  }
0x140: {  	v49 =	vmul.f32 v49, v24;
	v40 =	vmul.f32 v40, v24;
	v38 =	vadd.f32 $0.0e+00, v38  }
0x141: {  	v29 =	vmul.f32 v61, v17;
	v62 =	vmul.f32 v47, v17;
	v22 =	vadd.f32 $0.0e+00, v22  }
0x142: {  	v55 =	vld.idx.msk [tilespmem:v9+s2+$0x0], $0xffff;
	v63 =	vmul.f32 v51, v17;
	v39 =	vadd.f32 $0.0e+00, v39;
	v30 =	vadd.f32 v38, v30  }
0x143: {  	v15 =	vmul.f32 v15, v17;
	v20 =	vadd.f32 $0.0e+00, v20;
	v22 =	vadd.f32 v22, v27  }
0x144: {  	v9 =	vld.idx.msk [tilespmem:v9+s13+$0x0], $0xffff;
	v19 =	vmul.f32 v19, v24;
	v37 =	vadd.f32 v39, v37;
	v29 =	vadd.f32 v30, v29  }
0x145: {  	v18 =	vmul.f32 v18, v24;
	v13 =	vadd.f32 v20, v13;
	v20 =	vadd.f32 v22, v62  }
0x146: {  	v16 =	vmul.f32 v16, v34;
	v17 =	vadd.f32 v37, v63;
	v38 =	vadd.f32 v29, v49  }
0x147: {  	v60 =	vand.u32 $0xFFFF0000, v55;
	v13 =	vadd.f32 v13, v15;
	v15 =	vadd.f32 v20, v40  }
0x148: {  	v17 =	vadd.f32 v19, v17;
	v20 =	vmul.f32 v50, v34;
	v19 =	vadd.f32 v48, v38  }
0x149: {  	v61 =	vshll.u32 v9, $0x10;
	v13 =	vadd.f32 v18, v13;
	v15 =	vadd.f32 v36, v15  }
0x14a: {  	v17 =	vadd.f32 v20, v17;
	v18 =	vadd.f32 v45, v19;
	v19 =	vmul.f32 v46, v14  }
0x14b: {  	v13 =	vadd.f32 v16, v13;
	v15 =	vadd.f32 v35, v15;
	v14 =	vmul.f32 v26, v14  }
0x14c: {  	v16 =	vadd.f32 v19, v17;
	v17 =	vadd.f32 v42, v18;
	v18 =	vmul.f32 v44, v57  }
0x14d: {  	v13 =	vadd.f32 v14, v13;
	v14 =	vadd.f32 v28, v15;
	v15 =	vmul.f32 v23, v57  }
0x14e: {  	v19 =	vcvt.s32.f32 v6;
	v16 =	vadd.f32 v18, v16;
	v17 =	vadd.f32 v41, v17  }
0x14f: {  	v18 =	vmul.f32 v43, v33;
	v13 =	vadd.f32 v15, v13;
	v15 =	vmul.f32 v25, v33  }
0x150: {  	v40 =	vld.idx.msk [tilespmem:v12+s2+$0x0], $0xffff;
	v3 =	vsub.f32 v4, v19;
	v4 =	vadd.s32 $0x1, v6;
	v41 =	vadd.s32 v6, v10  }
0x151: {  	v12 =	vld.idx.msk [tilespmem:v12+s13+$0x0], $0xffff;
	v6 =	vadd.s32 v6, v8;
	v16 =	vadd.f32 v18, v16;
	v18 =	vadd.f32 v15, v13  }
0x152: {  	v19 =	vadd.s32 v4, v59;
	v13 =	vsub.f32 $1.000000000e+00, v11;
	v15 =	vsub.f32 $1.000000000e+00, v7  }
0x153: {  	v10 =	vadd.s32 v4, v10;
	v5 =	vadd.s32 v4, v5;
	v45 =	vadd.s32 v4, v8  }
0x154: {  	v4 =	vmul.f32 v7, v11;
	v20 =	vsub.f32 $1.000000000e+00, v3;
	v39 =	vmul.f32 v15, v13  }
0x155: {  	v8 =	vshll.u32 v40, $0x10;
	v13 =	vmul.f32 v7, v13;
	v15 =	vmul.f32 v15, v11  }
0x156: {  	v7 =	vshll.u32 v12, $0x10;
	v11 =	vld.idx.msk [tilespmem:v41+s2+$0x0], $0xffff;
	v42 =	vmul.f32 v39, v20;
	v21 =	vmul.f32 v39, v3  }
0x157: {  	v48 =	vld.idx.msk [tilespmem:v41+s13+$0x0], $0xffff;
	v46 =	vmul.f32 v13, v20;
	v47 =	vmul.f32 v13, v3;
	v13 =	vand.u32 $0xFFFF0000, v40  }
0x158: {  	v12 =	vand.u32 $0xFFFF0000, v12;
	v43 =	vld.idx.msk [tilespmem:v19+s2+$0x0], $0xffff;
	v8 =	vmul.f32 v8, v42;
	v13 =	vmul.f32 v13, v42  }
0x159: {  	v9 =	vand.u32 $0xFFFF0000, v9;
	v19 =	vld.idx.msk [tilespmem:v19+s13+$0x0], $0xffff;
	v7 =	vmul.f32 v7, v42;
	v12 =	vmul.f32 v12, v42  }
0x15a: {  	v44 =	vmul.f32 v15, v20;
	v52 =	vld.idx.msk [tilespmem:v10+s2+$0x0], $0xffff;
	v8 =	vadd.f32 $0.0e+00, v8;
	v13 =	vadd.f32 $0.0e+00, v13  }
0x15b: {  	v15 =	vmul.f32 v15, v3;
	v10 =	vld.idx.msk [tilespmem:v10+s13+$0x0], $0xffff;
	v7 =	vadd.f32 $0.0e+00, v7;
	v12 =	vadd.f32 $0.0e+00, v12  }
0x15c: {  	v53 =	vshll.u32 v11, $0x10;
	v11 =	vand.u32 $0xFFFF0000, v11;
	v54 =	vshll.u32 v48, $0x10  }
0x15d: {  	v22 =	vand.u32 $0xFFFF0000, v48;
	v49 =	vshll.u32 v43, $0x10;
	v50 =	vand.u32 $0xFFFF0000, v43  }
0x15e: {  	v51 =	vshll.u32 v19, $0x10;
	v19 =	vand.u32 $0xFFFF0000, v19;
	v11 =	vmul.f32 v11, v44  }
0x15f: {  	v22 =	vmul.f32 v22, v44;
	v56 =	vshll.u32 v52, $0x10;
	v57 =	vand.u32 $0xFFFF0000, v52  }
0x160: {  	v58 =	vshll.u32 v10, $0x10;
	v23 =	vmul.f32 v49, v21;
	v24 =	vmul.f32 v50, v21  }
0x161: {  	v10 =	vand.u32 $0xFFFF0000, v10;
	v25 =	vmul.f32 v51, v21;
	v19 =	vmul.f32 v19, v21  }
0x162: {  	v21 =	vmul.f32 v53, v44;
	v8 =	vadd.f32 v8, v23;
	v13 =	vadd.f32 v13, v24  }
0x163: {  	v7 =	vadd.f32 v7, v25;
	v12 =	vadd.f32 v12, v19;
	v19 =	vmul.f32 v54, v44  }
0x164: {  	v59 =	vmul.f32 v57, v15;
	v10 =	vmul.f32 v10, v15;
	v8 =	vadd.f32 v8, v21  }
0x165: {  	v11 =	vadd.f32 v13, v11;
	v7 =	vadd.f32 v7, v19;
	v13 =	vmul.f32 v56, v15  }
0x166: {  	v19 =	vld.idx.msk [tilespmem:v5+s2+$0x0], $0xffff;
	v12 =	vadd.f32 v12, v22;
	v21 =	vmul.f32 v58, v15;
	v15 =	vshll.u32 v55, $0x10  }
0x167: {  	v14 =	vadd.f32 v31, v14;
	v5 =	vld.idx.msk [tilespmem:v5+s13+$0x0], $0xffff;
	v15 =	vmul.f32 v15, v46;
	v13 =	vadd.f32 v8, v13  }
0x168: {  	[tilespmem:s21+$0xA010] =	vst v17;
	v11 =	vadd.f32 v11, v59;
	v17 =	vadd.f32 v10, v12;
	v12 =	vmul.f32 v60, v46  }
0x169: {  	s31 =	sand.u32 $0x3, s22;
	v62 =	vmul.f32 v61, v46;
	v63 =	vmul.f32 v9, v46;
	v7 =	vadd.f32 v21, v7;
	v8 =	vld.idx.msk [tilespmem:v6+s2+$0x0], $0xffff  }
0x16a: {  	s23 =	sshll.u32 s31, $0x5;
	v9 =	vld.idx.msk [tilespmem:v6+s13+$0x0], $0xffff;
	v10 =	vadd.f32 v15, v13;
	v12 =	vadd.f32 v12, v11  }
0x16b: {  	s24 =	sadd.s32 $0x0, s23;
	[tilespmem:s21+$0xA090] =	vst v14;
	v11 =	vadd.f32 v62, v7;
	v13 =	vadd.f32 v63, v17;
	v14 =	vshll.u32 v19, $0x10  }
0x16c: {  	s25 =	sadd.s32 $0x10, s24;
	v19 =	vand.u32 $0xFFFF0000, v19;
	v15 =	vshll.u32 v5, $0x10;
	v14 =	vmul.f32 v14, v47  }
0x16d: {  	s23 =	simm.s32 $0x0;
	s25 =	sor.u32 $0x180, s25;
	[tilespmem:s21+$0xA110] =	vst v16;
	v6 =	vld.idx.msk [tilespmem:v45+s2+$0x0], $0xffff;
	v5 =	vand.u32 $0xFFFF0000, v5;
	v17 =	vmul.f32 v19, v47;
	v15 =	vmul.f32 v15, v47  }
0x16e: {  	s26 =	sor.u32 $0x180, s24;
	s24 =	simm.s32 $0x80;
	[tilespmem:s25+$0xA000] =	vst v18;
	s25 =	simm.s32 $0x20;
	v7 =	vld.idx.msk [tilespmem:v45+s13+$0x0], $0xffff;
	v16 =	vmul.f32 v5, v47;
	v5 =	vmul.f32 v4, v20;
	v18 =	vshll.u32 v8, $0x10  }
.LBB2_6:
0x16f: {  	s28 =	sand.u32 $0x60, s25;
	s29 =	sand.u32 $0x1E00, s24;
	v8 =	vand.u32 $0xFFFF0000, v8;
	v19 =	vshll.u32 v9, $0x10;
	v9 =	vand.u32 $0xFFFF0000, v9  }
0x170: {  	v10 =	vadd.f32 v14, v10;
	v12 =	vadd.f32 v17, v12;
	s28 =	sor.u32 s28, s29;
	v14 =	vmul.f32 v18, v5  }
0x171: {  	v11 =	vadd.f32 v15, v11;
	v13 =	vadd.f32 v16, v13;
	v8 =	vmul.f32 v8, v5;
	v17 =	vld [tilespmem:s28+$0x8090]  }
0x172: {  	v16 =	vmul.f32 v19, v5;
	v5 =	vmul.f32 v9, v5;
	v9 =	vshll.u32 v6, $0x10;
	v15 =	vld [tilespmem:s28+$0x8110]  }
0x173: {  	v3 =	vmul.f32 v4, v3;
	v4 =	vand.u32 $0xFFFF0000, v6;
	v6 =	vshll.u32 v7, $0x10;
	v18 =	vld [tilespmem:s28+$0x8010]  }
0x174: {  	v7 =	vand.u32 $0xFFFF0000, v7;
	v10 =	vadd.f32 v14, v10;
	v8 =	vadd.f32 v8, v12;
	v19 =	vld [tilespmem:s28+$0x8080]  }
0x175: {  	v9 =	vmul.f32 v9, v3;
	v11 =	vadd.f32 v16, v11;
	v5 =	vadd.f32 v5, v13;
	v12 =	vld [tilespmem:s28+$0x8100]  }
0x176: {  	v4 =	vmul.f32 v4, v3;
	v6 =	vmul.f32 v6, v3;
	v13 =	vld [tilespmem:s28+$0x8000]  }
0x177: {  	v9 =	vadd.f32 v9, v10;
	v14 =	vmul.f32 v17, v0;
	v15 =	vmul.f32 v15, v0  }
0x178: {  	v3 =	vmul.f32 v7, v3;
	v4 =	vadd.f32 v4, v8;
	v16 =	vmul.f32 v18, v0  }
0x179: {  	v6 =	vadd.f32 v6, v11;
	v7 =	vtrunc.f32 v14;
	v8 =	vtrunc.f32 v15;
	[tilespmem:s21+$0xA000] =	vst v9  }
0x17a: {  	v3 =	vadd.f32 v3, v5;
	v9 =	vcvt.f32.s32 v7;
	v11 =	vcvt.f32.s32 v8;
	[tilespmem:s21+$0xA080] =	vst v4  }
0x17b: {  	v5 =	vmul.f32 v19, v0;
	v4 =	vtrunc.f32 v16;
	[tilespmem:s21+$0xA100] =	vst v6;
	s21 =	smov.u32 s28  }
0x17c: {  	v17 =	vcvt.f32.s32 v4;
	v18 =	vmul.u32 v9, v1;
	v19 =	vmul.u32 v11, v2;
	[tilespmem:s26+$0xA000] =	vst v3  }
0x17d: {  	v8 =	vmul.f32 v12, v0;
	v4 =	vtrunc.f32 v5  }
0x17e: {  	v3 =	vmul.f32 v13, v0;
	v13 =	vadd.s32 $0x1, v17;
	v6 =	vadd.s32 v18, v19  }
0x17f: {  	v7 =	vadd.s32 $0x1, v9;
	v10 =	vadd.s32 $0x1, v11;
	v12 =	vadd.s32 v13, v6  }
0x180: {  	v20 =	vtrunc.f32 v8;
	v21 =	vmul.u32 v1, v7;
	v22 =	vmul.u32 v2, v10  }
0x181: {  	v10 =	vcvt.f32.s32 v4;
	v7 =	vcvt.f32.s32 v20;
	v20 =	vadd.s32 v17, v6  }
0x182: {  	v6 =	vtrunc.f32 v3;
	v23 =	vadd.s32 v21, v22  }
0x183: {  	v24 =	vcvt.s32.f32 v9;
	v11 =	vcvt.s32.f32 v11;
	v25 =	vadd.s32 v13, v23  }
0x184: {  	s23 =	sadd.s32 $0x2, s23;
	v26 =	vcvt.s32.f32 v17;
	v4 =	vmul.u32 v10, v1;
	v9 =	vmul.u32 v7, v2;
	v27 =	vld.idx.msk [tilespmem:v12+s2+$0x0], $0xffff  }
0x185: {  	p1 =	slt.u32 s23, $0x7E;
	v24 =	vsub.f32 v14, v24;
	v15 =	vsub.f32 v15, v11;
	v23 =	vadd.s32 v17, v23;
	v28 =	vld.idx.msk [tilespmem:v12+s13+$0x0], $0xffff  }
0x186: {  	v16 =	vsub.f32 v16, v26;
	v14 =	vadd.s32 v18, v22;
	v6 =	vcvt.f32.s32 v6;
	v26 =	vld.idx.msk [tilespmem:v20+s2+$0x0], $0xffff  }
0x187: {  	v11 =	vcvt.s32.f32 v10;
	v22 =	vmul.f32 v15, v24;
	v18 =	vld.idx.msk [tilespmem:v20+s13+$0x0], $0xffff;
	v20 =	vadd.s32 v13, v14  }
0x188: {  	v30 =	vsub.f32 $1.000000000e+00, v24;
	v29 =	vsub.f32 $1.000000000e+00, v16;
	v12 =	vcvt.s32.f32 v7;
	v31 =	vld.idx.msk [tilespmem:v25+s2+$0x0], $0xffff  }
0x189: {  	v32 =	vsub.f32 $1.000000000e+00, v15;
	v33 =	vadd.s32 v17, v14;
	v14 =	vmul.f32 v22, v16;
	v25 =	vld.idx.msk [tilespmem:v25+s13+$0x0], $0xffff  }
0x18a: {  	v19 =	vadd.s32 v19, v21;
	v21 =	vmul.f32 v15, v30;
	v15 =	vmul.f32 v22, v29;
	v22 =	vld.idx.msk [tilespmem:v23+s2+$0x0], $0xffff  }
0x18b: {  	v30 =	vmul.f32 v32, v30;
	v24 =	vmul.f32 v32, v24;
	v32 =	vadd.s32 v13, v19;
	v23 =	vld.idx.msk [tilespmem:v23+s13+$0x0], $0xffff  }
0x18c: {  	v34 =	vmul.f32 v21, v29;
	v21 =	vmul.f32 v21, v16;
	v13 =	vadd.s32 v4, v9;
	v35 =	vld.idx.msk [tilespmem:v20+s2+$0x0], $0xffff  }
0x18d: {  	v17 =	vadd.s32 v17, v19;
	v19 =	vmul.f32 v24, v29;
	v24 =	vmul.f32 v24, v16;
	v20 =	vld.idx.msk [tilespmem:v20+s13+$0x0], $0xffff  }
0x18e: {  	v29 =	vmul.f32 v30, v29;
	v16 =	vmul.f32 v30, v16;
	v30 =	vshll.u32 v27, $0x10;
	v36 =	vld.idx.msk [tilespmem:v33+s2+$0x0], $0xffff  }
0x18f: {  	v27 =	vand.u32 $0xFFFF0000, v27;
	v37 =	vshll.u32 v28, $0x10;
	v28 =	vand.u32 $0xFFFF0000, v28;
	v33 =	vld.idx.msk [tilespmem:v33+s13+$0x0], $0xffff  }
0x190: {  	v38 =	vshll.u32 v26, $0x10;
	v26 =	vand.u32 $0xFFFF0000, v26;
	v39 =	vshll.u32 v18, $0x10;
	v40 =	vld.idx.msk [tilespmem:v32+s2+$0x0], $0xffff  }
0x191: {  	v18 =	vand.u32 $0xFFFF0000, v18;
	v41 =	vshll.u32 v31, $0x10;
	v31 =	vand.u32 $0xFFFF0000, v31  }
0x192: {  	v43 =	vshll.u32 v25, $0x10;
	v25 =	vand.u32 $0xFFFF0000, v25;
	v42 =	vshll.u32 v22, $0x10;
	v32 =	vld.idx.msk [tilespmem:v32+s13+$0x0], $0xffff  }
0x193: {  	v22 =	vand.u32 $0xFFFF0000, v22;
	v44 =	vshll.u32 v23, $0x10;
	v23 =	vand.u32 $0xFFFF0000, v23  }
0x194: {  	v46 =	vshll.u32 v35, $0x10;
	v35 =	vand.u32 $0xFFFF0000, v35;
	v47 =	vshll.u32 v20, $0x10;
	v45 =	vld.idx.msk [tilespmem:v17+s2+$0x0], $0xffff  }
0x195: {  	v20 =	vand.u32 $0xFFFF0000, v20;
	v48 =	vshll.u32 v36, $0x10;
	v36 =	vand.u32 $0xFFFF0000, v36  }
0x196: {  	v50 =	vshll.u32 v33, $0x10;
	v33 =	vand.u32 $0xFFFF0000, v33;
	v49 =	vshll.u32 v40, $0x10;
	v17 =	vld.idx.msk [tilespmem:v17+s13+$0x0], $0xffff  }
0x197: {  	v30 =	vmul.f32 v30, v16;
	v27 =	vmul.f32 v27, v16;
	v40 =	vand.u32 $0xFFFF0000, v40  }
0x198: {  	v37 =	vmul.f32 v37, v16;
	v16 =	vmul.f32 v28, v16;
	v28 =	vshll.u32 v32, $0x10  }
0x199: {  	v38 =	vmul.f32 v38, v29;
	v26 =	vmul.f32 v26, v29;
	v32 =	vand.u32 $0xFFFF0000, v32  }
0x19a: {  	v39 =	vmul.f32 v39, v29;
	v18 =	vmul.f32 v18, v29;
	v29 =	vshll.u32 v45, $0x10  }
0x19b: {  	v41 =	vmul.f32 v41, v14;
	v31 =	vmul.f32 v31, v14;
	v45 =	vand.u32 $0xFFFF0000, v45  }
0x19c: {  	v42 =	vmul.f32 v42, v15;
	v22 =	vmul.f32 v22, v15;
	v51 =	vshll.u32 v17, $0x10  }
0x19d: {  	v46 =	vmul.f32 v46, v21;
	v35 =	vmul.f32 v35, v21;
	v17 =	vand.u32 $0xFFFF0000, v17  }
0x19e: {  	v38 =	vadd.f32 $0.0e+00, v38;
	v48 =	vmul.f32 v48, v34;
	v36 =	vmul.f32 v36, v34  }
0x19f: {  	v26 =	vadd.f32 $0.0e+00, v26;
	v49 =	vmul.f32 v49, v24;
	v40 =	vmul.f32 v40, v24  }
0x1a0: {  	v39 =	vadd.f32 $0.0e+00, v39;
	v30 =	vadd.f32 v38, v30;
	v29 =	vmul.f32 v29, v19  }
0x1a1: {  	v18 =	vadd.f32 $0.0e+00, v18;
	v26 =	vadd.f32 v26, v27;
	v27 =	vmul.f32 v45, v19  }
0x1a2: {  	v37 =	vadd.f32 v39, v37;
	v29 =	vadd.f32 v30, v29;
	v30 =	vmul.f32 v51, v19  }
0x1a3: {  	v16 =	vadd.f32 v18, v16;
	v18 =	vadd.f32 v26, v27;
	v17 =	vmul.f32 v17, v19  }
0x1a4: {  	v27 =	vmul.f32 v28, v24;
	v19 =	vadd.f32 v37, v30;
	v26 =	vadd.f32 v29, v49  }
0x1a5: {  	v16 =	vadd.f32 v16, v17;
	v17 =	vadd.f32 v18, v40;
	v18 =	vmul.f32 v32, v24  }
0x1a6: {  	v19 =	vadd.f32 v27, v19;
	v24 =	vadd.f32 v48, v26;
	v26 =	vmul.f32 v50, v34  }
0x1a7: {  	v16 =	vadd.f32 v18, v16;
	v17 =	vadd.f32 v36, v17;
	v18 =	vmul.f32 v33, v34  }
0x1a8: {  	v19 =	vadd.f32 v26, v19;
	v24 =	vadd.f32 v46, v24;
	v26 =	vmul.f32 v47, v21  }
0x1a9: {  	v16 =	vadd.f32 v18, v16;
	v17 =	vadd.f32 v35, v17;
	v18 =	vmul.f32 v20, v21  }
0x1aa: {  	v21 =	vmul.f32 v44, v15;
	v19 =	vadd.f32 v26, v19;
	v20 =	vadd.f32 v42, v24  }
0x1ab: {  	s22 =	sadd.s32 $0x1, s22;
	v15 =	vmul.f32 v23, v15;
	v16 =	vadd.f32 v18, v16;
	v17 =	vadd.f32 v22, v17  }
0x1ac: {  	s26 =	sand.u32 $0x3, s22;
	v18 =	vadd.f32 v21, v19;
	v19 =	vadd.f32 v41, v20;
	v20 =	vmul.f32 v43, v14  }
0x1ad: {  	s26 =	sshll.u32 s26, $0x5;
	v15 =	vadd.f32 v15, v16;
	v16 =	vadd.f32 v31, v17;
	v14 =	vmul.f32 v25, v14  }
0x1ae: {  	s28 =	sadd.s32 s26, s24;
	v11 =	vsub.f32 v5, v11;
	v17 =	vcvt.s32.f32 v6;
	v5 =	vadd.f32 v20, v18;
	[tilespmem:s21+$0xA010] =	vst v19  }
0x1af: {  	s26 =	sor.u32 $0x180, s28;
	s28 =	sadd.s32 $0x10, s28;
	v8 =	vsub.f32 v8, v12;
	v12 =	vadd.s32 v6, v13;
	v14 =	vadd.f32 v14, v15;
	[tilespmem:s21+$0xA090] =	vst v16  }
0x1b0: {  	v10 =	vadd.s32 $0x1, v10;
	s28 =	sor.u32 $0x180, s28;
	v15 =	vsub.f32 $1.000000000e+00, v11;
	v16 =	vadd.s32 $0x1, v6;
	[tilespmem:s21+$0xA110] =	vst v5  }
0x1b1: {  	v10 =	vmul.u32 v1, v10;
	v3 =	vsub.f32 v3, v17;
	v17 =	vsub.f32 $1.000000000e+00, v8;
	[tilespmem:s28+$0xA000] =	vst v14  }
0x1b2: {  	v7 =	vadd.s32 $0x1, v7;
	v13 =	vadd.s32 v16, v13;
	v14 =	vmul.f32 v8, v15  }
0x1b3: {  	v9 =	vadd.s32 v9, v10;
	v5 =	vsub.f32 $1.000000000e+00, v3;
	v15 =	vmul.f32 v17, v15  }
0x1b4: {  	v7 =	vmul.u32 v2, v7;
	v19 =	vadd.s32 v6, v9;
	v9 =	vadd.s32 v16, v9;
	v18 =	vld.idx.msk [tilespmem:v12+s2+$0x0], $0xffff  }
0x1b5: {  	v20 =	vmul.f32 v15, v5;
	v15 =	vmul.f32 v15, v3;
	v12 =	vld.idx.msk [tilespmem:v12+s13+$0x0], $0xffff  }
0x1b6: {  	v4 =	vadd.s32 v4, v7;
	v7 =	vadd.s32 v10, v7;
	v17 =	vmul.f32 v17, v11  }
0x1b7: {  	v21 =	vadd.s32 v6, v4;
	v6 =	vadd.s32 v6, v7;
	v22 =	vadd.s32 v16, v4;
	v10 =	vld.idx.msk [tilespmem:v13+s2+$0x0], $0xffff  }
0x1b8: {  	v7 =	vadd.s32 v16, v7;
	v23 =	vmul.f32 v17, v5;
	v17 =	vmul.f32 v17, v3;
	v13 =	vld.idx.msk [tilespmem:v13+s13+$0x0], $0xffff  }
0x1b9: {  	v24 =	vmul.f32 v14, v5;
	v25 =	vmul.f32 v14, v3;
	v16 =	vld.idx.msk [tilespmem:v19+s2+$0x0], $0xffff  }
0x1ba: {  	v4 =	vmul.f32 v8, v11;
	v14 =	vshll.u32 v18, $0x10;
	v18 =	vand.u32 $0xFFFF0000, v18;
	v19 =	vld.idx.msk [tilespmem:v19+s13+$0x0], $0xffff  }
0x1bb: {  	v8 =	vshll.u32 v12, $0x10;
	v11 =	vand.u32 $0xFFFF0000, v12;
	v12 =	vmul.f32 v14, v20;
	v14 =	vld.idx.msk [tilespmem:v9+s2+$0x0], $0xffff  }
0x1bc: {  	v18 =	vmul.f32 v18, v20;
	v8 =	vmul.f32 v8, v20;
	v26 =	vld.idx.msk [tilespmem:v9+s13+$0x0], $0xffff  }
0x1bd: {  	v9 =	vmul.f32 v11, v20;
	v11 =	vshll.u32 v10, $0x10;
	v10 =	vand.u32 $0xFFFF0000, v10;
	v20 =	vld.idx.msk [tilespmem:v21+s2+$0x0], $0xffff  }
0x1be: {  	v12 =	vadd.f32 $0.0e+00, v12;
	v27 =	vshll.u32 v13, $0x10;
	v13 =	vand.u32 $0xFFFF0000, v13;
	v21 =	vld.idx.msk [tilespmem:v21+s13+$0x0], $0xffff  }
0x1bf: {  	v18 =	vadd.f32 $0.0e+00, v18;
	v28 =	vadd.f32 $0.0e+00, v8;
	v11 =	vmul.f32 v11, v15;
	v29 =	vld.idx.msk [tilespmem:v22+s2+$0x0], $0xffff  }
0x1c0: {  	v10 =	vmul.f32 v10, v15;
	v30 =	vadd.f32 $0.0e+00, v9;
	v27 =	vmul.f32 v27, v15;
	v22 =	vld.idx.msk [tilespmem:v22+s13+$0x0], $0xffff  }
0x1c1: {  	v13 =	vmul.f32 v13, v15;
	v15 =	vshll.u32 v16, $0x10;
	v16 =	vand.u32 $0xFFFF0000, v16;
	v8 =	vld.idx.msk [tilespmem:v6+s2+$0x0], $0xffff  }
0x1c2: {  	v11 =	vadd.f32 v12, v11;
	v12 =	vshll.u32 v19, $0x10;
	v19 =	vand.u32 $0xFFFF0000, v19;
	v9 =	vld.idx.msk [tilespmem:v6+s13+$0x0], $0xffff  }
0x1c3: {  	v10 =	vadd.f32 v18, v10;
	v15 =	vmul.f32 v15, v23;
	v18 =	vadd.f32 v28, v27;
	v6 =	vld.idx.msk [tilespmem:v7+s2+$0x0], $0xffff  }
0x1c4: {  	v16 =	vmul.f32 v16, v23;
	v13 =	vadd.f32 v30, v13;
	v12 =	vmul.f32 v12, v23;
	v7 =	vld.idx.msk [tilespmem:v7+s13+$0x0], $0xffff  }
0x1c5: {  	v19 =	vmul.f32 v19, v23;
	v23 =	vshll.u32 v14, $0x10;
	v14 =	vand.u32 $0xFFFF0000, v14  }
0x1c6: {  	v11 =	vadd.f32 v11, v15;
	v15 =	vshll.u32 v26, $0x10;
	v26 =	vand.u32 $0xFFFF0000, v26  }
0x1c7: {  	v10 =	vadd.f32 v10, v16;
	v16 =	vmul.f32 v23, v17;
	v12 =	vadd.f32 v18, v12  }
0x1c8: {  	v14 =	vmul.f32 v14, v17;
	v13 =	vadd.f32 v13, v19;
	v15 =	vmul.f32 v15, v17  }
0x1c9: {  	v17 =	vmul.f32 v26, v17;
	v18 =	vshll.u32 v20, $0x10;
	v19 =	vand.u32 $0xFFFF0000, v20  }
0x1ca: {  	v11 =	vadd.f32 v11, v16;
	v16 =	vshll.u32 v21, $0x10;
	v20 =	vand.u32 $0xFFFF0000, v21  }
0x1cb: {  	v14 =	vadd.f32 v10, v14;
	v10 =	vmul.f32 v18, v24;
	v15 =	vadd.f32 v15, v12  }
0x1cc: {  	v13 =	vadd.f32 v17, v13;
	v12 =	vmul.f32 v19, v24;
	v16 =	vmul.f32 v16, v24  }
.Ltmp6:
0x1cd: {  	v17 =	vmul.f32 v20, v24;
	v18 =	vshll.u32 v29, $0x10;
	v19 =	vand.u32 $0xFFFF0000, v29;
	(pc) =	sbr.rel @p1 .LBB2_6-.Ltmp6, $4  }
0x1ce: {  	v10 =	vadd.f32 v10, v11;
	v20 =	vshll.u32 v22, $0x10;
	v21 =	vand.u32 $0xFFFF0000, v22  }
0x1cf: {  	v12 =	vadd.f32 v12, v14;
	v11 =	vadd.f32 v16, v15;
	v14 =	vmul.f32 v18, v25  }
0x1d0: {  	v13 =	vadd.f32 v17, v13;
	v17 =	vmul.f32 v19, v25;
	v15 =	vmul.f32 v20, v25  }
0x1d1: {  	s25 =	sadd.s32 $0x20, s25;
	s24 =	sadd.s32 $0x80, s24;
	v5 =	vmul.f32 v4, v5;
	v16 =	vmul.f32 v21, v25;
	v18 =	vshll.u32 v8, $0x10  }
0x1d2: {  	v8 =	vand.u32 $0xFFFF0000, v8;
	v19 =	vshll.u32 v9, $0x10  }
0x1d3: {  	v55 =	vand.u32 $0xFFFF0000, v9;
	v10 =	vadd.f32 v14, v10;
	v12 =	vadd.f32 v17, v12  }
0x1d4: {  	v11 =	vadd.f32 v15, v11;
	v3 =	vmul.f32 v4, v3;
	v59 =	vshll.u32 v6, $0x10  }
0x1d5: {  	v60 =	vand.u32 $0xFFFF0000, v6;
	v61 =	vshll.u32 v7, $0x10;
	v56 =	vmul.f32 v18, v5  }
0x1d6: {  	v62 =	vand.u32 $0xFFFF0000, v7;
	v8 =	vmul.f32 v8, v5;
	v57 =	vmul.f32 v19, v5  }
0x1d7: {  	v58 =	vmul.f32 v55, v5;
	v5 =	vmul.f32 v59, v3;
	v10 =	vadd.f32 v56, v10  }
0x1d8: {  	v13 =	vadd.f32 v16, v13;
	v6 =	vmul.f32 v60, v3;
	v8 =	vadd.f32 v8, v12  }
0x1d9: {  	v9 =	vmul.f32 v61, v3;
	v11 =	vadd.f32 v57, v11;
	v5 =	vadd.f32 v5, v10  }
0x1da: {  	v3 =	vmul.f32 v62, v3;
	v4 =	vadd.f32 v58, v13;
	v6 =	vadd.f32 v6, v8  }
0x1db: {  	v63 =	vadd.f32 v9, v11;
	[tilespmem:s21+$0xA000] =	vst v5  }
0x1dc: {  	v3 =	vadd.f32 v3, v4;
	[tilespmem:s21+$0xA080] =	vst v6  }
0x1dd: {  	s20 =	sadd.s32 $0x1, s20;
	[tilespmem:s21+$0xA100] =	vst v63  }
0x1de: {  	s19 =	sadd.s32 s19, s7;
	p1 =	sne.s32 s20, $0x40;
	[tilespmem:s26+$0xA000] =	vst v3  }
0x1df: {  	[hbm4b:s19+s15] =	stream.strided.scatter [tilespmem:s17], [sflag:$0x1], $0x2000, s16, s15, $0x38;
	[tilespmem:$0xC000] =	vst v63  }
.Ltmp7:
0x1e0: {  	_ = 	snop;
	(pc) =	sbr.rel @p1 .LBB2_5-.Ltmp7, $4  }
.Ltmp8:
0x1e1: {  	_ = 	snop;
	(pc) =	sbr.rel @!p1 .LBB2_8-.Ltmp8, $4  }
0x1e2: {  	_ =	swait.ge [sflag:s12], $0x2000  }
0x1e3: {  	[sflag:s12] =	ssyncset.done $0x0  }
0x1e4: {  	[sflag:s12] =	ssyncadd.s32 $0xFFFFE000  }
0x1e5: {  	_ = 	snop  }
.LBB2_9:
0x1e6: {  	_ =	sfence.sel $0x180000  }
0x1e7: {  	[bflag:$0x0] =	sbarrier.arrive $0xFFFF  }
0x1e8: {  	p0 =	sne.s32 s0, $0x0;
	_ =	strace $0x9000004A  }
0x1e9: {  	s0 =	sadd.s32 @!p0 $0x100000, s1;
	[bflag:$0x2] =	sbarrier.arrive $0xFFFF  }
0x1ea: {  	[sflag:s0] =	ssyncadd.tile.s32 @!p0 $0x1;
	_ =	shalt  }
.Lfunc_end2:
_tile_overlayer_lowered:
.L_overlay_start_2:
0x1eb: {  	(tag) =	ssettag $0x2  }
0x1ec: {  	s0 =	rddreg [dreg:$0x0];
	s2 =	stileid.u32  }
0x1ed: {  	s1 =	rddreg [dreg:$0x1];
	p0 =	sne.s32 s2, $0x0  }
0x1ee: {  	s3 =	rddreg [dreg:$0x2];
	[bflag:$0x3] =	sbarrier.arrive $0xFFFF;
	s2 =	simm.s32 @!p0 $0x1C01  }
0x1ef: {  	[timem:s3], [sflag:s2] =	dma.local @!p0 [hbm:s0], s1  }
0x1f0: {  	s0 =	simm.s32 @!p0 $0x1  }
0x1f1: {  	_ =	swait.ge @!p0 [sflag:s0], s1  }
0x1f2: {  	s1 =	ssub.s32 @!p0 $0x0, s1;
	[sflag:s0] =	ssyncset.done @!p0 $0x0  }
0x1f3: {  	[sflag:s0] =	ssyncadd.s32 @!p0 s1  }
0x1f4: {  	[bflag:$0x3] =	sbarrier.arrive $0xFFFF  }
0x1f5: {  	_ =	shalt  }

</sc_bundles>
